<compile_context>
chip_gen: v7x
topology: tpu7x:2x2x1
jax: 0.10.2.dev20260603
libtpu: 0.0.44.dev20260713+nightly
codegen_flags: <defaults>
</compile_context>

<pallas_src>
import jax
import jax.numpy as jnp
from jax import lax
from jax.experimental import pallas as pl
from jax.experimental.pallas import tpu as pltpu
from jax.experimental.pallas import tpu_sc as plsc

_NC = 2
_NS = 16
_NW = _NC * _NS
_CR = 8


def _sc_body(x_hbm, o_hbm, in0, in1, in2, in3, out0, out1,
             l0, l1, l2, l3, s0, s1):
    m, n = x_hbm.shape
    rows_w = m // _NW
    nchunks = rows_w // _CR

    wid = lax.axis_index("s") * _NC + lax.axis_index("c")
    base = wid * rows_w

    iota = lax.broadcasted_iota(jnp.int32, (16,), 0)
    swap = iota ^ 1
    even = (iota & 1) == 0

    ins = (in0, in1, in2, in3)
    outs = (out0, out1)
    lsems = (l0, l1, l2, l3)
    ssems = (s0, s1)

    def compute(ibuf, obuf):
        for r in range(_CR):
            @plsc.parallel_loop(0, n // 16, unroll=8)
            def _(i):
                off = i * 16
                v = ibuf[r, pl.ds(off, 16)]
                p = lax.gather(
                    v, swap[:, None],
                    lax.GatherDimensionNumbers(
                        offset_dims=(), collapsed_slice_dims=(0,),
                        start_index_map=(0,)),
                    (1,),
                    unique_indices=True,
                    mode=lax.GatherScatterMode.PROMISE_IN_BOUNDS)
                obuf[r, pl.ds(off, 16)] = jnp.where(
                    even, jnp.minimum(v, p), jnp.maximum(v, p))

    def load(g, buf, sem):
        pltpu.make_async_copy(
            x_hbm.at[pl.ds(base + g * _CR, _CR), :], buf, sem).start()

    def load_wait(g, buf, sem):
        pltpu.make_async_copy(
            x_hbm.at[pl.ds(base + g * _CR, _CR), :], buf, sem).wait()

    def store(g, buf, sem):
        pltpu.make_async_copy(
            buf, o_hbm.at[pl.ds(base + g * _CR, _CR), :], sem).start()

    def store_wait(g, buf, sem):
        pltpu.make_async_copy(
            buf, o_hbm.at[pl.ds(base + g * _CR, _CR), :], sem).wait()

    load(0, in0, l0)
    load(1, in1, l1)
    load(2, in2, l2)

    @pl.loop(0, nchunks, step=4)
    def _(g):
        for k in range(4):
            c = g + k
            kn = (k + 3) % 4
            ko = k % 2

            @pl.when(c + 3 < nchunks)
            def _():
                load(c + 3, ins[kn], lsems[kn])

            load_wait(c, ins[k], lsems[k])

            @pl.when(c > 1)
            def _():
                store_wait(c - 2, outs[ko], ssems[ko])

            compute(ins[k], outs[ko])
            store(c, outs[ko], ssems[ko])

    store_wait(nchunks - 2, out0, s0)
    store_wait(nchunks - 1, out1, s1)


def kernel(input):
    m, n = input.shape
    return pl.kernel(
        _sc_body,
        out_type=jax.ShapeDtypeStruct((m, n), input.dtype),
        mesh=plsc.VectorSubcoreMesh(core_axis_name="c", subcore_axis_name="s"),
        scratch_types=[
            pltpu.VMEM((_CR, n), jnp.float32),
            pltpu.VMEM((_CR, n), jnp.float32),
            pltpu.VMEM((_CR, n), jnp.float32),
            pltpu.VMEM((_CR, n), jnp.float32),
            pltpu.VMEM((_CR, n), jnp.float32),
            pltpu.VMEM((_CR, n), jnp.float32),
            pltpu.SemaphoreType.DMA,
            pltpu.SemaphoreType.DMA,
            pltpu.SemaphoreType.DMA,
            pltpu.SemaphoreType.DMA,
            pltpu.SemaphoreType.DMA,
            pltpu.SemaphoreType.DMA,
        ],
    )(input)

# --- scband reference (transcript-rebuilt; emitter-appended) ---
"""Pipeline reference for scband-group-sort-5583457485285 (READ-ONLY COPY).

The authoritative reference and input builder live on the scoring server;
editing this copy changes nothing except your own understanding.
"""

import jax, jax.numpy as jnp
import numpy as np


def setup_inputs(seed: int = 0) -> dict:
    key = jax.random.key(seed)
    x = jax.random.normal(key, (32768, 2048), dtype=jnp.float32)
    return {"input": x}


def reference(input):
    # GroupSort with n=2 (GroupSort2 fast path):
    # reshape to pairs, emit (min, max) per pair, reshape back.
    fv = input.reshape(-1, 2)
    b = fv[:, 0:1]
    c = fv[:, 1:2]
    newv = jnp.concatenate([jnp.minimum(b, c), jnp.maximum(b, c)], axis=1)
    newv = newv.reshape(input.shape)
    return newv

if __name__ == "__main__":
    import jax
    _d = setup_inputs()
    print(jax.jit(kernel)(*tuple(_d.values())))

</pallas_src>

<mosaic_0001>
#map = affine_map<(d0, d1) -> (0, 0)>
module attributes {stable_mosaic.version = 14 : i64} {
  func.func @_sc_body(%arg0: i32, %arg1: i32, %arg2: memref<32768x2048xf32, #tpu.memory_space<hbm>>, %arg3: memref<32768x2048xf32, #tpu.memory_space<hbm>>, %arg4: memref<8x2048xf32, #tpu.memory_space<vmem>>, %arg5: memref<8x2048xf32, #tpu.memory_space<vmem>>, %arg6: memref<8x2048xf32, #tpu.memory_space<vmem>>, %arg7: memref<8x2048xf32, #tpu.memory_space<vmem>>, %arg8: memref<8x2048xf32, #tpu.memory_space<vmem>>, %arg9: memref<8x2048xf32, #tpu.memory_space<vmem>>, %arg10: memref<!tpu.dma_semaphore, #tpu.memory_space<semaphore_mem>>, %arg11: memref<!tpu.dma_semaphore, #tpu.memory_space<semaphore_mem>>, %arg12: memref<!tpu.dma_semaphore, #tpu.memory_space<semaphore_mem>>, %arg13: memref<!tpu.dma_semaphore, #tpu.memory_space<semaphore_mem>>, %arg14: memref<!tpu.dma_semaphore, #tpu.memory_space<semaphore_mem>>, %arg15: memref<!tpu.dma_semaphore, #tpu.memory_space<semaphore_mem>>) attributes {dimension_semantics = [#tpu.dimension_semantics<core_parallel>, #tpu.dimension_semantics<subcore_parallel>], iteration_bounds = array<i64: 2, 16>, scalar_prefetch = 0 : i64, scratch_operands = 12 : i64, tpu.core_type = #tpu.core_type<sc_vector_subcore>, window_params = [{transform_indices = #map}, {transform_indices = #map}]} {
    %mul3A = arith.constant 2 : i32
    %mul3A_0 = arith.muli %arg1, %mul3A : i32
    %add3A = arith.addi %mul3A_0, %arg0 : i32
    %mul3A_1 = arith.constant 1024 : i32
    %mul3A_2 = arith.muli %add3A, %mul3A_1 : i32
    %iota3A = tpu.iota {dimensions = array<i32: 0>} : vector<16xi32>
    %xor3A = arith.constant 1 : i32
    %xor3A_3 = vector.broadcast %xor3A : i32 to vector<16xi32>
    %xor3A_4 = arith.xori %iota3A, %xor3A_3 : vector<16xi32>
    %and3A = arith.constant 1 : i32
    %and3A_5 = vector.broadcast %and3A : i32 to vector<16xi32>
    %and3A_6 = arith.andi %iota3A, %and3A_5 : vector<16xi32>
    %eq3A = arith.constant 0 : i32
    %eq3A_7 = vector.broadcast %eq3A : i32 to vector<16xi32>
    %eq3A_8 = arith.cmpi eq, %and3A_6, %eq3A_7 : vector<16xi32>
    %add3A_9 = arith.constant 0 : i32
    %add3A_10 = arith.addi %mul3A_2, %add3A_9 : i32
    %dma_start3A = arith.constant 0 : i32
    %dma_start3A_11 = tpu.memref_slice %arg2[%add3A_10, %dma_start3A] : memref<32768x2048xf32, #tpu.memory_space<hbm>> -> memref<8x2048xf32, #tpu.memory_space<hbm>>
    %dma_start3A_12 = arith.constant 0 : i32
    %dma_start3A_13 = tpu.memref_slice %arg2[%add3A_10, %dma_start3A_12] : memref<32768x2048xf32, #tpu.memory_space<hbm>> -> memref<8x2048xf32, #tpu.memory_space<hbm>>
    tpu.enqueue_dma source(%dma_start3A_13 : memref<8x2048xf32, #tpu.memory_space<hbm>>) target(%arg4 : memref<8x2048xf32, #tpu.memory_space<vmem>>) target_semaphore(%arg10 : memref<!tpu.dma_semaphore, #tpu.memory_space<semaphore_mem>>)
    %add3A_14 = arith.constant 8 : i32
    %add3A_15 = arith.addi %mul3A_2, %add3A_14 : i32
    %dma_start3A_16 = arith.constant 0 : i32
    %dma_start3A_17 = tpu.memref_slice %arg2[%add3A_15, %dma_start3A_16] : memref<32768x2048xf32, #tpu.memory_space<hbm>> -> memref<8x2048xf32, #tpu.memory_space<hbm>>
    %dma_start3A_18 = arith.constant 0 : i32
    %dma_start3A_19 = tpu.memref_slice %arg2[%add3A_15, %dma_start3A_18] : memref<32768x2048xf32, #tpu.memory_space<hbm>> -> memref<8x2048xf32, #tpu.memory_space<hbm>>
    tpu.enqueue_dma source(%dma_start3A_19 : memref<8x2048xf32, #tpu.memory_space<hbm>>) target(%arg5 : memref<8x2048xf32, #tpu.memory_space<vmem>>) target_semaphore(%arg11 : memref<!tpu.dma_semaphore, #tpu.memory_space<semaphore_mem>>)
    %add3A_20 = arith.constant 16 : i32
    %add3A_21 = arith.addi %mul3A_2, %add3A_20 : i32
    %dma_start3A_22 = arith.constant 0 : i32
    %dma_start3A_23 = tpu.memref_slice %arg2[%add3A_21, %dma_start3A_22] : memref<32768x2048xf32, #tpu.memory_space<hbm>> -> memref<8x2048xf32, #tpu.memory_space<hbm>>
    %dma_start3A_24 = arith.constant 0 : i32
    %dma_start3A_25 = tpu.memref_slice %arg2[%add3A_21, %dma_start3A_24] : memref<32768x2048xf32, #tpu.memory_space<hbm>> -> memref<8x2048xf32, #tpu.memory_space<hbm>>
    tpu.enqueue_dma source(%dma_start3A_25 : memref<8x2048xf32, #tpu.memory_space<hbm>>) target(%arg6 : memref<8x2048xf32, #tpu.memory_space<vmem>>) target_semaphore(%arg12 : memref<!tpu.dma_semaphore, #tpu.memory_space<semaphore_mem>>)
    %scan3A = arith.constant 0 : i32
    %scan3A_26 = arith.constant 32 : i32
    %scan3A_27 = arith.addi %scan3A, %scan3A_26 : i32
    %scan3A_28 = arith.constant 1 : i32
    scf.for %scan3A_41 = %scan3A to %scan3A_27 step %scan3A_28  : i32 {
      %mul3A_42 = arith.constant 4 : i32
      %mul3A_43 = arith.muli %scan3A_41, %mul3A_42 : i32
      %add3A_44 = arith.constant 0 : i32
      %add3A_45 = arith.addi %add3A_44, %mul3A_43 : i32
      %add3A_46 = arith.constant 0 : i32
      %add3A_47 = arith.addi %add3A_45, %add3A_46 : i32
      %add3A_48 = arith.constant 3 : i32
      %add3A_49 = arith.addi %add3A_47, %add3A_48 : i32
      %lt3A = arith.constant 128 : i32
      %lt3A_50 = arith.cmpi slt, %add3A_49, %lt3A : i32
      %convert_element_type3A = arith.extui %lt3A_50 : i1 to i32
      %cond3A = arith.constant 0 : i32
      %cond3A_51 = arith.cmpi ne, %convert_element_type3A, %cond3A : i32
      scf.if %cond3A_51 {
        %add3A_249 = arith.constant 3 : i32
        %add3A_250 = arith.addi %add3A_47, %add3A_249 : i32
        %mul3A_251 = arith.constant 8 : i32
        %mul3A_252 = arith.muli %add3A_250, %mul3A_251 : i32
        %add3A_253 = arith.addi %mul3A_2, %mul3A_252 : i32
        %dma_start3A_254 = arith.constant 0 : i32
        %dma_start3A_255 = tpu.memref_slice %arg2[%add3A_253, %dma_start3A_254] : memref<32768x2048xf32, #tpu.memory_space<hbm>> -> memref<8x2048xf32, #tpu.memory_space<hbm>>
        %dma_start3A_256 = arith.constant 0 : i32
        %dma_start3A_257 = tpu.memref_slice %arg2[%add3A_253, %dma_start3A_256] : memref<32768x2048xf32, #tpu.memory_space<hbm>> -> memref<8x2048xf32, #tpu.memory_space<hbm>>
        tpu.enqueue_dma source(%dma_start3A_257 : memref<8x2048xf32, #tpu.memory_space<hbm>>) target(%arg7 : memref<8x2048xf32, #tpu.memory_space<vmem>>) target_semaphore(%arg13 : memref<!tpu.dma_semaphore, #tpu.memory_space<semaphore_mem>>)
      } else {
      }
      %mul3A_52 = arith.constant 8 : i32
      %mul3A_53 = arith.muli %add3A_47, %mul3A_52 : i32
      %add3A_54 = arith.addi %mul3A_2, %mul3A_53 : i32
      %dma_wait3A_55 = arith.constant 0 : i32
      %dma_wait3A_56 = tpu.memref_slice %arg2[%add3A_54, %dma_wait3A_55] : memref<32768x2048xf32, #tpu.memory_space<hbm>> -> memref<8x2048xf32, #tpu.memory_space<hbm>>
      %dma_wait3A_57 = arith.constant 0 : i32
      %dma_wait3A_58 = tpu.memref_slice %arg2[%add3A_54, %dma_wait3A_57] : memref<32768x2048xf32, #tpu.memory_space<hbm>> -> memref<8x2048xf32, #tpu.memory_space<hbm>>
      tpu.wait_dma2 semaphore(%arg10 : memref<!tpu.dma_semaphore, #tpu.memory_space<semaphore_mem>>) src(%dma_wait3A_58 : memref<8x2048xf32, #tpu.memory_space<hbm>>) dst(%arg4 : memref<8x2048xf32, #tpu.memory_space<vmem>>)
      %gt3A = arith.constant 1 : i32
      %gt3A_59 = arith.cmpi sgt, %add3A_47, %gt3A : i32
      %convert_element_type3A_60 = arith.extui %gt3A_59 : i1 to i32
      %cond3A_61 = arith.constant 0 : i32
      %cond3A_62 = arith.cmpi ne, %convert_element_type3A_60, %cond3A_61 : i32
      scf.if %cond3A_62 {
        %sub3A = arith.constant 2 : i32
        %sub3A_249 = arith.subi %add3A_47, %sub3A : i32
        %mul3A_250 = arith.constant 8 : i32
        %mul3A_251 = arith.muli %sub3A_249, %mul3A_250 : i32
        %add3A_252 = arith.addi %mul3A_2, %mul3A_251 : i32
        %dma_wait3A_253 = arith.constant 0 : i32
        %dma_wait3A_254 = tpu.memref_slice %arg3[%add3A_252, %dma_wait3A_253] : memref<32768x2048xf32, #tpu.memory_space<hbm>> -> memref<8x2048xf32, #tpu.memory_space<hbm>>
        %dma_wait3A_255 = arith.constant 0 : i32
        %dma_wait3A_256 = tpu.memref_slice %arg3[%add3A_252, %dma_wait3A_255] : memref<32768x2048xf32, #tpu.memory_space<hbm>> -> memref<8x2048xf32, #tpu.memory_space<hbm>>
        tpu.wait_dma2 semaphore(%arg14 : memref<!tpu.dma_semaphore, #tpu.memory_space<semaphore_mem>>) src(%arg8 : memref<8x2048xf32, #tpu.memory_space<vmem>>) dst(%dma_wait3A_256 : memref<8x2048xf32, #tpu.memory_space<hbm>>)
      } else {
      }
      %parallel_loop3A = arith.constant 0 : i32
      %parallel_loop3A_63 = arith.constant 128 : i32
      %parallel_loop3A_64 = arith.constant 1 : i32
      scf.for %parallel_loop3A_249 = %parallel_loop3A to %parallel_loop3A_63 step %parallel_loop3A_64  : i32 {
        %parallel_loop3A_250 = arith.constant 16 : i32
        %parallel_loop3A_251 = arith.muli %parallel_loop3A_249, %parallel_loop3A_250 : i32
        %parallel_loop3A_252 = arith.constant 0 : i32
        %parallel_loop3A_253 = arith.index_cast %parallel_loop3A_252 : i32 to index
        %parallel_loop3A_254 = arith.index_cast %parallel_loop3A_251 : i32 to index
        %parallel_loop3A_255 = tpu.vector_load %arg4[%parallel_loop3A_253, %parallel_loop3A_254] {strides = array<i32>} : memref<8x2048xf32, #tpu.memory_space<vmem>>, vector<1x16xf32>,
        %parallel_loop3A_256 = vector.shape_cast %parallel_loop3A_255 : vector<1x16xf32> to vector<16xf32>
        %parallel_loop3A_257 = vector.shape_cast %xor3A_4 : vector<16xi32> to vector<16x1xi32>
        %parallel_loop3A_258 = vector.shape_cast %parallel_loop3A_257 : vector<16x1xi32> to vector<16xi32>
        %parallel_loop3A_259 = tpu.dynamic_gather %parallel_loop3A_256[%parallel_loop3A_258] in [0] : vector<16xf32>, vector<16xi32> -> vector<16xf32>
        %parallel_loop3A_260 = arith.minimumf %parallel_loop3A_256, %parallel_loop3A_259 : vector<16xf32>
        %parallel_loop3A_261 = arith.maximumf %parallel_loop3A_256, %parallel_loop3A_259 : vector<16xf32>
        %parallel_loop3A_262 = arith.select %eq3A_8, %parallel_loop3A_260, %parallel_loop3A_261 : vector<16xi1>, vector<16xf32>
        %parallel_loop3A_263 = arith.constant 0 : i32
        %parallel_loop3A_264 = arith.index_cast %parallel_loop3A_263 : i32 to index
        %parallel_loop3A_265 = arith.index_cast %parallel_loop3A_251 : i32 to index
        %parallel_loop3A_266 = tpu.vector_load %arg8[%parallel_loop3A_264, %parallel_loop3A_265] {strides = array<i32>} : memref<8x2048xf32, #tpu.memory_space<vmem>>, vector<1x16xf32>,
        %parallel_loop3A_267 = vector.shape_cast %parallel_loop3A_266 : vector<1x16xf32> to vector<16xf32>
        %parallel_loop3A_268 = vector.shape_cast %parallel_loop3A_262 : vector<16xf32> to vector<1x16xf32>
        tpu.vector_store %arg8[%parallel_loop3A_264, %parallel_loop3A_265], %parallel_loop3A_268 {strides = array<i32>} : memref<8x2048xf32, #tpu.memory_space<vmem>>, vector<1x16xf32>,
      } {sc.loop_unroll_factor = 8 : i64, sc.parallel_access}
      %parallel_loop3A_65 = arith.constant 0 : i32
      %parallel_loop3A_66 = arith.constant 128 : i32
      %parallel_loop3A_67 = arith.constant 1 : i32
      scf.for %parallel_loop3A_249 = %parallel_loop3A_65 to %parallel_loop3A_66 step %parallel_loop3A_67  : i32 {
        %parallel_loop3A_250 = arith.constant 16 : i32
        %parallel_loop3A_251 = arith.muli %parallel_loop3A_249, %parallel_loop3A_250 : i32
        %parallel_loop3A_252 = arith.constant 1 : i32
        %parallel_loop3A_253 = arith.index_cast %parallel_loop3A_252 : i32 to index
        %parallel_loop3A_254 = arith.index_cast %parallel_loop3A_251 : i32 to index
        %parallel_loop3A_255 = tpu.vector_load %arg4[%parallel_loop3A_253, %parallel_loop3A_254] {strides = array<i32>} : memref<8x2048xf32, #tpu.memory_space<vmem>>, vector<1x16xf32>,
        %parallel_loop3A_256 = vector.shape_cast %parallel_loop3A_255 : vector<1x16xf32> to vector<16xf32>
        %parallel_loop3A_257 = vector.shape_cast %xor3A_4 : vector<16xi32> to vector<16x1xi32>
        %parallel_loop3A_258 = vector.shape_cast %parallel_loop3A_257 : vector<16x1xi32> to vector<16xi32>
        %parallel_loop3A_259 = tpu.dynamic_gather %parallel_loop3A_256[%parallel_loop3A_258] in [0] : vector<16xf32>, vector<16xi32> -> vector<16xf32>
        %parallel_loop3A_260 = arith.minimumf %parallel_loop3A_256, %parallel_loop3A_259 : vector<16xf32>
        %parallel_loop3A_261 = arith.maximumf %parallel_loop3A_256, %parallel_loop3A_259 : vector<16xf32>
        %parallel_loop3A_262 = arith.select %eq3A_8, %parallel_loop3A_260, %parallel_loop3A_261 : vector<16xi1>, vector<16xf32>
        %parallel_loop3A_263 = arith.constant 1 : i32
        %parallel_loop3A_264 = arith.index_cast %parallel_loop3A_263 : i32 to index
        %parallel_loop3A_265 = arith.index_cast %parallel_loop3A_251 : i32 to index
        %parallel_loop3A_266 = tpu.vector_load %arg8[%parallel_loop3A_264, %parallel_loop3A_265] {strides = array<i32>} : memref<8x2048xf32, #tpu.memory_space<vmem>>, vector<1x16xf32>,
        %parallel_loop3A_267 = vector.shape_cast %parallel_loop3A_266 : vector<1x16xf32> to vector<16xf32>
        %parallel_loop3A_268 = vector.shape_cast %parallel_loop3A_262 : vector<16xf32> to vector<1x16xf32>
        tpu.vector_store %arg8[%parallel_loop3A_264, %parallel_loop3A_265], %parallel_loop3A_268 {strides = array<i32>} : memref<8x2048xf32, #tpu.memory_space<vmem>>, vector<1x16xf32>,
      } {sc.loop_unroll_factor = 8 : i64, sc.parallel_access}
      %parallel_loop3A_68 = arith.constant 0 : i32
      %parallel_loop3A_69 = arith.constant 128 : i32
      %parallel_loop3A_70 = arith.constant 1 : i32
      scf.for %parallel_loop3A_249 = %parallel_loop3A_68 to %parallel_loop3A_69 step %parallel_loop3A_70  : i32 {
        %parallel_loop3A_250 = arith.constant 16 : i32
        %parallel_loop3A_251 = arith.muli %parallel_loop3A_249, %parallel_loop3A_250 : i32
        %parallel_loop3A_252 = arith.constant 2 : i32
        %parallel_loop3A_253 = arith.index_cast %parallel_loop3A_252 : i32 to index
        %parallel_loop3A_254 = arith.index_cast %parallel_loop3A_251 : i32 to index
        %parallel_loop3A_255 = tpu.vector_load %arg4[%parallel_loop3A_253, %parallel_loop3A_254] {strides = array<i32>} : memref<8x2048xf32, #tpu.memory_space<vmem>>, vector<1x16xf32>,
        %parallel_loop3A_256 = vector.shape_cast %parallel_loop3A_255 : vector<1x16xf32> to vector<16xf32>
        %parallel_loop3A_257 = vector.shape_cast %xor3A_4 : vector<16xi32> to vector<16x1xi32>
        %parallel_loop3A_258 = vector.shape_cast %parallel_loop3A_257 : vector<16x1xi32> to vector<16xi32>
        %parallel_loop3A_259 = tpu.dynamic_gather %parallel_loop3A_256[%parallel_loop3A_258] in [0] : vector<16xf32>, vector<16xi32> -> vector<16xf32>
        %parallel_loop3A_260 = arith.minimumf %parallel_loop3A_256, %parallel_loop3A_259 : vector<16xf32>
        %parallel_loop3A_261 = arith.maximumf %parallel_loop3A_256, %parallel_loop3A_259 : vector<16xf32>
        %parallel_loop3A_262 = arith.select %eq3A_8, %parallel_loop3A_260, %parallel_loop3A_261 : vector<16xi1>, vector<16xf32>
        %parallel_loop3A_263 = arith.constant 2 : i32
        %parallel_loop3A_264 = arith.index_cast %parallel_loop3A_263 : i32 to index
        %parallel_loop3A_265 = arith.index_cast %parallel_loop3A_251 : i32 to index
        %parallel_loop3A_266 = tpu.vector_load %arg8[%parallel_loop3A_264, %parallel_loop3A_265] {strides = array<i32>} : memref<8x2048xf32, #tpu.memory_space<vmem>>, vector<1x16xf32>,
        %parallel_loop3A_267 = vector.shape_cast %parallel_loop3A_266 : vector<1x16xf32> to vector<16xf32>
        %parallel_loop3A_268 = vector.shape_cast %parallel_loop3A_262 : vector<16xf32> to vector<1x16xf32>
        tpu.vector_store %arg8[%parallel_loop3A_264, %parallel_loop3A_265], %parallel_loop3A_268 {strides = array<i32>} : memref<8x2048xf32, #tpu.memory_space<vmem>>, vector<1x16xf32>,
      } {sc.loop_unroll_factor = 8 : i64, sc.parallel_access}
      %parallel_loop3A_71 = arith.constant 0 : i32
      %parallel_loop3A_72 = arith.constant 128 : i32
      %parallel_loop3A_73 = arith.constant 1 : i32
      scf.for %parallel_loop3A_249 = %parallel_loop3A_71 to %parallel_loop3A_72 step %parallel_loop3A_73  : i32 {
        %parallel_loop3A_250 = arith.constant 16 : i32
        %parallel_loop3A_251 = arith.muli %parallel_loop3A_249, %parallel_loop3A_250 : i32
        %parallel_loop3A_252 = arith.constant 3 : i32
        %parallel_loop3A_253 = arith.index_cast %parallel_loop3A_252 : i32 to index
        %parallel_loop3A_254 = arith.index_cast %parallel_loop3A_251 : i32 to index
        %parallel_loop3A_255 = tpu.vector_load %arg4[%parallel_loop3A_253, %parallel_loop3A_254] {strides = array<i32>} : memref<8x2048xf32, #tpu.memory_space<vmem>>, vector<1x16xf32>,
        %parallel_loop3A_256 = vector.shape_cast %parallel_loop3A_255 : vector<1x16xf32> to vector<16xf32>
        %parallel_loop3A_257 = vector.shape_cast %xor3A_4 : vector<16xi32> to vector<16x1xi32>
        %parallel_loop3A_258 = vector.shape_cast %parallel_loop3A_257 : vector<16x1xi32> to vector<16xi32>
        %parallel_loop3A_259 = tpu.dynamic_gather %parallel_loop3A_256[%parallel_loop3A_258] in [0] : vector<16xf32>, vector<16xi32> -> vector<16xf32>
        %parallel_loop3A_260 = arith.minimumf %parallel_loop3A_256, %parallel_loop3A_259 : vector<16xf32>
        %parallel_loop3A_261 = arith.maximumf %parallel_loop3A_256, %parallel_loop3A_259 : vector<16xf32>
        %parallel_loop3A_262 = arith.select %eq3A_8, %parallel_loop3A_260, %parallel_loop3A_261 : vector<16xi1>, vector<16xf32>
        %parallel_loop3A_263 = arith.constant 3 : i32
        %parallel_loop3A_264 = arith.index_cast %parallel_loop3A_263 : i32 to index
        %parallel_loop3A_265 = arith.index_cast %parallel_loop3A_251 : i32 to index
        %parallel_loop3A_266 = tpu.vector_load %arg8[%parallel_loop3A_264, %parallel_loop3A_265] {strides = array<i32>} : memref<8x2048xf32, #tpu.memory_space<vmem>>, vector<1x16xf32>,
        %parallel_loop3A_267 = vector.shape_cast %parallel_loop3A_266 : vector<1x16xf32> to vector<16xf32>
        %parallel_loop3A_268 = vector.shape_cast %parallel_loop3A_262 : vector<16xf32> to vector<1x16xf32>
        tpu.vector_store %arg8[%parallel_loop3A_264, %parallel_loop3A_265], %parallel_loop3A_268 {strides = array<i32>} : memref<8x2048xf32, #tpu.memory_space<vmem>>, vector<1x16xf32>,
      } {sc.loop_unroll_factor = 8 : i64, sc.parallel_access}
      %parallel_loop3A_74 = arith.constant 0 : i32
      %parallel_loop3A_75 = arith.constant 128 : i32
      %parallel_loop3A_76 = arith.constant 1 : i32
      scf.for %parallel_loop3A_249 = %parallel_loop3A_74 to %parallel_loop3A_75 step %parallel_loop3A_76  : i32 {
        %parallel_loop3A_250 = arith.constant 16 : i32
        %parallel_loop3A_251 = arith.muli %parallel_loop3A_249, %parallel_loop3A_250 : i32
        %parallel_loop3A_252 = arith.constant 4 : i32
        %parallel_loop3A_253 = arith.index_cast %parallel_loop3A_252 : i32 to index
        %parallel_loop3A_254 = arith.index_cast %parallel_loop3A_251 : i32 to index
        %parallel_loop3A_255 = tpu.vector_load %arg4[%parallel_loop3A_253, %parallel_loop3A_254] {strides = array<i32>} : memref<8x2048xf32, #tpu.memory_space<vmem>>, vector<1x16xf32>,
        %parallel_loop3A_256 = vector.shape_cast %parallel_loop3A_255 : vector<1x16xf32> to vector<16xf32>
        %parallel_loop3A_257 = vector.shape_cast %xor3A_4 : vector<16xi32> to vector<16x1xi32>
        %parallel_loop3A_258 = vector.shape_cast %parallel_loop3A_257 : vector<16x1xi32> to vector<16xi32>
        %parallel_loop3A_259 = tpu.dynamic_gather %parallel_loop3A_256[%parallel_loop3A_258] in [0] : vector<16xf32>, vector<16xi32> -> vector<16xf32>
        %parallel_loop3A_260 = arith.minimumf %parallel_loop3A_256, %parallel_loop3A_259 : vector<16xf32>
        %parallel_loop3A_261 = arith.maximumf %parallel_loop3A_256, %parallel_loop3A_259 : vector<16xf32>
        %parallel_loop3A_262 = arith.select %eq3A_8, %parallel_loop3A_260, %parallel_loop3A_261 : vector<16xi1>, vector<16xf32>
        %parallel_loop3A_263 = arith.constant 4 : i32
        %parallel_loop3A_264 = arith.index_cast %parallel_loop3A_263 : i32 to index
        %parallel_loop3A_265 = arith.index_cast %parallel_loop3A_251 : i32 to index
        %parallel_loop3A_266 = tpu.vector_load %arg8[%parallel_loop3A_264, %parallel_loop3A_265] {strides = array<i32>} : memref<8x2048xf32, #tpu.memory_space<vmem>>, vector<1x16xf32>,
        %parallel_loop3A_267 = vector.shape_cast %parallel_loop3A_266 : vector<1x16xf32> to vector<16xf32>
        %parallel_loop3A_268 = vector.shape_cast %parallel_loop3A_262 : vector<16xf32> to vector<1x16xf32>
        tpu.vector_store %arg8[%parallel_loop3A_264, %parallel_loop3A_265], %parallel_loop3A_268 {strides = array<i32>} : memref<8x2048xf32, #tpu.memory_space<vmem>>, vector<1x16xf32>,
      } {sc.loop_unroll_factor = 8 : i64, sc.parallel_access}
      %parallel_loop3A_77 = arith.constant 0 : i32
      %parallel_loop3A_78 = arith.constant 128 : i32
      %parallel_loop3A_79 = arith.constant 1 : i32
      scf.for %parallel_loop3A_249 = %parallel_loop3A_77 to %parallel_loop3A_78 step %parallel_loop3A_79  : i32 {
        %parallel_loop3A_250 = arith.constant 16 : i32
        %parallel_loop3A_251 = arith.muli %parallel_loop3A_249, %parallel_loop3A_250 : i32
        %parallel_loop3A_252 = arith.constant 5 : i32
        %parallel_loop3A_253 = arith.index_cast %parallel_loop3A_252 : i32 to index
        %parallel_loop3A_254 = arith.index_cast %parallel_loop3A_251 : i32 to index
        %parallel_loop3A_255 = tpu.vector_load %arg4[%parallel_loop3A_253, %parallel_loop3A_254] {strides = array<i32>} : memref<8x2048xf32, #tpu.memory_space<vmem>>, vector<1x16xf32>,
        %parallel_loop3A_256 = vector.shape_cast %parallel_loop3A_255 : vector<1x16xf32> to vector<16xf32>
        %parallel_loop3A_257 = vector.shape_cast %xor3A_4 : vector<16xi32> to vector<16x1xi32>
        %parallel_loop3A_258 = vector.shape_cast %parallel_loop3A_257 : vector<16x1xi32> to vector<16xi32>
        %parallel_loop3A_259 = tpu.dynamic_gather %parallel_loop3A_256[%parallel_loop3A_258] in [0] : vector<16xf32>, vector<16xi32> -> vector<16xf32>
        %parallel_loop3A_260 = arith.minimumf %parallel_loop3A_256, %parallel_loop3A_259 : vector<16xf32>
        %parallel_loop3A_261 = arith.maximumf %parallel_loop3A_256, %parallel_loop3A_259 : vector<16xf32>
        %parallel_loop3A_262 = arith.select %eq3A_8, %parallel_loop3A_260, %parallel_loop3A_261 : vector<16xi1>, vector<16xf32>
        %parallel_loop3A_263 = arith.constant 5 : i32
        %parallel_loop3A_264 = arith.index_cast %parallel_loop3A_263 : i32 to index
        %parallel_loop3A_265 = arith.index_cast %parallel_loop3A_251 : i32 to index
        %parallel_loop3A_266 = tpu.vector_load %arg8[%parallel_loop3A_264, %parallel_loop3A_265] {strides = array<i32>} : memref<8x2048xf32, #tpu.memory_space<vmem>>, vector<1x16xf32>,
        %parallel_loop3A_267 = vector.shape_cast %parallel_loop3A_266 : vector<1x16xf32> to vector<16xf32>
        %parallel_loop3A_268 = vector.shape_cast %parallel_loop3A_262 : vector<16xf32> to vector<1x16xf32>
        tpu.vector_store %arg8[%parallel_loop3A_264, %parallel_loop3A_265], %parallel_loop3A_268 {strides = array<i32>} : memref<8x2048xf32, #tpu.memory_space<vmem>>, vector<1x16xf32>,
      } {sc.loop_unroll_factor = 8 : i64, sc.parallel_access}
      %parallel_loop3A_80 = arith.constant 0 : i32
      %parallel_loop3A_81 = arith.constant 128 : i32
      %parallel_loop3A_82 = arith.constant 1 : i32
      scf.for %parallel_loop3A_249 = %parallel_loop3A_80 to %parallel_loop3A_81 step %parallel_loop3A_82  : i32 {
        %parallel_loop3A_250 = arith.constant 16 : i32
        %parallel_loop3A_251 = arith.muli %parallel_loop3A_249, %parallel_loop3A_250 : i32
        %parallel_loop3A_252 = arith.constant 6 : i32
        %parallel_loop3A_253 = arith.index_cast %parallel_loop3A_252 : i32 to index
        %parallel_loop3A_254 = arith.index_cast %parallel_loop3A_251 : i32 to index
        %parallel_loop3A_255 = tpu.vector_load %arg4[%parallel_loop3A_253, %parallel_loop3A_254] {strides = array<i32>} : memref<8x2048xf32, #tpu.memory_space<vmem>>, vector<1x16xf32>,
        %parallel_loop3A_256 = vector.shape_cast %parallel_loop3A_255 : vector<1x16xf32> to vector<16xf32>
        %parallel_loop3A_257 = vector.shape_cast %xor3A_4 : vector<16xi32> to vector<16x1xi32>
        %parallel_loop3A_258 = vector.shape_cast %parallel_loop3A_257 : vector<16x1xi32> to vector<16xi32>
        %parallel_loop3A_259 = tpu.dynamic_gather %parallel_loop3A_256[%parallel_loop3A_258] in [0] : vector<16xf32>, vector<16xi32> -> vector<16xf32>
        %parallel_loop3A_260 = arith.minimumf %parallel_loop3A_256, %parallel_loop3A_259 : vector<16xf32>
        %parallel_loop3A_261 = arith.maximumf %parallel_loop3A_256, %parallel_loop3A_259 : vector<16xf32>
        %parallel_loop3A_262 = arith.select %eq3A_8, %parallel_loop3A_260, %parallel_loop3A_261 : vector<16xi1>, vector<16xf32>
        %parallel_loop3A_263 = arith.constant 6 : i32
        %parallel_loop3A_264 = arith.index_cast %parallel_loop3A_263 : i32 to index
        %parallel_loop3A_265 = arith.index_cast %parallel_loop3A_251 : i32 to index
        %parallel_loop3A_266 = tpu.vector_load %arg8[%parallel_loop3A_264, %parallel_loop3A_265] {strides = array<i32>} : memref<8x2048xf32, #tpu.memory_space<vmem>>, vector<1x16xf32>,
        %parallel_loop3A_267 = vector.shape_cast %parallel_loop3A_266 : vector<1x16xf32> to vector<16xf32>
        %parallel_loop3A_268 = vector.shape_cast %parallel_loop3A_262 : vector<16xf32> to vector<1x16xf32>
        tpu.vector_store %arg8[%parallel_loop3A_264, %parallel_loop3A_265], %parallel_loop3A_268 {strides = array<i32>} : memref<8x2048xf32, #tpu.memory_space<vmem>>, vector<1x16xf32>,
      } {sc.loop_unroll_factor = 8 : i64, sc.parallel_access}
      %parallel_loop3A_83 = arith.constant 0 : i32
      %parallel_loop3A_84 = arith.constant 128 : i32
      %parallel_loop3A_85 = arith.constant 1 : i32
      scf.for %parallel_loop3A_249 = %parallel_loop3A_83 to %parallel_loop3A_84 step %parallel_loop3A_85  : i32 {
        %parallel_loop3A_250 = arith.constant 16 : i32
        %parallel_loop3A_251 = arith.muli %parallel_loop3A_249, %parallel_loop3A_250 : i32
        %parallel_loop3A_252 = arith.constant 7 : i32
        %parallel_loop3A_253 = arith.index_cast %parallel_loop3A_252 : i32 to index
        %parallel_loop3A_254 = arith.index_cast %parallel_loop3A_251 : i32 to index
        %parallel_loop3A_255 = tpu.vector_load %arg4[%parallel_loop3A_253, %parallel_loop3A_254] {strides = array<i32>} : memref<8x2048xf32, #tpu.memory_space<vmem>>, vector<1x16xf32>,
        %parallel_loop3A_256 = vector.shape_cast %parallel_loop3A_255 : vector<1x16xf32> to vector<16xf32>
        %parallel_loop3A_257 = vector.shape_cast %xor3A_4 : vector<16xi32> to vector<16x1xi32>
        %parallel_loop3A_258 = vector.shape_cast %parallel_loop3A_257 : vector<16x1xi32> to vector<16xi32>
        %parallel_loop3A_259 = tpu.dynamic_gather %parallel_loop3A_256[%parallel_loop3A_258] in [0] : vector<16xf32>, vector<16xi32> -> vector<16xf32>
        %parallel_loop3A_260 = arith.minimumf %parallel_loop3A_256, %parallel_loop3A_259 : vector<16xf32>
        %parallel_loop3A_261 = arith.maximumf %parallel_loop3A_256, %parallel_loop3A_259 : vector<16xf32>
        %parallel_loop3A_262 = arith.select %eq3A_8, %parallel_loop3A_260, %parallel_loop3A_261 : vector<16xi1>, vector<16xf32>
        %parallel_loop3A_263 = arith.constant 7 : i32
        %parallel_loop3A_264 = arith.index_cast %parallel_loop3A_263 : i32 to index
        %parallel_loop3A_265 = arith.index_cast %parallel_loop3A_251 : i32 to index
        %parallel_loop3A_266 = tpu.vector_load %arg8[%parallel_loop3A_264, %parallel_loop3A_265] {strides = array<i32>} : memref<8x2048xf32, #tpu.memory_space<vmem>>, vector<1x16xf32>,
        %parallel_loop3A_267 = vector.shape_cast %parallel_loop3A_266 : vector<1x16xf32> to vector<16xf32>
        %parallel_loop3A_268 = vector.shape_cast %parallel_loop3A_262 : vector<16xf32> to vector<1x16xf32>
        tpu.vector_store %arg8[%parallel_loop3A_264, %parallel_loop3A_265], %parallel_loop3A_268 {strides = array<i32>} : memref<8x2048xf32, #tpu.memory_space<vmem>>, vector<1x16xf32>,
      } {sc.loop_unroll_factor = 8 : i64, sc.parallel_access}
      %mul3A_86 = arith.constant 8 : i32
      %mul3A_87 = arith.muli %add3A_47, %mul3A_86 : i32
      %add3A_88 = arith.addi %mul3A_2, %mul3A_87 : i32
      %dma_start3A_89 = arith.constant 0 : i32
      %dma_start3A_90 = tpu.memref_slice %arg3[%add3A_88, %dma_start3A_89] : memref<32768x2048xf32, #tpu.memory_space<hbm>> -> memref<8x2048xf32, #tpu.memory_space<hbm>>
      %dma_start3A_91 = arith.constant 0 : i32
      %dma_start3A_92 = tpu.memref_slice %arg3[%add3A_88, %dma_start3A_91] : memref<32768x2048xf32, #tpu.memory_space<hbm>> -> memref<8x2048xf32, #tpu.memory_space<hbm>>
      tpu.enqueue_dma source(%arg8 : memref<8x2048xf32, #tpu.memory_space<vmem>>) target(%dma_start3A_92 : memref<8x2048xf32, #tpu.memory_space<hbm>>) target_semaphore(%arg14 : memref<!tpu.dma_semaphore, #tpu.memory_space<semaphore_mem>>)
      %add3A_93 = arith.constant 1 : i32
      %add3A_94 = arith.addi %add3A_45, %add3A_93 : i32
      %add3A_95 = arith.constant 3 : i32
      %add3A_96 = arith.addi %add3A_94, %add3A_95 : i32
      %lt3A_97 = arith.constant 128 : i32
      %lt3A_98 = arith.cmpi slt, %add3A_96, %lt3A_97 : i32
      %convert_element_type3A_99 = arith.extui %lt3A_98 : i1 to i32
      %cond3A_100 = arith.constant 0 : i32
      %cond3A_101 = arith.cmpi ne, %convert_element_type3A_99, %cond3A_100 : i32
      scf.if %cond3A_101 {
        %add3A_249 = arith.constant 3 : i32
        %add3A_250 = arith.addi %add3A_94, %add3A_249 : i32
        %mul3A_251 = arith.constant 8 : i32
        %mul3A_252 = arith.muli %add3A_250, %mul3A_251 : i32
        %add3A_253 = arith.addi %mul3A_2, %mul3A_252 : i32
        %dma_start3A_254 = arith.constant 0 : i32
        %dma_start3A_255 = tpu.memref_slice %arg2[%add3A_253, %dma_start3A_254] : memref<32768x2048xf32, #tpu.memory_space<hbm>> -> memref<8x2048xf32, #tpu.memory_space<hbm>>
        %dma_start3A_256 = arith.constant 0 : i32
        %dma_start3A_257 = tpu.memref_slice %arg2[%add3A_253, %dma_start3A_256] : memref<32768x2048xf32, #tpu.memory_space<hbm>> -> memref<8x2048xf32, #tpu.memory_space<hbm>>
        tpu.enqueue_dma source(%dma_start3A_257 : memref<8x2048xf32, #tpu.memory_space<hbm>>) target(%arg4 : memref<8x2048xf32, #tpu.memory_space<vmem>>) target_semaphore(%arg10 : memref<!tpu.dma_semaphore, #tpu.memory_space<semaphore_mem>>)
      } else {
      }
      %mul3A_102 = arith.constant 8 : i32
      %mul3A_103 = arith.muli %add3A_94, %mul3A_102 : i32
      %add3A_104 = arith.addi %mul3A_2, %mul3A_103 : i32
      %dma_wait3A_105 = arith.constant 0 : i32
      %dma_wait3A_106 = tpu.memref_slice %arg2[%add3A_104, %dma_wait3A_105] : memref<32768x2048xf32, #tpu.memory_space<hbm>> -> memref<8x2048xf32, #tpu.memory_space<hbm>>
      %dma_wait3A_107 = arith.constant 0 : i32
      %dma_wait3A_108 = tpu.memref_slice %arg2[%add3A_104, %dma_wait3A_107] : memref<32768x2048xf32, #tpu.memory_space<hbm>> -> memref<8x2048xf32, #tpu.memory_space<hbm>>
      tpu.wait_dma2 semaphore(%arg11 : memref<!tpu.dma_semaphore, #tpu.memory_space<semaphore_mem>>) src(%dma_wait3A_108 : memref<8x2048xf32, #tpu.memory_space<hbm>>) dst(%arg5 : memref<8x2048xf32, #tpu.memory_space<vmem>>)
      %gt3A_109 = arith.constant 1 : i32
      %gt3A_110 = arith.cmpi sgt, %add3A_94, %gt3A_109 : i32
      %convert_element_type3A_111 = arith.extui %gt3A_110 : i1 to i32
      %cond3A_112 = arith.constant 0 : i32
      %cond3A_113 = arith.cmpi ne, %convert_element_type3A_111, %cond3A_112 : i32
      scf.if %cond3A_113 {
        %sub3A = arith.constant 2 : i32
        %sub3A_249 = arith.subi %add3A_94, %sub3A : i32
        %mul3A_250 = arith.constant 8 : i32
        %mul3A_251 = arith.muli %sub3A_249, %mul3A_250 : i32
        %add3A_252 = arith.addi %mul3A_2, %mul3A_251 : i32
        %dma_wait3A_253 = arith.constant 0 : i32
        %dma_wait3A_254 = tpu.memref_slice %arg3[%add3A_252, %dma_wait3A_253] : memref<32768x2048xf32, #tpu.memory_space<hbm>> -> memref<8x2048xf32, #tpu.memory_space<hbm>>
        %dma_wait3A_255 = arith.constant 0 : i32
        %dma_wait3A_256 = tpu.memref_slice %arg3[%add3A_252, %dma_wait3A_255] : memref<32768x2048xf32, #tpu.memory_space<hbm>> -> memref<8x2048xf32, #tpu.memory_space<hbm>>
        tpu.wait_dma2 semaphore(%arg15 : memref<!tpu.dma_semaphore, #tpu.memory_space<semaphore_mem>>) src(%arg9 : memref<8x2048xf32, #tpu.memory_space<vmem>>) dst(%dma_wait3A_256 : memref<8x2048xf32, #tpu.memory_space<hbm>>)
      } else {
      }
      %parallel_loop3A_114 = arith.constant 0 : i32
      %parallel_loop3A_115 = arith.constant 128 : i32
      %parallel_loop3A_116 = arith.constant 1 : i32
      scf.for %parallel_loop3A_249 = %parallel_loop3A_114 to %parallel_loop3A_115 step %parallel_loop3A_116  : i32 {
        %parallel_loop3A_250 = arith.constant 16 : i32
        %parallel_loop3A_251 = arith.muli %parallel_loop3A_249, %parallel_loop3A_250 : i32
        %parallel_loop3A_252 = arith.constant 0 : i32
        %parallel_loop3A_253 = arith.index_cast %parallel_loop3A_252 : i32 to index
        %parallel_loop3A_254 = arith.index_cast %parallel_loop3A_251 : i32 to index
        %parallel_loop3A_255 = tpu.vector_load %arg5[%parallel_loop3A_253, %parallel_loop3A_254] {strides = array<i32>} : memref<8x2048xf32, #tpu.memory_space<vmem>>, vector<1x16xf32>,
        %parallel_loop3A_256 = vector.shape_cast %parallel_loop3A_255 : vector<1x16xf32> to vector<16xf32>
        %parallel_loop3A_257 = vector.shape_cast %xor3A_4 : vector<16xi32> to vector<16x1xi32>
        %parallel_loop3A_258 = vector.shape_cast %parallel_loop3A_257 : vector<16x1xi32> to vector<16xi32>
        %parallel_loop3A_259 = tpu.dynamic_gather %parallel_loop3A_256[%parallel_loop3A_258] in [0] : vector<16xf32>, vector<16xi32> -> vector<16xf32>
        %parallel_loop3A_260 = arith.minimumf %parallel_loop3A_256, %parallel_loop3A_259 : vector<16xf32>
        %parallel_loop3A_261 = arith.maximumf %parallel_loop3A_256, %parallel_loop3A_259 : vector<16xf32>
        %parallel_loop3A_262 = arith.select %eq3A_8, %parallel_loop3A_260, %parallel_loop3A_261 : vector<16xi1>, vector<16xf32>
        %parallel_loop3A_263 = arith.constant 0 : i32
        %parallel_loop3A_264 = arith.index_cast %parallel_loop3A_263 : i32 to index
        %parallel_loop3A_265 = arith.index_cast %parallel_loop3A_251 : i32 to index
        %parallel_loop3A_266 = tpu.vector_load %arg9[%parallel_loop3A_264, %parallel_loop3A_265] {strides = array<i32>} : memref<8x2048xf32, #tpu.memory_space<vmem>>, vector<1x16xf32>,
        %parallel_loop3A_267 = vector.shape_cast %parallel_loop3A_266 : vector<1x16xf32> to vector<16xf32>
        %parallel_loop3A_268 = vector.shape_cast %parallel_loop3A_262 : vector<16xf32> to vector<1x16xf32>
        tpu.vector_store %arg9[%parallel_loop3A_264, %parallel_loop3A_265], %parallel_loop3A_268 {strides = array<i32>} : memref<8x2048xf32, #tpu.memory_space<vmem>>, vector<1x16xf32>,
      } {sc.loop_unroll_factor = 8 : i64, sc.parallel_access}
      %parallel_loop3A_117 = arith.constant 0 : i32
      %parallel_loop3A_118 = arith.constant 128 : i32
      %parallel_loop3A_119 = arith.constant 1 : i32
      scf.for %parallel_loop3A_249 = %parallel_loop3A_117 to %parallel_loop3A_118 step %parallel_loop3A_119  : i32 {
        %parallel_loop3A_250 = arith.constant 16 : i32
        %parallel_loop3A_251 = arith.muli %parallel_loop3A_249, %parallel_loop3A_250 : i32
        %parallel_loop3A_252 = arith.constant 1 : i32
        %parallel_loop3A_253 = arith.index_cast %parallel_loop3A_252 : i32 to index
        %parallel_loop3A_254 = arith.index_cast %parallel_loop3A_251 : i32 to index
        %parallel_loop3A_255 = tpu.vector_load %arg5[%parallel_loop3A_253, %parallel_loop3A_254] {strides = array<i32>} : memref<8x2048xf32, #tpu.memory_space<vmem>>, vector<1x16xf32>,
        %parallel_loop3A_256 = vector.shape_cast %parallel_loop3A_255 : vector<1x16xf32> to vector<16xf32>
        %parallel_loop3A_257 = vector.shape_cast %xor3A_4 : vector<16xi32> to vector<16x1xi32>
        %parallel_loop3A_258 = vector.shape_cast %parallel_loop3A_257 : vector<16x1xi32> to vector<16xi32>
        %parallel_loop3A_259 = tpu.dynamic_gather %parallel_loop3A_256[%parallel_loop3A_258] in [0] : vector<16xf32>, vector<16xi32> -> vector<16xf32>
        %parallel_loop3A_260 = arith.minimumf %parallel_loop3A_256, %parallel_loop3A_259 : vector<16xf32>
        %parallel_loop3A_261 = arith.maximumf %parallel_loop3A_256, %parallel_loop3A_259 : vector<16xf32>
        %parallel_loop3A_262 = arith.select %eq3A_8, %parallel_loop3A_260, %parallel_loop3A_261 : vector<16xi1>, vector<16xf32>
        %parallel_loop3A_263 = arith.constant 1 : i32
        %parallel_loop3A_264 = arith.index_cast %parallel_loop3A_263 : i32 to index
        %parallel_loop3A_265 = arith.index_cast %parallel_loop3A_251 : i32 to index
        %parallel_loop3A_266 = tpu.vector_load %arg9[%parallel_loop3A_264, %parallel_loop3A_265] {strides = array<i32>} : memref<8x2048xf32, #tpu.memory_space<vmem>>, vector<1x16xf32>,
        %parallel_loop3A_267 = vector.shape_cast %parallel_loop3A_266 : vector<1x16xf32> to vector<16xf32>
        %parallel_loop3A_268 = vector.shape_cast %parallel_loop3A_262 : vector<16xf32> to vector<1x16xf32>
        tpu.vector_store %arg9[%parallel_loop3A_264, %parallel_loop3A_265], %parallel_loop3A_268 {strides = array<i32>} : memref<8x2048xf32, #tpu.memory_space<vmem>>, vector<1x16xf32>,
      } {sc.loop_unroll_factor = 8 : i64, sc.parallel_access}
      %parallel_loop3A_120 = arith.constant 0 : i32
      %parallel_loop3A_121 = arith.constant 128 : i32
      %parallel_loop3A_122 = arith.constant 1 : i32
      scf.for %parallel_loop3A_249 = %parallel_loop3A_120 to %parallel_loop3A_121 step %parallel_loop3A_122  : i32 {
        %parallel_loop3A_250 = arith.constant 16 : i32
        %parallel_loop3A_251 = arith.muli %parallel_loop3A_249, %parallel_loop3A_250 : i32
        %parallel_loop3A_252 = arith.constant 2 : i32
        %parallel_loop3A_253 = arith.index_cast %parallel_loop3A_252 : i32 to index
        %parallel_loop3A_254 = arith.index_cast %parallel_loop3A_251 : i32 to index
        %parallel_loop3A_255 = tpu.vector_load %arg5[%parallel_loop3A_253, %parallel_loop3A_254] {strides = array<i32>} : memref<8x2048xf32, #tpu.memory_space<vmem>>, vector<1x16xf32>,
        %parallel_loop3A_256 = vector.shape_cast %parallel_loop3A_255 : vector<1x16xf32> to vector<16xf32>
        %parallel_loop3A_257 = vector.shape_cast %xor3A_4 : vector<16xi32> to vector<16x1xi32>
        %parallel_loop3A_258 = vector.shape_cast %parallel_loop3A_257 : vector<16x1xi32> to vector<16xi32>
        %parallel_loop3A_259 = tpu.dynamic_gather %parallel_loop3A_256[%parallel_loop3A_258] in [0] : vector<16xf32>, vector<16xi32> -> vector<16xf32>
        %parallel_loop3A_260 = arith.minimumf %parallel_loop3A_256, %parallel_loop3A_259 : vector<16xf32>
        %parallel_loop3A_261 = arith.maximumf %parallel_loop3A_256, %parallel_loop3A_259 : vector<16xf32>
        %parallel_loop3A_262 = arith.select %eq3A_8, %parallel_loop3A_260, %parallel_loop3A_261 : vector<16xi1>, vector<16xf32>
        %parallel_loop3A_263 = arith.constant 2 : i32
        %parallel_loop3A_264 = arith.index_cast %parallel_loop3A_263 : i32 to index
        %parallel_loop3A_265 = arith.index_cast %parallel_loop3A_251 : i32 to index
        %parallel_loop3A_266 = tpu.vector_load %arg9[%parallel_loop3A_264, %parallel_loop3A_265] {strides = array<i32>} : memref<8x2048xf32, #tpu.memory_space<vmem>>, vector<1x16xf32>,
        %parallel_loop3A_267 = vector.shape_cast %parallel_loop3A_266 : vector<1x16xf32> to vector<16xf32>
        %parallel_loop3A_268 = vector.shape_cast %parallel_loop3A_262 : vector<16xf32> to vector<1x16xf32>
        tpu.vector_store %arg9[%parallel_loop3A_264, %parallel_loop3A_265], %parallel_loop3A_268 {strides = array<i32>} : memref<8x2048xf32, #tpu.memory_space<vmem>>, vector<1x16xf32>,
      } {sc.loop_unroll_factor = 8 : i64, sc.parallel_access}
      %parallel_loop3A_123 = arith.constant 0 : i32
      %parallel_loop3A_124 = arith.constant 128 : i32
      %parallel_loop3A_125 = arith.constant 1 : i32
      scf.for %parallel_loop3A_249 = %parallel_loop3A_123 to %parallel_loop3A_124 step %parallel_loop3A_125  : i32 {
        %parallel_loop3A_250 = arith.constant 16 : i32
        %parallel_loop3A_251 = arith.muli %parallel_loop3A_249, %parallel_loop3A_250 : i32
        %parallel_loop3A_252 = arith.constant 3 : i32
        %parallel_loop3A_253 = arith.index_cast %parallel_loop3A_252 : i32 to index
        %parallel_loop3A_254 = arith.index_cast %parallel_loop3A_251 : i32 to index
        %parallel_loop3A_255 = tpu.vector_load %arg5[%parallel_loop3A_253, %parallel_loop3A_254] {strides = array<i32>} : memref<8x2048xf32, #tpu.memory_space<vmem>>, vector<1x16xf32>,
        %parallel_loop3A_256 = vector.shape_cast %parallel_loop3A_255 : vector<1x16xf32> to vector<16xf32>
        %parallel_loop3A_257 = vector.shape_cast %xor3A_4 : vector<16xi32> to vector<16x1xi32>
        %parallel_loop3A_258 = vector.shape_cast %parallel_loop3A_257 : vector<16x1xi32> to vector<16xi32>
        %parallel_loop3A_259 = tpu.dynamic_gather %parallel_loop3A_256[%parallel_loop3A_258] in [0] : vector<16xf32>, vector<16xi32> -> vector<16xf32>
        %parallel_loop3A_260 = arith.minimumf %parallel_loop3A_256, %parallel_loop3A_259 : vector<16xf32>
        %parallel_loop3A_261 = arith.maximumf %parallel_loop3A_256, %parallel_loop3A_259 : vector<16xf32>
        %parallel_loop3A_262 = arith.select %eq3A_8, %parallel_loop3A_260, %parallel_loop3A_261 : vector<16xi1>, vector<16xf32>
        %parallel_loop3A_263 = arith.constant 3 : i32
        %parallel_loop3A_264 = arith.index_cast %parallel_loop3A_263 : i32 to index
        %parallel_loop3A_265 = arith.index_cast %parallel_loop3A_251 : i32 to index
        %parallel_loop3A_266 = tpu.vector_load %arg9[%parallel_loop3A_264, %parallel_loop3A_265] {strides = array<i32>} : memref<8x2048xf32, #tpu.memory_space<vmem>>, vector<1x16xf32>,
        %parallel_loop3A_267 = vector.shape_cast %parallel_loop3A_266 : vector<1x16xf32> to vector<16xf32>
        %parallel_loop3A_268 = vector.shape_cast %parallel_loop3A_262 : vector<16xf32> to vector<1x16xf32>
        tpu.vector_store %arg9[%parallel_loop3A_264, %parallel_loop3A_265], %parallel_loop3A_268 {strides = array<i32>} : memref<8x2048xf32, #tpu.memory_space<vmem>>, vector<1x16xf32>,
      } {sc.loop_unroll_factor = 8 : i64, sc.parallel_access}
      %parallel_loop3A_126 = arith.constant 0 : i32
      %parallel_loop3A_127 = arith.constant 128 : i32
      %parallel_loop3A_128 = arith.constant 1 : i32
      scf.for %parallel_loop3A_249 = %parallel_loop3A_126 to %parallel_loop3A_127 step %parallel_loop3A_128  : i32 {
        %parallel_loop3A_250 = arith.constant 16 : i32
        %parallel_loop3A_251 = arith.muli %parallel_loop3A_249, %parallel_loop3A_250 : i32
        %parallel_loop3A_252 = arith.constant 4 : i32
        %parallel_loop3A_253 = arith.index_cast %parallel_loop3A_252 : i32 to index
        %parallel_loop3A_254 = arith.index_cast %parallel_loop3A_251 : i32 to index
        %parallel_loop3A_255 = tpu.vector_load %arg5[%parallel_loop3A_253, %parallel_loop3A_254] {strides = array<i32>} : memref<8x2048xf32, #tpu.memory_space<vmem>>, vector<1x16xf32>,
        %parallel_loop3A_256 = vector.shape_cast %parallel_loop3A_255 : vector<1x16xf32> to vector<16xf32>
        %parallel_loop3A_257 = vector.shape_cast %xor3A_4 : vector<16xi32> to vector<16x1xi32>
        %parallel_loop3A_258 = vector.shape_cast %parallel_loop3A_257 : vector<16x1xi32> to vector<16xi32>
        %parallel_loop3A_259 = tpu.dynamic_gather %parallel_loop3A_256[%parallel_loop3A_258] in [0] : vector<16xf32>, vector<16xi32> -> vector<16xf32>
        %parallel_loop3A_260 = arith.minimumf %parallel_loop3A_256, %parallel_loop3A_259 : vector<16xf32>
        %parallel_loop3A_261 = arith.maximumf %parallel_loop3A_256, %parallel_loop3A_259 : vector<16xf32>
        %parallel_loop3A_262 = arith.select %eq3A_8, %parallel_loop3A_260, %parallel_loop3A_261 : vector<16xi1>, vector<16xf32>
        %parallel_loop3A_263 = arith.constant 4 : i32
        %parallel_loop3A_264 = arith.index_cast %parallel_loop3A_263 : i32 to index
        %parallel_loop3A_265 = arith.index_cast %parallel_loop3A_251 : i32 to index
        %parallel_loop3A_266 = tpu.vector_load %arg9[%parallel_loop3A_264, %parallel_loop3A_265] {strides = array<i32>} : memref<8x2048xf32, #tpu.memory_space<vmem>>, vector<1x16xf32>,
        %parallel_loop3A_267 = vector.shape_cast %parallel_loop3A_266 : vector<1x16xf32> to vector<16xf32>
        %parallel_loop3A_268 = vector.shape_cast %parallel_loop3A_262 : vector<16xf32> to vector<1x16xf32>
        tpu.vector_store %arg9[%parallel_loop3A_264, %parallel_loop3A_265], %parallel_loop3A_268 {strides = array<i32>} : memref<8x2048xf32, #tpu.memory_space<vmem>>, vector<1x16xf32>,
      } {sc.loop_unroll_factor = 8 : i64, sc.parallel_access}
      %parallel_loop3A_129 = arith.constant 0 : i32
      %parallel_loop3A_130 = arith.constant 128 : i32
      %parallel_loop3A_131 = arith.constant 1 : i32
      scf.for %parallel_loop3A_249 = %parallel_loop3A_129 to %parallel_loop3A_130 step %parallel_loop3A_131  : i32 {
        %parallel_loop3A_250 = arith.constant 16 : i32
        %parallel_loop3A_251 = arith.muli %parallel_loop3A_249, %parallel_loop3A_250 : i32
        %parallel_loop3A_252 = arith.constant 5 : i32
        %parallel_loop3A_253 = arith.index_cast %parallel_loop3A_252 : i32 to index
        %parallel_loop3A_254 = arith.index_cast %parallel_loop3A_251 : i32 to index
        %parallel_loop3A_255 = tpu.vector_load %arg5[%parallel_loop3A_253, %parallel_loop3A_254] {strides = array<i32>} : memref<8x2048xf32, #tpu.memory_space<vmem>>, vector<1x16xf32>,
        %parallel_loop3A_256 = vector.shape_cast %parallel_loop3A_255 : vector<1x16xf32> to vector<16xf32>
        %parallel_loop3A_257 = vector.shape_cast %xor3A_4 : vector<16xi32> to vector<16x1xi32>
        %parallel_loop3A_258 = vector.shape_cast %parallel_loop3A_257 : vector<16x1xi32> to vector<16xi32>
        %parallel_loop3A_259 = tpu.dynamic_gather %parallel_loop3A_256[%parallel_loop3A_258] in [0] : vector<16xf32>, vector<16xi32> -> vector<16xf32>
        %parallel_loop3A_260 = arith.minimumf %parallel_loop3A_256, %parallel_loop3A_259 : vector<16xf32>
        %parallel_loop3A_261 = arith.maximumf %parallel_loop3A_256, %parallel_loop3A_259 : vector<16xf32>
        %parallel_loop3A_262 = arith.select %eq3A_8, %parallel_loop3A_260, %parallel_loop3A_261 : vector<16xi1>, vector<16xf32>
        %parallel_loop3A_263 = arith.constant 5 : i32
        %parallel_loop3A_264 = arith.index_cast %parallel_loop3A_263 : i32 to index
        %parallel_loop3A_265 = arith.index_cast %parallel_loop3A_251 : i32 to index
        %parallel_loop3A_266 = tpu.vector_load %arg9[%parallel_loop3A_264, %parallel_loop3A_265] {strides = array<i32>} : memref<8x2048xf32, #tpu.memory_space<vmem>>, vector<1x16xf32>,
        %parallel_loop3A_267 = vector.shape_cast %parallel_loop3A_266 : vector<1x16xf32> to vector<16xf32>
        %parallel_loop3A_268 = vector.shape_cast %parallel_loop3A_262 : vector<16xf32> to vector<1x16xf32>
        tpu.vector_store %arg9[%parallel_loop3A_264, %parallel_loop3A_265], %parallel_loop3A_268 {strides = array<i32>} : memref<8x2048xf32, #tpu.memory_space<vmem>>, vector<1x16xf32>,
      } {sc.loop_unroll_factor = 8 : i64, sc.parallel_access}
      %parallel_loop3A_132 = arith.constant 0 : i32
      %parallel_loop3A_133 = arith.constant 128 : i32
      %parallel_loop3A_134 = arith.constant 1 : i32
      scf.for %parallel_loop3A_249 = %parallel_loop3A_132 to %parallel_loop3A_133 step %parallel_loop3A_134  : i32 {
        %parallel_loop3A_250 = arith.constant 16 : i32
        %parallel_loop3A_251 = arith.muli %parallel_loop3A_249, %parallel_loop3A_250 : i32
        %parallel_loop3A_252 = arith.constant 6 : i32
        %parallel_loop3A_253 = arith.index_cast %parallel_loop3A_252 : i32 to index
        %parallel_loop3A_254 = arith.index_cast %parallel_loop3A_251 : i32 to index
        %parallel_loop3A_255 = tpu.vector_load %arg5[%parallel_loop3A_253, %parallel_loop3A_254] {strides = array<i32>} : memref<8x2048xf32, #tpu.memory_space<vmem>>, vector<1x16xf32>,
        %parallel_loop3A_256 = vector.shape_cast %parallel_loop3A_255 : vector<1x16xf32> to vector<16xf32>
        %parallel_loop3A_257 = vector.shape_cast %xor3A_4 : vector<16xi32> to vector<16x1xi32>
        %parallel_loop3A_258 = vector.shape_cast %parallel_loop3A_257 : vector<16x1xi32> to vector<16xi32>
        %parallel_loop3A_259 = tpu.dynamic_gather %parallel_loop3A_256[%parallel_loop3A_258] in [0] : vector<16xf32>, vector<16xi32> -> vector<16xf32>
        %parallel_loop3A_260 = arith.minimumf %parallel_loop3A_256, %parallel_loop3A_259 : vector<16xf32>
        %parallel_loop3A_261 = arith.maximumf %parallel_loop3A_256, %parallel_loop3A_259 : vector<16xf32>
        %parallel_loop3A_262 = arith.select %eq3A_8, %parallel_loop3A_260, %parallel_loop3A_261 : vector<16xi1>, vector<16xf32>
        %parallel_loop3A_263 = arith.constant 6 : i32
        %parallel_loop3A_264 = arith.index_cast %parallel_loop3A_263 : i32 to index
        %parallel_loop3A_265 = arith.index_cast %parallel_loop3A_251 : i32 to index
        %parallel_loop3A_266 = tpu.vector_load %arg9[%parallel_loop3A_264, %parallel_loop3A_265] {strides = array<i32>} : memref<8x2048xf32, #tpu.memory_space<vmem>>, vector<1x16xf32>,
        %parallel_loop3A_267 = vector.shape_cast %parallel_loop3A_266 : vector<1x16xf32> to vector<16xf32>
        %parallel_loop3A_268 = vector.shape_cast %parallel_loop3A_262 : vector<16xf32> to vector<1x16xf32>
        tpu.vector_store %arg9[%parallel_loop3A_264, %parallel_loop3A_265], %parallel_loop3A_268 {strides = array<i32>} : memref<8x2048xf32, #tpu.memory_space<vmem>>, vector<1x16xf32>,
      } {sc.loop_unroll_factor = 8 : i64, sc.parallel_access}
      %parallel_loop3A_135 = arith.constant 0 : i32
      %parallel_loop3A_136 = arith.constant 128 : i32
      %parallel_loop3A_137 = arith.constant 1 : i32
      scf.for %parallel_loop3A_249 = %parallel_loop3A_135 to %parallel_loop3A_136 step %parallel_loop3A_137  : i32 {
        %parallel_loop3A_250 = arith.constant 16 : i32
        %parallel_loop3A_251 = arith.muli %parallel_loop3A_249, %parallel_loop3A_250 : i32
        %parallel_loop3A_252 = arith.constant 7 : i32
        %parallel_loop3A_253 = arith.index_cast %parallel_loop3A_252 : i32 to index
        %parallel_loop3A_254 = arith.index_cast %parallel_loop3A_251 : i32 to index
        %parallel_loop3A_255 = tpu.vector_load %arg5[%parallel_loop3A_253, %parallel_loop3A_254] {strides = array<i32>} : memref<8x2048xf32, #tpu.memory_space<vmem>>, vector<1x16xf32>,
        %parallel_loop3A_256 = vector.shape_cast %parallel_loop3A_255 : vector<1x16xf32> to vector<16xf32>
        %parallel_loop3A_257 = vector.shape_cast %xor3A_4 : vector<16xi32> to vector<16x1xi32>
        %parallel_loop3A_258 = vector.shape_cast %parallel_loop3A_257 : vector<16x1xi32> to vector<16xi32>
        %parallel_loop3A_259 = tpu.dynamic_gather %parallel_loop3A_256[%parallel_loop3A_258] in [0] : vector<16xf32>, vector<16xi32> -> vector<16xf32>
        %parallel_loop3A_260 = arith.minimumf %parallel_loop3A_256, %parallel_loop3A_259 : vector<16xf32>
        %parallel_loop3A_261 = arith.maximumf %parallel_loop3A_256, %parallel_loop3A_259 : vector<16xf32>
        %parallel_loop3A_262 = arith.select %eq3A_8, %parallel_loop3A_260, %parallel_loop3A_261 : vector<16xi1>, vector<16xf32>
        %parallel_loop3A_263 = arith.constant 7 : i32
        %parallel_loop3A_264 = arith.index_cast %parallel_loop3A_263 : i32 to index
        %parallel_loop3A_265 = arith.index_cast %parallel_loop3A_251 : i32 to index
        %parallel_loop3A_266 = tpu.vector_load %arg9[%parallel_loop3A_264, %parallel_loop3A_265] {strides = array<i32>} : memref<8x2048xf32, #tpu.memory_space<vmem>>, vector<1x16xf32>,
        %parallel_loop3A_267 = vector.shape_cast %parallel_loop3A_266 : vector<1x16xf32> to vector<16xf32>
        %parallel_loop3A_268 = vector.shape_cast %parallel_loop3A_262 : vector<16xf32> to vector<1x16xf32>
        tpu.vector_store %arg9[%parallel_loop3A_264, %parallel_loop3A_265], %parallel_loop3A_268 {strides = array<i32>} : memref<8x2048xf32, #tpu.memory_space<vmem>>, vector<1x16xf32>,
      } {sc.loop_unroll_factor = 8 : i64, sc.parallel_access}
      %mul3A_138 = arith.constant 8 : i32
      %mul3A_139 = arith.muli %add3A_94, %mul3A_138 : i32
      %add3A_140 = arith.addi %mul3A_2, %mul3A_139 : i32
      %dma_start3A_141 = arith.constant 0 : i32
      %dma_start3A_142 = tpu.memref_slice %arg3[%add3A_140, %dma_start3A_141] : memref<32768x2048xf32, #tpu.memory_space<hbm>> -> memref<8x2048xf32, #tpu.memory_space<hbm>>
      %dma_start3A_143 = arith.constant 0 : i32
      %dma_start3A_144 = tpu.memref_slice %arg3[%add3A_140, %dma_start3A_143] : memref<32768x2048xf32, #tpu.memory_space<hbm>> -> memref<8x2048xf32, #tpu.memory_space<hbm>>
      tpu.enqueue_dma source(%arg9 : memref<8x2048xf32, #tpu.memory_space<vmem>>) target(%dma_start3A_144 : memref<8x2048xf32, #tpu.memory_space<hbm>>) target_semaphore(%arg15 : memref<!tpu.dma_semaphore, #tpu.memory_space<semaphore_mem>>)
      %add3A_145 = arith.constant 2 : i32
      %add3A_146 = arith.addi %add3A_45, %add3A_145 : i32
      %add3A_147 = arith.constant 3 : i32
      %add3A_148 = arith.addi %add3A_146, %add3A_147 : i32
      %lt3A_149 = arith.constant 128 : i32
      %lt3A_150 = arith.cmpi slt, %add3A_148, %lt3A_149 : i32
      %convert_element_type3A_151 = arith.extui %lt3A_150 : i1 to i32
      %cond3A_152 = arith.constant 0 : i32
      %cond3A_153 = arith.cmpi ne, %convert_element_type3A_151, %cond3A_152 : i32
      scf.if %cond3A_153 {
        %add3A_249 = arith.constant 3 : i32
        %add3A_250 = arith.addi %add3A_146, %add3A_249 : i32
        %mul3A_251 = arith.constant 8 : i32
        %mul3A_252 = arith.muli %add3A_250, %mul3A_251 : i32
        %add3A_253 = arith.addi %mul3A_2, %mul3A_252 : i32
        %dma_start3A_254 = arith.constant 0 : i32
        %dma_start3A_255 = tpu.memref_slice %arg2[%add3A_253, %dma_start3A_254] : memref<32768x2048xf32, #tpu.memory_space<hbm>> -> memref<8x2048xf32, #tpu.memory_space<hbm>>
        %dma_start3A_256 = arith.constant 0 : i32
        %dma_start3A_257 = tpu.memref_slice %arg2[%add3A_253, %dma_start3A_256] : memref<32768x2048xf32, #tpu.memory_space<hbm>> -> memref<8x2048xf32, #tpu.memory_space<hbm>>
        tpu.enqueue_dma source(%dma_start3A_257 : memref<8x2048xf32, #tpu.memory_space<hbm>>) target(%arg5 : memref<8x2048xf32, #tpu.memory_space<vmem>>) target_semaphore(%arg11 : memref<!tpu.dma_semaphore, #tpu.memory_space<semaphore_mem>>)
      } else {
      }
      %mul3A_154 = arith.constant 8 : i32
      %mul3A_155 = arith.muli %add3A_146, %mul3A_154 : i32
      %add3A_156 = arith.addi %mul3A_2, %mul3A_155 : i32
      %dma_wait3A_157 = arith.constant 0 : i32
      %dma_wait3A_158 = tpu.memref_slice %arg2[%add3A_156, %dma_wait3A_157] : memref<32768x2048xf32, #tpu.memory_space<hbm>> -> memref<8x2048xf32, #tpu.memory_space<hbm>>
      %dma_wait3A_159 = arith.constant 0 : i32
      %dma_wait3A_160 = tpu.memref_slice %arg2[%add3A_156, %dma_wait3A_159] : memref<32768x2048xf32, #tpu.memory_space<hbm>> -> memref<8x2048xf32, #tpu.memory_space<hbm>>
      tpu.wait_dma2 semaphore(%arg12 : memref<!tpu.dma_semaphore, #tpu.memory_space<semaphore_mem>>) src(%dma_wait3A_160 : memref<8x2048xf32, #tpu.memory_space<hbm>>) dst(%arg6 : memref<8x2048xf32, #tpu.memory_space<vmem>>)
      %gt3A_161 = arith.constant 1 : i32
      %gt3A_162 = arith.cmpi sgt, %add3A_146, %gt3A_161 : i32
      %convert_element_type3A_163 = arith.extui %gt3A_162 : i1 to i32
      %cond3A_164 = arith.constant 0 : i32
      %cond3A_165 = arith.cmpi ne, %convert_element_type3A_163, %cond3A_164 : i32
      scf.if %cond3A_165 {
        %sub3A = arith.constant 2 : i32
        %sub3A_249 = arith.subi %add3A_146, %sub3A : i32
        %mul3A_250 = arith.constant 8 : i32
        %mul3A_251 = arith.muli %sub3A_249, %mul3A_250 : i32
        %add3A_252 = arith.addi %mul3A_2, %mul3A_251 : i32
        %dma_wait3A_253 = arith.constant 0 : i32
        %dma_wait3A_254 = tpu.memref_slice %arg3[%add3A_252, %dma_wait3A_253] : memref<32768x2048xf32, #tpu.memory_space<hbm>> -> memref<8x2048xf32, #tpu.memory_space<hbm>>
        %dma_wait3A_255 = arith.constant 0 : i32
        %dma_wait3A_256 = tpu.memref_slice %arg3[%add3A_252, %dma_wait3A_255] : memref<32768x2048xf32, #tpu.memory_space<hbm>> -> memref<8x2048xf32, #tpu.memory_space<hbm>>
        tpu.wait_dma2 semaphore(%arg14 : memref<!tpu.dma_semaphore, #tpu.memory_space<semaphore_mem>>) src(%arg8 : memref<8x2048xf32, #tpu.memory_space<vmem>>) dst(%dma_wait3A_256 : memref<8x2048xf32, #tpu.memory_space<hbm>>)
      } else {
      }
      %parallel_loop3A_166 = arith.constant 0 : i32
      %parallel_loop3A_167 = arith.constant 128 : i32
      %parallel_loop3A_168 = arith.constant 1 : i32
      scf.for %parallel_loop3A_249 = %parallel_loop3A_166 to %parallel_loop3A_167 step %parallel_loop3A_168  : i32 {
        %parallel_loop3A_250 = arith.constant 16 : i32
        %parallel_loop3A_251 = arith.muli %parallel_loop3A_249, %parallel_loop3A_250 : i32
        %parallel_loop3A_252 = arith.constant 0 : i32
        %parallel_loop3A_253 = arith.index_cast %parallel_loop3A_252 : i32 to index
        %parallel_loop3A_254 = arith.index_cast %parallel_loop3A_251 : i32 to index
        %parallel_loop3A_255 = tpu.vector_load %arg6[%parallel_loop3A_253, %parallel_loop3A_254] {strides = array<i32>} : memref<8x2048xf32, #tpu.memory_space<vmem>>, vector<1x16xf32>,
        %parallel_loop3A_256 = vector.shape_cast %parallel_loop3A_255 : vector<1x16xf32> to vector<16xf32>
        %parallel_loop3A_257 = vector.shape_cast %xor3A_4 : vector<16xi32> to vector<16x1xi32>
        %parallel_loop3A_258 = vector.shape_cast %parallel_loop3A_257 : vector<16x1xi32> to vector<16xi32>
        %parallel_loop3A_259 = tpu.dynamic_gather %parallel_loop3A_256[%parallel_loop3A_258] in [0] : vector<16xf32>, vector<16xi32> -> vector<16xf32>
        %parallel_loop3A_260 = arith.minimumf %parallel_loop3A_256, %parallel_loop3A_259 : vector<16xf32>
        %parallel_loop3A_261 = arith.maximumf %parallel_loop3A_256, %parallel_loop3A_259 : vector<16xf32>
        %parallel_loop3A_262 = arith.select %eq3A_8, %parallel_loop3A_260, %parallel_loop3A_261 : vector<16xi1>, vector<16xf32>
        %parallel_loop3A_263 = arith.constant 0 : i32
        %parallel_loop3A_264 = arith.index_cast %parallel_loop3A_263 : i32 to index
        %parallel_loop3A_265 = arith.index_cast %parallel_loop3A_251 : i32 to index
        %parallel_loop3A_266 = tpu.vector_load %arg8[%parallel_loop3A_264, %parallel_loop3A_265] {strides = array<i32>} : memref<8x2048xf32, #tpu.memory_space<vmem>>, vector<1x16xf32>,
        %parallel_loop3A_267 = vector.shape_cast %parallel_loop3A_266 : vector<1x16xf32> to vector<16xf32>
        %parallel_loop3A_268 = vector.shape_cast %parallel_loop3A_262 : vector<16xf32> to vector<1x16xf32>
        tpu.vector_store %arg8[%parallel_loop3A_264, %parallel_loop3A_265], %parallel_loop3A_268 {strides = array<i32>} : memref<8x2048xf32, #tpu.memory_space<vmem>>, vector<1x16xf32>,
      } {sc.loop_unroll_factor = 8 : i64, sc.parallel_access}
      %parallel_loop3A_169 = arith.constant 0 : i32
      %parallel_loop3A_170 = arith.constant 128 : i32
      %parallel_loop3A_171 = arith.constant 1 : i32
      scf.for %parallel_loop3A_249 = %parallel_loop3A_169 to %parallel_loop3A_170 step %parallel_loop3A_171  : i32 {
        %parallel_loop3A_250 = arith.constant 16 : i32
        %parallel_loop3A_251 = arith.muli %parallel_loop3A_249, %parallel_loop3A_250 : i32
        %parallel_loop3A_252 = arith.constant 1 : i32
        %parallel_loop3A_253 = arith.index_cast %parallel_loop3A_252 : i32 to index
        %parallel_loop3A_254 = arith.index_cast %parallel_loop3A_251 : i32 to index
        %parallel_loop3A_255 = tpu.vector_load %arg6[%parallel_loop3A_253, %parallel_loop3A_254] {strides = array<i32>} : memref<8x2048xf32, #tpu.memory_space<vmem>>, vector<1x16xf32>,
        %parallel_loop3A_256 = vector.shape_cast %parallel_loop3A_255 : vector<1x16xf32> to vector<16xf32>
        %parallel_loop3A_257 = vector.shape_cast %xor3A_4 : vector<16xi32> to vector<16x1xi32>
        %parallel_loop3A_258 = vector.shape_cast %parallel_loop3A_257 : vector<16x1xi32> to vector<16xi32>
        %parallel_loop3A_259 = tpu.dynamic_gather %parallel_loop3A_256[%parallel_loop3A_258] in [0] : vector<16xf32>, vector<16xi32> -> vector<16xf32>
        %parallel_loop3A_260 = arith.minimumf %parallel_loop3A_256, %parallel_loop3A_259 : vector<16xf32>
        %parallel_loop3A_261 = arith.maximumf %parallel_loop3A_256, %parallel_loop3A_259 : vector<16xf32>
        %parallel_loop3A_262 = arith.select %eq3A_8, %parallel_loop3A_260, %parallel_loop3A_261 : vector<16xi1>, vector<16xf32>
        %parallel_loop3A_263 = arith.constant 1 : i32
        %parallel_loop3A_264 = arith.index_cast %parallel_loop3A_263 : i32 to index
        %parallel_loop3A_265 = arith.index_cast %parallel_loop3A_251 : i32 to index
        %parallel_loop3A_266 = tpu.vector_load %arg8[%parallel_loop3A_264, %parallel_loop3A_265] {strides = array<i32>} : memref<8x2048xf32, #tpu.memory_space<vmem>>, vector<1x16xf32>,
        %parallel_loop3A_267 = vector.shape_cast %parallel_loop3A_266 : vector<1x16xf32> to vector<16xf32>
        %parallel_loop3A_268 = vector.shape_cast %parallel_loop3A_262 : vector<16xf32> to vector<1x16xf32>
        tpu.vector_store %arg8[%parallel_loop3A_264, %parallel_loop3A_265], %parallel_loop3A_268 {strides = array<i32>} : memref<8x2048xf32, #tpu.memory_space<vmem>>, vector<1x16xf32>,
      } {sc.loop_unroll_factor = 8 : i64, sc.parallel_access}
      %parallel_loop3A_172 = arith.constant 0 : i32
      %parallel_loop3A_173 = arith.constant 128 : i32
      %parallel_loop3A_174 = arith.constant 1 : i32
      scf.for %parallel_loop3A_249 = %parallel_loop3A_172 to %parallel_loop3A_173 step %parallel_loop3A_174  : i32 {
        %parallel_loop3A_250 = arith.constant 16 : i32
        %parallel_loop3A_251 = arith.muli %parallel_loop3A_249, %parallel_loop3A_250 : i32
        %parallel_loop3A_252 = arith.constant 2 : i32
        %parallel_loop3A_253 = arith.index_cast %parallel_loop3A_252 : i32 to index
        %parallel_loop3A_254 = arith.index_cast %parallel_loop3A_251 : i32 to index
        %parallel_loop3A_255 = tpu.vector_load %arg6[%parallel_loop3A_253, %parallel_loop3A_254] {strides = array<i32>} : memref<8x2048xf32, #tpu.memory_space<vmem>>, vector<1x16xf32>,
        %parallel_loop3A_256 = vector.shape_cast %parallel_loop3A_255 : vector<1x16xf32> to vector<16xf32>
        %parallel_loop3A_257 = vector.shape_cast %xor3A_4 : vector<16xi32> to vector<16x1xi32>
        %parallel_loop3A_258 = vector.shape_cast %parallel_loop3A_257 : vector<16x1xi32> to vector<16xi32>
        %parallel_loop3A_259 = tpu.dynamic_gather %parallel_loop3A_256[%parallel_loop3A_258] in [0] : vector<16xf32>, vector<16xi32> -> vector<16xf32>
        %parallel_loop3A_260 = arith.minimumf %parallel_loop3A_256, %parallel_loop3A_259 : vector<16xf32>
        %parallel_loop3A_261 = arith.maximumf %parallel_loop3A_256, %parallel_loop3A_259 : vector<16xf32>
        %parallel_loop3A_262 = arith.select %eq3A_8, %parallel_loop3A_260, %parallel_loop3A_261 : vector<16xi1>, vector<16xf32>
        %parallel_loop3A_263 = arith.constant 2 : i32
        %parallel_loop3A_264 = arith.index_cast %parallel_loop3A_263 : i32 to index
        %parallel_loop3A_265 = arith.index_cast %parallel_loop3A_251 : i32 to index
        %parallel_loop3A_266 = tpu.vector_load %arg8[%parallel_loop3A_264, %parallel_loop3A_265] {strides = array<i32>} : memref<8x2048xf32, #tpu.memory_space<vmem>>, vector<1x16xf32>,
        %parallel_loop3A_267 = vector.shape_cast %parallel_loop3A_266 : vector<1x16xf32> to vector<16xf32>
        %parallel_loop3A_268 = vector.shape_cast %parallel_loop3A_262 : vector<16xf32> to vector<1x16xf32>
        tpu.vector_store %arg8[%parallel_loop3A_264, %parallel_loop3A_265], %parallel_loop3A_268 {strides = array<i32>} : memref<8x2048xf32, #tpu.memory_space<vmem>>, vector<1x16xf32>,
      } {sc.loop_unroll_factor = 8 : i64, sc.parallel_access}
      %parallel_loop3A_175 = arith.constant 0 : i32
      %parallel_loop3A_176 = arith.constant 128 : i32
      %parallel_loop3A_177 = arith.constant 1 : i32
      scf.for %parallel_loop3A_249 = %parallel_loop3A_175 to %parallel_loop3A_176 step %parallel_loop3A_177  : i32 {
        %parallel_loop3A_250 = arith.constant 16 : i32
        %parallel_loop3A_251 = arith.muli %parallel_loop3A_249, %parallel_loop3A_250 : i32
        %parallel_loop3A_252 = arith.constant 3 : i32
        %parallel_loop3A_253 = arith.index_cast %parallel_loop3A_252 : i32 to index
        %parallel_loop3A_254 = arith.index_cast %parallel_loop3A_251 : i32 to index
        %parallel_loop3A_255 = tpu.vector_load %arg6[%parallel_loop3A_253, %parallel_loop3A_254] {strides = array<i32>} : memref<8x2048xf32, #tpu.memory_space<vmem>>, vector<1x16xf32>,
        %parallel_loop3A_256 = vector.shape_cast %parallel_loop3A_255 : vector<1x16xf32> to vector<16xf32>
        %parallel_loop3A_257 = vector.shape_cast %xor3A_4 : vector<16xi32> to vector<16x1xi32>
        %parallel_loop3A_258 = vector.shape_cast %parallel_loop3A_257 : vector<16x1xi32> to vector<16xi32>
        %parallel_loop3A_259 = tpu.dynamic_gather %parallel_loop3A_256[%parallel_loop3A_258] in [0] : vector<16xf32>, vector<16xi32> -> vector<16xf32>
        %parallel_loop3A_260 = arith.minimumf %parallel_loop3A_256, %parallel_loop3A_259 : vector<16xf32>
        %parallel_loop3A_261 = arith.maximumf %parallel_loop3A_256, %parallel_loop3A_259 : vector<16xf32>
        %parallel_loop3A_262 = arith.select %eq3A_8, %parallel_loop3A_260, %parallel_loop3A_261 : vector<16xi1>, vector<16xf32>
        %parallel_loop3A_263 = arith.constant 3 : i32
        %parallel_loop3A_264 = arith.index_cast %parallel_loop3A_263 : i32 to index
        %parallel_loop3A_265 = arith.index_cast %parallel_loop3A_251 : i32 to index
        %parallel_loop3A_266 = tpu.vector_load %arg8[%parallel_loop3A_264, %parallel_loop3A_265] {strides = array<i32>} : memref<8x2048xf32, #tpu.memory_space<vmem>>, vector<1x16xf32>,
        %parallel_loop3A_267 = vector.shape_cast %parallel_loop3A_266 : vector<1x16xf32> to vector<16xf32>
        %parallel_loop3A_268 = vector.shape_cast %parallel_loop3A_262 : vector<16xf32> to vector<1x16xf32>
        tpu.vector_store %arg8[%parallel_loop3A_264, %parallel_loop3A_265], %parallel_loop3A_268 {strides = array<i32>} : memref<8x2048xf32, #tpu.memory_space<vmem>>, vector<1x16xf32>,
      } {sc.loop_unroll_factor = 8 : i64, sc.parallel_access}
      %parallel_loop3A_178 = arith.constant 0 : i32
      %parallel_loop3A_179 = arith.constant 128 : i32
      %parallel_loop3A_180 = arith.constant 1 : i32
      scf.for %parallel_loop3A_249 = %parallel_loop3A_178 to %parallel_loop3A_179 step %parallel_loop3A_180  : i32 {
        %parallel_loop3A_250 = arith.constant 16 : i32
        %parallel_loop3A_251 = arith.muli %parallel_loop3A_249, %parallel_loop3A_250 : i32
        %parallel_loop3A_252 = arith.constant 4 : i32
        %parallel_loop3A_253 = arith.index_cast %parallel_loop3A_252 : i32 to index
        %parallel_loop3A_254 = arith.index_cast %parallel_loop3A_251 : i32 to index
        %parallel_loop3A_255 = tpu.vector_load %arg6[%parallel_loop3A_253, %parallel_loop3A_254] {strides = array<i32>} : memref<8x2048xf32, #tpu.memory_space<vmem>>, vector<1x16xf32>,
        %parallel_loop3A_256 = vector.shape_cast %parallel_loop3A_255 : vector<1x16xf32> to vector<16xf32>
        %parallel_loop3A_257 = vector.shape_cast %xor3A_4 : vector<16xi32> to vector<16x1xi32>
        %parallel_loop3A_258 = vector.shape_cast %parallel_loop3A_257 : vector<16x1xi32> to vector<16xi32>
        %parallel_loop3A_259 = tpu.dynamic_gather %parallel_loop3A_256[%parallel_loop3A_258] in [0] : vector<16xf32>, vector<16xi32> -> vector<16xf32>
        %parallel_loop3A_260 = arith.minimumf %parallel_loop3A_256, %parallel_loop3A_259 : vector<16xf32>
        %parallel_loop3A_261 = arith.maximumf %parallel_loop3A_256, %parallel_loop3A_259 : vector<16xf32>
        %parallel_loop3A_262 = arith.select %eq3A_8, %parallel_loop3A_260, %parallel_loop3A_261 : vector<16xi1>, vector<16xf32>
        %parallel_loop3A_263 = arith.constant 4 : i32
        %parallel_loop3A_264 = arith.index_cast %parallel_loop3A_263 : i32 to index
        %parallel_loop3A_265 = arith.index_cast %parallel_loop3A_251 : i32 to index
        %parallel_loop3A_266 = tpu.vector_load %arg8[%parallel_loop3A_264, %parallel_loop3A_265] {strides = array<i32>} : memref<8x2048xf32, #tpu.memory_space<vmem>>, vector<1x16xf32>,
        %parallel_loop3A_267 = vector.shape_cast %parallel_loop3A_266 : vector<1x16xf32> to vector<16xf32>
        %parallel_loop3A_268 = vector.shape_cast %parallel_loop3A_262 : vector<16xf32> to vector<1x16xf32>
        tpu.vector_store %arg8[%parallel_loop3A_264, %parallel_loop3A_265], %parallel_loop3A_268 {strides = array<i32>} : memref<8x2048xf32, #tpu.memory_space<vmem>>, vector<1x16xf32>,
      } {sc.loop_unroll_factor = 8 : i64, sc.parallel_access}
      %parallel_loop3A_181 = arith.constant 0 : i32
      %parallel_loop3A_182 = arith.constant 128 : i32
      %parallel_loop3A_183 = arith.constant 1 : i32
      scf.for %parallel_loop3A_249 = %parallel_loop3A_181 to %parallel_loop3A_182 step %parallel_loop3A_183  : i32 {
        %parallel_loop3A_250 = arith.constant 16 : i32
        %parallel_loop3A_251 = arith.muli %parallel_loop3A_249, %parallel_loop3A_250 : i32
        %parallel_loop3A_252 = arith.constant 5 : i32
        %parallel_loop3A_253 = arith.index_cast %parallel_loop3A_252 : i32 to index
        %parallel_loop3A_254 = arith.index_cast %parallel_loop3A_251 : i32 to index
        %parallel_loop3A_255 = tpu.vector_load %arg6[%parallel_loop3A_253, %parallel_loop3A_254] {strides = array<i32>} : memref<8x2048xf32, #tpu.memory_space<vmem>>, vector<1x16xf32>,
        %parallel_loop3A_256 = vector.shape_cast %parallel_loop3A_255 : vector<1x16xf32> to vector<16xf32>
        %parallel_loop3A_257 = vector.shape_cast %xor3A_4 : vector<16xi32> to vector<16x1xi32>
        %parallel_loop3A_258 = vector.shape_cast %parallel_loop3A_257 : vector<16x1xi32> to vector<16xi32>
        %parallel_loop3A_259 = tpu.dynamic_gather %parallel_loop3A_256[%parallel_loop3A_258] in [0] : vector<16xf32>, vector<16xi32> -> vector<16xf32>
        %parallel_loop3A_260 = arith.minimumf %parallel_loop3A_256, %parallel_loop3A_259 : vector<16xf32>
        %parallel_loop3A_261 = arith.maximumf %parallel_loop3A_256, %parallel_loop3A_259 : vector<16xf32>
        %parallel_loop3A_262 = arith.select %eq3A_8, %parallel_loop3A_260, %parallel_loop3A_261 : vector<16xi1>, vector<16xf32>
        %parallel_loop3A_263 = arith.constant 5 : i32
        %parallel_loop3A_264 = arith.index_cast %parallel_loop3A_263 : i32 to index
        %parallel_loop3A_265 = arith.index_cast %parallel_loop3A_251 : i32 to index
        %parallel_loop3A_266 = tpu.vector_load %arg8[%parallel_loop3A_264, %parallel_loop3A_265] {strides = array<i32>} : memref<8x2048xf32, #tpu.memory_space<vmem>>, vector<1x16xf32>,
        %parallel_loop3A_267 = vector.shape_cast %parallel_loop3A_266 : vector<1x16xf32> to vector<16xf32>
        %parallel_loop3A_268 = vector.shape_cast %parallel_loop3A_262 : vector<16xf32> to vector<1x16xf32>
        tpu.vector_store %arg8[%parallel_loop3A_264, %parallel_loop3A_265], %parallel_loop3A_268 {strides = array<i32>} : memref<8x2048xf32, #tpu.memory_space<vmem>>, vector<1x16xf32>,
      } {sc.loop_unroll_factor = 8 : i64, sc.parallel_access}
      %parallel_loop3A_184 = arith.constant 0 : i32
      %parallel_loop3A_185 = arith.constant 128 : i32
      %parallel_loop3A_186 = arith.constant 1 : i32
      scf.for %parallel_loop3A_249 = %parallel_loop3A_184 to %parallel_loop3A_185 step %parallel_loop3A_186  : i32 {
        %parallel_loop3A_250 = arith.constant 16 : i32
        %parallel_loop3A_251 = arith.muli %parallel_loop3A_249, %parallel_loop3A_250 : i32
        %parallel_loop3A_252 = arith.constant 6 : i32
        %parallel_loop3A_253 = arith.index_cast %parallel_loop3A_252 : i32 to index
        %parallel_loop3A_254 = arith.index_cast %parallel_loop3A_251 : i32 to index
        %parallel_loop3A_255 = tpu.vector_load %arg6[%parallel_loop3A_253, %parallel_loop3A_254] {strides = array<i32>} : memref<8x2048xf32, #tpu.memory_space<vmem>>, vector<1x16xf32>,
        %parallel_loop3A_256 = vector.shape_cast %parallel_loop3A_255 : vector<1x16xf32> to vector<16xf32>
        %parallel_loop3A_257 = vector.shape_cast %xor3A_4 : vector<16xi32> to vector<16x1xi32>
        %parallel_loop3A_258 = vector.shape_cast %parallel_loop3A_257 : vector<16x1xi32> to vector<16xi32>
        %parallel_loop3A_259 = tpu.dynamic_gather %parallel_loop3A_256[%parallel_loop3A_258] in [0] : vector<16xf32>, vector<16xi32> -> vector<16xf32>
        %parallel_loop3A_260 = arith.minimumf %parallel_loop3A_256, %parallel_loop3A_259 : vector<16xf32>
        %parallel_loop3A_261 = arith.maximumf %parallel_loop3A_256, %parallel_loop3A_259 : vector<16xf32>
        %parallel_loop3A_262 = arith.select %eq3A_8, %parallel_loop3A_260, %parallel_loop3A_261 : vector<16xi1>, vector<16xf32>
        %parallel_loop3A_263 = arith.constant 6 : i32
        %parallel_loop3A_264 = arith.index_cast %parallel_loop3A_263 : i32 to index
        %parallel_loop3A_265 = arith.index_cast %parallel_loop3A_251 : i32 to index
        %parallel_loop3A_266 = tpu.vector_load %arg8[%parallel_loop3A_264, %parallel_loop3A_265] {strides = array<i32>} : memref<8x2048xf32, #tpu.memory_space<vmem>>, vector<1x16xf32>,
        %parallel_loop3A_267 = vector.shape_cast %parallel_loop3A_266 : vector<1x16xf32> to vector<16xf32>
        %parallel_loop3A_268 = vector.shape_cast %parallel_loop3A_262 : vector<16xf32> to vector<1x16xf32>
        tpu.vector_store %arg8[%parallel_loop3A_264, %parallel_loop3A_265], %parallel_loop3A_268 {strides = array<i32>} : memref<8x2048xf32, #tpu.memory_space<vmem>>, vector<1x16xf32>,
      } {sc.loop_unroll_factor = 8 : i64, sc.parallel_access}
      %parallel_loop3A_187 = arith.constant 0 : i32
      %parallel_loop3A_188 = arith.constant 128 : i32
      %parallel_loop3A_189 = arith.constant 1 : i32
      scf.for %parallel_loop3A_249 = %parallel_loop3A_187 to %parallel_loop3A_188 step %parallel_loop3A_189  : i32 {
        %parallel_loop3A_250 = arith.constant 16 : i32
        %parallel_loop3A_251 = arith.muli %parallel_loop3A_249, %parallel_loop3A_250 : i32
        %parallel_loop3A_252 = arith.constant 7 : i32
        %parallel_loop3A_253 = arith.index_cast %parallel_loop3A_252 : i32 to index
        %parallel_loop3A_254 = arith.index_cast %parallel_loop3A_251 : i32 to index
        %parallel_loop3A_255 = tpu.vector_load %arg6[%parallel_loop3A_253, %parallel_loop3A_254] {strides = array<i32>} : memref<8x2048xf32, #tpu.memory_space<vmem>>, vector<1x16xf32>,
        %parallel_loop3A_256 = vector.shape_cast %parallel_loop3A_255 : vector<1x16xf32> to vector<16xf32>
        %parallel_loop3A_257 = vector.shape_cast %xor3A_4 : vector<16xi32> to vector<16x1xi32>
        %parallel_loop3A_258 = vector.shape_cast %parallel_loop3A_257 : vector<16x1xi32> to vector<16xi32>
        %parallel_loop3A_259 = tpu.dynamic_gather %parallel_loop3A_256[%parallel_loop3A_258] in [0] : vector<16xf32>, vector<16xi32> -> vector<16xf32>
        %parallel_loop3A_260 = arith.minimumf %parallel_loop3A_256, %parallel_loop3A_259 : vector<16xf32>
        %parallel_loop3A_261 = arith.maximumf %parallel_loop3A_256, %parallel_loop3A_259 : vector<16xf32>
        %parallel_loop3A_262 = arith.select %eq3A_8, %parallel_loop3A_260, %parallel_loop3A_261 : vector<16xi1>, vector<16xf32>
        %parallel_loop3A_263 = arith.constant 7 : i32
        %parallel_loop3A_264 = arith.index_cast %parallel_loop3A_263 : i32 to index
        %parallel_loop3A_265 = arith.index_cast %parallel_loop3A_251 : i32 to index
        %parallel_loop3A_266 = tpu.vector_load %arg8[%parallel_loop3A_264, %parallel_loop3A_265] {strides = array<i32>} : memref<8x2048xf32, #tpu.memory_space<vmem>>, vector<1x16xf32>,
        %parallel_loop3A_267 = vector.shape_cast %parallel_loop3A_266 : vector<1x16xf32> to vector<16xf32>
        %parallel_loop3A_268 = vector.shape_cast %parallel_loop3A_262 : vector<16xf32> to vector<1x16xf32>
        tpu.vector_store %arg8[%parallel_loop3A_264, %parallel_loop3A_265], %parallel_loop3A_268 {strides = array<i32>} : memref<8x2048xf32, #tpu.memory_space<vmem>>, vector<1x16xf32>,
      } {sc.loop_unroll_factor = 8 : i64, sc.parallel_access}
      %mul3A_190 = arith.constant 8 : i32
      %mul3A_191 = arith.muli %add3A_146, %mul3A_190 : i32
      %add3A_192 = arith.addi %mul3A_2, %mul3A_191 : i32
      %dma_start3A_193 = arith.constant 0 : i32
      %dma_start3A_194 = tpu.memref_slice %arg3[%add3A_192, %dma_start3A_193] : memref<32768x2048xf32, #tpu.memory_space<hbm>> -> memref<8x2048xf32, #tpu.memory_space<hbm>>
      %dma_start3A_195 = arith.constant 0 : i32
      %dma_start3A_196 = tpu.memref_slice %arg3[%add3A_192, %dma_start3A_195] : memref<32768x2048xf32, #tpu.memory_space<hbm>> -> memref<8x2048xf32, #tpu.memory_space<hbm>>
      tpu.enqueue_dma source(%arg8 : memref<8x2048xf32, #tpu.memory_space<vmem>>) target(%dma_start3A_196 : memref<8x2048xf32, #tpu.memory_space<hbm>>) target_semaphore(%arg14 : memref<!tpu.dma_semaphore, #tpu.memory_space<semaphore_mem>>)
      %add3A_197 = arith.constant 3 : i32
      %add3A_198 = arith.addi %add3A_45, %add3A_197 : i32
      %add3A_199 = arith.constant 3 : i32
      %add3A_200 = arith.addi %add3A_198, %add3A_199 : i32
      %lt3A_201 = arith.constant 128 : i32
      %lt3A_202 = arith.cmpi slt, %add3A_200, %lt3A_201 : i32
      %convert_element_type3A_203 = arith.extui %lt3A_202 : i1 to i32
      %cond3A_204 = arith.constant 0 : i32
      %cond3A_205 = arith.cmpi ne, %convert_element_type3A_203, %cond3A_204 : i32
      scf.if %cond3A_205 {
        %add3A_249 = arith.constant 3 : i32
        %add3A_250 = arith.addi %add3A_198, %add3A_249 : i32
        %mul3A_251 = arith.constant 8 : i32
        %mul3A_252 = arith.muli %add3A_250, %mul3A_251 : i32
        %add3A_253 = arith.addi %mul3A_2, %mul3A_252 : i32
        %dma_start3A_254 = arith.constant 0 : i32
        %dma_start3A_255 = tpu.memref_slice %arg2[%add3A_253, %dma_start3A_254] : memref<32768x2048xf32, #tpu.memory_space<hbm>> -> memref<8x2048xf32, #tpu.memory_space<hbm>>
        %dma_start3A_256 = arith.constant 0 : i32
        %dma_start3A_257 = tpu.memref_slice %arg2[%add3A_253, %dma_start3A_256] : memref<32768x2048xf32, #tpu.memory_space<hbm>> -> memref<8x2048xf32, #tpu.memory_space<hbm>>
        tpu.enqueue_dma source(%dma_start3A_257 : memref<8x2048xf32, #tpu.memory_space<hbm>>) target(%arg6 : memref<8x2048xf32, #tpu.memory_space<vmem>>) target_semaphore(%arg12 : memref<!tpu.dma_semaphore, #tpu.memory_space<semaphore_mem>>)
      } else {
      }
      %mul3A_206 = arith.constant 8 : i32
      %mul3A_207 = arith.muli %add3A_198, %mul3A_206 : i32
      %add3A_208 = arith.addi %mul3A_2, %mul3A_207 : i32
      %dma_wait3A_209 = arith.constant 0 : i32
      %dma_wait3A_210 = tpu.memref_slice %arg2[%add3A_208, %dma_wait3A_209] : memref<32768x2048xf32, #tpu.memory_space<hbm>> -> memref<8x2048xf32, #tpu.memory_space<hbm>>
      %dma_wait3A_211 = arith.constant 0 : i32
      %dma_wait3A_212 = tpu.memref_slice %arg2[%add3A_208, %dma_wait3A_211] : memref<32768x2048xf32, #tpu.memory_space<hbm>> -> memref<8x2048xf32, #tpu.memory_space<hbm>>
      tpu.wait_dma2 semaphore(%arg13 : memref<!tpu.dma_semaphore, #tpu.memory_space<semaphore_mem>>) src(%dma_wait3A_212 : memref<8x2048xf32, #tpu.memory_space<hbm>>) dst(%arg7 : memref<8x2048xf32, #tpu.memory_space<vmem>>)
      %gt3A_213 = arith.constant 1 : i32
      %gt3A_214 = arith.cmpi sgt, %add3A_198, %gt3A_213 : i32
      %convert_element_type3A_215 = arith.extui %gt3A_214 : i1 to i32
      %cond3A_216 = arith.constant 0 : i32
      %cond3A_217 = arith.cmpi ne, %convert_element_type3A_215, %cond3A_216 : i32
      scf.if %cond3A_217 {
        %sub3A = arith.constant 2 : i32
        %sub3A_249 = arith.subi %add3A_198, %sub3A : i32
        %mul3A_250 = arith.constant 8 : i32
        %mul3A_251 = arith.muli %sub3A_249, %mul3A_250 : i32
        %add3A_252 = arith.addi %mul3A_2, %mul3A_251 : i32
        %dma_wait3A_253 = arith.constant 0 : i32
        %dma_wait3A_254 = tpu.memref_slice %arg3[%add3A_252, %dma_wait3A_253] : memref<32768x2048xf32, #tpu.memory_space<hbm>> -> memref<8x2048xf32, #tpu.memory_space<hbm>>
        %dma_wait3A_255 = arith.constant 0 : i32
        %dma_wait3A_256 = tpu.memref_slice %arg3[%add3A_252, %dma_wait3A_255] : memref<32768x2048xf32, #tpu.memory_space<hbm>> -> memref<8x2048xf32, #tpu.memory_space<hbm>>
        tpu.wait_dma2 semaphore(%arg15 : memref<!tpu.dma_semaphore, #tpu.memory_space<semaphore_mem>>) src(%arg9 : memref<8x2048xf32, #tpu.memory_space<vmem>>) dst(%dma_wait3A_256 : memref<8x2048xf32, #tpu.memory_space<hbm>>)
      } else {
      }
      %parallel_loop3A_218 = arith.constant 0 : i32
      %parallel_loop3A_219 = arith.constant 128 : i32
      %parallel_loop3A_220 = arith.constant 1 : i32
      scf.for %parallel_loop3A_249 = %parallel_loop3A_218 to %parallel_loop3A_219 step %parallel_loop3A_220  : i32 {
        %parallel_loop3A_250 = arith.constant 16 : i32
        %parallel_loop3A_251 = arith.muli %parallel_loop3A_249, %parallel_loop3A_250 : i32
        %parallel_loop3A_252 = arith.constant 0 : i32
        %parallel_loop3A_253 = arith.index_cast %parallel_loop3A_252 : i32 to index
        %parallel_loop3A_254 = arith.index_cast %parallel_loop3A_251 : i32 to index
        %parallel_loop3A_255 = tpu.vector_load %arg7[%parallel_loop3A_253, %parallel_loop3A_254] {strides = array<i32>} : memref<8x2048xf32, #tpu.memory_space<vmem>>, vector<1x16xf32>,
        %parallel_loop3A_256 = vector.shape_cast %parallel_loop3A_255 : vector<1x16xf32> to vector<16xf32>
        %parallel_loop3A_257 = vector.shape_cast %xor3A_4 : vector<16xi32> to vector<16x1xi32>
        %parallel_loop3A_258 = vector.shape_cast %parallel_loop3A_257 : vector<16x1xi32> to vector<16xi32>
        %parallel_loop3A_259 = tpu.dynamic_gather %parallel_loop3A_256[%parallel_loop3A_258] in [0] : vector<16xf32>, vector<16xi32> -> vector<16xf32>
        %parallel_loop3A_260 = arith.minimumf %parallel_loop3A_256, %parallel_loop3A_259 : vector<16xf32>
        %parallel_loop3A_261 = arith.maximumf %parallel_loop3A_256, %parallel_loop3A_259 : vector<16xf32>
        %parallel_loop3A_262 = arith.select %eq3A_8, %parallel_loop3A_260, %parallel_loop3A_261 : vector<16xi1>, vector<16xf32>
        %parallel_loop3A_263 = arith.constant 0 : i32
        %parallel_loop3A_264 = arith.index_cast %parallel_loop3A_263 : i32 to index
        %parallel_loop3A_265 = arith.index_cast %parallel_loop3A_251 : i32 to index
        %parallel_loop3A_266 = tpu.vector_load %arg9[%parallel_loop3A_264, %parallel_loop3A_265] {strides = array<i32>} : memref<8x2048xf32, #tpu.memory_space<vmem>>, vector<1x16xf32>,
        %parallel_loop3A_267 = vector.shape_cast %parallel_loop3A_266 : vector<1x16xf32> to vector<16xf32>
        %parallel_loop3A_268 = vector.shape_cast %parallel_loop3A_262 : vector<16xf32> to vector<1x16xf32>
        tpu.vector_store %arg9[%parallel_loop3A_264, %parallel_loop3A_265], %parallel_loop3A_268 {strides = array<i32>} : memref<8x2048xf32, #tpu.memory_space<vmem>>, vector<1x16xf32>,
      } {sc.loop_unroll_factor = 8 : i64, sc.parallel_access}
      %parallel_loop3A_221 = arith.constant 0 : i32
      %parallel_loop3A_222 = arith.constant 128 : i32
      %parallel_loop3A_223 = arith.constant 1 : i32
      scf.for %parallel_loop3A_249 = %parallel_loop3A_221 to %parallel_loop3A_222 step %parallel_loop3A_223  : i32 {
        %parallel_loop3A_250 = arith.constant 16 : i32
        %parallel_loop3A_251 = arith.muli %parallel_loop3A_249, %parallel_loop3A_250 : i32
        %parallel_loop3A_252 = arith.constant 1 : i32
        %parallel_loop3A_253 = arith.index_cast %parallel_loop3A_252 : i32 to index
        %parallel_loop3A_254 = arith.index_cast %parallel_loop3A_251 : i32 to index
        %parallel_loop3A_255 = tpu.vector_load %arg7[%parallel_loop3A_253, %parallel_loop3A_254] {strides = array<i32>} : memref<8x2048xf32, #tpu.memory_space<vmem>>, vector<1x16xf32>,
        %parallel_loop3A_256 = vector.shape_cast %parallel_loop3A_255 : vector<1x16xf32> to vector<16xf32>
        %parallel_loop3A_257 = vector.shape_cast %xor3A_4 : vector<16xi32> to vector<16x1xi32>
        %parallel_loop3A_258 = vector.shape_cast %parallel_loop3A_257 : vector<16x1xi32> to vector<16xi32>
        %parallel_loop3A_259 = tpu.dynamic_gather %parallel_loop3A_256[%parallel_loop3A_258] in [0] : vector<16xf32>, vector<16xi32> -> vector<16xf32>
        %parallel_loop3A_260 = arith.minimumf %parallel_loop3A_256, %parallel_loop3A_259 : vector<16xf32>
        %parallel_loop3A_261 = arith.maximumf %parallel_loop3A_256, %parallel_loop3A_259 : vector<16xf32>
        %parallel_loop3A_262 = arith.select %eq3A_8, %parallel_loop3A_260, %parallel_loop3A_261 : vector<16xi1>, vector<16xf32>
        %parallel_loop3A_263 = arith.constant 1 : i32
        %parallel_loop3A_264 = arith.index_cast %parallel_loop3A_263 : i32 to index
        %parallel_loop3A_265 = arith.index_cast %parallel_loop3A_251 : i32 to index
        %parallel_loop3A_266 = tpu.vector_load %arg9[%parallel_loop3A_264, %parallel_loop3A_265] {strides = array<i32>} : memref<8x2048xf32, #tpu.memory_space<vmem>>, vector<1x16xf32>,
        %parallel_loop3A_267 = vector.shape_cast %parallel_loop3A_266 : vector<1x16xf32> to vector<16xf32>
        %parallel_loop3A_268 = vector.shape_cast %parallel_loop3A_262 : vector<16xf32> to vector<1x16xf32>
        tpu.vector_store %arg9[%parallel_loop3A_264, %parallel_loop3A_265], %parallel_loop3A_268 {strides = array<i32>} : memref<8x2048xf32, #tpu.memory_space<vmem>>, vector<1x16xf32>,
      } {sc.loop_unroll_factor = 8 : i64, sc.parallel_access}
      %parallel_loop3A_224 = arith.constant 0 : i32
      %parallel_loop3A_225 = arith.constant 128 : i32
      %parallel_loop3A_226 = arith.constant 1 : i32
      scf.for %parallel_loop3A_249 = %parallel_loop3A_224 to %parallel_loop3A_225 step %parallel_loop3A_226  : i32 {
        %parallel_loop3A_250 = arith.constant 16 : i32
        %parallel_loop3A_251 = arith.muli %parallel_loop3A_249, %parallel_loop3A_250 : i32
        %parallel_loop3A_252 = arith.constant 2 : i32
        %parallel_loop3A_253 = arith.index_cast %parallel_loop3A_252 : i32 to index
        %parallel_loop3A_254 = arith.index_cast %parallel_loop3A_251 : i32 to index
        %parallel_loop3A_255 = tpu.vector_load %arg7[%parallel_loop3A_253, %parallel_loop3A_254] {strides = array<i32>} : memref<8x2048xf32, #tpu.memory_space<vmem>>, vector<1x16xf32>,
        %parallel_loop3A_256 = vector.shape_cast %parallel_loop3A_255 : vector<1x16xf32> to vector<16xf32>
        %parallel_loop3A_257 = vector.shape_cast %xor3A_4 : vector<16xi32> to vector<16x1xi32>
        %parallel_loop3A_258 = vector.shape_cast %parallel_loop3A_257 : vector<16x1xi32> to vector<16xi32>
        %parallel_loop3A_259 = tpu.dynamic_gather %parallel_loop3A_256[%parallel_loop3A_258] in [0] : vector<16xf32>, vector<16xi32> -> vector<16xf32>
        %parallel_loop3A_260 = arith.minimumf %parallel_loop3A_256, %parallel_loop3A_259 : vector<16xf32>
        %parallel_loop3A_261 = arith.maximumf %parallel_loop3A_256, %parallel_loop3A_259 : vector<16xf32>
        %parallel_loop3A_262 = arith.select %eq3A_8, %parallel_loop3A_260, %parallel_loop3A_261 : vector<16xi1>, vector<16xf32>
        %parallel_loop3A_263 = arith.constant 2 : i32
        %parallel_loop3A_264 = arith.index_cast %parallel_loop3A_263 : i32 to index
        %parallel_loop3A_265 = arith.index_cast %parallel_loop3A_251 : i32 to index
        %parallel_loop3A_266 = tpu.vector_load %arg9[%parallel_loop3A_264, %parallel_loop3A_265] {strides = array<i32>} : memref<8x2048xf32, #tpu.memory_space<vmem>>, vector<1x16xf32>,
        %parallel_loop3A_267 = vector.shape_cast %parallel_loop3A_266 : vector<1x16xf32> to vector<16xf32>
        %parallel_loop3A_268 = vector.shape_cast %parallel_loop3A_262 : vector<16xf32> to vector<1x16xf32>
        tpu.vector_store %arg9[%parallel_loop3A_264, %parallel_loop3A_265], %parallel_loop3A_268 {strides = array<i32>} : memref<8x2048xf32, #tpu.memory_space<vmem>>, vector<1x16xf32>,
      } {sc.loop_unroll_factor = 8 : i64, sc.parallel_access}
      %parallel_loop3A_227 = arith.constant 0 : i32
      %parallel_loop3A_228 = arith.constant 128 : i32
      %parallel_loop3A_229 = arith.constant 1 : i32
      scf.for %parallel_loop3A_249 = %parallel_loop3A_227 to %parallel_loop3A_228 step %parallel_loop3A_229  : i32 {
        %parallel_loop3A_250 = arith.constant 16 : i32
        %parallel_loop3A_251 = arith.muli %parallel_loop3A_249, %parallel_loop3A_250 : i32
        %parallel_loop3A_252 = arith.constant 3 : i32
        %parallel_loop3A_253 = arith.index_cast %parallel_loop3A_252 : i32 to index
        %parallel_loop3A_254 = arith.index_cast %parallel_loop3A_251 : i32 to index
        %parallel_loop3A_255 = tpu.vector_load %arg7[%parallel_loop3A_253, %parallel_loop3A_254] {strides = array<i32>} : memref<8x2048xf32, #tpu.memory_space<vmem>>, vector<1x16xf32>,
        %parallel_loop3A_256 = vector.shape_cast %parallel_loop3A_255 : vector<1x16xf32> to vector<16xf32>
        %parallel_loop3A_257 = vector.shape_cast %xor3A_4 : vector<16xi32> to vector<16x1xi32>
        %parallel_loop3A_258 = vector.shape_cast %parallel_loop3A_257 : vector<16x1xi32> to vector<16xi32>
        %parallel_loop3A_259 = tpu.dynamic_gather %parallel_loop3A_256[%parallel_loop3A_258] in [0] : vector<16xf32>, vector<16xi32> -> vector<16xf32>
        %parallel_loop3A_260 = arith.minimumf %parallel_loop3A_256, %parallel_loop3A_259 : vector<16xf32>
        %parallel_loop3A_261 = arith.maximumf %parallel_loop3A_256, %parallel_loop3A_259 : vector<16xf32>
        %parallel_loop3A_262 = arith.select %eq3A_8, %parallel_loop3A_260, %parallel_loop3A_261 : vector<16xi1>, vector<16xf32>
        %parallel_loop3A_263 = arith.constant 3 : i32
        %parallel_loop3A_264 = arith.index_cast %parallel_loop3A_263 : i32 to index
        %parallel_loop3A_265 = arith.index_cast %parallel_loop3A_251 : i32 to index
        %parallel_loop3A_266 = tpu.vector_load %arg9[%parallel_loop3A_264, %parallel_loop3A_265] {strides = array<i32>} : memref<8x2048xf32, #tpu.memory_space<vmem>>, vector<1x16xf32>,
        %parallel_loop3A_267 = vector.shape_cast %parallel_loop3A_266 : vector<1x16xf32> to vector<16xf32>
        %parallel_loop3A_268 = vector.shape_cast %parallel_loop3A_262 : vector<16xf32> to vector<1x16xf32>
        tpu.vector_store %arg9[%parallel_loop3A_264, %parallel_loop3A_265], %parallel_loop3A_268 {strides = array<i32>} : memref<8x2048xf32, #tpu.memory_space<vmem>>, vector<1x16xf32>,
      } {sc.loop_unroll_factor = 8 : i64, sc.parallel_access}
      %parallel_loop3A_230 = arith.constant 0 : i32
      %parallel_loop3A_231 = arith.constant 128 : i32
      %parallel_loop3A_232 = arith.constant 1 : i32
      scf.for %parallel_loop3A_249 = %parallel_loop3A_230 to %parallel_loop3A_231 step %parallel_loop3A_232  : i32 {
        %parallel_loop3A_250 = arith.constant 16 : i32
        %parallel_loop3A_251 = arith.muli %parallel_loop3A_249, %parallel_loop3A_250 : i32
        %parallel_loop3A_252 = arith.constant 4 : i32
        %parallel_loop3A_253 = arith.index_cast %parallel_loop3A_252 : i32 to index
        %parallel_loop3A_254 = arith.index_cast %parallel_loop3A_251 : i32 to index
        %parallel_loop3A_255 = tpu.vector_load %arg7[%parallel_loop3A_253, %parallel_loop3A_254] {strides = array<i32>} : memref<8x2048xf32, #tpu.memory_space<vmem>>, vector<1x16xf32>,
        %parallel_loop3A_256 = vector.shape_cast %parallel_loop3A_255 : vector<1x16xf32> to vector<16xf32>
        %parallel_loop3A_257 = vector.shape_cast %xor3A_4 : vector<16xi32> to vector<16x1xi32>
        %parallel_loop3A_258 = vector.shape_cast %parallel_loop3A_257 : vector<16x1xi32> to vector<16xi32>
        %parallel_loop3A_259 = tpu.dynamic_gather %parallel_loop3A_256[%parallel_loop3A_258] in [0] : vector<16xf32>, vector<16xi32> -> vector<16xf32>
        %parallel_loop3A_260 = arith.minimumf %parallel_loop3A_256, %parallel_loop3A_259 : vector<16xf32>
        %parallel_loop3A_261 = arith.maximumf %parallel_loop3A_256, %parallel_loop3A_259 : vector<16xf32>
        %parallel_loop3A_262 = arith.select %eq3A_8, %parallel_loop3A_260, %parallel_loop3A_261 : vector<16xi1>, vector<16xf32>
        %parallel_loop3A_263 = arith.constant 4 : i32
        %parallel_loop3A_264 = arith.index_cast %parallel_loop3A_263 : i32 to index
        %parallel_loop3A_265 = arith.index_cast %parallel_loop3A_251 : i32 to index
        %parallel_loop3A_266 = tpu.vector_load %arg9[%parallel_loop3A_264, %parallel_loop3A_265] {strides = array<i32>} : memref<8x2048xf32, #tpu.memory_space<vmem>>, vector<1x16xf32>,
        %parallel_loop3A_267 = vector.shape_cast %parallel_loop3A_266 : vector<1x16xf32> to vector<16xf32>
        %parallel_loop3A_268 = vector.shape_cast %parallel_loop3A_262 : vector<16xf32> to vector<1x16xf32>
        tpu.vector_store %arg9[%parallel_loop3A_264, %parallel_loop3A_265], %parallel_loop3A_268 {strides = array<i32>} : memref<8x2048xf32, #tpu.memory_space<vmem>>, vector<1x16xf32>,
      } {sc.loop_unroll_factor = 8 : i64, sc.parallel_access}
      %parallel_loop3A_233 = arith.constant 0 : i32
      %parallel_loop3A_234 = arith.constant 128 : i32
      %parallel_loop3A_235 = arith.constant 1 : i32
      scf.for %parallel_loop3A_249 = %parallel_loop3A_233 to %parallel_loop3A_234 step %parallel_loop3A_235  : i32 {
        %parallel_loop3A_250 = arith.constant 16 : i32
        %parallel_loop3A_251 = arith.muli %parallel_loop3A_249, %parallel_loop3A_250 : i32
        %parallel_loop3A_252 = arith.constant 5 : i32
        %parallel_loop3A_253 = arith.index_cast %parallel_loop3A_252 : i32 to index
        %parallel_loop3A_254 = arith.index_cast %parallel_loop3A_251 : i32 to index
        %parallel_loop3A_255 = tpu.vector_load %arg7[%parallel_loop3A_253, %parallel_loop3A_254] {strides = array<i32>} : memref<8x2048xf32, #tpu.memory_space<vmem>>, vector<1x16xf32>,
        %parallel_loop3A_256 = vector.shape_cast %parallel_loop3A_255 : vector<1x16xf32> to vector<16xf32>
        %parallel_loop3A_257 = vector.shape_cast %xor3A_4 : vector<16xi32> to vector<16x1xi32>
        %parallel_loop3A_258 = vector.shape_cast %parallel_loop3A_257 : vector<16x1xi32> to vector<16xi32>
        %parallel_loop3A_259 = tpu.dynamic_gather %parallel_loop3A_256[%parallel_loop3A_258] in [0] : vector<16xf32>, vector<16xi32> -> vector<16xf32>
        %parallel_loop3A_260 = arith.minimumf %parallel_loop3A_256, %parallel_loop3A_259 : vector<16xf32>
        %parallel_loop3A_261 = arith.maximumf %parallel_loop3A_256, %parallel_loop3A_259 : vector<16xf32>
        %parallel_loop3A_262 = arith.select %eq3A_8, %parallel_loop3A_260, %parallel_loop3A_261 : vector<16xi1>, vector<16xf32>
        %parallel_loop3A_263 = arith.constant 5 : i32
        %parallel_loop3A_264 = arith.index_cast %parallel_loop3A_263 : i32 to index
        %parallel_loop3A_265 = arith.index_cast %parallel_loop3A_251 : i32 to index
        %parallel_loop3A_266 = tpu.vector_load %arg9[%parallel_loop3A_264, %parallel_loop3A_265] {strides = array<i32>} : memref<8x2048xf32, #tpu.memory_space<vmem>>, vector<1x16xf32>,
        %parallel_loop3A_267 = vector.shape_cast %parallel_loop3A_266 : vector<1x16xf32> to vector<16xf32>
        %parallel_loop3A_268 = vector.shape_cast %parallel_loop3A_262 : vector<16xf32> to vector<1x16xf32>
        tpu.vector_store %arg9[%parallel_loop3A_264, %parallel_loop3A_265], %parallel_loop3A_268 {strides = array<i32>} : memref<8x2048xf32, #tpu.memory_space<vmem>>, vector<1x16xf32>,
      } {sc.loop_unroll_factor = 8 : i64, sc.parallel_access}
      %parallel_loop3A_236 = arith.constant 0 : i32
      %parallel_loop3A_237 = arith.constant 128 : i32
      %parallel_loop3A_238 = arith.constant 1 : i32
      scf.for %parallel_loop3A_249 = %parallel_loop3A_236 to %parallel_loop3A_237 step %parallel_loop3A_238  : i32 {
        %parallel_loop3A_250 = arith.constant 16 : i32
        %parallel_loop3A_251 = arith.muli %parallel_loop3A_249, %parallel_loop3A_250 : i32
        %parallel_loop3A_252 = arith.constant 6 : i32
        %parallel_loop3A_253 = arith.index_cast %parallel_loop3A_252 : i32 to index
        %parallel_loop3A_254 = arith.index_cast %parallel_loop3A_251 : i32 to index
        %parallel_loop3A_255 = tpu.vector_load %arg7[%parallel_loop3A_253, %parallel_loop3A_254] {strides = array<i32>} : memref<8x2048xf32, #tpu.memory_space<vmem>>, vector<1x16xf32>,
        %parallel_loop3A_256 = vector.shape_cast %parallel_loop3A_255 : vector<1x16xf32> to vector<16xf32>
        %parallel_loop3A_257 = vector.shape_cast %xor3A_4 : vector<16xi32> to vector<16x1xi32>
        %parallel_loop3A_258 = vector.shape_cast %parallel_loop3A_257 : vector<16x1xi32> to vector<16xi32>
        %parallel_loop3A_259 = tpu.dynamic_gather %parallel_loop3A_256[%parallel_loop3A_258] in [0] : vector<16xf32>, vector<16xi32> -> vector<16xf32>
        %parallel_loop3A_260 = arith.minimumf %parallel_loop3A_256, %parallel_loop3A_259 : vector<16xf32>
        %parallel_loop3A_261 = arith.maximumf %parallel_loop3A_256, %parallel_loop3A_259 : vector<16xf32>
        %parallel_loop3A_262 = arith.select %eq3A_8, %parallel_loop3A_260, %parallel_loop3A_261 : vector<16xi1>, vector<16xf32>
        %parallel_loop3A_263 = arith.constant 6 : i32
        %parallel_loop3A_264 = arith.index_cast %parallel_loop3A_263 : i32 to index
        %parallel_loop3A_265 = arith.index_cast %parallel_loop3A_251 : i32 to index
        %parallel_loop3A_266 = tpu.vector_load %arg9[%parallel_loop3A_264, %parallel_loop3A_265] {strides = array<i32>} : memref<8x2048xf32, #tpu.memory_space<vmem>>, vector<1x16xf32>,
        %parallel_loop3A_267 = vector.shape_cast %parallel_loop3A_266 : vector<1x16xf32> to vector<16xf32>
        %parallel_loop3A_268 = vector.shape_cast %parallel_loop3A_262 : vector<16xf32> to vector<1x16xf32>
        tpu.vector_store %arg9[%parallel_loop3A_264, %parallel_loop3A_265], %parallel_loop3A_268 {strides = array<i32>} : memref<8x2048xf32, #tpu.memory_space<vmem>>, vector<1x16xf32>,
      } {sc.loop_unroll_factor = 8 : i64, sc.parallel_access}
      %parallel_loop3A_239 = arith.constant 0 : i32
      %parallel_loop3A_240 = arith.constant 128 : i32
      %parallel_loop3A_241 = arith.constant 1 : i32
      scf.for %parallel_loop3A_249 = %parallel_loop3A_239 to %parallel_loop3A_240 step %parallel_loop3A_241  : i32 {
        %parallel_loop3A_250 = arith.constant 16 : i32
        %parallel_loop3A_251 = arith.muli %parallel_loop3A_249, %parallel_loop3A_250 : i32
        %parallel_loop3A_252 = arith.constant 7 : i32
        %parallel_loop3A_253 = arith.index_cast %parallel_loop3A_252 : i32 to index
        %parallel_loop3A_254 = arith.index_cast %parallel_loop3A_251 : i32 to index
        %parallel_loop3A_255 = tpu.vector_load %arg7[%parallel_loop3A_253, %parallel_loop3A_254] {strides = array<i32>} : memref<8x2048xf32, #tpu.memory_space<vmem>>, vector<1x16xf32>,
        %parallel_loop3A_256 = vector.shape_cast %parallel_loop3A_255 : vector<1x16xf32> to vector<16xf32>
        %parallel_loop3A_257 = vector.shape_cast %xor3A_4 : vector<16xi32> to vector<16x1xi32>
        %parallel_loop3A_258 = vector.shape_cast %parallel_loop3A_257 : vector<16x1xi32> to vector<16xi32>
        %parallel_loop3A_259 = tpu.dynamic_gather %parallel_loop3A_256[%parallel_loop3A_258] in [0] : vector<16xf32>, vector<16xi32> -> vector<16xf32>
        %parallel_loop3A_260 = arith.minimumf %parallel_loop3A_256, %parallel_loop3A_259 : vector<16xf32>
        %parallel_loop3A_261 = arith.maximumf %parallel_loop3A_256, %parallel_loop3A_259 : vector<16xf32>
        %parallel_loop3A_262 = arith.select %eq3A_8, %parallel_loop3A_260, %parallel_loop3A_261 : vector<16xi1>, vector<16xf32>
        %parallel_loop3A_263 = arith.constant 7 : i32
        %parallel_loop3A_264 = arith.index_cast %parallel_loop3A_263 : i32 to index
        %parallel_loop3A_265 = arith.index_cast %parallel_loop3A_251 : i32 to index
        %parallel_loop3A_266 = tpu.vector_load %arg9[%parallel_loop3A_264, %parallel_loop3A_265] {strides = array<i32>} : memref<8x2048xf32, #tpu.memory_space<vmem>>, vector<1x16xf32>,
        %parallel_loop3A_267 = vector.shape_cast %parallel_loop3A_266 : vector<1x16xf32> to vector<16xf32>
        %parallel_loop3A_268 = vector.shape_cast %parallel_loop3A_262 : vector<16xf32> to vector<1x16xf32>
        tpu.vector_store %arg9[%parallel_loop3A_264, %parallel_loop3A_265], %parallel_loop3A_268 {strides = array<i32>} : memref<8x2048xf32, #tpu.memory_space<vmem>>, vector<1x16xf32>,
      } {sc.loop_unroll_factor = 8 : i64, sc.parallel_access}
      %mul3A_242 = arith.constant 8 : i32
      %mul3A_243 = arith.muli %add3A_198, %mul3A_242 : i32
      %add3A_244 = arith.addi %mul3A_2, %mul3A_243 : i32
      %dma_start3A_245 = arith.constant 0 : i32
      %dma_start3A_246 = tpu.memref_slice %arg3[%add3A_244, %dma_start3A_245] : memref<32768x2048xf32, #tpu.memory_space<hbm>> -> memref<8x2048xf32, #tpu.memory_space<hbm>>
      %dma_start3A_247 = arith.constant 0 : i32
      %dma_start3A_248 = tpu.memref_slice %arg3[%add3A_244, %dma_start3A_247] : memref<32768x2048xf32, #tpu.memory_space<hbm>> -> memref<8x2048xf32, #tpu.memory_space<hbm>>
      tpu.enqueue_dma source(%arg9 : memref<8x2048xf32, #tpu.memory_space<vmem>>) target(%dma_start3A_248 : memref<8x2048xf32, #tpu.memory_space<hbm>>) target_semaphore(%arg15 : memref<!tpu.dma_semaphore, #tpu.memory_space<semaphore_mem>>)
    }
    %scan3A_29 = arith.constant 32 : i32
    %add3A_30 = arith.constant 1008 : i32
    %add3A_31 = arith.addi %mul3A_2, %add3A_30 : i32
    %dma_wait3A = arith.constant 0 : i32
    %dma_wait3A_32 = tpu.memref_slice %arg3[%add3A_31, %dma_wait3A] : memref<32768x2048xf32, #tpu.memory_space<hbm>> -> memref<8x2048xf32, #tpu.memory_space<hbm>>
    %dma_wait3A_33 = arith.constant 0 : i32
    %dma_wait3A_34 = tpu.memref_slice %arg3[%add3A_31, %dma_wait3A_33] : memref<32768x2048xf32, #tpu.memory_space<hbm>> -> memref<8x2048xf32, #tpu.memory_space<hbm>>
    tpu.wait_dma2 semaphore(%arg14 : memref<!tpu.dma_semaphore, #tpu.memory_space<semaphore_mem>>) src(%arg8 : memref<8x2048xf32, #tpu.memory_space<vmem>>) dst(%dma_wait3A_34 : memref<8x2048xf32, #tpu.memory_space<hbm>>)
    %add3A_35 = arith.constant 1016 : i32
    %add3A_36 = arith.addi %mul3A_2, %add3A_35 : i32
    %dma_wait3A_37 = arith.constant 0 : i32
    %dma_wait3A_38 = tpu.memref_slice %arg3[%add3A_36, %dma_wait3A_37] : memref<32768x2048xf32, #tpu.memory_space<hbm>> -> memref<8x2048xf32, #tpu.memory_space<hbm>>
    %dma_wait3A_39 = arith.constant 0 : i32
    %dma_wait3A_40 = tpu.memref_slice %arg3[%add3A_36, %dma_wait3A_39] : memref<32768x2048xf32, #tpu.memory_space<hbm>> -> memref<8x2048xf32, #tpu.memory_space<hbm>>
    tpu.wait_dma2 semaphore(%arg15 : memref<!tpu.dma_semaphore, #tpu.memory_space<semaphore_mem>>) src(%arg9 : memref<8x2048xf32, #tpu.memory_space<vmem>>) dst(%dma_wait3A_40 : memref<8x2048xf32, #tpu.memory_space<hbm>>)
    return
  }
}

</mosaic_0001>

<sc_bundles>
// kernel: kernel.3.cloned.1.call-start
scs
__scs_entry_jumppad:
0x0: {  	(pc) =	sbr.rel $0x88, $3  }
0x1: {  	(tag) =	ssettag $0x0;
	lr =	simm.s32 $0x1  }
0x2: {  	[smem:$0x3FA0] =	sst lr;
	_ =	strace $0xD0000000  }
0x3: {  	_ = 	snop  }
0x4: {  	_ = 	snop  }
0x5: {  	_ = 	snop  }
0x6: {  	_ = 	snop  }
0x7: {  	_ = 	snop  }
__scs_overlays_trampoline_lowered:
0x8: {  	[smem:$0x3FAF] =	sst s0  }
0x9: {  	[smem:$0x3FB0] =	sst s1  }
0xa: {  	[smem:$0x3FB1] =	sst s2  }
0xb: {  	[smem:$0x3FB2] =	sst s3  }
0xc: {  	[smem:$0x3FB3] =	sst s4  }
0xd: {  	[smem:$0x3FB4] =	sst s5  }
0xe: {  	[smem:$0x3FB5] =	sst s6  }
0xf: {  	[smem:$0x3FB6] =	sst s7  }
0x10: {  	[smem:$0x3FB7] =	sst s8  }
0x11: {  	[smem:$0x3FB8] =	sst s9;
	s0 =	simm.s32 @!p0 $0x0  }
0x12: {  	s1 =	sld [smem:$0x3F9E];
	s0 =	simm.s32 @p0 $0x1  }
0x13: {  	[smem:$0x3FB9] =	sst s0;
	s0 =	simm.s32 @!p1 $0x0  }
0x14: {  	s2 =	sld [smem:$0x3F9D];
	s0 =	simm.s32 @p1 $0x1  }
0x15: {  	[smem:$0x3FBA] =	sst s0;
	s0 =	simm.s32 @!p2 $0x0  }
0x16: {  	s3 =	sld [smem:$0x3FDB];
	s0 =	simm.s32 @p2 $0x1  }
0x17: {  	s4 =	simm.s32 $0x1BF5;
	[smem:$0x3FBC] =	sst s0  }
0x18: {  	s0 =	sld [smem:$0x3F9F];
	_ =	swait.ge [sflag:s4], $0x0  }
0x19: {  	s7 =	sld [smem:$0x3FA0]  }
0x1a: {  	s8 =	sadd.s32 $0xFFFFE003, lr  }
0x1b: {  	s9 =	sadd.s32 $0xFFFFFEF7, lr;
	s5 =	simm.s32 $0xFFFFFFFF;
	p2 =	slt.u32 s8, $0xFFFFF086  }
0x1c: {  	p1 =	slt.u32 s9, $0xF7A;
	s5 =	simm.s32 @!p2 $0x0  }
0x1d: {  	s5 =	simm.s32 @p1 $0x1;
	p0 =	seq.s32 s7, s2  }
0x1e: {  	s7 =	smul.u32 @!p0 $0xF7A, s2;
	p2 =	seq.s32 @!p0 s5, $0x0  }
0x1f: {  	s9 =	smul.u32 $0xF7A, s1;
	s8 =	simm.s32 @!p0 $0x1BF5;
	p2 =	por !p2, p0  }
0x20: {  	[sflag:s8] =	ssyncset.s32 @!p0 $0xFFFFF086;
	s6 =	sadd.s32 @!p0 s3, s7;
	s7 =	simm.s32 @!p0 $0x108  }
0x21: {  	s3 =	sadd.s32 s3, s9;
	s6 =	sadd.s32 @!p0 $0x88, s6;
	s7 =	simm.s32 @p2 $0x1082  }
0x22: {  	[simem:s7], [sflag:s8] =	dma.local @!p0 [hbm:s6], $0xF7A  }
0x23: {  	s9 =	sor.u32 $0xD0000000, s2;
	s6 =	simm.s32 $0x108;
	_ =	swait.ge @!p0 [sflag:s8], $0x0  }
0x24: {  	s3 =	sadd.s32 $0x88, s3;
	s6 =	simm.s32 @!p1 $0x1082;
	[sflag:s4] =	ssyncset.s32 $0xFFFFF086  }
0x25: {  	[simem:s6], [sflag:s4] =	dma.local [hbm:s3], $0xF7A  }
0x26: {  	[smem:$0x3FA0] =	sst s1;
	(tag) =	ssettag s2;
	_ =	strace s9  }
0x27: {  	s1 =	sld [smem:$0x3FB0]  }
0x28: {  	s2 =	sld [smem:$0x3FB1]  }
0x29: {  	s4 =	sld [smem:$0x3FB3]  }
0x2a: {  	p0 =	seq.s32 s5, $0x0;
	s5 =	sld [smem:$0x3FB4]  }
0x2b: {  	s6 =	sld [smem:$0x3FB5]  }
0x2c: {  	s7 =	sld [smem:$0x3FB6]  }
0x2d: {  	s3 =	simm.s32 $0x108;
	s8 =	sld [smem:$0x3FB7]  }
0x2e: {  	s3 =	simm.s32 @!p0 $0x1082;
	s9 =	sld [smem:$0x3FB8]  }
0x2f: {  	lr =	sadd.s32 s0, s3;
	s0 =	sld [smem:$0x3FAF]  }
0x30: {  	s3 =	sld [smem:$0x3FB2]  }
0x31: {  	[smem:$0x3FBB] =	sst s10  }
0x32: {  	s10 =	sld [smem:$0x3FB9];
	_ =	sdelay $0x3  }
0x33: {  	p0 =	seq.s32 s10, $0x1;
	s10 =	sld [smem:$0x3FBB];
	_ =	sdelay $0x3  }
0x34: {  	[smem:$0x3FBB] =	sst s10  }
0x35: {  	s10 =	sld [smem:$0x3FBA];
	_ =	sdelay $0x3  }
0x36: {  	p1 =	seq.s32 s10, $0x1;
	s10 =	sld [smem:$0x3FBB];
	_ =	sdelay $0x3  }
0x37: {  	[smem:$0x3FBB] =	sst s10  }
0x38: {  	s10 =	sld [smem:$0x3FBC]  }
0x39: {  	_ = 	snop;
	(pc) =	sbr.ind lr, $3  }
0x3a: {  	_ = 	snop  }
0x3b: {  	_ = 	snop  }
0x3c: {  	p2 =	seq.s32 s10, $0x1;
	s10 =	sld [smem:$0x3FBB]  }
0x3d: {  	_ =	shalt  }
0x3e: {  	_ =	shalt  }
0x3f: {  	_ =	shalt  }
0x40: {  	_ =	shalt  }
0x41: {  	_ =	shalt  }
0x42: {  	_ =	shalt  }
0x43: {  	_ =	shalt  }
0x44: {  	_ =	shalt  }
0x45: {  	_ =	shalt  }
0x46: {  	_ =	shalt  }
0x47: {  	_ =	shalt  }
0x48: {  	_ =	shalt  }
0x49: {  	_ =	shalt  }
0x4a: {  	_ =	shalt  }
0x4b: {  	_ =	shalt  }
0x4c: {  	_ =	shalt  }
0x4d: {  	_ =	shalt  }
0x4e: {  	_ =	shalt  }
0x4f: {  	_ =	shalt  }
0x50: {  	_ =	shalt  }
0x51: {  	_ =	shalt  }
0x52: {  	_ =	shalt  }
0x53: {  	_ =	shalt  }
0x54: {  	_ =	shalt  }
0x55: {  	_ =	shalt  }
0x56: {  	_ =	shalt  }
0x57: {  	_ =	shalt  }
0x58: {  	_ =	shalt  }
0x59: {  	_ =	shalt  }
0x5a: {  	_ =	shalt  }
0x5b: {  	_ =	shalt  }
0x5c: {  	_ =	shalt  }
0x5d: {  	_ =	shalt  }
0x5e: {  	_ =	shalt  }
0x5f: {  	_ =	shalt  }
0x60: {  	_ =	shalt  }
0x61: {  	_ =	shalt  }
0x62: {  	_ =	shalt  }
0x63: {  	_ =	shalt  }
0x64: {  	_ =	shalt  }
0x65: {  	_ =	shalt  }
0x66: {  	_ =	shalt  }
0x67: {  	_ =	shalt  }
0x68: {  	_ =	shalt  }
0x69: {  	_ =	shalt  }
0x6a: {  	_ =	shalt  }
0x6b: {  	_ =	shalt  }
0x6c: {  	_ =	shalt  }
0x6d: {  	_ =	shalt  }
0x6e: {  	_ =	shalt  }
0x6f: {  	_ =	shalt  }
0x70: {  	_ =	shalt  }
0x71: {  	_ =	shalt  }
0x72: {  	_ =	shalt  }
0x73: {  	_ =	shalt  }
0x74: {  	_ =	shalt  }
0x75: {  	_ =	shalt  }
0x76: {  	_ =	shalt  }
0x77: {  	_ =	shalt  }
0x78: {  	_ =	shalt  }
0x79: {  	_ =	shalt  }
0x7a: {  	_ =	shalt  }
0x7b: {  	_ =	shalt  }
0x7c: {  	_ =	shalt  }
0x7d: {  	_ =	shalt  }
0x7e: {  	_ =	shalt  }
0x7f: {  	_ =	shalt  }
0x80: {  	_ =	shalt  }
0x81: {  	_ =	shalt  }
0x82: {  	_ =	shalt  }
0x83: {  	_ =	shalt  }
0x84: {  	_ =	shalt  }
0x85: {  	_ =	shalt  }
0x86: {  	_ =	shalt  }
0x87: {  	_ =	shalt  }
.Lfunc_end0:
.L_simem_size_0:
called_computation_lowered:
.L_overlay_start_0:
0x88: {  	s2 =	sld [smem:$0x3FD9]  }
0x89: {  	s3 =	sld [smem:$0x3FFE];
	_ =	sdelay $0x1  }
0x8a: {  	s1 =	srdreg.scid  }
0x8b: {  	s0 =	sand.u32 $0x1, s1  }
0x8c: {  	s18 =	sshll.u32 s0, $0xA;
	s2 =	sadd.s32 s3, s2  }
0x8d: {  	s2 =	sadd.s32 s2, s18  }
0x8e: {  	[smem:$0x3FC7] =	sst s2  }
0x8f: {  	_ = 	snop  }
0x90: {  	s2 =	sld [smem:$0x3FC9]  }
0x91: {  	s19 =	sld [smem:$0x3FD0];
	(tm) =	ssettm $0x1  }
0x92: {  	s4 =	sld [smem:$0x3FFB];
	_ =	sdelay $0x3  }
0x93: {  	_ =	strace s4  }
0x94: {  	s4 =	sld [smem:$0x3FFC];
	_ =	sdelay $0x3  }
0x95: {  	_ =	strace s4  }
0x96: {  	s4 =	sld [smem:$0x3FFD];
	_ =	sdelay $0x3  }
0x97: {  	_ =	strace s4  }
0x98: {  	_ =	strace $0x8FFFFFFF  }
0x99: {  	s20 =	sld [smem:$0x3FDB];
	_ =	sdelay $0x1  }
0x9a: {  	s5 =	simm.s32 $_scs_section_size  }
0x9b: {  	s6 =	simm.s32 $_size__tile_overlayer_lowered;
	s7 =	simm.s32 $_tile_overlayer_lowered  }
0x9c: {  	s23 =	simm.s32 $0x1BFF;
	s22 =	sshll.u32 s7, $0x1;
	s4 =	sadd.s32 s5, s20  }
0x9d: {  	s8 =	simm.s32 $0x0;
	s21 =	sshll.u32 s6, $0x1;
	s6 =	sadd.s32 s22, s4  }
0x9e: {  	[timem:s8], [sflag:s23] =	dma.local [hbm:s6], s21  }
0x9f: {  	_ =	swait.ge [sflag:s23], s21  }
0xa0: {  	s5 =	ssub.s32 $0x0, s21;
	[sflag:s23] =	ssyncset.done $0x0  }
0xa1: {  	[sflag:s23] =	ssyncadd.s32 s5;
	_ =	sdelay $0x1  }
0xa2: {  	s24 =	simm.s32 $0x1B8B  }
0xa3: {  	_ =	swait.ge [sflag:s24], $0x1  }
0xa4: {  	[sflag:s24] =	ssyncset.done $0x0  }
0xa5: {  	s25 =	simm.s32 $0x1B8E;
	[sflag:s24] =	ssyncadd.s32 $0xFFFFFFFF  }
0xa6: {  	s26 =	simm.s32 $execute0_lowered;
	[smem:$0x3FD2] =	sst s25  }
0xa7: {  	s5 =	sshll.u32 s26, $0x1;
	_ =	strace $0x80000046;
	[dreg:$0x1] =	wrdreg $0xFFFFFFFF  }
0xa8: {  	s28 =	simm.s32 $_size_execute0_lowered;
	s4 =	sadd.s32 s4, s5;
	[dreg:$0x0] =	wrdreg $0x0  }
0xa9: {  	s5 =	sshll.u32 s28, $0x1;
	[dreg:$0x2] =	wrdreg s4  }
0xaa: {  	[dreg:$0x3] =	wrdreg s5  }
0xab: {  	[dreg:$0x4] =	wrdreg $0xC0  }
0xac: {  	_ =	task [dreg:s8], $0x5FFFF  }
0xad: {  	[dreg:$0x1] =	wrdreg $0xFFFFFFFF  }
0xae: {  	[dreg:$0x0] =	wrdreg $0x60  }
0xaf: {  	[dreg:$0x2] =	wrdreg s2  }
0xb0: {  	[dreg:$0x3] =	wrdreg s19  }
0xb1: {  	[dreg:$0x4] =	wrdreg $0x9  }
0xb2: {  	_ =	task.clear_ibuf [dreg:s8], $0x5FFFF;
	_ =	strace $0x90000046  }
0xb3: {  	s29 =	simm.s32 $0x9;
	_ =	strace $0x80000048  }
0xb4: {  	_ =	swait.ge [sflag:s29], $0x1  }
0xb5: {  	[sflag:s29] =	ssyncadd.s32 $0xFFFFFFFF  }
0xb6: {  	_ =	strace $0x90000048  }
0xb7: {  	_ =	sfence  }
0xb8: {  	s30 =	sld [smem:$0x0];
	_ =	sdelay $0x2  }
0xb9: {  	s31 =	sshll.u32 s1, $0xD;
	s1 =	sshrl.u32 s1, $0x2  }
0xba: {  	s3 =	sand.u32 $0x4000, s31;
	s1 =	sadd.s32 s1, s30  }
0xbb: {  	s0 =	sor.u32 s3, s0;
	s1 =	sshll.u32 s1, $0x11  }
0xbc: {  	s0 =	sor.u32 s1, s0  }
0xbd: {  	s0 =	sadd.s32 $0x8F2B, s0  }
0xbe: {  	[sflag:s0] =	ssyncadd.remote.s32 $0x1  }
0xbf: {  	_ =	sfence.sel $0xFFFF  }
0xc0: {  	[dreg:$0x0] =	wrdreg $0xFFFFFFFF;
	(pc) =	sbr.abs _section_cstart, $3  }
0xc1: {  	[dreg:$0x1] =	wrdreg $0xFFFFFFFF  }
0xc2: {  	_ =	task.clear_ibuf [dreg:s8], $0x2FFFF;
	_ =	strace $0x9FFFFFFF  }
0xc3: {  	(tm) =	ssettm $0x7FFFFFFF  }
tec
execute0_lowered:
.L_overlay_start_1:
0x0: {  	(tag) =	ssettag $0x1  }
0x1: {  	s0 =	srdreg.scid;
	s2 =	rddreg [dreg:$0x0]  }
0x2: {  	s1 =	stileid.u32;
	s3 =	rddreg [dreg:$0x1]  }
0x3: {  	s4 =	simm.s32 $0x0;
	s17 =	simm.s32 $0xC000;
	s18 =	simm.s32 $0x1  }
0x4: {  	s19 =	simm.s32 $0x10000;
	s20 =	simm.s32 $0x2;
	s21 =	simm.s32 $0x14000  }
0x5: {  	v0 =	vimm.s32 $0xEFCDAB89;
	v1 =	vimm.s32 $0x67452301;
	s22 =	simm.s32 $0x3;
	s23 =	simm.s32 $0x5;
	s24 =	simm.s32 $0x4  }
0x6: {  	vm0 =	vcmask $0xB08;
	vm1 =	vcmask $0x300;
	s25 =	simm.s32 $0x6;
	s26 =	simm.s32 $0x0;
	s0 =	sand.u32 $0x1, s0;
	v0 =	vunpack.c.l.s4.s8 v0  }
0x7: {  	s1 =	sshll.u32 s1, $0xB;
	v1 =	vunpack.c.l.s4.s8 v1;
	vm0 =	vmor vm1, vm0;
	vm1 =	vcmask $0x1310;
	s5 =	sshll.u32 s0, $0xA;
	s0 =	ssub.s32 $0x2, s0  }
0x8: {  	[smem:$0x7FF] =	sst s4;
	vm0 =	vmor vm0, vm1;
	vm1 =	vcmask $0x1B18;
	s5 =	sor.u32 s5, s1;
	s7 =	sshrl.u32 s0, $0x1;
	v0 =	vunpack.c.0.s8.s32 v0  }
0x9: {  	_ =	strace $0x80000047;
	v1 =	vunpack.c.0.s8.s32 v1;
	vm0 =	vmor vm0, vm1;
	vm1 =	vcmask $0x2320;
	s1 =	sshll.u32 s5, $0x8;
	s0 =	ssub.s32 s0, s7  }
0xa: {  	s8 =	sshrl.u32 s5, $0x3;
	vm0 =	vmor vm0, vm1;
	vm1 =	vcmask $0x2B28;
	s6 =	sadd.s32 s2, s1;
	s0 =	smax.u32 s0, $0x1  }
0xb: {  	s10 =	sor.u32 $0x4, s8;
	v0 =	vcombine.low v1, v0;
	vm0 =	vmor vm0, vm1;
	vm1 =	vcmask $0x3330;
	s30 =	sadd.s32 $0x800, s6;
	[dreg:$0x5] =	wrdreg s0  }
0xc: {  	s11 =	sor.u32 $0x5, s8;
	s31 =	sadd.s32 $0x1000, s6;
	vm0 =	vmor vm0, vm1;
	vm1 =	vcmask $0x3B38;
	[dreg:$0x3] =	wrdreg s30  }
0xd: {  	s12 =	sor.u32 $0x6, s8;
	s13 =	sadd.s32 s3, s1;
	[dreg:$0x4] =	wrdreg s31;
	v0 =	vand.u32 $0xF, v0;
	vm0 =	vmor vm0, vm1  }
.LBB2_1:
0xe: {  	[tilespmem:s4], [sflag:$0x1] =	stream.linear.gather [hbm4b:s6+s4], $0x4000, $0x38;
	[tilespmem:$0x18000] =	vst v63  }
0xf: {  	s0 =	rddreg [dreg:$0x3];
	s1 =	simm.s32 $0x4000  }
0x10: {  	[tilespmem:s1], [sflag:$0x2] =	stream.linear.gather [hbm4b:s0+s4], $0x4000, $0x38;
	[tilespmem:$0x18000] =	vst v63  }
0x11: {  	s30 =	rddreg [dreg:$0x4];
	s31 =	simm.s32 $0x8000;
	s28 =	simm.s32 $0x0  }
0x12: {  	[tilespmem:s31], [sflag:$0x3] =	stream.linear.gather [hbm4b:s30+s4], $0x4000, $0x38;
	[tilespmem:$0x18000] =	vst v63  }
.LBB2_2:
0x13: {  	s30 =	sshll.u32 s28, $0x2  }
0x14: {  	s0 =	sadd.s32 s30, s8  }
0x15: {  	s0 =	sshll.u32 s0, $0xB  }
0x16: {  	s29 =	sadd.s32 $0x1800, s0  }
0x17: {  	s0 =	sadd.s32 s2, s29  }
0x18: {  	[tilespmem:s17], [sflag:$0x4] =	stream.linear.gather [hbm4b:s0+s4], $0x4000, $0x38;
	[tilespmem:$0x18000] =	vst v63  }
0x19: {  	_ =	swait.ge [sflag:s18], $0x4000  }
0x1a: {  	p1 =	seq.s32 s28, $0x0;
	[sflag:s18] =	ssyncset.done $0x0  }
0x1b: {  	s0 =	simm.s32 @!p1 $0x5;
	[sflag:s18] =	ssyncadd.s32 $0xFFFFC000  }
0x1c: {  	_ =	swait.ge @!p1 [sflag:s0], $0x4000  }
0x1d: {  	[sflag:s0] =	ssyncset.done @!p1 $0x0  }
0x1e: {  	s31 =	simm.s32 $0x40;
	[sflag:s0] =	ssyncadd.s32 @!p1 $0xFFFFC000  }
0x1f: {  	v1 =	vld [tilespmem:s31+$0x30]  }
0x20: {  	v2 =	vld [tilespmem:s31+$0xFFFFFFD0]  }
0x21: {  	v3 =	vld [tilespmem:s31+$0xFFFFFFE0]  }
0x22: {  	v4 =	vld [tilespmem:s31+$0xFFFFFFF0]  }
0x23: {  	v10 =	vld [tilespmem:s31+$0xFFFFFFC0];
	_ =	sdelay $0x1  }
0x24: {  	v6 =	vld [tilespmem:s31+$0x10]  }
0x25: {  	v9 =	vld [tilespmem:s31+$0x20];
	v7 =	vperm.xlane v1, v0;
	v8 =	vperm.xlane v2, v0  }
0x26: {  	v5 =	vld [tilespmem:s31+$0x0];
	v11 =	vperm.xlane v3, v0;
	v13 =	vperm.xlane v4, v0  }
0x27: {  	s9 =	simm.s32 $0x440;
	v18 =	vperm.xlane v10, v0;
	v12 =	vmin.f32 v1, v7;
	v1 =	vmax.f32 v1, v7  }
0x28: {  	v15 =	vld [tilespmem:s9+$0x30];
	v7 =	vmin.f32 v2, v8;
	v2 =	vmax.f32 v2, v8;
	v8 =	vmin.f32 v3, v11  }
0x29: {  	v11 =	vmax.f32 v3, v11;
	v14 =	vmin.f32 v4, v13;
	v3 =	vperm.xlane v6, v0  }
0x2a: {  	v4 =	vmax.f32 v4, v13;
	v13 =	vperm.xlane v9, v0;
	v21 =	vmin.f32 v10, v18  }
0x2b: {  	v10 =	vmax.f32 v10, v18;
	v1 =	vsel vm0, v12, v1;
	v12 =	vperm.xlane v5, v0  }
0x2c: {  	v17 =	vld [tilespmem:s9+$0xFFFFFFD0];
	v2 =	vsel vm0, v7, v2;
	v20 =	vmin.f32 v9, v13;
	v7 =	vmax.f32 v9, v13  }
0x2d: {  	s0 =	simm.s32 $0x10040;
	v19 =	vld [tilespmem:s9+$0xFFFFFFE0];
	v9 =	vsel vm0, v21, v10;
	v10 =	vperm.xlane v15, v0;
	v16 =	vmin.f32 v5, v12  }
0x2e: {  	[tilespmem:s0+$0x30] =	vst v1;
	v5 =	vmax.f32 v5, v12;
	v12 =	vmin.f32 v6, v3;
	v6 =	vmax.f32 v6, v3;
	v3 =	vld [tilespmem:s9+$0xFFFFFFF0]  }
0x2f: {  	v8 =	vsel vm0, v8, v11;
	v1 =	vld [tilespmem:s9+$0x0];
	[tilespmem:s0+$0xFFFFFFD0] =	vst v2  }
0x30: {  	v4 =	vsel vm0, v14, v4;
	v2 =	vld [tilespmem:s9+$0x10];
	[tilespmem:s0+$0xFFFFFFE0] =	vst v8;
	v8 =	vmin.f32 v15, v10;
	v10 =	vmax.f32 v15, v10  }
0x31: {  	s7 =	simm.s32 $0x10440;
	[tilespmem:s0+$0xFFFFFFF0] =	vst v4;
	v4 =	vld [tilespmem:s9+$0x20];
	v63 =	vsel vm0, v12, v6;
	v6 =	vperm.xlane v17, v0;
	v8 =	vsel vm0, v8, v10  }
0x32: {  	v11 =	vperm.xlane v19, v0;
	v7 =	vsel vm0, v20, v7;
	[tilespmem:s7+$0x30] =	vst v8;
	v8 =	vld [tilespmem:s9+$0xFFFFFFC0]  }
0x33: {  	[tilespmem:s0+$0xFFFFFFC0] =	vst v9;
	v9 =	vsel vm0, v16, v5;
	v5 =	vmin.f32 v17, v6;
	v12 =	vperm.xlane v3, v0  }
0x34: {  	s1 =	simm.s32 $0x100F0;
	[tilespmem:s0+$0x0] =	vst v9;
	v10 =	vmax.f32 v17, v6;
	v6 =	vmin.f32 v19, v11;
	v13 =	vperm.xlane v1, v0  }
0x35: {  	s15 =	simm.s32 $0xF0;
	s16 =	simm.s32 $0x8;
	[tilespmem:s0+$0x10] =	vst v63;
	v11 =	vmax.f32 v19, v11;
	s9 =	simm.s32 $0x840;
	v14 =	vperm.xlane v2, v0;
	v9 =	vmin.f32 v3, v12  }
.LBB2_3:
0x36: {  	v15 =	vld [tilespmem:s9+$0x30];
	s16 =	sadd.s32 $0x8, s16;
	v12 =	vmax.f32 v3, v12;
	v16 =	vmin.f32 v1, v13;
	v3 =	vperm.xlane v4, v0;
	[tilespmem:s0+$0x20] =	vst v7;
	s0 =	smov.u32 s7  }
0x37: {  	v13 =	vmax.f32 v1, v13;
	v17 =	vld [tilespmem:s9+$0xFFFFFFD0];
	p0 =	slt.u32 s16, $0x78;
	v7 =	vperm.xlane v8, v0;
	v18 =	vmin.f32 v2, v14  }
0x38: {  	v14 =	vmax.f32 v2, v14;
	v19 =	vld [tilespmem:s9+$0xFFFFFFE0];
	v20 =	vmin.f32 v4, v3;
	v21 =	vmax.f32 v4, v3  }
0x39: {  	v5 =	vsel vm0, v5, v10;
	v3 =	vld [tilespmem:s9+$0xFFFFFFF0];
	v2 =	vmin.f32 v8, v7;
	v4 =	vmax.f32 v8, v7  }
0x3a: {  	v1 =	vld [tilespmem:s9+$0x0];
	v4 =	vsel vm0, v2, v4;
	[tilespmem:s7+$0xFFFFFFD0] =	vst v5;
	v5 =	vsel vm0, v6, v11;
	v6 =	vsel vm0, v9, v12  }
0x3b: {  	v10 =	vsel vm0, v16, v13;
	v16 =	vsel vm0, v18, v14;
	v2 =	vld [tilespmem:s9+$0x10];
	v9 =	vperm.xlane v15, v0;
	[tilespmem:s7+$0xFFFFFFC0] =	vst v4  }
.Ltmp0:
0x3c: {  	v7 =	vsel vm0, v20, v21;
	v11 =	vperm.xlane v17, v0;
	v4 =	vld [tilespmem:s9+$0x20];
	[tilespmem:s7+$0xFFFFFFE0] =	vst v5;
	(pc) =	sbr.rel @p0 .LBB2_3-.Ltmp0, $4  }
0x3d: {  	v8 =	vld [tilespmem:s9+$0xFFFFFFC0];
	v14 =	vperm.xlane v19, v0;
	v13 =	vmin.f32 v15, v9;
	v9 =	vmax.f32 v15, v9;
	[tilespmem:s7+$0xFFFFFFF0] =	vst v6  }
0x3e: {  	s7 =	sadd.s32 $0x400, s7;
	v5 =	vmin.f32 v17, v11;
	v12 =	vperm.xlane v3, v0;
	v9 =	vsel vm0, v13, v9;
	[tilespmem:s0+$0x0] =	vst v10  }
0x3f: {  	v10 =	vmax.f32 v17, v11;
	v6 =	vmin.f32 v19, v14;
	v13 =	vperm.xlane v1, v0;
	[tilespmem:s7+$0x30] =	vst v9  }
0x40: {  	s9 =	sadd.s32 $0x400, s9;
	v11 =	vmax.f32 v19, v14;
	v9 =	vmin.f32 v3, v12;
	v14 =	vperm.xlane v2, v0;
	[tilespmem:s0+$0x10] =	vst v16  }
0x41: {  	_ = 	snop  }
0x42: {  	v15 =	vperm.xlane v8, v0  }
0x43: {  	[tilespmem:s0+$0x20] =	vst v7;
	v5 =	vsel vm0, v5, v10  }
0x44: {  	v6 =	vsel vm0, v6, v11;
	[tilespmem:s7+$0xFFFFFFD0] =	vst v5;
	v7 =	vmin.f32 v8, v15;
	v8 =	vmax.f32 v8, v15  }
0x45: {  	v3 =	vmax.f32 v3, v12;
	v5 =	vmin.f32 v1, v13;
	[tilespmem:s7+$0xFFFFFFE0] =	vst v6;
	v7 =	vsel vm0, v7, v8  }
0x46: {  	v1 =	vmax.f32 v1, v13;
	v3 =	vsel vm0, v9, v3;
	[tilespmem:s7+$0xFFFFFFC0] =	vst v7;
	v7 =	vperm.xlane v4, v0  }
0x47: {  	v6 =	vmin.f32 v2, v14;
	v2 =	vmax.f32 v2, v14;
	v1 =	vsel vm0, v5, v1;
	[tilespmem:s7+$0xFFFFFFF0] =	vst v3  }
0x48: {  	v2 =	vsel vm0, v6, v2;
	[tilespmem:s7+$0x0] =	vst v1;
	v3 =	vmin.f32 v4, v7;
	v4 =	vmax.f32 v4, v7  }
0x49: {  	[tilespmem:s7+$0x10] =	vst v2;
	v1 =	vsel vm0, v3, v4  }
0x4a: {  	[tilespmem:s7+$0x20] =	vst v1  }
0x4b: {  	v1 =	vld [tilespmem:s15+$0x0]  }
0x4c: {  	v2 =	vld [tilespmem:s15+$0xFFFFFFA0]  }
0x4d: {  	v3 =	vld [tilespmem:s15+$0xFFFFFFB0]  }
0x4e: {  	v4 =	vld [tilespmem:s15+$0xFFFFFFC0]  }
0x4f: {  	v10 =	vld [tilespmem:s15+$0xFFFFFF90];
	_ =	sdelay $0x1  }
0x50: {  	v6 =	vld [tilespmem:s15+$0xFFFFFFE0]  }
0x51: {  	v9 =	vld [tilespmem:s15+$0xFFFFFFF0];
	v7 =	vperm.xlane v1, v0;
	v8 =	vperm.xlane v2, v0  }
0x52: {  	v5 =	vld [tilespmem:s15+$0xFFFFFFD0];
	v11 =	vperm.xlane v3, v0;
	v13 =	vperm.xlane v4, v0  }
0x53: {  	s9 =	simm.s32 $0x4F0;
	v18 =	vperm.xlane v10, v0;
	v12 =	vmin.f32 v1, v7;
	v1 =	vmax.f32 v1, v7  }
0x54: {  	v15 =	vld [tilespmem:s9+$0x0];
	v7 =	vmin.f32 v2, v8;
	v2 =	vmax.f32 v2, v8;
	v8 =	vmin.f32 v3, v11  }
0x55: {  	v11 =	vmax.f32 v3, v11;
	v14 =	vmin.f32 v4, v13;
	v3 =	vperm.xlane v6, v0  }
0x56: {  	v4 =	vmax.f32 v4, v13;
	v13 =	vperm.xlane v9, v0;
	v21 =	vmin.f32 v10, v18  }
0x57: {  	v10 =	vmax.f32 v10, v18;
	v1 =	vsel vm0, v12, v1;
	v12 =	vperm.xlane v5, v0  }
0x58: {  	v17 =	vld [tilespmem:s9+$0xFFFFFFA0];
	v2 =	vsel vm0, v7, v2;
	v20 =	vmin.f32 v9, v13;
	v7 =	vmax.f32 v9, v13  }
0x59: {  	v19 =	vld [tilespmem:s9+$0xFFFFFFB0];
	v9 =	vsel vm0, v21, v10;
	v10 =	vperm.xlane v15, v0;
	v16 =	vmin.f32 v5, v12  }
0x5a: {  	[tilespmem:s1+$0x0] =	vst v1;
	v5 =	vmax.f32 v5, v12;
	v12 =	vmin.f32 v6, v3;
	v6 =	vmax.f32 v6, v3;
	v3 =	vld [tilespmem:s9+$0xFFFFFFC0]  }
0x5b: {  	v8 =	vsel vm0, v8, v11;
	v1 =	vld [tilespmem:s9+$0xFFFFFFD0];
	[tilespmem:s1+$0xFFFFFFA0] =	vst v2  }
0x5c: {  	v4 =	vsel vm0, v14, v4;
	v2 =	vld [tilespmem:s9+$0xFFFFFFE0];
	[tilespmem:s1+$0xFFFFFFB0] =	vst v8;
	v8 =	vmin.f32 v15, v10;
	v10 =	vmax.f32 v15, v10  }
0x5d: {  	s7 =	simm.s32 $0x104F0;
	[tilespmem:s1+$0xFFFFFFC0] =	vst v4;
	v4 =	vld [tilespmem:s9+$0xFFFFFFF0];
	v63 =	vsel vm0, v12, v6;
	v6 =	vperm.xlane v17, v0;
	v8 =	vsel vm0, v8, v10  }
0x5e: {  	v11 =	vperm.xlane v19, v0;
	v7 =	vsel vm0, v20, v7;
	[tilespmem:s7+$0x0] =	vst v8;
	v8 =	vld [tilespmem:s9+$0xFFFFFF90]  }
0x5f: {  	[tilespmem:s1+$0xFFFFFF90] =	vst v9;
	v9 =	vsel vm0, v16, v5;
	v5 =	vmin.f32 v17, v6;
	v12 =	vperm.xlane v3, v0  }
0x60: {  	s31 =	simm.s32 $0x10170;
	[tilespmem:s1+$0xFFFFFFD0] =	vst v9;
	v10 =	vmax.f32 v17, v6;
	v6 =	vmin.f32 v19, v11;
	v13 =	vperm.xlane v1, v0  }
0x61: {  	s0 =	simm.s32 $0x170;
	s15 =	simm.s32 $0x8;
	[tilespmem:s1+$0xFFFFFFE0] =	vst v63;
	v11 =	vmax.f32 v19, v11;
	s9 =	simm.s32 $0x8F0;
	v14 =	vperm.xlane v2, v0;
	v9 =	vmin.f32 v3, v12  }
.LBB2_5:
0x62: {  	v15 =	vld [tilespmem:s9+$0x0];
	s15 =	sadd.s32 $0x8, s15;
	v12 =	vmax.f32 v3, v12;
	v16 =	vmin.f32 v1, v13;
	v3 =	vperm.xlane v4, v0;
	[tilespmem:s1+$0xFFFFFFF0] =	vst v7;
	s1 =	smov.u32 s7  }
0x63: {  	v13 =	vmax.f32 v1, v13;
	v17 =	vld [tilespmem:s9+$0xFFFFFFA0];
	p0 =	slt.u32 s15, $0x78;
	v7 =	vperm.xlane v8, v0;
	v18 =	vmin.f32 v2, v14  }
0x64: {  	v14 =	vmax.f32 v2, v14;
	v19 =	vld [tilespmem:s9+$0xFFFFFFB0];
	v20 =	vmin.f32 v4, v3;
	v21 =	vmax.f32 v4, v3  }
0x65: {  	v5 =	vsel vm0, v5, v10;
	v3 =	vld [tilespmem:s9+$0xFFFFFFC0];
	v2 =	vmin.f32 v8, v7;
	v4 =	vmax.f32 v8, v7  }
0x66: {  	v1 =	vld [tilespmem:s9+$0xFFFFFFD0];
	v4 =	vsel vm0, v2, v4;
	[tilespmem:s7+$0xFFFFFFA0] =	vst v5;
	v5 =	vsel vm0, v6, v11;
	v6 =	vsel vm0, v9, v12  }
0x67: {  	v10 =	vsel vm0, v16, v13;
	v16 =	vsel vm0, v18, v14;
	v2 =	vld [tilespmem:s9+$0xFFFFFFE0];
	v9 =	vperm.xlane v15, v0;
	[tilespmem:s7+$0xFFFFFF90] =	vst v4  }
.Ltmp1:
0x68: {  	v7 =	vsel vm0, v20, v21;
	v11 =	vperm.xlane v17, v0;
	v4 =	vld [tilespmem:s9+$0xFFFFFFF0];
	[tilespmem:s7+$0xFFFFFFB0] =	vst v5;
	(pc) =	sbr.rel @p0 .LBB2_5-.Ltmp1, $4  }
0x69: {  	v8 =	vld [tilespmem:s9+$0xFFFFFF90];
	v14 =	vperm.xlane v19, v0;
	v13 =	vmin.f32 v15, v9;
	v9 =	vmax.f32 v15, v9;
	[tilespmem:s7+$0xFFFFFFC0] =	vst v6  }
0x6a: {  	s7 =	sadd.s32 $0x400, s7;
	v5 =	vmin.f32 v17, v11;
	v12 =	vperm.xlane v3, v0;
	v9 =	vsel vm0, v13, v9;
	[tilespmem:s1+$0xFFFFFFD0] =	vst v10  }
0x6b: {  	v10 =	vmax.f32 v17, v11;
	v6 =	vmin.f32 v19, v14;
	v13 =	vperm.xlane v1, v0;
	[tilespmem:s7+$0x0] =	vst v9  }
0x6c: {  	s9 =	sadd.s32 $0x400, s9;
	v11 =	vmax.f32 v19, v14;
	v9 =	vmin.f32 v3, v12;
	v14 =	vperm.xlane v2, v0;
	[tilespmem:s1+$0xFFFFFFE0] =	vst v16  }
0x6d: {  	_ = 	snop  }
0x6e: {  	v15 =	vperm.xlane v8, v0  }
0x6f: {  	[tilespmem:s1+$0xFFFFFFF0] =	vst v7;
	v5 =	vsel vm0, v5, v10  }
0x70: {  	v6 =	vsel vm0, v6, v11;
	[tilespmem:s7+$0xFFFFFFA0] =	vst v5;
	v7 =	vmin.f32 v8, v15;
	v8 =	vmax.f32 v8, v15  }
0x71: {  	v3 =	vmax.f32 v3, v12;
	v5 =	vmin.f32 v1, v13;
	[tilespmem:s7+$0xFFFFFFB0] =	vst v6;
	v7 =	vsel vm0, v7, v8  }
0x72: {  	v1 =	vmax.f32 v1, v13;
	v3 =	vsel vm0, v9, v3;
	[tilespmem:s7+$0xFFFFFF90] =	vst v7;
	v7 =	vperm.xlane v4, v0  }
0x73: {  	v6 =	vmin.f32 v2, v14;
	v2 =	vmax.f32 v2, v14;
	v1 =	vsel vm0, v5, v1;
	[tilespmem:s7+$0xFFFFFFC0] =	vst v3  }
0x74: {  	v2 =	vsel vm0, v6, v2;
	[tilespmem:s7+$0xFFFFFFD0] =	vst v1;
	v3 =	vmin.f32 v4, v7;
	v4 =	vmax.f32 v4, v7  }
0x75: {  	[tilespmem:s7+$0xFFFFFFE0] =	vst v2;
	v1 =	vsel vm0, v3, v4  }
0x76: {  	[tilespmem:s7+$0xFFFFFFF0] =	vst v1  }
0x77: {  	v1 =	vld [tilespmem:s0+$0x0]  }
0x78: {  	v2 =	vld [tilespmem:s0+$0xFFFFFFA0]  }
0x79: {  	v3 =	vld [tilespmem:s0+$0xFFFFFFB0]  }
0x7a: {  	v4 =	vld [tilespmem:s0+$0xFFFFFFC0]  }
0x7b: {  	v10 =	vld [tilespmem:s0+$0xFFFFFF90];
	_ =	sdelay $0x1  }
0x7c: {  	v6 =	vld [tilespmem:s0+$0xFFFFFFE0]  }
0x7d: {  	v9 =	vld [tilespmem:s0+$0xFFFFFFF0];
	v7 =	vperm.xlane v1, v0;
	v8 =	vperm.xlane v2, v0  }
0x7e: {  	v5 =	vld [tilespmem:s0+$0xFFFFFFD0];
	v11 =	vperm.xlane v3, v0;
	v13 =	vperm.xlane v4, v0  }
0x7f: {  	s9 =	simm.s32 $0x570;
	v18 =	vperm.xlane v10, v0;
	v12 =	vmin.f32 v1, v7;
	v1 =	vmax.f32 v1, v7  }
0x80: {  	v15 =	vld [tilespmem:s9+$0x0];
	v7 =	vmin.f32 v2, v8;
	v2 =	vmax.f32 v2, v8;
	v8 =	vmin.f32 v3, v11  }
0x81: {  	v11 =	vmax.f32 v3, v11;
	v14 =	vmin.f32 v4, v13;
	v3 =	vperm.xlane v6, v0  }
0x82: {  	v4 =	vmax.f32 v4, v13;
	v13 =	vperm.xlane v9, v0;
	v21 =	vmin.f32 v10, v18  }
0x83: {  	v10 =	vmax.f32 v10, v18;
	v1 =	vsel vm0, v12, v1;
	v12 =	vperm.xlane v5, v0  }
0x84: {  	v17 =	vld [tilespmem:s9+$0xFFFFFFA0];
	v2 =	vsel vm0, v7, v2;
	v20 =	vmin.f32 v9, v13;
	v7 =	vmax.f32 v9, v13  }
0x85: {  	v19 =	vld [tilespmem:s9+$0xFFFFFFB0];
	v9 =	vsel vm0, v21, v10;
	v10 =	vperm.xlane v15, v0;
	v16 =	vmin.f32 v5, v12  }
0x86: {  	[tilespmem:s31+$0x0] =	vst v1;
	v5 =	vmax.f32 v5, v12;
	v12 =	vmin.f32 v6, v3;
	v6 =	vmax.f32 v6, v3;
	v3 =	vld [tilespmem:s9+$0xFFFFFFC0]  }
0x87: {  	v8 =	vsel vm0, v8, v11;
	v1 =	vld [tilespmem:s9+$0xFFFFFFD0];
	[tilespmem:s31+$0xFFFFFFA0] =	vst v2  }
0x88: {  	v4 =	vsel vm0, v14, v4;
	v2 =	vld [tilespmem:s9+$0xFFFFFFE0];
	[tilespmem:s31+$0xFFFFFFB0] =	vst v8;
	v8 =	vmin.f32 v15, v10;
	v10 =	vmax.f32 v15, v10  }
0x89: {  	s7 =	simm.s32 $0x10570;
	[tilespmem:s31+$0xFFFFFFC0] =	vst v4;
	v4 =	vld [tilespmem:s9+$0xFFFFFFF0];
	v63 =	vsel vm0, v12, v6;
	v6 =	vperm.xlane v17, v0;
	v8 =	vsel vm0, v8, v10  }
0x8a: {  	v11 =	vperm.xlane v19, v0;
	v7 =	vsel vm0, v20, v7;
	[tilespmem:s7+$0x0] =	vst v8;
	v8 =	vld [tilespmem:s9+$0xFFFFFF90]  }
0x8b: {  	[tilespmem:s31+$0xFFFFFF90] =	vst v9;
	v9 =	vsel vm0, v16, v5;
	v5 =	vmin.f32 v17, v6;
	v12 =	vperm.xlane v3, v0  }
0x8c: {  	s1 =	simm.s32 $0x101F0;
	[tilespmem:s31+$0xFFFFFFD0] =	vst v9;
	v10 =	vmax.f32 v17, v6;
	v6 =	vmin.f32 v19, v11;
	v13 =	vperm.xlane v1, v0  }
0x8d: {  	s15 =	simm.s32 $0x8;
	s0 =	simm.s32 $0x1F0;
	[tilespmem:s31+$0xFFFFFFE0] =	vst v63;
	v11 =	vmax.f32 v19, v11;
	s9 =	simm.s32 $0x970;
	v14 =	vperm.xlane v2, v0;
	v9 =	vmin.f32 v3, v12  }
.LBB2_7:
0x8e: {  	v15 =	vld [tilespmem:s9+$0x0];
	s15 =	sadd.s32 $0x8, s15;
	v12 =	vmax.f32 v3, v12;
	v16 =	vmin.f32 v1, v13;
	v3 =	vperm.xlane v4, v0;
	[tilespmem:s31+$0xFFFFFFF0] =	vst v7;
	s31 =	smov.u32 s7  }
0x8f: {  	v13 =	vmax.f32 v1, v13;
	v17 =	vld [tilespmem:s9+$0xFFFFFFA0];
	p0 =	slt.u32 s15, $0x78;
	v7 =	vperm.xlane v8, v0;
	v18 =	vmin.f32 v2, v14  }
0x90: {  	v14 =	vmax.f32 v2, v14;
	v19 =	vld [tilespmem:s9+$0xFFFFFFB0];
	v20 =	vmin.f32 v4, v3;
	v21 =	vmax.f32 v4, v3  }
0x91: {  	v5 =	vsel vm0, v5, v10;
	v3 =	vld [tilespmem:s9+$0xFFFFFFC0];
	v2 =	vmin.f32 v8, v7;
	v4 =	vmax.f32 v8, v7  }
0x92: {  	v1 =	vld [tilespmem:s9+$0xFFFFFFD0];
	v4 =	vsel vm0, v2, v4;
	[tilespmem:s7+$0xFFFFFFA0] =	vst v5;
	v5 =	vsel vm0, v6, v11;
	v6 =	vsel vm0, v9, v12  }
0x93: {  	v10 =	vsel vm0, v16, v13;
	v16 =	vsel vm0, v18, v14;
	v2 =	vld [tilespmem:s9+$0xFFFFFFE0];
	v9 =	vperm.xlane v15, v0;
	[tilespmem:s7+$0xFFFFFF90] =	vst v4  }
.Ltmp2:
0x94: {  	v7 =	vsel vm0, v20, v21;
	v11 =	vperm.xlane v17, v0;
	v4 =	vld [tilespmem:s9+$0xFFFFFFF0];
	[tilespmem:s7+$0xFFFFFFB0] =	vst v5;
	(pc) =	sbr.rel @p0 .LBB2_7-.Ltmp2, $4  }
0x95: {  	v8 =	vld [tilespmem:s9+$0xFFFFFF90];
	v14 =	vperm.xlane v19, v0;
	v13 =	vmin.f32 v15, v9;
	v9 =	vmax.f32 v15, v9;
	[tilespmem:s7+$0xFFFFFFC0] =	vst v6  }
0x96: {  	s7 =	sadd.s32 $0x400, s7;
	v5 =	vmin.f32 v17, v11;
	v12 =	vperm.xlane v3, v0;
	v9 =	vsel vm0, v13, v9;
	[tilespmem:s31+$0xFFFFFFD0] =	vst v10  }
0x97: {  	v10 =	vmax.f32 v17, v11;
	v6 =	vmin.f32 v19, v14;
	v13 =	vperm.xlane v1, v0;
	[tilespmem:s7+$0x0] =	vst v9  }
0x98: {  	s9 =	sadd.s32 $0x400, s9;
	v11 =	vmax.f32 v19, v14;
	v9 =	vmin.f32 v3, v12;
	v14 =	vperm.xlane v2, v0;
	[tilespmem:s31+$0xFFFFFFE0] =	vst v16  }
0x99: {  	_ = 	snop  }
0x9a: {  	v15 =	vperm.xlane v8, v0  }
0x9b: {  	[tilespmem:s31+$0xFFFFFFF0] =	vst v7;
	v5 =	vsel vm0, v5, v10  }
0x9c: {  	v6 =	vsel vm0, v6, v11;
	[tilespmem:s7+$0xFFFFFFA0] =	vst v5;
	v7 =	vmin.f32 v8, v15;
	v8 =	vmax.f32 v8, v15  }
0x9d: {  	v3 =	vmax.f32 v3, v12;
	v5 =	vmin.f32 v1, v13;
	[tilespmem:s7+$0xFFFFFFB0] =	vst v6;
	v7 =	vsel vm0, v7, v8  }
0x9e: {  	v1 =	vmax.f32 v1, v13;
	v3 =	vsel vm0, v9, v3;
	[tilespmem:s7+$0xFFFFFF90] =	vst v7;
	v7 =	vperm.xlane v4, v0  }
0x9f: {  	v6 =	vmin.f32 v2, v14;
	v2 =	vmax.f32 v2, v14;
	v1 =	vsel vm0, v5, v1;
	[tilespmem:s7+$0xFFFFFFC0] =	vst v3  }
0xa0: {  	v2 =	vsel vm0, v6, v2;
	[tilespmem:s7+$0xFFFFFFD0] =	vst v1;
	v3 =	vmin.f32 v4, v7;
	v4 =	vmax.f32 v4, v7  }
0xa1: {  	[tilespmem:s7+$0xFFFFFFE0] =	vst v2;
	v1 =	vsel vm0, v3, v4  }
0xa2: {  	[tilespmem:s7+$0xFFFFFFF0] =	vst v1  }
0xa3: {  	v1 =	vld [tilespmem:s0+$0x0]  }
0xa4: {  	v2 =	vld [tilespmem:s0+$0xFFFFFFA0]  }
0xa5: {  	v3 =	vld [tilespmem:s0+$0xFFFFFFB0]  }
0xa6: {  	v4 =	vld [tilespmem:s0+$0xFFFFFFC0]  }
0xa7: {  	v10 =	vld [tilespmem:s0+$0xFFFFFF90];
	_ =	sdelay $0x1  }
0xa8: {  	v6 =	vld [tilespmem:s0+$0xFFFFFFE0]  }
0xa9: {  	v9 =	vld [tilespmem:s0+$0xFFFFFFF0];
	v7 =	vperm.xlane v1, v0;
	v8 =	vperm.xlane v2, v0  }
0xaa: {  	v5 =	vld [tilespmem:s0+$0xFFFFFFD0];
	v11 =	vperm.xlane v3, v0;
	v13 =	vperm.xlane v4, v0  }
0xab: {  	s9 =	simm.s32 $0x5F0;
	v18 =	vperm.xlane v10, v0;
	v12 =	vmin.f32 v1, v7;
	v1 =	vmax.f32 v1, v7  }
0xac: {  	v15 =	vld [tilespmem:s9+$0x0];
	v7 =	vmin.f32 v2, v8;
	v2 =	vmax.f32 v2, v8;
	v8 =	vmin.f32 v3, v11  }
0xad: {  	v11 =	vmax.f32 v3, v11;
	v14 =	vmin.f32 v4, v13;
	v3 =	vperm.xlane v6, v0  }
0xae: {  	v4 =	vmax.f32 v4, v13;
	v13 =	vperm.xlane v9, v0;
	v21 =	vmin.f32 v10, v18  }
0xaf: {  	v10 =	vmax.f32 v10, v18;
	v1 =	vsel vm0, v12, v1;
	v12 =	vperm.xlane v5, v0  }
0xb0: {  	v17 =	vld [tilespmem:s9+$0xFFFFFFA0];
	v2 =	vsel vm0, v7, v2;
	v20 =	vmin.f32 v9, v13;
	v7 =	vmax.f32 v9, v13  }
0xb1: {  	v19 =	vld [tilespmem:s9+$0xFFFFFFB0];
	v9 =	vsel vm0, v21, v10;
	v10 =	vperm.xlane v15, v0;
	v16 =	vmin.f32 v5, v12  }
0xb2: {  	[tilespmem:s1+$0x0] =	vst v1;
	v5 =	vmax.f32 v5, v12;
	v12 =	vmin.f32 v6, v3;
	v6 =	vmax.f32 v6, v3;
	v3 =	vld [tilespmem:s9+$0xFFFFFFC0]  }
0xb3: {  	v8 =	vsel vm0, v8, v11;
	v1 =	vld [tilespmem:s9+$0xFFFFFFD0];
	[tilespmem:s1+$0xFFFFFFA0] =	vst v2  }
0xb4: {  	v4 =	vsel vm0, v14, v4;
	v2 =	vld [tilespmem:s9+$0xFFFFFFE0];
	[tilespmem:s1+$0xFFFFFFB0] =	vst v8;
	v8 =	vmin.f32 v15, v10;
	v10 =	vmax.f32 v15, v10  }
0xb5: {  	s7 =	simm.s32 $0x105F0;
	[tilespmem:s1+$0xFFFFFFC0] =	vst v4;
	v4 =	vld [tilespmem:s9+$0xFFFFFFF0];
	v63 =	vsel vm0, v12, v6;
	v6 =	vperm.xlane v17, v0;
	v8 =	vsel vm0, v8, v10  }
0xb6: {  	v11 =	vperm.xlane v19, v0;
	v7 =	vsel vm0, v20, v7;
	[tilespmem:s7+$0x0] =	vst v8;
	v8 =	vld [tilespmem:s9+$0xFFFFFF90]  }
0xb7: {  	[tilespmem:s1+$0xFFFFFF90] =	vst v9;
	v9 =	vsel vm0, v16, v5;
	v5 =	vmin.f32 v17, v6;
	v12 =	vperm.xlane v3, v0  }
0xb8: {  	s31 =	simm.s32 $0x10270;
	[tilespmem:s1+$0xFFFFFFD0] =	vst v9;
	v10 =	vmax.f32 v17, v6;
	v6 =	vmin.f32 v19, v11;
	v13 =	vperm.xlane v1, v0  }
0xb9: {  	s15 =	simm.s32 $0x8;
	s0 =	simm.s32 $0x270;
	[tilespmem:s1+$0xFFFFFFE0] =	vst v63;
	v11 =	vmax.f32 v19, v11;
	s9 =	simm.s32 $0x9F0;
	v14 =	vperm.xlane v2, v0;
	v9 =	vmin.f32 v3, v12  }
.LBB2_9:
0xba: {  	v15 =	vld [tilespmem:s9+$0x0];
	s15 =	sadd.s32 $0x8, s15;
	v12 =	vmax.f32 v3, v12;
	v16 =	vmin.f32 v1, v13;
	v3 =	vperm.xlane v4, v0;
	[tilespmem:s1+$0xFFFFFFF0] =	vst v7;
	s1 =	smov.u32 s7  }
0xbb: {  	v13 =	vmax.f32 v1, v13;
	v17 =	vld [tilespmem:s9+$0xFFFFFFA0];
	p0 =	slt.u32 s15, $0x78;
	v7 =	vperm.xlane v8, v0;
	v18 =	vmin.f32 v2, v14  }
0xbc: {  	v14 =	vmax.f32 v2, v14;
	v19 =	vld [tilespmem:s9+$0xFFFFFFB0];
	v20 =	vmin.f32 v4, v3;
	v21 =	vmax.f32 v4, v3  }
0xbd: {  	v5 =	vsel vm0, v5, v10;
	v3 =	vld [tilespmem:s9+$0xFFFFFFC0];
	v2 =	vmin.f32 v8, v7;
	v4 =	vmax.f32 v8, v7  }
0xbe: {  	v1 =	vld [tilespmem:s9+$0xFFFFFFD0];
	v4 =	vsel vm0, v2, v4;
	[tilespmem:s7+$0xFFFFFFA0] =	vst v5;
	v5 =	vsel vm0, v6, v11;
	v6 =	vsel vm0, v9, v12  }
0xbf: {  	v10 =	vsel vm0, v16, v13;
	v16 =	vsel vm0, v18, v14;
	v2 =	vld [tilespmem:s9+$0xFFFFFFE0];
	v9 =	vperm.xlane v15, v0;
	[tilespmem:s7+$0xFFFFFF90] =	vst v4  }
.Ltmp3:
0xc0: {  	v7 =	vsel vm0, v20, v21;
	v11 =	vperm.xlane v17, v0;
	v4 =	vld [tilespmem:s9+$0xFFFFFFF0];
	[tilespmem:s7+$0xFFFFFFB0] =	vst v5;
	(pc) =	sbr.rel @p0 .LBB2_9-.Ltmp3, $4  }
0xc1: {  	v8 =	vld [tilespmem:s9+$0xFFFFFF90];
	v14 =	vperm.xlane v19, v0;
	v13 =	vmin.f32 v15, v9;
	v9 =	vmax.f32 v15, v9;
	[tilespmem:s7+$0xFFFFFFC0] =	vst v6  }
0xc2: {  	s7 =	sadd.s32 $0x400, s7;
	v5 =	vmin.f32 v17, v11;
	v12 =	vperm.xlane v3, v0;
	v9 =	vsel vm0, v13, v9;
	[tilespmem:s1+$0xFFFFFFD0] =	vst v10  }
0xc3: {  	v10 =	vmax.f32 v17, v11;
	v6 =	vmin.f32 v19, v14;
	v13 =	vperm.xlane v1, v0;
	[tilespmem:s7+$0x0] =	vst v9  }
0xc4: {  	s9 =	sadd.s32 $0x400, s9;
	v11 =	vmax.f32 v19, v14;
	v9 =	vmin.f32 v3, v12;
	v14 =	vperm.xlane v2, v0;
	[tilespmem:s1+$0xFFFFFFE0] =	vst v16  }
0xc5: {  	_ = 	snop  }
0xc6: {  	v15 =	vperm.xlane v8, v0  }
0xc7: {  	[tilespmem:s1+$0xFFFFFFF0] =	vst v7;
	v5 =	vsel vm0, v5, v10  }
0xc8: {  	v6 =	vsel vm0, v6, v11;
	[tilespmem:s7+$0xFFFFFFA0] =	vst v5;
	v7 =	vmin.f32 v8, v15;
	v8 =	vmax.f32 v8, v15  }
0xc9: {  	v3 =	vmax.f32 v3, v12;
	v5 =	vmin.f32 v1, v13;
	[tilespmem:s7+$0xFFFFFFB0] =	vst v6;
	v7 =	vsel vm0, v7, v8  }
0xca: {  	v1 =	vmax.f32 v1, v13;
	v3 =	vsel vm0, v9, v3;
	[tilespmem:s7+$0xFFFFFF90] =	vst v7;
	v7 =	vperm.xlane v4, v0  }
0xcb: {  	v6 =	vmin.f32 v2, v14;
	v2 =	vmax.f32 v2, v14;
	v1 =	vsel vm0, v5, v1;
	[tilespmem:s7+$0xFFFFFFC0] =	vst v3  }
0xcc: {  	v2 =	vsel vm0, v6, v2;
	[tilespmem:s7+$0xFFFFFFD0] =	vst v1;
	v3 =	vmin.f32 v4, v7;
	v4 =	vmax.f32 v4, v7  }
0xcd: {  	[tilespmem:s7+$0xFFFFFFE0] =	vst v2;
	v1 =	vsel vm0, v3, v4  }
0xce: {  	[tilespmem:s7+$0xFFFFFFF0] =	vst v1  }
0xcf: {  	v1 =	vld [tilespmem:s0+$0x0]  }
0xd0: {  	v2 =	vld [tilespmem:s0+$0xFFFFFFA0]  }
0xd1: {  	v3 =	vld [tilespmem:s0+$0xFFFFFFB0]  }
0xd2: {  	v4 =	vld [tilespmem:s0+$0xFFFFFFC0]  }
0xd3: {  	v10 =	vld [tilespmem:s0+$0xFFFFFF90];
	_ =	sdelay $0x1  }
0xd4: {  	v6 =	vld [tilespmem:s0+$0xFFFFFFE0]  }
0xd5: {  	v9 =	vld [tilespmem:s0+$0xFFFFFFF0];
	v7 =	vperm.xlane v1, v0;
	v8 =	vperm.xlane v2, v0  }
0xd6: {  	v5 =	vld [tilespmem:s0+$0xFFFFFFD0];
	v11 =	vperm.xlane v3, v0;
	v13 =	vperm.xlane v4, v0  }
0xd7: {  	s9 =	simm.s32 $0x670;
	v18 =	vperm.xlane v10, v0;
	v12 =	vmin.f32 v1, v7;
	v1 =	vmax.f32 v1, v7  }
0xd8: {  	v15 =	vld [tilespmem:s9+$0x0];
	v7 =	vmin.f32 v2, v8;
	v2 =	vmax.f32 v2, v8;
	v8 =	vmin.f32 v3, v11  }
0xd9: {  	v11 =	vmax.f32 v3, v11;
	v14 =	vmin.f32 v4, v13;
	v3 =	vperm.xlane v6, v0  }
0xda: {  	v4 =	vmax.f32 v4, v13;
	v13 =	vperm.xlane v9, v0;
	v21 =	vmin.f32 v10, v18  }
0xdb: {  	v10 =	vmax.f32 v10, v18;
	v1 =	vsel vm0, v12, v1;
	v12 =	vperm.xlane v5, v0  }
0xdc: {  	v17 =	vld [tilespmem:s9+$0xFFFFFFA0];
	v2 =	vsel vm0, v7, v2;
	v20 =	vmin.f32 v9, v13;
	v7 =	vmax.f32 v9, v13  }
0xdd: {  	v19 =	vld [tilespmem:s9+$0xFFFFFFB0];
	v9 =	vsel vm0, v21, v10;
	v10 =	vperm.xlane v15, v0;
	v16 =	vmin.f32 v5, v12  }
0xde: {  	[tilespmem:s31+$0x0] =	vst v1;
	v5 =	vmax.f32 v5, v12;
	v12 =	vmin.f32 v6, v3;
	v6 =	vmax.f32 v6, v3;
	v3 =	vld [tilespmem:s9+$0xFFFFFFC0]  }
0xdf: {  	v8 =	vsel vm0, v8, v11;
	v1 =	vld [tilespmem:s9+$0xFFFFFFD0];
	[tilespmem:s31+$0xFFFFFFA0] =	vst v2  }
0xe0: {  	v4 =	vsel vm0, v14, v4;
	v2 =	vld [tilespmem:s9+$0xFFFFFFE0];
	[tilespmem:s31+$0xFFFFFFB0] =	vst v8;
	v8 =	vmin.f32 v15, v10;
	v10 =	vmax.f32 v15, v10  }
0xe1: {  	s7 =	simm.s32 $0x10670;
	[tilespmem:s31+$0xFFFFFFC0] =	vst v4;
	v4 =	vld [tilespmem:s9+$0xFFFFFFF0];
	v63 =	vsel vm0, v12, v6;
	v6 =	vperm.xlane v17, v0;
	v8 =	vsel vm0, v8, v10  }
0xe2: {  	v11 =	vperm.xlane v19, v0;
	v7 =	vsel vm0, v20, v7;
	[tilespmem:s7+$0x0] =	vst v8;
	v8 =	vld [tilespmem:s9+$0xFFFFFF90]  }
0xe3: {  	[tilespmem:s31+$0xFFFFFF90] =	vst v9;
	v9 =	vsel vm0, v16, v5;
	v5 =	vmin.f32 v17, v6;
	v12 =	vperm.xlane v3, v0  }
0xe4: {  	s1 =	simm.s32 $0x102F0;
	[tilespmem:s31+$0xFFFFFFD0] =	vst v9;
	v10 =	vmax.f32 v17, v6;
	v6 =	vmin.f32 v19, v11;
	v13 =	vperm.xlane v1, v0  }
0xe5: {  	s15 =	simm.s32 $0x8;
	s0 =	simm.s32 $0x2F0;
	[tilespmem:s31+$0xFFFFFFE0] =	vst v63;
	v11 =	vmax.f32 v19, v11;
	s9 =	simm.s32 $0xA70;
	v14 =	vperm.xlane v2, v0;
	v9 =	vmin.f32 v3, v12  }
.LBB2_11:
0xe6: {  	v15 =	vld [tilespmem:s9+$0x0];
	s15 =	sadd.s32 $0x8, s15;
	v12 =	vmax.f32 v3, v12;
	v16 =	vmin.f32 v1, v13;
	v3 =	vperm.xlane v4, v0;
	[tilespmem:s31+$0xFFFFFFF0] =	vst v7;
	s31 =	smov.u32 s7  }
0xe7: {  	v13 =	vmax.f32 v1, v13;
	v17 =	vld [tilespmem:s9+$0xFFFFFFA0];
	p0 =	slt.u32 s15, $0x78;
	v7 =	vperm.xlane v8, v0;
	v18 =	vmin.f32 v2, v14  }
0xe8: {  	v14 =	vmax.f32 v2, v14;
	v19 =	vld [tilespmem:s9+$0xFFFFFFB0];
	v20 =	vmin.f32 v4, v3;
	v21 =	vmax.f32 v4, v3  }
0xe9: {  	v5 =	vsel vm0, v5, v10;
	v3 =	vld [tilespmem:s9+$0xFFFFFFC0];
	v2 =	vmin.f32 v8, v7;
	v4 =	vmax.f32 v8, v7  }
0xea: {  	v1 =	vld [tilespmem:s9+$0xFFFFFFD0];
	v4 =	vsel vm0, v2, v4;
	[tilespmem:s7+$0xFFFFFFA0] =	vst v5;
	v5 =	vsel vm0, v6, v11;
	v6 =	vsel vm0, v9, v12  }
0xeb: {  	v10 =	vsel vm0, v16, v13;
	v16 =	vsel vm0, v18, v14;
	v2 =	vld [tilespmem:s9+$0xFFFFFFE0];
	v9 =	vperm.xlane v15, v0;
	[tilespmem:s7+$0xFFFFFF90] =	vst v4  }
.Ltmp4:
0xec: {  	v7 =	vsel vm0, v20, v21;
	v11 =	vperm.xlane v17, v0;
	v4 =	vld [tilespmem:s9+$0xFFFFFFF0];
	[tilespmem:s7+$0xFFFFFFB0] =	vst v5;
	(pc) =	sbr.rel @p0 .LBB2_11-.Ltmp4, $4  }
0xed: {  	v8 =	vld [tilespmem:s9+$0xFFFFFF90];
	v14 =	vperm.xlane v19, v0;
	v13 =	vmin.f32 v15, v9;
	v9 =	vmax.f32 v15, v9;
	[tilespmem:s7+$0xFFFFFFC0] =	vst v6  }
0xee: {  	s7 =	sadd.s32 $0x400, s7;
	v5 =	vmin.f32 v17, v11;
	v12 =	vperm.xlane v3, v0;
	v9 =	vsel vm0, v13, v9;
	[tilespmem:s31+$0xFFFFFFD0] =	vst v10  }
0xef: {  	v10 =	vmax.f32 v17, v11;
	v6 =	vmin.f32 v19, v14;
	v13 =	vperm.xlane v1, v0;
	[tilespmem:s7+$0x0] =	vst v9  }
0xf0: {  	s9 =	sadd.s32 $0x400, s9;
	v11 =	vmax.f32 v19, v14;
	v9 =	vmin.f32 v3, v12;
	v14 =	vperm.xlane v2, v0;
	[tilespmem:s31+$0xFFFFFFE0] =	vst v16  }
0xf1: {  	_ = 	snop  }
0xf2: {  	v15 =	vperm.xlane v8, v0  }
0xf3: {  	[tilespmem:s31+$0xFFFFFFF0] =	vst v7;
	v5 =	vsel vm0, v5, v10  }
0xf4: {  	v6 =	vsel vm0, v6, v11;
	[tilespmem:s7+$0xFFFFFFA0] =	vst v5;
	v7 =	vmin.f32 v8, v15;
	v8 =	vmax.f32 v8, v15  }
0xf5: {  	v3 =	vmax.f32 v3, v12;
	v5 =	vmin.f32 v1, v13;
	[tilespmem:s7+$0xFFFFFFB0] =	vst v6;
	v7 =	vsel vm0, v7, v8  }
0xf6: {  	v1 =	vmax.f32 v1, v13;
	v3 =	vsel vm0, v9, v3;
	[tilespmem:s7+$0xFFFFFF90] =	vst v7;
	v7 =	vperm.xlane v4, v0  }
0xf7: {  	v6 =	vmin.f32 v2, v14;
	v2 =	vmax.f32 v2, v14;
	v1 =	vsel vm0, v5, v1;
	[tilespmem:s7+$0xFFFFFFC0] =	vst v3  }
0xf8: {  	v2 =	vsel vm0, v6, v2;
	[tilespmem:s7+$0xFFFFFFD0] =	vst v1;
	v3 =	vmin.f32 v4, v7;
	v4 =	vmax.f32 v4, v7  }
0xf9: {  	[tilespmem:s7+$0xFFFFFFE0] =	vst v2;
	v1 =	vsel vm0, v3, v4  }
0xfa: {  	[tilespmem:s7+$0xFFFFFFF0] =	vst v1  }
0xfb: {  	v1 =	vld [tilespmem:s0+$0x0]  }
0xfc: {  	v2 =	vld [tilespmem:s0+$0xFFFFFFA0]  }
0xfd: {  	v3 =	vld [tilespmem:s0+$0xFFFFFFB0]  }
0xfe: {  	v4 =	vld [tilespmem:s0+$0xFFFFFFC0]  }
0xff: {  	v10 =	vld [tilespmem:s0+$0xFFFFFF90];
	_ =	sdelay $0x1  }
0x100: {  	v6 =	vld [tilespmem:s0+$0xFFFFFFE0]  }
0x101: {  	v9 =	vld [tilespmem:s0+$0xFFFFFFF0];
	v7 =	vperm.xlane v1, v0;
	v8 =	vperm.xlane v2, v0  }
0x102: {  	v5 =	vld [tilespmem:s0+$0xFFFFFFD0];
	v11 =	vperm.xlane v3, v0;
	v13 =	vperm.xlane v4, v0  }
0x103: {  	s9 =	simm.s32 $0x6F0;
	v18 =	vperm.xlane v10, v0;
	v12 =	vmin.f32 v1, v7;
	v1 =	vmax.f32 v1, v7  }
0x104: {  	v15 =	vld [tilespmem:s9+$0x0];
	v7 =	vmin.f32 v2, v8;
	v2 =	vmax.f32 v2, v8;
	v8 =	vmin.f32 v3, v11  }
0x105: {  	v11 =	vmax.f32 v3, v11;
	v14 =	vmin.f32 v4, v13;
	v3 =	vperm.xlane v6, v0  }
0x106: {  	v4 =	vmax.f32 v4, v13;
	v13 =	vperm.xlane v9, v0;
	v21 =	vmin.f32 v10, v18  }
0x107: {  	v10 =	vmax.f32 v10, v18;
	v1 =	vsel vm0, v12, v1;
	v12 =	vperm.xlane v5, v0  }
0x108: {  	v17 =	vld [tilespmem:s9+$0xFFFFFFA0];
	v2 =	vsel vm0, v7, v2;
	v20 =	vmin.f32 v9, v13;
	v7 =	vmax.f32 v9, v13  }
0x109: {  	v19 =	vld [tilespmem:s9+$0xFFFFFFB0];
	v9 =	vsel vm0, v21, v10;
	v10 =	vperm.xlane v15, v0;
	v16 =	vmin.f32 v5, v12  }
0x10a: {  	[tilespmem:s1+$0x0] =	vst v1;
	v5 =	vmax.f32 v5, v12;
	v12 =	vmin.f32 v6, v3;
	v6 =	vmax.f32 v6, v3;
	v3 =	vld [tilespmem:s9+$0xFFFFFFC0]  }
0x10b: {  	v8 =	vsel vm0, v8, v11;
	v1 =	vld [tilespmem:s9+$0xFFFFFFD0];
	[tilespmem:s1+$0xFFFFFFA0] =	vst v2  }
0x10c: {  	v4 =	vsel vm0, v14, v4;
	v2 =	vld [tilespmem:s9+$0xFFFFFFE0];
	[tilespmem:s1+$0xFFFFFFB0] =	vst v8;
	v8 =	vmin.f32 v15, v10;
	v10 =	vmax.f32 v15, v10  }
0x10d: {  	s7 =	simm.s32 $0x106F0;
	[tilespmem:s1+$0xFFFFFFC0] =	vst v4;
	v4 =	vld [tilespmem:s9+$0xFFFFFFF0];
	v63 =	vsel vm0, v12, v6;
	v6 =	vperm.xlane v17, v0;
	v8 =	vsel vm0, v8, v10  }
0x10e: {  	v11 =	vperm.xlane v19, v0;
	v7 =	vsel vm0, v20, v7;
	[tilespmem:s7+$0x0] =	vst v8;
	v8 =	vld [tilespmem:s9+$0xFFFFFF90]  }
0x10f: {  	[tilespmem:s1+$0xFFFFFF90] =	vst v9;
	v9 =	vsel vm0, v16, v5;
	v5 =	vmin.f32 v17, v6;
	v12 =	vperm.xlane v3, v0  }
0x110: {  	s31 =	simm.s32 $0x10370;
	[tilespmem:s1+$0xFFFFFFD0] =	vst v9;
	v10 =	vmax.f32 v17, v6;
	v6 =	vmin.f32 v19, v11;
	v13 =	vperm.xlane v1, v0  }
0x111: {  	s15 =	simm.s32 $0x8;
	s0 =	simm.s32 $0x370;
	[tilespmem:s1+$0xFFFFFFE0] =	vst v63;
	v11 =	vmax.f32 v19, v11;
	s9 =	simm.s32 $0xAF0;
	v14 =	vperm.xlane v2, v0;
	v9 =	vmin.f32 v3, v12  }
.LBB2_13:
0x112: {  	v15 =	vld [tilespmem:s9+$0x0];
	s15 =	sadd.s32 $0x8, s15;
	v12 =	vmax.f32 v3, v12;
	v16 =	vmin.f32 v1, v13;
	v3 =	vperm.xlane v4, v0;
	[tilespmem:s1+$0xFFFFFFF0] =	vst v7;
	s1 =	smov.u32 s7  }
0x113: {  	v13 =	vmax.f32 v1, v13;
	v17 =	vld [tilespmem:s9+$0xFFFFFFA0];
	p0 =	slt.u32 s15, $0x78;
	v7 =	vperm.xlane v8, v0;
	v18 =	vmin.f32 v2, v14  }
0x114: {  	v14 =	vmax.f32 v2, v14;
	v19 =	vld [tilespmem:s9+$0xFFFFFFB0];
	v20 =	vmin.f32 v4, v3;
	v21 =	vmax.f32 v4, v3  }
0x115: {  	v5 =	vsel vm0, v5, v10;
	v3 =	vld [tilespmem:s9+$0xFFFFFFC0];
	v2 =	vmin.f32 v8, v7;
	v4 =	vmax.f32 v8, v7  }
0x116: {  	v1 =	vld [tilespmem:s9+$0xFFFFFFD0];
	v4 =	vsel vm0, v2, v4;
	[tilespmem:s7+$0xFFFFFFA0] =	vst v5;
	v5 =	vsel vm0, v6, v11;
	v6 =	vsel vm0, v9, v12  }
0x117: {  	v10 =	vsel vm0, v16, v13;
	v16 =	vsel vm0, v18, v14;
	v2 =	vld [tilespmem:s9+$0xFFFFFFE0];
	v9 =	vperm.xlane v15, v0;
	[tilespmem:s7+$0xFFFFFF90] =	vst v4  }
.Ltmp5:
0x118: {  	v7 =	vsel vm0, v20, v21;
	v11 =	vperm.xlane v17, v0;
	v4 =	vld [tilespmem:s9+$0xFFFFFFF0];
	[tilespmem:s7+$0xFFFFFFB0] =	vst v5;
	(pc) =	sbr.rel @p0 .LBB2_13-.Ltmp5, $4  }
0x119: {  	v8 =	vld [tilespmem:s9+$0xFFFFFF90];
	v14 =	vperm.xlane v19, v0;
	v13 =	vmin.f32 v15, v9;
	v9 =	vmax.f32 v15, v9;
	[tilespmem:s7+$0xFFFFFFC0] =	vst v6  }
0x11a: {  	s7 =	sadd.s32 $0x400, s7;
	v5 =	vmin.f32 v17, v11;
	v12 =	vperm.xlane v3, v0;
	v9 =	vsel vm0, v13, v9;
	[tilespmem:s1+$0xFFFFFFD0] =	vst v10  }
0x11b: {  	v10 =	vmax.f32 v17, v11;
	v6 =	vmin.f32 v19, v14;
	v13 =	vperm.xlane v1, v0;
	[tilespmem:s7+$0x0] =	vst v9  }
0x11c: {  	s9 =	sadd.s32 $0x400, s9;
	v11 =	vmax.f32 v19, v14;
	v9 =	vmin.f32 v3, v12;
	v14 =	vperm.xlane v2, v0;
	[tilespmem:s1+$0xFFFFFFE0] =	vst v16  }
0x11d: {  	_ = 	snop  }
0x11e: {  	v15 =	vperm.xlane v8, v0  }
0x11f: {  	[tilespmem:s1+$0xFFFFFFF0] =	vst v7;
	v5 =	vsel vm0, v5, v10  }
0x120: {  	v6 =	vsel vm0, v6, v11;
	[tilespmem:s7+$0xFFFFFFA0] =	vst v5;
	v7 =	vmin.f32 v8, v15;
	v8 =	vmax.f32 v8, v15  }
0x121: {  	v3 =	vmax.f32 v3, v12;
	v5 =	vmin.f32 v1, v13;
	[tilespmem:s7+$0xFFFFFFB0] =	vst v6;
	v7 =	vsel vm0, v7, v8  }
0x122: {  	v1 =	vmax.f32 v1, v13;
	v3 =	vsel vm0, v9, v3;
	[tilespmem:s7+$0xFFFFFF90] =	vst v7;
	v7 =	vperm.xlane v4, v0  }
0x123: {  	v6 =	vmin.f32 v2, v14;
	v2 =	vmax.f32 v2, v14;
	v1 =	vsel vm0, v5, v1;
	[tilespmem:s7+$0xFFFFFFC0] =	vst v3  }
0x124: {  	v2 =	vsel vm0, v6, v2;
	[tilespmem:s7+$0xFFFFFFD0] =	vst v1;
	v3 =	vmin.f32 v4, v7;
	v4 =	vmax.f32 v4, v7  }
0x125: {  	[tilespmem:s7+$0xFFFFFFE0] =	vst v2;
	v1 =	vsel vm0, v3, v4  }
0x126: {  	[tilespmem:s7+$0xFFFFFFF0] =	vst v1  }
0x127: {  	v1 =	vld [tilespmem:s0+$0x0]  }
0x128: {  	v2 =	vld [tilespmem:s0+$0xFFFFFFA0]  }
0x129: {  	v3 =	vld [tilespmem:s0+$0xFFFFFFB0]  }
0x12a: {  	v4 =	vld [tilespmem:s0+$0xFFFFFFC0]  }
0x12b: {  	v10 =	vld [tilespmem:s0+$0xFFFFFF90];
	_ =	sdelay $0x1  }
0x12c: {  	v6 =	vld [tilespmem:s0+$0xFFFFFFE0]  }
0x12d: {  	v9 =	vld [tilespmem:s0+$0xFFFFFFF0];
	v7 =	vperm.xlane v1, v0;
	v8 =	vperm.xlane v2, v0  }
0x12e: {  	v5 =	vld [tilespmem:s0+$0xFFFFFFD0];
	v11 =	vperm.xlane v3, v0;
	v13 =	vperm.xlane v4, v0  }
0x12f: {  	s9 =	simm.s32 $0x770;
	v18 =	vperm.xlane v10, v0;
	v12 =	vmin.f32 v1, v7;
	v1 =	vmax.f32 v1, v7  }
0x130: {  	v15 =	vld [tilespmem:s9+$0x0];
	v7 =	vmin.f32 v2, v8;
	v2 =	vmax.f32 v2, v8;
	v8 =	vmin.f32 v3, v11  }
0x131: {  	v11 =	vmax.f32 v3, v11;
	v14 =	vmin.f32 v4, v13;
	v3 =	vperm.xlane v6, v0  }
0x132: {  	v4 =	vmax.f32 v4, v13;
	v13 =	vperm.xlane v9, v0;
	v21 =	vmin.f32 v10, v18  }
0x133: {  	v10 =	vmax.f32 v10, v18;
	v1 =	vsel vm0, v12, v1;
	v12 =	vperm.xlane v5, v0  }
0x134: {  	v17 =	vld [tilespmem:s9+$0xFFFFFFA0];
	v2 =	vsel vm0, v7, v2;
	v20 =	vmin.f32 v9, v13;
	v7 =	vmax.f32 v9, v13  }
0x135: {  	v19 =	vld [tilespmem:s9+$0xFFFFFFB0];
	v9 =	vsel vm0, v21, v10;
	v10 =	vperm.xlane v15, v0;
	v16 =	vmin.f32 v5, v12  }
0x136: {  	[tilespmem:s31+$0x0] =	vst v1;
	v5 =	vmax.f32 v5, v12;
	v12 =	vmin.f32 v6, v3;
	v6 =	vmax.f32 v6, v3;
	v3 =	vld [tilespmem:s9+$0xFFFFFFC0]  }
0x137: {  	v8 =	vsel vm0, v8, v11;
	v1 =	vld [tilespmem:s9+$0xFFFFFFD0];
	[tilespmem:s31+$0xFFFFFFA0] =	vst v2  }
0x138: {  	v4 =	vsel vm0, v14, v4;
	v2 =	vld [tilespmem:s9+$0xFFFFFFE0];
	[tilespmem:s31+$0xFFFFFFB0] =	vst v8;
	v8 =	vmin.f32 v15, v10;
	v10 =	vmax.f32 v15, v10  }
0x139: {  	s7 =	simm.s32 $0x10770;
	[tilespmem:s31+$0xFFFFFFC0] =	vst v4;
	v4 =	vld [tilespmem:s9+$0xFFFFFFF0];
	v63 =	vsel vm0, v12, v6;
	v6 =	vperm.xlane v17, v0;
	v8 =	vsel vm0, v8, v10  }
0x13a: {  	v11 =	vperm.xlane v19, v0;
	v7 =	vsel vm0, v20, v7;
	[tilespmem:s7+$0x0] =	vst v8;
	v8 =	vld [tilespmem:s9+$0xFFFFFF90]  }
0x13b: {  	[tilespmem:s31+$0xFFFFFF90] =	vst v9;
	v9 =	vsel vm0, v16, v5;
	v5 =	vmin.f32 v17, v6;
	v12 =	vperm.xlane v3, v0  }
0x13c: {  	s1 =	simm.s32 $0x3F0;
	[tilespmem:s31+$0xFFFFFFD0] =	vst v9;
	v10 =	vmax.f32 v17, v6;
	v6 =	vmin.f32 v19, v11;
	v13 =	vperm.xlane v1, v0  }
0x13d: {  	s15 =	simm.s32 $0x8;
	s0 =	simm.s32 $0x103F0;
	[tilespmem:s31+$0xFFFFFFE0] =	vst v63;
	v11 =	vmax.f32 v19, v11;
	s9 =	simm.s32 $0xB70;
	v14 =	vperm.xlane v2, v0;
	v9 =	vmin.f32 v3, v12  }
.LBB2_15:
0x13e: {  	v15 =	vld [tilespmem:s9+$0x0];
	s15 =	sadd.s32 $0x8, s15;
	v12 =	vmax.f32 v3, v12;
	v16 =	vmin.f32 v1, v13;
	v3 =	vperm.xlane v4, v0;
	[tilespmem:s31+$0xFFFFFFF0] =	vst v7;
	s31 =	smov.u32 s7  }
0x13f: {  	v13 =	vmax.f32 v1, v13;
	v17 =	vld [tilespmem:s9+$0xFFFFFFA0];
	p0 =	slt.u32 s15, $0x78;
	v7 =	vperm.xlane v8, v0;
	v18 =	vmin.f32 v2, v14  }
0x140: {  	v14 =	vmax.f32 v2, v14;
	v19 =	vld [tilespmem:s9+$0xFFFFFFB0];
	v20 =	vmin.f32 v4, v3;
	v21 =	vmax.f32 v4, v3  }
0x141: {  	v5 =	vsel vm0, v5, v10;
	v3 =	vld [tilespmem:s9+$0xFFFFFFC0];
	v2 =	vmin.f32 v8, v7;
	v4 =	vmax.f32 v8, v7  }
0x142: {  	v1 =	vld [tilespmem:s9+$0xFFFFFFD0];
	v4 =	vsel vm0, v2, v4;
	[tilespmem:s7+$0xFFFFFFA0] =	vst v5;
	v5 =	vsel vm0, v6, v11;
	v6 =	vsel vm0, v9, v12  }
0x143: {  	v10 =	vsel vm0, v16, v13;
	v16 =	vsel vm0, v18, v14;
	v2 =	vld [tilespmem:s9+$0xFFFFFFE0];
	v9 =	vperm.xlane v15, v0;
	[tilespmem:s7+$0xFFFFFF90] =	vst v4  }
.Ltmp6:
0x144: {  	v7 =	vsel vm0, v20, v21;
	v11 =	vperm.xlane v17, v0;
	v4 =	vld [tilespmem:s9+$0xFFFFFFF0];
	[tilespmem:s7+$0xFFFFFFB0] =	vst v5;
	(pc) =	sbr.rel @p0 .LBB2_15-.Ltmp6, $4  }
0x145: {  	v8 =	vld [tilespmem:s9+$0xFFFFFF90];
	v14 =	vperm.xlane v19, v0;
	v13 =	vmin.f32 v15, v9;
	v9 =	vmax.f32 v15, v9;
	[tilespmem:s7+$0xFFFFFFC0] =	vst v6  }
0x146: {  	s7 =	sadd.s32 $0x400, s7;
	v5 =	vmin.f32 v17, v11;
	v12 =	vperm.xlane v3, v0;
	v9 =	vsel vm0, v13, v9;
	[tilespmem:s31+$0xFFFFFFD0] =	vst v10  }
0x147: {  	v10 =	vmax.f32 v17, v11;
	v6 =	vmin.f32 v19, v14;
	v13 =	vperm.xlane v1, v0;
	[tilespmem:s7+$0x0] =	vst v9  }
0x148: {  	s9 =	sadd.s32 $0x400, s9;
	v11 =	vmax.f32 v19, v14;
	v9 =	vmin.f32 v3, v12;
	v14 =	vperm.xlane v2, v0;
	[tilespmem:s31+$0xFFFFFFE0] =	vst v16  }
0x149: {  	_ = 	snop  }
0x14a: {  	v15 =	vperm.xlane v8, v0  }
0x14b: {  	[tilespmem:s31+$0xFFFFFFF0] =	vst v7;
	v5 =	vsel vm0, v5, v10  }
0x14c: {  	v6 =	vsel vm0, v6, v11;
	[tilespmem:s7+$0xFFFFFFA0] =	vst v5;
	v7 =	vmin.f32 v8, v15;
	v8 =	vmax.f32 v8, v15  }
0x14d: {  	v3 =	vmax.f32 v3, v12;
	v5 =	vmin.f32 v1, v13;
	[tilespmem:s7+$0xFFFFFFB0] =	vst v6;
	v7 =	vsel vm0, v7, v8  }
0x14e: {  	v1 =	vmax.f32 v1, v13;
	v3 =	vsel vm0, v9, v3;
	[tilespmem:s7+$0xFFFFFF90] =	vst v7;
	v7 =	vperm.xlane v4, v0  }
0x14f: {  	v6 =	vmin.f32 v2, v14;
	v2 =	vmax.f32 v2, v14;
	v1 =	vsel vm0, v5, v1;
	[tilespmem:s7+$0xFFFFFFC0] =	vst v3  }
0x150: {  	v2 =	vsel vm0, v6, v2;
	[tilespmem:s7+$0xFFFFFFD0] =	vst v1;
	v3 =	vmin.f32 v4, v7;
	v4 =	vmax.f32 v4, v7  }
0x151: {  	[tilespmem:s7+$0xFFFFFFE0] =	vst v2;
	v1 =	vsel vm0, v3, v4  }
0x152: {  	[tilespmem:s7+$0xFFFFFFF0] =	vst v1  }
0x153: {  	v1 =	vld [tilespmem:s1+$0x0]  }
0x154: {  	v2 =	vld [tilespmem:s1+$0xFFFFFFA0]  }
0x155: {  	v3 =	vld [tilespmem:s1+$0xFFFFFFB0]  }
0x156: {  	v4 =	vld [tilespmem:s1+$0xFFFFFFC0]  }
0x157: {  	v10 =	vld [tilespmem:s1+$0xFFFFFF90];
	_ =	sdelay $0x1  }
0x158: {  	v6 =	vld [tilespmem:s1+$0xFFFFFFE0]  }
0x159: {  	v9 =	vld [tilespmem:s1+$0xFFFFFFF0];
	v7 =	vperm.xlane v1, v0;
	v8 =	vperm.xlane v2, v0  }
0x15a: {  	v5 =	vld [tilespmem:s1+$0xFFFFFFD0];
	v11 =	vperm.xlane v3, v0;
	v13 =	vperm.xlane v4, v0  }
0x15b: {  	s9 =	simm.s32 $0x7F0;
	v18 =	vperm.xlane v10, v0;
	v12 =	vmin.f32 v1, v7;
	v1 =	vmax.f32 v1, v7  }
0x15c: {  	v15 =	vld [tilespmem:s9+$0x0];
	v7 =	vmin.f32 v2, v8;
	v2 =	vmax.f32 v2, v8;
	v8 =	vmin.f32 v3, v11  }
0x15d: {  	v11 =	vmax.f32 v3, v11;
	v14 =	vmin.f32 v4, v13;
	v3 =	vperm.xlane v6, v0  }
0x15e: {  	v4 =	vmax.f32 v4, v13;
	v13 =	vperm.xlane v9, v0;
	v21 =	vmin.f32 v10, v18  }
0x15f: {  	v10 =	vmax.f32 v10, v18;
	v1 =	vsel vm0, v12, v1;
	v12 =	vperm.xlane v5, v0  }
0x160: {  	v17 =	vld [tilespmem:s9+$0xFFFFFFA0];
	v2 =	vsel vm0, v7, v2;
	v20 =	vmin.f32 v9, v13;
	v7 =	vmax.f32 v9, v13  }
0x161: {  	v19 =	vld [tilespmem:s9+$0xFFFFFFB0];
	v9 =	vsel vm0, v21, v10;
	v10 =	vperm.xlane v15, v0;
	v16 =	vmin.f32 v5, v12  }
0x162: {  	[tilespmem:s0+$0x0] =	vst v1;
	v5 =	vmax.f32 v5, v12;
	v12 =	vmin.f32 v6, v3;
	v6 =	vmax.f32 v6, v3;
	v3 =	vld [tilespmem:s9+$0xFFFFFFC0]  }
0x163: {  	v8 =	vsel vm0, v8, v11;
	v1 =	vld [tilespmem:s9+$0xFFFFFFD0];
	[tilespmem:s0+$0xFFFFFFA0] =	vst v2  }
0x164: {  	v4 =	vsel vm0, v14, v4;
	v2 =	vld [tilespmem:s9+$0xFFFFFFE0];
	[tilespmem:s0+$0xFFFFFFB0] =	vst v8;
	v8 =	vmin.f32 v15, v10;
	v10 =	vmax.f32 v15, v10  }
0x165: {  	s1 =	simm.s32 $0x107F0;
	[tilespmem:s0+$0xFFFFFFC0] =	vst v4;
	v4 =	vld [tilespmem:s9+$0xFFFFFFF0];
	v63 =	vsel vm0, v12, v6;
	v6 =	vperm.xlane v17, v0;
	v8 =	vsel vm0, v8, v10  }
0x166: {  	v11 =	vperm.xlane v19, v0;
	v7 =	vsel vm0, v20, v7;
	[tilespmem:s1+$0x0] =	vst v8;
	v8 =	vld [tilespmem:s9+$0xFFFFFF90]  }
0x167: {  	[tilespmem:s0+$0xFFFFFF90] =	vst v9;
	v9 =	vsel vm0, v16, v5;
	v5 =	vmin.f32 v17, v6;
	v12 =	vperm.xlane v3, v0  }
0x168: {  	[tilespmem:s0+$0xFFFFFFD0] =	vst v9;
	v10 =	vmax.f32 v17, v6;
	v6 =	vmin.f32 v19, v11;
	v13 =	vperm.xlane v1, v0  }
0x169: {  	s7 =	simm.s32 $0x8;
	[tilespmem:s0+$0xFFFFFFE0] =	vst v63;
	v11 =	vmax.f32 v19, v11;
	s9 =	simm.s32 $0xBF0;
	v14 =	vperm.xlane v2, v0;
	v9 =	vmin.f32 v3, v12  }
.LBB2_17:
0x16a: {  	v15 =	vld [tilespmem:s9+$0x0];
	s7 =	sadd.s32 $0x8, s7;
	v12 =	vmax.f32 v3, v12;
	v16 =	vmin.f32 v1, v13;
	v3 =	vperm.xlane v4, v0;
	[tilespmem:s0+$0xFFFFFFF0] =	vst v7;
	s0 =	smov.u32 s1  }
0x16b: {  	v13 =	vmax.f32 v1, v13;
	v17 =	vld [tilespmem:s9+$0xFFFFFFA0];
	p0 =	slt.u32 s7, $0x78;
	v7 =	vperm.xlane v8, v0;
	v18 =	vmin.f32 v2, v14  }
0x16c: {  	v14 =	vmax.f32 v2, v14;
	v19 =	vld [tilespmem:s9+$0xFFFFFFB0];
	v20 =	vmin.f32 v4, v3;
	v21 =	vmax.f32 v4, v3  }
0x16d: {  	v5 =	vsel vm0, v5, v10;
	v3 =	vld [tilespmem:s9+$0xFFFFFFC0];
	v2 =	vmin.f32 v8, v7;
	v4 =	vmax.f32 v8, v7  }
0x16e: {  	v1 =	vld [tilespmem:s9+$0xFFFFFFD0];
	v4 =	vsel vm0, v2, v4;
	[tilespmem:s1+$0xFFFFFFA0] =	vst v5;
	v5 =	vsel vm0, v6, v11;
	v6 =	vsel vm0, v9, v12  }
0x16f: {  	v10 =	vsel vm0, v16, v13;
	v16 =	vsel vm0, v18, v14;
	v2 =	vld [tilespmem:s9+$0xFFFFFFE0];
	v9 =	vperm.xlane v15, v0;
	[tilespmem:s1+$0xFFFFFF90] =	vst v4  }
.Ltmp7:
0x170: {  	v7 =	vsel vm0, v20, v21;
	v11 =	vperm.xlane v17, v0;
	v4 =	vld [tilespmem:s9+$0xFFFFFFF0];
	[tilespmem:s1+$0xFFFFFFB0] =	vst v5;
	(pc) =	sbr.rel @p0 .LBB2_17-.Ltmp7, $4  }
0x171: {  	v8 =	vld [tilespmem:s9+$0xFFFFFF90];
	v14 =	vperm.xlane v19, v0;
	v13 =	vmin.f32 v15, v9;
	v9 =	vmax.f32 v15, v9;
	[tilespmem:s1+$0xFFFFFFC0] =	vst v6  }
0x172: {  	s1 =	sadd.s32 $0x400, s1;
	v5 =	vmin.f32 v17, v11;
	v12 =	vperm.xlane v3, v0;
	v9 =	vsel vm0, v13, v9;
	[tilespmem:s0+$0xFFFFFFD0] =	vst v10  }
0x173: {  	v10 =	vmax.f32 v17, v11;
	v6 =	vmin.f32 v19, v14;
	v13 =	vperm.xlane v1, v0;
	[tilespmem:s1+$0x0] =	vst v9  }
0x174: {  	s9 =	sadd.s32 $0x400, s9;
	v11 =	vmax.f32 v19, v14;
	v9 =	vmin.f32 v3, v12;
	v14 =	vperm.xlane v2, v0;
	[tilespmem:s0+$0xFFFFFFE0] =	vst v16  }
0x175: {  	_ = 	snop  }
0x176: {  	v15 =	vperm.xlane v8, v0  }
0x177: {  	[tilespmem:s0+$0xFFFFFFF0] =	vst v7;
	v5 =	vsel vm0, v5, v10  }
0x178: {  	v6 =	vsel vm0, v6, v11;
	[tilespmem:s1+$0xFFFFFFA0] =	vst v5;
	v7 =	vmin.f32 v8, v15;
	v8 =	vmax.f32 v8, v15  }
0x179: {  	v3 =	vmax.f32 v3, v12;
	v5 =	vmin.f32 v1, v13;
	[tilespmem:s1+$0xFFFFFFB0] =	vst v6;
	v7 =	vsel vm0, v7, v8  }
0x17a: {  	v1 =	vmax.f32 v1, v13;
	v3 =	vsel vm0, v9, v3;
	[tilespmem:s1+$0xFFFFFF90] =	vst v7;
	v7 =	vperm.xlane v4, v0  }
0x17b: {  	v6 =	vmin.f32 v2, v14;
	v2 =	vmax.f32 v2, v14;
	v1 =	vsel vm0, v5, v1;
	[tilespmem:s1+$0xFFFFFFC0] =	vst v3  }
0x17c: {  	v2 =	vsel vm0, v6, v2;
	[tilespmem:s1+$0xFFFFFFD0] =	vst v1;
	v3 =	vmin.f32 v4, v7;
	v4 =	vmax.f32 v4, v7  }
0x17d: {  	s14 =	sshll.u32 s28, $0xD;
	[tilespmem:s1+$0xFFFFFFE0] =	vst v2;
	v1 =	vsel vm0, v3, v4  }
0x17e: {  	p0 =	seq.s32 s28, $0x1F;
	s0 =	sadd.s32 s14, s13;
	[tilespmem:s1+$0xFFFFFFF0] =	vst v1  }
0x17f: {  	[hbm4b:s0+s4] =	stream.linear.scatter [tilespmem:s19], [sflag:$0x5], $0x4000, $0x38;
	[tilespmem:$0x18000] =	vst v63  }
0x180: {  	s0 =	sadd.s32 @!p0 s10, s30  }
0x181: {  	s0 =	sshll.u32 @!p0 s0, $0xB  }
0x182: {  	s0 =	sand.u32 @!p0 $0x1FFFE000, s0  }
0x183: {  	s1 =	simm.s32 @!p0 $0x0;
	s0 =	sadd.s32 @!p0 s2, s0  }
0x184: {  	[tilespmem:s1], [sflag:$0x1] =	stream.linear.gather @!p0 [hbm4b:s0+s1], $0x4000, $0x38;
	[tilespmem:$0x18000] =	vst v63  }
0x185: {  	_ =	swait.ge [sflag:s20], $0x4000  }
0x186: {  	[sflag:s20] =	ssyncset.done $0x0  }
0x187: {  	s0 =	simm.s32 @!p1 $0x6;
	[sflag:s20] =	ssyncadd.s32 $0xFFFFC000  }
0x188: {  	_ =	swait.ge @!p1 [sflag:s0], $0x4000  }
0x189: {  	[sflag:s0] =	ssyncset.done @!p1 $0x0  }
0x18a: {  	s15 =	simm.s32 $0x4040;
	[sflag:s0] =	ssyncadd.s32 @!p1 $0xFFFFC000  }
0x18b: {  	v1 =	vld [tilespmem:s15+$0x30]  }
0x18c: {  	v2 =	vld [tilespmem:s15+$0xFFFFFFD0]  }
0x18d: {  	v3 =	vld [tilespmem:s15+$0xFFFFFFE0]  }
0x18e: {  	v4 =	vld [tilespmem:s15+$0xFFFFFFF0]  }
0x18f: {  	v10 =	vld [tilespmem:s15+$0xFFFFFFC0];
	_ =	sdelay $0x1  }
0x190: {  	v6 =	vld [tilespmem:s15+$0x10]  }
0x191: {  	v9 =	vld [tilespmem:s15+$0x20];
	v7 =	vperm.xlane v1, v0;
	v8 =	vperm.xlane v2, v0  }
0x192: {  	v5 =	vld [tilespmem:s15+$0x0];
	v11 =	vperm.xlane v3, v0;
	v13 =	vperm.xlane v4, v0  }
0x193: {  	s14 =	simm.s32 $0x4440;
	v18 =	vperm.xlane v10, v0;
	v12 =	vmin.f32 v1, v7;
	v1 =	vmax.f32 v1, v7  }
0x194: {  	v15 =	vld [tilespmem:s14+$0x30];
	v7 =	vmin.f32 v2, v8;
	v2 =	vmax.f32 v2, v8;
	v8 =	vmin.f32 v3, v11  }
0x195: {  	v11 =	vmax.f32 v3, v11;
	v14 =	vmin.f32 v4, v13;
	v3 =	vperm.xlane v6, v0  }
0x196: {  	v4 =	vmax.f32 v4, v13;
	v13 =	vperm.xlane v9, v0;
	v21 =	vmin.f32 v10, v18  }
0x197: {  	v10 =	vmax.f32 v10, v18;
	v1 =	vsel vm0, v12, v1;
	v12 =	vperm.xlane v5, v0  }
0x198: {  	v17 =	vld [tilespmem:s14+$0xFFFFFFD0];
	v2 =	vsel vm0, v7, v2;
	v20 =	vmin.f32 v9, v13;
	v7 =	vmax.f32 v9, v13  }
0x199: {  	s15 =	simm.s32 $0x14040;
	v19 =	vld [tilespmem:s14+$0xFFFFFFE0];
	v9 =	vsel vm0, v21, v10;
	v10 =	vperm.xlane v15, v0;
	v16 =	vmin.f32 v5, v12  }
0x19a: {  	[tilespmem:s15+$0x30] =	vst v1;
	v5 =	vmax.f32 v5, v12;
	v12 =	vmin.f32 v6, v3;
	v6 =	vmax.f32 v6, v3;
	v3 =	vld [tilespmem:s14+$0xFFFFFFF0]  }
0x19b: {  	v8 =	vsel vm0, v8, v11;
	v4 =	vsel vm0, v14, v4;
	v1 =	vld [tilespmem:s14+$0x0];
	[tilespmem:s15+$0xFFFFFFD0] =	vst v2;
	v63 =	vsel vm0, v12, v6  }
0x19c: {  	v2 =	vld [tilespmem:s14+$0x10];
	[tilespmem:s15+$0xFFFFFFE0] =	vst v8;
	v6 =	vsel vm0, v20, v7;
	v7 =	vmin.f32 v15, v10;
	v8 =	vmax.f32 v15, v10  }
0x19d: {  	s7 =	simm.s32 $0x14440;
	v11 =	vperm.xlane v17, v0;
	[tilespmem:s15+$0xFFFFFFF0] =	vst v4;
	v4 =	vld [tilespmem:s14+$0x20];
	v8 =	vsel vm0, v7, v8  }
0x19e: {  	v14 =	vperm.xlane v19, v0;
	[tilespmem:s7+$0x30] =	vst v8;
	v8 =	vld [tilespmem:s14+$0xFFFFFFC0]  }
0x19f: {  	s16 =	sshll.u32 s28, $0x5;
	[tilespmem:s15+$0xFFFFFFC0] =	vst v9;
	v9 =	vsel vm0, v16, v5;
	v5 =	vmin.f32 v17, v11;
	v12 =	vperm.xlane v3, v0  }
0x1a0: {  	s9 =	simm.s32 $0x8;
	s31 =	sadd.s32 s16, s5;
	s16 =	simm.s32 $0x40F0;
	v10 =	vmax.f32 v17, v11;
	v11 =	vmax.f32 v19, v14;
	[tilespmem:s15+$0x0] =	vst v9;
	v13 =	vperm.xlane v1, v0  }
0x1a1: {  	s1 =	sadd.s32 $0x8, s31;
	s0 =	simm.s32 $0x140F0;
	v7 =	vmin.f32 v19, v14;
	[tilespmem:s15+$0x10] =	vst v63;
	s14 =	simm.s32 $0x4840;
	v14 =	vperm.xlane v2, v0;
	v9 =	vmin.f32 v3, v12  }
.LBB2_19:
0x1a2: {  	v15 =	vld [tilespmem:s14+$0x30];
	s9 =	sadd.s32 $0x8, s9;
	v12 =	vmax.f32 v3, v12;
	v16 =	vmin.f32 v1, v13;
	v3 =	vperm.xlane v4, v0;
	[tilespmem:s15+$0x20] =	vst v6;
	s15 =	smov.u32 s7  }
0x1a3: {  	v13 =	vmax.f32 v1, v13;
	v17 =	vld [tilespmem:s14+$0xFFFFFFD0];
	p1 =	slt.u32 s9, $0x78;
	v6 =	vperm.xlane v8, v0;
	v18 =	vmin.f32 v2, v14  }
0x1a4: {  	v14 =	vmax.f32 v2, v14;
	v19 =	vld [tilespmem:s14+$0xFFFFFFE0];
	v20 =	vmin.f32 v4, v3;
	v21 =	vmax.f32 v4, v3  }
0x1a5: {  	v5 =	vsel vm0, v5, v10;
	v3 =	vld [tilespmem:s14+$0xFFFFFFF0];
	v2 =	vmin.f32 v8, v6;
	v4 =	vmax.f32 v8, v6  }
0x1a6: {  	v1 =	vld [tilespmem:s14+$0x0];
	v4 =	vsel vm0, v2, v4;
	[tilespmem:s7+$0xFFFFFFD0] =	vst v5;
	v5 =	vsel vm0, v7, v11;
	v7 =	vsel vm0, v9, v12  }
0x1a7: {  	v10 =	vsel vm0, v16, v13;
	v16 =	vsel vm0, v18, v14;
	v2 =	vld [tilespmem:s14+$0x10];
	v9 =	vperm.xlane v15, v0;
	[tilespmem:s7+$0xFFFFFFC0] =	vst v4  }
.Ltmp8:
0x1a8: {  	v6 =	vsel vm0, v20, v21;
	v11 =	vperm.xlane v17, v0;
	v4 =	vld [tilespmem:s14+$0x20];
	[tilespmem:s7+$0xFFFFFFE0] =	vst v5;
	(pc) =	sbr.rel @p1 .LBB2_19-.Ltmp8, $4  }
0x1a9: {  	v8 =	vld [tilespmem:s14+$0xFFFFFFC0];
	v14 =	vperm.xlane v19, v0;
	v13 =	vmin.f32 v15, v9;
	v9 =	vmax.f32 v15, v9;
	[tilespmem:s7+$0xFFFFFFF0] =	vst v7  }
0x1aa: {  	s7 =	sadd.s32 $0x400, s7;
	v5 =	vmin.f32 v17, v11;
	v12 =	vperm.xlane v3, v0;
	v9 =	vsel vm0, v13, v9;
	[tilespmem:s15+$0x0] =	vst v10  }
0x1ab: {  	v10 =	vmax.f32 v17, v11;
	v7 =	vmin.f32 v19, v14;
	v13 =	vperm.xlane v1, v0;
	[tilespmem:s7+$0x30] =	vst v9  }
0x1ac: {  	s14 =	sadd.s32 $0x400, s14;
	v11 =	vmax.f32 v19, v14;
	v9 =	vmin.f32 v3, v12;
	v14 =	vperm.xlane v2, v0;
	[tilespmem:s15+$0x10] =	vst v16  }
0x1ad: {  	_ = 	snop  }
0x1ae: {  	v15 =	vperm.xlane v8, v0  }
0x1af: {  	[tilespmem:s15+$0x20] =	vst v6;
	v5 =	vsel vm0, v5, v10  }
0x1b0: {  	v7 =	vsel vm0, v7, v11;
	[tilespmem:s7+$0xFFFFFFD0] =	vst v5;
	v6 =	vmin.f32 v8, v15;
	v8 =	vmax.f32 v8, v15  }
0x1b1: {  	v3 =	vmax.f32 v3, v12;
	v5 =	vmin.f32 v1, v13;
	[tilespmem:s7+$0xFFFFFFE0] =	vst v7;
	v6 =	vsel vm0, v6, v8  }
0x1b2: {  	v1 =	vmax.f32 v1, v13;
	v3 =	vsel vm0, v9, v3;
	[tilespmem:s7+$0xFFFFFFC0] =	vst v6;
	v6 =	vperm.xlane v4, v0  }
0x1b3: {  	v7 =	vmin.f32 v2, v14;
	v2 =	vmax.f32 v2, v14;
	v1 =	vsel vm0, v5, v1;
	[tilespmem:s7+$0xFFFFFFF0] =	vst v3  }
0x1b4: {  	v2 =	vsel vm0, v7, v2;
	[tilespmem:s7+$0x0] =	vst v1;
	v3 =	vmin.f32 v4, v6;
	v4 =	vmax.f32 v4, v6  }
0x1b5: {  	[tilespmem:s7+$0x10] =	vst v2;
	v1 =	vsel vm0, v3, v4  }
0x1b6: {  	[tilespmem:s7+$0x20] =	vst v1  }
0x1b7: {  	v1 =	vld [tilespmem:s16+$0x0]  }
0x1b8: {  	v2 =	vld [tilespmem:s16+$0xFFFFFFA0]  }
0x1b9: {  	v3 =	vld [tilespmem:s16+$0xFFFFFFB0]  }
0x1ba: {  	v4 =	vld [tilespmem:s16+$0xFFFFFFC0]  }
0x1bb: {  	v10 =	vld [tilespmem:s16+$0xFFFFFF90];
	_ =	sdelay $0x1  }
0x1bc: {  	v6 =	vld [tilespmem:s16+$0xFFFFFFE0]  }
0x1bd: {  	v9 =	vld [tilespmem:s16+$0xFFFFFFF0];
	v7 =	vperm.xlane v1, v0;
	v8 =	vperm.xlane v2, v0  }
0x1be: {  	v5 =	vld [tilespmem:s16+$0xFFFFFFD0];
	v11 =	vperm.xlane v3, v0;
	v13 =	vperm.xlane v4, v0  }
0x1bf: {  	s14 =	simm.s32 $0x44F0;
	v18 =	vperm.xlane v10, v0;
	v12 =	vmin.f32 v1, v7;
	v1 =	vmax.f32 v1, v7  }
0x1c0: {  	v15 =	vld [tilespmem:s14+$0x0];
	v7 =	vmin.f32 v2, v8;
	v2 =	vmax.f32 v2, v8;
	v8 =	vmin.f32 v3, v11  }
0x1c1: {  	v11 =	vmax.f32 v3, v11;
	v14 =	vmin.f32 v4, v13;
	v3 =	vperm.xlane v6, v0  }
0x1c2: {  	v4 =	vmax.f32 v4, v13;
	v13 =	vperm.xlane v9, v0;
	v21 =	vmin.f32 v10, v18  }
0x1c3: {  	v10 =	vmax.f32 v10, v18;
	v1 =	vsel vm0, v12, v1;
	v12 =	vperm.xlane v5, v0  }
0x1c4: {  	v17 =	vld [tilespmem:s14+$0xFFFFFFA0];
	v2 =	vsel vm0, v7, v2;
	v20 =	vmin.f32 v9, v13;
	v7 =	vmax.f32 v9, v13  }
0x1c5: {  	v19 =	vld [tilespmem:s14+$0xFFFFFFB0];
	v9 =	vsel vm0, v21, v10;
	v10 =	vperm.xlane v15, v0;
	v16 =	vmin.f32 v5, v12  }
0x1c6: {  	[tilespmem:s0+$0x0] =	vst v1;
	v5 =	vmax.f32 v5, v12;
	v12 =	vmin.f32 v6, v3;
	v6 =	vmax.f32 v6, v3;
	v3 =	vld [tilespmem:s14+$0xFFFFFFC0]  }
0x1c7: {  	v8 =	vsel vm0, v8, v11;
	v1 =	vld [tilespmem:s14+$0xFFFFFFD0];
	[tilespmem:s0+$0xFFFFFFA0] =	vst v2  }
0x1c8: {  	v4 =	vsel vm0, v14, v4;
	v2 =	vld [tilespmem:s14+$0xFFFFFFE0];
	[tilespmem:s0+$0xFFFFFFB0] =	vst v8;
	v8 =	vmin.f32 v15, v10;
	v10 =	vmax.f32 v15, v10  }
0x1c9: {  	s7 =	simm.s32 $0x144F0;
	[tilespmem:s0+$0xFFFFFFC0] =	vst v4;
	v4 =	vld [tilespmem:s14+$0xFFFFFFF0];
	v63 =	vsel vm0, v12, v6;
	v6 =	vperm.xlane v17, v0;
	v8 =	vsel vm0, v8, v10  }
0x1ca: {  	v11 =	vperm.xlane v19, v0;
	v7 =	vsel vm0, v20, v7;
	[tilespmem:s7+$0x0] =	vst v8;
	v8 =	vld [tilespmem:s14+$0xFFFFFF90]  }
0x1cb: {  	[tilespmem:s0+$0xFFFFFF90] =	vst v9;
	v9 =	vsel vm0, v16, v5;
	v5 =	vmin.f32 v17, v6;
	v12 =	vperm.xlane v3, v0  }
0x1cc: {  	s15 =	simm.s32 $0x14170;
	[tilespmem:s0+$0xFFFFFFD0] =	vst v9;
	v10 =	vmax.f32 v17, v6;
	v6 =	vmin.f32 v19, v11;
	v13 =	vperm.xlane v1, v0  }
0x1cd: {  	s9 =	simm.s32 $0x8;
	s16 =	simm.s32 $0x4170;
	[tilespmem:s0+$0xFFFFFFE0] =	vst v63;
	v11 =	vmax.f32 v19, v11;
	s14 =	simm.s32 $0x48F0;
	v14 =	vperm.xlane v2, v0;
	v9 =	vmin.f32 v3, v12  }
.LBB2_21:
0x1ce: {  	v15 =	vld [tilespmem:s14+$0x0];
	s9 =	sadd.s32 $0x8, s9;
	v12 =	vmax.f32 v3, v12;
	v16 =	vmin.f32 v1, v13;
	v3 =	vperm.xlane v4, v0;
	[tilespmem:s0+$0xFFFFFFF0] =	vst v7;
	s0 =	smov.u32 s7  }
0x1cf: {  	v13 =	vmax.f32 v1, v13;
	v17 =	vld [tilespmem:s14+$0xFFFFFFA0];
	p1 =	slt.u32 s9, $0x78;
	v7 =	vperm.xlane v8, v0;
	v18 =	vmin.f32 v2, v14  }
0x1d0: {  	v14 =	vmax.f32 v2, v14;
	v19 =	vld [tilespmem:s14+$0xFFFFFFB0];
	v20 =	vmin.f32 v4, v3;
	v21 =	vmax.f32 v4, v3  }
0x1d1: {  	v5 =	vsel vm0, v5, v10;
	v3 =	vld [tilespmem:s14+$0xFFFFFFC0];
	v2 =	vmin.f32 v8, v7;
	v4 =	vmax.f32 v8, v7  }
0x1d2: {  	v1 =	vld [tilespmem:s14+$0xFFFFFFD0];
	v4 =	vsel vm0, v2, v4;
	[tilespmem:s7+$0xFFFFFFA0] =	vst v5;
	v5 =	vsel vm0, v6, v11;
	v6 =	vsel vm0, v9, v12  }
0x1d3: {  	v10 =	vsel vm0, v16, v13;
	v16 =	vsel vm0, v18, v14;
	v2 =	vld [tilespmem:s14+$0xFFFFFFE0];
	v9 =	vperm.xlane v15, v0;
	[tilespmem:s7+$0xFFFFFF90] =	vst v4  }
.Ltmp9:
0x1d4: {  	v7 =	vsel vm0, v20, v21;
	v11 =	vperm.xlane v17, v0;
	v4 =	vld [tilespmem:s14+$0xFFFFFFF0];
	[tilespmem:s7+$0xFFFFFFB0] =	vst v5;
	(pc) =	sbr.rel @p1 .LBB2_21-.Ltmp9, $4  }
0x1d5: {  	v8 =	vld [tilespmem:s14+$0xFFFFFF90];
	v14 =	vperm.xlane v19, v0;
	v13 =	vmin.f32 v15, v9;
	v9 =	vmax.f32 v15, v9;
	[tilespmem:s7+$0xFFFFFFC0] =	vst v6  }
0x1d6: {  	s7 =	sadd.s32 $0x400, s7;
	v5 =	vmin.f32 v17, v11;
	v12 =	vperm.xlane v3, v0;
	v9 =	vsel vm0, v13, v9;
	[tilespmem:s0+$0xFFFFFFD0] =	vst v10  }
0x1d7: {  	v10 =	vmax.f32 v17, v11;
	v6 =	vmin.f32 v19, v14;
	v13 =	vperm.xlane v1, v0;
	[tilespmem:s7+$0x0] =	vst v9  }
0x1d8: {  	s14 =	sadd.s32 $0x400, s14;
	v11 =	vmax.f32 v19, v14;
	v9 =	vmin.f32 v3, v12;
	v14 =	vperm.xlane v2, v0;
	[tilespmem:s0+$0xFFFFFFE0] =	vst v16  }
0x1d9: {  	_ = 	snop  }
0x1da: {  	v15 =	vperm.xlane v8, v0  }
0x1db: {  	[tilespmem:s0+$0xFFFFFFF0] =	vst v7;
	v5 =	vsel vm0, v5, v10  }
0x1dc: {  	v6 =	vsel vm0, v6, v11;
	[tilespmem:s7+$0xFFFFFFA0] =	vst v5;
	v7 =	vmin.f32 v8, v15;
	v8 =	vmax.f32 v8, v15  }
0x1dd: {  	v3 =	vmax.f32 v3, v12;
	v5 =	vmin.f32 v1, v13;
	[tilespmem:s7+$0xFFFFFFB0] =	vst v6;
	v7 =	vsel vm0, v7, v8  }
0x1de: {  	v1 =	vmax.f32 v1, v13;
	v3 =	vsel vm0, v9, v3;
	[tilespmem:s7+$0xFFFFFF90] =	vst v7;
	v7 =	vperm.xlane v4, v0  }
0x1df: {  	v6 =	vmin.f32 v2, v14;
	v2 =	vmax.f32 v2, v14;
	v1 =	vsel vm0, v5, v1;
	[tilespmem:s7+$0xFFFFFFC0] =	vst v3  }
0x1e0: {  	v2 =	vsel vm0, v6, v2;
	[tilespmem:s7+$0xFFFFFFD0] =	vst v1;
	v3 =	vmin.f32 v4, v7;
	v4 =	vmax.f32 v4, v7  }
0x1e1: {  	[tilespmem:s7+$0xFFFFFFE0] =	vst v2;
	v1 =	vsel vm0, v3, v4  }
0x1e2: {  	[tilespmem:s7+$0xFFFFFFF0] =	vst v1  }
0x1e3: {  	v1 =	vld [tilespmem:s16+$0x0]  }
0x1e4: {  	v2 =	vld [tilespmem:s16+$0xFFFFFFA0]  }
0x1e5: {  	v3 =	vld [tilespmem:s16+$0xFFFFFFB0]  }
0x1e6: {  	v4 =	vld [tilespmem:s16+$0xFFFFFFC0]  }
0x1e7: {  	v10 =	vld [tilespmem:s16+$0xFFFFFF90];
	_ =	sdelay $0x1  }
0x1e8: {  	v6 =	vld [tilespmem:s16+$0xFFFFFFE0]  }
0x1e9: {  	v9 =	vld [tilespmem:s16+$0xFFFFFFF0];
	v7 =	vperm.xlane v1, v0;
	v8 =	vperm.xlane v2, v0  }
0x1ea: {  	v5 =	vld [tilespmem:s16+$0xFFFFFFD0];
	v11 =	vperm.xlane v3, v0;
	v13 =	vperm.xlane v4, v0  }
0x1eb: {  	s14 =	simm.s32 $0x4570;
	v18 =	vperm.xlane v10, v0;
	v12 =	vmin.f32 v1, v7;
	v1 =	vmax.f32 v1, v7  }
0x1ec: {  	v15 =	vld [tilespmem:s14+$0x0];
	v7 =	vmin.f32 v2, v8;
	v2 =	vmax.f32 v2, v8;
	v8 =	vmin.f32 v3, v11  }
0x1ed: {  	v11 =	vmax.f32 v3, v11;
	v14 =	vmin.f32 v4, v13;
	v3 =	vperm.xlane v6, v0  }
0x1ee: {  	v4 =	vmax.f32 v4, v13;
	v13 =	vperm.xlane v9, v0;
	v21 =	vmin.f32 v10, v18  }
0x1ef: {  	v10 =	vmax.f32 v10, v18;
	v1 =	vsel vm0, v12, v1;
	v12 =	vperm.xlane v5, v0  }
0x1f0: {  	v17 =	vld [tilespmem:s14+$0xFFFFFFA0];
	v2 =	vsel vm0, v7, v2;
	v20 =	vmin.f32 v9, v13;
	v7 =	vmax.f32 v9, v13  }
0x1f1: {  	v19 =	vld [tilespmem:s14+$0xFFFFFFB0];
	v9 =	vsel vm0, v21, v10;
	v10 =	vperm.xlane v15, v0;
	v16 =	vmin.f32 v5, v12  }
0x1f2: {  	[tilespmem:s15+$0x0] =	vst v1;
	v5 =	vmax.f32 v5, v12;
	v12 =	vmin.f32 v6, v3;
	v6 =	vmax.f32 v6, v3;
	v3 =	vld [tilespmem:s14+$0xFFFFFFC0]  }
0x1f3: {  	v8 =	vsel vm0, v8, v11;
	v1 =	vld [tilespmem:s14+$0xFFFFFFD0];
	[tilespmem:s15+$0xFFFFFFA0] =	vst v2  }
0x1f4: {  	v4 =	vsel vm0, v14, v4;
	v2 =	vld [tilespmem:s14+$0xFFFFFFE0];
	[tilespmem:s15+$0xFFFFFFB0] =	vst v8;
	v8 =	vmin.f32 v15, v10;
	v10 =	vmax.f32 v15, v10  }
0x1f5: {  	s7 =	simm.s32 $0x14570;
	[tilespmem:s15+$0xFFFFFFC0] =	vst v4;
	v4 =	vld [tilespmem:s14+$0xFFFFFFF0];
	v63 =	vsel vm0, v12, v6;
	v6 =	vperm.xlane v17, v0;
	v8 =	vsel vm0, v8, v10  }
0x1f6: {  	v11 =	vperm.xlane v19, v0;
	v7 =	vsel vm0, v20, v7;
	[tilespmem:s7+$0x0] =	vst v8;
	v8 =	vld [tilespmem:s14+$0xFFFFFF90]  }
0x1f7: {  	[tilespmem:s15+$0xFFFFFF90] =	vst v9;
	v9 =	vsel vm0, v16, v5;
	v5 =	vmin.f32 v17, v6;
	v12 =	vperm.xlane v3, v0  }
0x1f8: {  	s0 =	simm.s32 $0x141F0;
	[tilespmem:s15+$0xFFFFFFD0] =	vst v9;
	v10 =	vmax.f32 v17, v6;
	v6 =	vmin.f32 v19, v11;
	v13 =	vperm.xlane v1, v0  }
0x1f9: {  	s9 =	simm.s32 $0x8;
	s16 =	simm.s32 $0x41F0;
	[tilespmem:s15+$0xFFFFFFE0] =	vst v63;
	v11 =	vmax.f32 v19, v11;
	s14 =	simm.s32 $0x4970;
	v14 =	vperm.xlane v2, v0;
	v9 =	vmin.f32 v3, v12  }
.LBB2_23:
0x1fa: {  	v15 =	vld [tilespmem:s14+$0x0];
	s9 =	sadd.s32 $0x8, s9;
	v12 =	vmax.f32 v3, v12;
	v16 =	vmin.f32 v1, v13;
	v3 =	vperm.xlane v4, v0;
	[tilespmem:s15+$0xFFFFFFF0] =	vst v7;
	s15 =	smov.u32 s7  }
0x1fb: {  	v13 =	vmax.f32 v1, v13;
	v17 =	vld [tilespmem:s14+$0xFFFFFFA0];
	p1 =	slt.u32 s9, $0x78;
	v7 =	vperm.xlane v8, v0;
	v18 =	vmin.f32 v2, v14  }
0x1fc: {  	v14 =	vmax.f32 v2, v14;
	v19 =	vld [tilespmem:s14+$0xFFFFFFB0];
	v20 =	vmin.f32 v4, v3;
	v21 =	vmax.f32 v4, v3  }
0x1fd: {  	v5 =	vsel vm0, v5, v10;
	v3 =	vld [tilespmem:s14+$0xFFFFFFC0];
	v2 =	vmin.f32 v8, v7;
	v4 =	vmax.f32 v8, v7  }
0x1fe: {  	v1 =	vld [tilespmem:s14+$0xFFFFFFD0];
	v4 =	vsel vm0, v2, v4;
	[tilespmem:s7+$0xFFFFFFA0] =	vst v5;
	v5 =	vsel vm0, v6, v11;
	v6 =	vsel vm0, v9, v12  }
0x1ff: {  	v10 =	vsel vm0, v16, v13;
	v16 =	vsel vm0, v18, v14;
	v2 =	vld [tilespmem:s14+$0xFFFFFFE0];
	v9 =	vperm.xlane v15, v0;
	[tilespmem:s7+$0xFFFFFF90] =	vst v4  }
.Ltmp10:
0x200: {  	v7 =	vsel vm0, v20, v21;
	v11 =	vperm.xlane v17, v0;
	v4 =	vld [tilespmem:s14+$0xFFFFFFF0];
	[tilespmem:s7+$0xFFFFFFB0] =	vst v5;
	(pc) =	sbr.rel @p1 .LBB2_23-.Ltmp10, $4  }
0x201: {  	v8 =	vld [tilespmem:s14+$0xFFFFFF90];
	v14 =	vperm.xlane v19, v0;
	v13 =	vmin.f32 v15, v9;
	v9 =	vmax.f32 v15, v9;
	[tilespmem:s7+$0xFFFFFFC0] =	vst v6  }
0x202: {  	s7 =	sadd.s32 $0x400, s7;
	v5 =	vmin.f32 v17, v11;
	v12 =	vperm.xlane v3, v0;
	v9 =	vsel vm0, v13, v9;
	[tilespmem:s15+$0xFFFFFFD0] =	vst v10  }
0x203: {  	v10 =	vmax.f32 v17, v11;
	v6 =	vmin.f32 v19, v14;
	v13 =	vperm.xlane v1, v0;
	[tilespmem:s7+$0x0] =	vst v9  }
0x204: {  	s14 =	sadd.s32 $0x400, s14;
	v11 =	vmax.f32 v19, v14;
	v9 =	vmin.f32 v3, v12;
	v14 =	vperm.xlane v2, v0;
	[tilespmem:s15+$0xFFFFFFE0] =	vst v16  }
0x205: {  	_ = 	snop  }
0x206: {  	v15 =	vperm.xlane v8, v0  }
0x207: {  	[tilespmem:s15+$0xFFFFFFF0] =	vst v7;
	v5 =	vsel vm0, v5, v10  }
0x208: {  	v6 =	vsel vm0, v6, v11;
	[tilespmem:s7+$0xFFFFFFA0] =	vst v5;
	v7 =	vmin.f32 v8, v15;
	v8 =	vmax.f32 v8, v15  }
0x209: {  	v3 =	vmax.f32 v3, v12;
	v5 =	vmin.f32 v1, v13;
	[tilespmem:s7+$0xFFFFFFB0] =	vst v6;
	v7 =	vsel vm0, v7, v8  }
0x20a: {  	v1 =	vmax.f32 v1, v13;
	v3 =	vsel vm0, v9, v3;
	[tilespmem:s7+$0xFFFFFF90] =	vst v7;
	v7 =	vperm.xlane v4, v0  }
0x20b: {  	v6 =	vmin.f32 v2, v14;
	v2 =	vmax.f32 v2, v14;
	v1 =	vsel vm0, v5, v1;
	[tilespmem:s7+$0xFFFFFFC0] =	vst v3  }
0x20c: {  	v2 =	vsel vm0, v6, v2;
	[tilespmem:s7+$0xFFFFFFD0] =	vst v1;
	v3 =	vmin.f32 v4, v7;
	v4 =	vmax.f32 v4, v7  }
0x20d: {  	[tilespmem:s7+$0xFFFFFFE0] =	vst v2;
	v1 =	vsel vm0, v3, v4  }
0x20e: {  	[tilespmem:s7+$0xFFFFFFF0] =	vst v1  }
0x20f: {  	v1 =	vld [tilespmem:s16+$0x0]  }
0x210: {  	v2 =	vld [tilespmem:s16+$0xFFFFFFA0]  }
0x211: {  	v3 =	vld [tilespmem:s16+$0xFFFFFFB0]  }
0x212: {  	v4 =	vld [tilespmem:s16+$0xFFFFFFC0]  }
0x213: {  	v10 =	vld [tilespmem:s16+$0xFFFFFF90];
	_ =	sdelay $0x1  }
0x214: {  	v6 =	vld [tilespmem:s16+$0xFFFFFFE0]  }
0x215: {  	v9 =	vld [tilespmem:s16+$0xFFFFFFF0];
	v7 =	vperm.xlane v1, v0;
	v8 =	vperm.xlane v2, v0  }
0x216: {  	v5 =	vld [tilespmem:s16+$0xFFFFFFD0];
	v11 =	vperm.xlane v3, v0;
	v13 =	vperm.xlane v4, v0  }
0x217: {  	s14 =	simm.s32 $0x45F0;
	v18 =	vperm.xlane v10, v0;
	v12 =	vmin.f32 v1, v7;
	v1 =	vmax.f32 v1, v7  }
0x218: {  	v15 =	vld [tilespmem:s14+$0x0];
	v7 =	vmin.f32 v2, v8;
	v2 =	vmax.f32 v2, v8;
	v8 =	vmin.f32 v3, v11  }
0x219: {  	v11 =	vmax.f32 v3, v11;
	v14 =	vmin.f32 v4, v13;
	v3 =	vperm.xlane v6, v0  }
0x21a: {  	v4 =	vmax.f32 v4, v13;
	v13 =	vperm.xlane v9, v0;
	v21 =	vmin.f32 v10, v18  }
0x21b: {  	v10 =	vmax.f32 v10, v18;
	v1 =	vsel vm0, v12, v1;
	v12 =	vperm.xlane v5, v0  }
0x21c: {  	v17 =	vld [tilespmem:s14+$0xFFFFFFA0];
	v2 =	vsel vm0, v7, v2;
	v20 =	vmin.f32 v9, v13;
	v7 =	vmax.f32 v9, v13  }
0x21d: {  	v19 =	vld [tilespmem:s14+$0xFFFFFFB0];
	v9 =	vsel vm0, v21, v10;
	v10 =	vperm.xlane v15, v0;
	v16 =	vmin.f32 v5, v12  }
0x21e: {  	[tilespmem:s0+$0x0] =	vst v1;
	v5 =	vmax.f32 v5, v12;
	v12 =	vmin.f32 v6, v3;
	v6 =	vmax.f32 v6, v3;
	v3 =	vld [tilespmem:s14+$0xFFFFFFC0]  }
0x21f: {  	v8 =	vsel vm0, v8, v11;
	v1 =	vld [tilespmem:s14+$0xFFFFFFD0];
	[tilespmem:s0+$0xFFFFFFA0] =	vst v2  }
0x220: {  	v4 =	vsel vm0, v14, v4;
	v2 =	vld [tilespmem:s14+$0xFFFFFFE0];
	[tilespmem:s0+$0xFFFFFFB0] =	vst v8;
	v8 =	vmin.f32 v15, v10;
	v10 =	vmax.f32 v15, v10  }
0x221: {  	s7 =	simm.s32 $0x145F0;
	[tilespmem:s0+$0xFFFFFFC0] =	vst v4;
	v4 =	vld [tilespmem:s14+$0xFFFFFFF0];
	v63 =	vsel vm0, v12, v6;
	v6 =	vperm.xlane v17, v0;
	v8 =	vsel vm0, v8, v10  }
0x222: {  	v11 =	vperm.xlane v19, v0;
	v7 =	vsel vm0, v20, v7;
	[tilespmem:s7+$0x0] =	vst v8;
	v8 =	vld [tilespmem:s14+$0xFFFFFF90]  }
0x223: {  	[tilespmem:s0+$0xFFFFFF90] =	vst v9;
	v9 =	vsel vm0, v16, v5;
	v5 =	vmin.f32 v17, v6;
	v12 =	vperm.xlane v3, v0  }
0x224: {  	s15 =	simm.s32 $0x14270;
	[tilespmem:s0+$0xFFFFFFD0] =	vst v9;
	v10 =	vmax.f32 v17, v6;
	v6 =	vmin.f32 v19, v11;
	v13 =	vperm.xlane v1, v0  }
0x225: {  	s9 =	simm.s32 $0x8;
	s16 =	simm.s32 $0x4270;
	[tilespmem:s0+$0xFFFFFFE0] =	vst v63;
	v11 =	vmax.f32 v19, v11;
	s14 =	simm.s32 $0x49F0;
	v14 =	vperm.xlane v2, v0;
	v9 =	vmin.f32 v3, v12  }
.LBB2_25:
0x226: {  	v15 =	vld [tilespmem:s14+$0x0];
	s9 =	sadd.s32 $0x8, s9;
	v12 =	vmax.f32 v3, v12;
	v16 =	vmin.f32 v1, v13;
	v3 =	vperm.xlane v4, v0;
	[tilespmem:s0+$0xFFFFFFF0] =	vst v7;
	s0 =	smov.u32 s7  }
0x227: {  	v13 =	vmax.f32 v1, v13;
	v17 =	vld [tilespmem:s14+$0xFFFFFFA0];
	p1 =	slt.u32 s9, $0x78;
	v7 =	vperm.xlane v8, v0;
	v18 =	vmin.f32 v2, v14  }
0x228: {  	v14 =	vmax.f32 v2, v14;
	v19 =	vld [tilespmem:s14+$0xFFFFFFB0];
	v20 =	vmin.f32 v4, v3;
	v21 =	vmax.f32 v4, v3  }
0x229: {  	v5 =	vsel vm0, v5, v10;
	v3 =	vld [tilespmem:s14+$0xFFFFFFC0];
	v2 =	vmin.f32 v8, v7;
	v4 =	vmax.f32 v8, v7  }
0x22a: {  	v1 =	vld [tilespmem:s14+$0xFFFFFFD0];
	v4 =	vsel vm0, v2, v4;
	[tilespmem:s7+$0xFFFFFFA0] =	vst v5;
	v5 =	vsel vm0, v6, v11;
	v6 =	vsel vm0, v9, v12  }
0x22b: {  	v10 =	vsel vm0, v16, v13;
	v16 =	vsel vm0, v18, v14;
	v2 =	vld [tilespmem:s14+$0xFFFFFFE0];
	v9 =	vperm.xlane v15, v0;
	[tilespmem:s7+$0xFFFFFF90] =	vst v4  }
.Ltmp11:
0x22c: {  	v7 =	vsel vm0, v20, v21;
	v11 =	vperm.xlane v17, v0;
	v4 =	vld [tilespmem:s14+$0xFFFFFFF0];
	[tilespmem:s7+$0xFFFFFFB0] =	vst v5;
	(pc) =	sbr.rel @p1 .LBB2_25-.Ltmp11, $4  }
0x22d: {  	v8 =	vld [tilespmem:s14+$0xFFFFFF90];
	v14 =	vperm.xlane v19, v0;
	v13 =	vmin.f32 v15, v9;
	v9 =	vmax.f32 v15, v9;
	[tilespmem:s7+$0xFFFFFFC0] =	vst v6  }
0x22e: {  	s7 =	sadd.s32 $0x400, s7;
	v5 =	vmin.f32 v17, v11;
	v12 =	vperm.xlane v3, v0;
	v9 =	vsel vm0, v13, v9;
	[tilespmem:s0+$0xFFFFFFD0] =	vst v10  }
0x22f: {  	v10 =	vmax.f32 v17, v11;
	v6 =	vmin.f32 v19, v14;
	v13 =	vperm.xlane v1, v0;
	[tilespmem:s7+$0x0] =	vst v9  }
0x230: {  	s14 =	sadd.s32 $0x400, s14;
	v11 =	vmax.f32 v19, v14;
	v9 =	vmin.f32 v3, v12;
	v14 =	vperm.xlane v2, v0;
	[tilespmem:s0+$0xFFFFFFE0] =	vst v16  }
0x231: {  	_ = 	snop  }
0x232: {  	v15 =	vperm.xlane v8, v0  }
0x233: {  	[tilespmem:s0+$0xFFFFFFF0] =	vst v7;
	v5 =	vsel vm0, v5, v10  }
0x234: {  	v6 =	vsel vm0, v6, v11;
	[tilespmem:s7+$0xFFFFFFA0] =	vst v5;
	v7 =	vmin.f32 v8, v15;
	v8 =	vmax.f32 v8, v15  }
0x235: {  	v3 =	vmax.f32 v3, v12;
	v5 =	vmin.f32 v1, v13;
	[tilespmem:s7+$0xFFFFFFB0] =	vst v6;
	v7 =	vsel vm0, v7, v8  }
0x236: {  	v1 =	vmax.f32 v1, v13;
	v3 =	vsel vm0, v9, v3;
	[tilespmem:s7+$0xFFFFFF90] =	vst v7;
	v7 =	vperm.xlane v4, v0  }
0x237: {  	v6 =	vmin.f32 v2, v14;
	v2 =	vmax.f32 v2, v14;
	v1 =	vsel vm0, v5, v1;
	[tilespmem:s7+$0xFFFFFFC0] =	vst v3  }
0x238: {  	v2 =	vsel vm0, v6, v2;
	[tilespmem:s7+$0xFFFFFFD0] =	vst v1;
	v3 =	vmin.f32 v4, v7;
	v4 =	vmax.f32 v4, v7  }
0x239: {  	[tilespmem:s7+$0xFFFFFFE0] =	vst v2;
	v1 =	vsel vm0, v3, v4  }
0x23a: {  	[tilespmem:s7+$0xFFFFFFF0] =	vst v1  }
0x23b: {  	v1 =	vld [tilespmem:s16+$0x0]  }
0x23c: {  	v2 =	vld [tilespmem:s16+$0xFFFFFFA0]  }
0x23d: {  	v3 =	vld [tilespmem:s16+$0xFFFFFFB0]  }
0x23e: {  	v4 =	vld [tilespmem:s16+$0xFFFFFFC0]  }
0x23f: {  	v10 =	vld [tilespmem:s16+$0xFFFFFF90];
	_ =	sdelay $0x1  }
0x240: {  	v6 =	vld [tilespmem:s16+$0xFFFFFFE0]  }
0x241: {  	v9 =	vld [tilespmem:s16+$0xFFFFFFF0];
	v7 =	vperm.xlane v1, v0;
	v8 =	vperm.xlane v2, v0  }
0x242: {  	v5 =	vld [tilespmem:s16+$0xFFFFFFD0];
	v11 =	vperm.xlane v3, v0;
	v13 =	vperm.xlane v4, v0  }
0x243: {  	s14 =	simm.s32 $0x4670;
	v18 =	vperm.xlane v10, v0;
	v12 =	vmin.f32 v1, v7;
	v1 =	vmax.f32 v1, v7  }
0x244: {  	v15 =	vld [tilespmem:s14+$0x0];
	v7 =	vmin.f32 v2, v8;
	v2 =	vmax.f32 v2, v8;
	v8 =	vmin.f32 v3, v11  }
0x245: {  	v11 =	vmax.f32 v3, v11;
	v14 =	vmin.f32 v4, v13;
	v3 =	vperm.xlane v6, v0  }
0x246: {  	v4 =	vmax.f32 v4, v13;
	v13 =	vperm.xlane v9, v0;
	v21 =	vmin.f32 v10, v18  }
0x247: {  	v10 =	vmax.f32 v10, v18;
	v1 =	vsel vm0, v12, v1;
	v12 =	vperm.xlane v5, v0  }
0x248: {  	v17 =	vld [tilespmem:s14+$0xFFFFFFA0];
	v2 =	vsel vm0, v7, v2;
	v20 =	vmin.f32 v9, v13;
	v7 =	vmax.f32 v9, v13  }
0x249: {  	v19 =	vld [tilespmem:s14+$0xFFFFFFB0];
	v9 =	vsel vm0, v21, v10;
	v10 =	vperm.xlane v15, v0;
	v16 =	vmin.f32 v5, v12  }
0x24a: {  	[tilespmem:s15+$0x0] =	vst v1;
	v5 =	vmax.f32 v5, v12;
	v12 =	vmin.f32 v6, v3;
	v6 =	vmax.f32 v6, v3;
	v3 =	vld [tilespmem:s14+$0xFFFFFFC0]  }
0x24b: {  	v8 =	vsel vm0, v8, v11;
	v1 =	vld [tilespmem:s14+$0xFFFFFFD0];
	[tilespmem:s15+$0xFFFFFFA0] =	vst v2  }
0x24c: {  	v4 =	vsel vm0, v14, v4;
	v2 =	vld [tilespmem:s14+$0xFFFFFFE0];
	[tilespmem:s15+$0xFFFFFFB0] =	vst v8;
	v8 =	vmin.f32 v15, v10;
	v10 =	vmax.f32 v15, v10  }
0x24d: {  	s7 =	simm.s32 $0x14670;
	[tilespmem:s15+$0xFFFFFFC0] =	vst v4;
	v4 =	vld [tilespmem:s14+$0xFFFFFFF0];
	v63 =	vsel vm0, v12, v6;
	v6 =	vperm.xlane v17, v0;
	v8 =	vsel vm0, v8, v10  }
0x24e: {  	v11 =	vperm.xlane v19, v0;
	v7 =	vsel vm0, v20, v7;
	[tilespmem:s7+$0x0] =	vst v8;
	v8 =	vld [tilespmem:s14+$0xFFFFFF90]  }
0x24f: {  	[tilespmem:s15+$0xFFFFFF90] =	vst v9;
	v9 =	vsel vm0, v16, v5;
	v5 =	vmin.f32 v17, v6;
	v12 =	vperm.xlane v3, v0  }
0x250: {  	s0 =	simm.s32 $0x142F0;
	[tilespmem:s15+$0xFFFFFFD0] =	vst v9;
	v10 =	vmax.f32 v17, v6;
	v6 =	vmin.f32 v19, v11;
	v13 =	vperm.xlane v1, v0  }
0x251: {  	s9 =	simm.s32 $0x8;
	s16 =	simm.s32 $0x42F0;
	[tilespmem:s15+$0xFFFFFFE0] =	vst v63;
	v11 =	vmax.f32 v19, v11;
	s14 =	simm.s32 $0x4A70;
	v14 =	vperm.xlane v2, v0;
	v9 =	vmin.f32 v3, v12  }
.LBB2_27:
0x252: {  	v15 =	vld [tilespmem:s14+$0x0];
	s9 =	sadd.s32 $0x8, s9;
	v12 =	vmax.f32 v3, v12;
	v16 =	vmin.f32 v1, v13;
	v3 =	vperm.xlane v4, v0;
	[tilespmem:s15+$0xFFFFFFF0] =	vst v7;
	s15 =	smov.u32 s7  }
0x253: {  	v13 =	vmax.f32 v1, v13;
	v17 =	vld [tilespmem:s14+$0xFFFFFFA0];
	p1 =	slt.u32 s9, $0x78;
	v7 =	vperm.xlane v8, v0;
	v18 =	vmin.f32 v2, v14  }
0x254: {  	v14 =	vmax.f32 v2, v14;
	v19 =	vld [tilespmem:s14+$0xFFFFFFB0];
	v20 =	vmin.f32 v4, v3;
	v21 =	vmax.f32 v4, v3  }
0x255: {  	v5 =	vsel vm0, v5, v10;
	v3 =	vld [tilespmem:s14+$0xFFFFFFC0];
	v2 =	vmin.f32 v8, v7;
	v4 =	vmax.f32 v8, v7  }
0x256: {  	v1 =	vld [tilespmem:s14+$0xFFFFFFD0];
	v4 =	vsel vm0, v2, v4;
	[tilespmem:s7+$0xFFFFFFA0] =	vst v5;
	v5 =	vsel vm0, v6, v11;
	v6 =	vsel vm0, v9, v12  }
0x257: {  	v10 =	vsel vm0, v16, v13;
	v16 =	vsel vm0, v18, v14;
	v2 =	vld [tilespmem:s14+$0xFFFFFFE0];
	v9 =	vperm.xlane v15, v0;
	[tilespmem:s7+$0xFFFFFF90] =	vst v4  }
.Ltmp12:
0x258: {  	v7 =	vsel vm0, v20, v21;
	v11 =	vperm.xlane v17, v0;
	v4 =	vld [tilespmem:s14+$0xFFFFFFF0];
	[tilespmem:s7+$0xFFFFFFB0] =	vst v5;
	(pc) =	sbr.rel @p1 .LBB2_27-.Ltmp12, $4  }
0x259: {  	v8 =	vld [tilespmem:s14+$0xFFFFFF90];
	v14 =	vperm.xlane v19, v0;
	v13 =	vmin.f32 v15, v9;
	v9 =	vmax.f32 v15, v9;
	[tilespmem:s7+$0xFFFFFFC0] =	vst v6  }
0x25a: {  	s7 =	sadd.s32 $0x400, s7;
	v5 =	vmin.f32 v17, v11;
	v12 =	vperm.xlane v3, v0;
	v9 =	vsel vm0, v13, v9;
	[tilespmem:s15+$0xFFFFFFD0] =	vst v10  }
0x25b: {  	v10 =	vmax.f32 v17, v11;
	v6 =	vmin.f32 v19, v14;
	v13 =	vperm.xlane v1, v0;
	[tilespmem:s7+$0x0] =	vst v9  }
0x25c: {  	s14 =	sadd.s32 $0x400, s14;
	v11 =	vmax.f32 v19, v14;
	v9 =	vmin.f32 v3, v12;
	v14 =	vperm.xlane v2, v0;
	[tilespmem:s15+$0xFFFFFFE0] =	vst v16  }
0x25d: {  	_ = 	snop  }
0x25e: {  	v15 =	vperm.xlane v8, v0  }
0x25f: {  	[tilespmem:s15+$0xFFFFFFF0] =	vst v7;
	v5 =	vsel vm0, v5, v10  }
0x260: {  	v6 =	vsel vm0, v6, v11;
	[tilespmem:s7+$0xFFFFFFA0] =	vst v5;
	v7 =	vmin.f32 v8, v15;
	v8 =	vmax.f32 v8, v15  }
0x261: {  	v3 =	vmax.f32 v3, v12;
	v5 =	vmin.f32 v1, v13;
	[tilespmem:s7+$0xFFFFFFB0] =	vst v6;
	v7 =	vsel vm0, v7, v8  }
0x262: {  	v1 =	vmax.f32 v1, v13;
	v3 =	vsel vm0, v9, v3;
	[tilespmem:s7+$0xFFFFFF90] =	vst v7;
	v7 =	vperm.xlane v4, v0  }
0x263: {  	v6 =	vmin.f32 v2, v14;
	v2 =	vmax.f32 v2, v14;
	v1 =	vsel vm0, v5, v1;
	[tilespmem:s7+$0xFFFFFFC0] =	vst v3  }
0x264: {  	v2 =	vsel vm0, v6, v2;
	[tilespmem:s7+$0xFFFFFFD0] =	vst v1;
	v3 =	vmin.f32 v4, v7;
	v4 =	vmax.f32 v4, v7  }
0x265: {  	[tilespmem:s7+$0xFFFFFFE0] =	vst v2;
	v1 =	vsel vm0, v3, v4  }
0x266: {  	[tilespmem:s7+$0xFFFFFFF0] =	vst v1  }
0x267: {  	v1 =	vld [tilespmem:s16+$0x0]  }
0x268: {  	v2 =	vld [tilespmem:s16+$0xFFFFFFA0]  }
0x269: {  	v3 =	vld [tilespmem:s16+$0xFFFFFFB0]  }
0x26a: {  	v4 =	vld [tilespmem:s16+$0xFFFFFFC0]  }
0x26b: {  	v10 =	vld [tilespmem:s16+$0xFFFFFF90];
	_ =	sdelay $0x1  }
0x26c: {  	v6 =	vld [tilespmem:s16+$0xFFFFFFE0]  }
0x26d: {  	v9 =	vld [tilespmem:s16+$0xFFFFFFF0];
	v7 =	vperm.xlane v1, v0;
	v8 =	vperm.xlane v2, v0  }
0x26e: {  	v5 =	vld [tilespmem:s16+$0xFFFFFFD0];
	v11 =	vperm.xlane v3, v0;
	v13 =	vperm.xlane v4, v0  }
0x26f: {  	s14 =	simm.s32 $0x46F0;
	v18 =	vperm.xlane v10, v0;
	v12 =	vmin.f32 v1, v7;
	v1 =	vmax.f32 v1, v7  }
0x270: {  	v15 =	vld [tilespmem:s14+$0x0];
	v7 =	vmin.f32 v2, v8;
	v2 =	vmax.f32 v2, v8;
	v8 =	vmin.f32 v3, v11  }
0x271: {  	v11 =	vmax.f32 v3, v11;
	v14 =	vmin.f32 v4, v13;
	v3 =	vperm.xlane v6, v0  }
0x272: {  	v4 =	vmax.f32 v4, v13;
	v13 =	vperm.xlane v9, v0;
	v21 =	vmin.f32 v10, v18  }
0x273: {  	v10 =	vmax.f32 v10, v18;
	v1 =	vsel vm0, v12, v1;
	v12 =	vperm.xlane v5, v0  }
0x274: {  	v17 =	vld [tilespmem:s14+$0xFFFFFFA0];
	v2 =	vsel vm0, v7, v2;
	v20 =	vmin.f32 v9, v13;
	v7 =	vmax.f32 v9, v13  }
0x275: {  	v19 =	vld [tilespmem:s14+$0xFFFFFFB0];
	v9 =	vsel vm0, v21, v10;
	v10 =	vperm.xlane v15, v0;
	v16 =	vmin.f32 v5, v12  }
0x276: {  	[tilespmem:s0+$0x0] =	vst v1;
	v5 =	vmax.f32 v5, v12;
	v12 =	vmin.f32 v6, v3;
	v6 =	vmax.f32 v6, v3;
	v3 =	vld [tilespmem:s14+$0xFFFFFFC0]  }
0x277: {  	v8 =	vsel vm0, v8, v11;
	v1 =	vld [tilespmem:s14+$0xFFFFFFD0];
	[tilespmem:s0+$0xFFFFFFA0] =	vst v2  }
0x278: {  	v4 =	vsel vm0, v14, v4;
	v2 =	vld [tilespmem:s14+$0xFFFFFFE0];
	[tilespmem:s0+$0xFFFFFFB0] =	vst v8;
	v8 =	vmin.f32 v15, v10;
	v10 =	vmax.f32 v15, v10  }
0x279: {  	s7 =	simm.s32 $0x146F0;
	[tilespmem:s0+$0xFFFFFFC0] =	vst v4;
	v4 =	vld [tilespmem:s14+$0xFFFFFFF0];
	v63 =	vsel vm0, v12, v6;
	v6 =	vperm.xlane v17, v0;
	v8 =	vsel vm0, v8, v10  }
0x27a: {  	v11 =	vperm.xlane v19, v0;
	v7 =	vsel vm0, v20, v7;
	[tilespmem:s7+$0x0] =	vst v8;
	v8 =	vld [tilespmem:s14+$0xFFFFFF90]  }
0x27b: {  	[tilespmem:s0+$0xFFFFFF90] =	vst v9;
	v9 =	vsel vm0, v16, v5;
	v5 =	vmin.f32 v17, v6;
	v12 =	vperm.xlane v3, v0  }
0x27c: {  	s15 =	simm.s32 $0x14370;
	[tilespmem:s0+$0xFFFFFFD0] =	vst v9;
	v10 =	vmax.f32 v17, v6;
	v6 =	vmin.f32 v19, v11;
	v13 =	vperm.xlane v1, v0  }
0x27d: {  	s9 =	simm.s32 $0x8;
	s16 =	simm.s32 $0x4370;
	[tilespmem:s0+$0xFFFFFFE0] =	vst v63;
	v11 =	vmax.f32 v19, v11;
	s14 =	simm.s32 $0x4AF0;
	v14 =	vperm.xlane v2, v0;
	v9 =	vmin.f32 v3, v12  }
.LBB2_29:
0x27e: {  	v15 =	vld [tilespmem:s14+$0x0];
	s9 =	sadd.s32 $0x8, s9;
	v12 =	vmax.f32 v3, v12;
	v16 =	vmin.f32 v1, v13;
	v3 =	vperm.xlane v4, v0;
	[tilespmem:s0+$0xFFFFFFF0] =	vst v7;
	s0 =	smov.u32 s7  }
0x27f: {  	v13 =	vmax.f32 v1, v13;
	v17 =	vld [tilespmem:s14+$0xFFFFFFA0];
	p1 =	slt.u32 s9, $0x78;
	v7 =	vperm.xlane v8, v0;
	v18 =	vmin.f32 v2, v14  }
0x280: {  	v14 =	vmax.f32 v2, v14;
	v19 =	vld [tilespmem:s14+$0xFFFFFFB0];
	v20 =	vmin.f32 v4, v3;
	v21 =	vmax.f32 v4, v3  }
0x281: {  	v5 =	vsel vm0, v5, v10;
	v3 =	vld [tilespmem:s14+$0xFFFFFFC0];
	v2 =	vmin.f32 v8, v7;
	v4 =	vmax.f32 v8, v7  }
0x282: {  	v1 =	vld [tilespmem:s14+$0xFFFFFFD0];
	v4 =	vsel vm0, v2, v4;
	[tilespmem:s7+$0xFFFFFFA0] =	vst v5;
	v5 =	vsel vm0, v6, v11;
	v6 =	vsel vm0, v9, v12  }
0x283: {  	v10 =	vsel vm0, v16, v13;
	v16 =	vsel vm0, v18, v14;
	v2 =	vld [tilespmem:s14+$0xFFFFFFE0];
	v9 =	vperm.xlane v15, v0;
	[tilespmem:s7+$0xFFFFFF90] =	vst v4  }
.Ltmp13:
0x284: {  	v7 =	vsel vm0, v20, v21;
	v11 =	vperm.xlane v17, v0;
	v4 =	vld [tilespmem:s14+$0xFFFFFFF0];
	[tilespmem:s7+$0xFFFFFFB0] =	vst v5;
	(pc) =	sbr.rel @p1 .LBB2_29-.Ltmp13, $4  }
0x285: {  	v8 =	vld [tilespmem:s14+$0xFFFFFF90];
	v14 =	vperm.xlane v19, v0;
	v13 =	vmin.f32 v15, v9;
	v9 =	vmax.f32 v15, v9;
	[tilespmem:s7+$0xFFFFFFC0] =	vst v6  }
0x286: {  	s7 =	sadd.s32 $0x400, s7;
	v5 =	vmin.f32 v17, v11;
	v12 =	vperm.xlane v3, v0;
	v9 =	vsel vm0, v13, v9;
	[tilespmem:s0+$0xFFFFFFD0] =	vst v10  }
0x287: {  	v10 =	vmax.f32 v17, v11;
	v6 =	vmin.f32 v19, v14;
	v13 =	vperm.xlane v1, v0;
	[tilespmem:s7+$0x0] =	vst v9  }
0x288: {  	s14 =	sadd.s32 $0x400, s14;
	v11 =	vmax.f32 v19, v14;
	v9 =	vmin.f32 v3, v12;
	v14 =	vperm.xlane v2, v0;
	[tilespmem:s0+$0xFFFFFFE0] =	vst v16  }
0x289: {  	_ = 	snop  }
0x28a: {  	v15 =	vperm.xlane v8, v0  }
0x28b: {  	[tilespmem:s0+$0xFFFFFFF0] =	vst v7;
	v5 =	vsel vm0, v5, v10  }
0x28c: {  	v6 =	vsel vm0, v6, v11;
	[tilespmem:s7+$0xFFFFFFA0] =	vst v5;
	v7 =	vmin.f32 v8, v15;
	v8 =	vmax.f32 v8, v15  }
0x28d: {  	v3 =	vmax.f32 v3, v12;
	v5 =	vmin.f32 v1, v13;
	[tilespmem:s7+$0xFFFFFFB0] =	vst v6;
	v7 =	vsel vm0, v7, v8  }
0x28e: {  	v1 =	vmax.f32 v1, v13;
	v3 =	vsel vm0, v9, v3;
	[tilespmem:s7+$0xFFFFFF90] =	vst v7;
	v7 =	vperm.xlane v4, v0  }
0x28f: {  	v6 =	vmin.f32 v2, v14;
	v2 =	vmax.f32 v2, v14;
	v1 =	vsel vm0, v5, v1;
	[tilespmem:s7+$0xFFFFFFC0] =	vst v3  }
0x290: {  	v2 =	vsel vm0, v6, v2;
	[tilespmem:s7+$0xFFFFFFD0] =	vst v1;
	v3 =	vmin.f32 v4, v7;
	v4 =	vmax.f32 v4, v7  }
0x291: {  	[tilespmem:s7+$0xFFFFFFE0] =	vst v2;
	v1 =	vsel vm0, v3, v4  }
0x292: {  	[tilespmem:s7+$0xFFFFFFF0] =	vst v1  }
0x293: {  	v1 =	vld [tilespmem:s16+$0x0]  }
0x294: {  	v2 =	vld [tilespmem:s16+$0xFFFFFFA0]  }
0x295: {  	v3 =	vld [tilespmem:s16+$0xFFFFFFB0]  }
0x296: {  	v4 =	vld [tilespmem:s16+$0xFFFFFFC0]  }
0x297: {  	v10 =	vld [tilespmem:s16+$0xFFFFFF90];
	_ =	sdelay $0x1  }
0x298: {  	v6 =	vld [tilespmem:s16+$0xFFFFFFE0]  }
0x299: {  	v9 =	vld [tilespmem:s16+$0xFFFFFFF0];
	v7 =	vperm.xlane v1, v0;
	v8 =	vperm.xlane v2, v0  }
0x29a: {  	v5 =	vld [tilespmem:s16+$0xFFFFFFD0];
	v11 =	vperm.xlane v3, v0;
	v13 =	vperm.xlane v4, v0  }
0x29b: {  	s14 =	simm.s32 $0x4770;
	v18 =	vperm.xlane v10, v0;
	v12 =	vmin.f32 v1, v7;
	v1 =	vmax.f32 v1, v7  }
0x29c: {  	v15 =	vld [tilespmem:s14+$0x0];
	v7 =	vmin.f32 v2, v8;
	v2 =	vmax.f32 v2, v8;
	v8 =	vmin.f32 v3, v11  }
0x29d: {  	v11 =	vmax.f32 v3, v11;
	v14 =	vmin.f32 v4, v13;
	v3 =	vperm.xlane v6, v0  }
0x29e: {  	v4 =	vmax.f32 v4, v13;
	v13 =	vperm.xlane v9, v0;
	v21 =	vmin.f32 v10, v18  }
0x29f: {  	v10 =	vmax.f32 v10, v18;
	v1 =	vsel vm0, v12, v1;
	v12 =	vperm.xlane v5, v0  }
0x2a0: {  	v17 =	vld [tilespmem:s14+$0xFFFFFFA0];
	v2 =	vsel vm0, v7, v2;
	v20 =	vmin.f32 v9, v13;
	v7 =	vmax.f32 v9, v13  }
0x2a1: {  	v19 =	vld [tilespmem:s14+$0xFFFFFFB0];
	v9 =	vsel vm0, v21, v10;
	v10 =	vperm.xlane v15, v0;
	v16 =	vmin.f32 v5, v12  }
0x2a2: {  	[tilespmem:s15+$0x0] =	vst v1;
	v5 =	vmax.f32 v5, v12;
	v12 =	vmin.f32 v6, v3;
	v6 =	vmax.f32 v6, v3;
	v3 =	vld [tilespmem:s14+$0xFFFFFFC0]  }
0x2a3: {  	v8 =	vsel vm0, v8, v11;
	v1 =	vld [tilespmem:s14+$0xFFFFFFD0];
	[tilespmem:s15+$0xFFFFFFA0] =	vst v2  }
0x2a4: {  	v4 =	vsel vm0, v14, v4;
	v2 =	vld [tilespmem:s14+$0xFFFFFFE0];
	[tilespmem:s15+$0xFFFFFFB0] =	vst v8;
	v8 =	vmin.f32 v15, v10;
	v10 =	vmax.f32 v15, v10  }
0x2a5: {  	s7 =	simm.s32 $0x14770;
	[tilespmem:s15+$0xFFFFFFC0] =	vst v4;
	v4 =	vld [tilespmem:s14+$0xFFFFFFF0];
	v63 =	vsel vm0, v12, v6;
	v6 =	vperm.xlane v17, v0;
	v8 =	vsel vm0, v8, v10  }
0x2a6: {  	v11 =	vperm.xlane v19, v0;
	v7 =	vsel vm0, v20, v7;
	[tilespmem:s7+$0x0] =	vst v8;
	v8 =	vld [tilespmem:s14+$0xFFFFFF90]  }
0x2a7: {  	[tilespmem:s15+$0xFFFFFF90] =	vst v9;
	v9 =	vsel vm0, v16, v5;
	v5 =	vmin.f32 v17, v6;
	v12 =	vperm.xlane v3, v0  }
0x2a8: {  	s0 =	simm.s32 $0x143F0;
	[tilespmem:s15+$0xFFFFFFD0] =	vst v9;
	v10 =	vmax.f32 v17, v6;
	v6 =	vmin.f32 v19, v11;
	v13 =	vperm.xlane v1, v0  }
0x2a9: {  	s9 =	simm.s32 $0x8;
	s16 =	simm.s32 $0x43F0;
	[tilespmem:s15+$0xFFFFFFE0] =	vst v63;
	v11 =	vmax.f32 v19, v11;
	s14 =	simm.s32 $0x4B70;
	v14 =	vperm.xlane v2, v0;
	v9 =	vmin.f32 v3, v12  }
.LBB2_31:
0x2aa: {  	v15 =	vld [tilespmem:s14+$0x0];
	s9 =	sadd.s32 $0x8, s9;
	v12 =	vmax.f32 v3, v12;
	v16 =	vmin.f32 v1, v13;
	v3 =	vperm.xlane v4, v0;
	[tilespmem:s15+$0xFFFFFFF0] =	vst v7;
	s15 =	smov.u32 s7  }
0x2ab: {  	v13 =	vmax.f32 v1, v13;
	v17 =	vld [tilespmem:s14+$0xFFFFFFA0];
	p1 =	slt.u32 s9, $0x78;
	v7 =	vperm.xlane v8, v0;
	v18 =	vmin.f32 v2, v14  }
0x2ac: {  	v14 =	vmax.f32 v2, v14;
	v19 =	vld [tilespmem:s14+$0xFFFFFFB0];
	v20 =	vmin.f32 v4, v3;
	v21 =	vmax.f32 v4, v3  }
0x2ad: {  	v5 =	vsel vm0, v5, v10;
	v3 =	vld [tilespmem:s14+$0xFFFFFFC0];
	v2 =	vmin.f32 v8, v7;
	v4 =	vmax.f32 v8, v7  }
0x2ae: {  	v1 =	vld [tilespmem:s14+$0xFFFFFFD0];
	v4 =	vsel vm0, v2, v4;
	[tilespmem:s7+$0xFFFFFFA0] =	vst v5;
	v5 =	vsel vm0, v6, v11;
	v6 =	vsel vm0, v9, v12  }
0x2af: {  	v10 =	vsel vm0, v16, v13;
	v16 =	vsel vm0, v18, v14;
	v2 =	vld [tilespmem:s14+$0xFFFFFFE0];
	v9 =	vperm.xlane v15, v0;
	[tilespmem:s7+$0xFFFFFF90] =	vst v4  }
.Ltmp14:
0x2b0: {  	v7 =	vsel vm0, v20, v21;
	v11 =	vperm.xlane v17, v0;
	v4 =	vld [tilespmem:s14+$0xFFFFFFF0];
	[tilespmem:s7+$0xFFFFFFB0] =	vst v5;
	(pc) =	sbr.rel @p1 .LBB2_31-.Ltmp14, $4  }
0x2b1: {  	v8 =	vld [tilespmem:s14+$0xFFFFFF90];
	v14 =	vperm.xlane v19, v0;
	v13 =	vmin.f32 v15, v9;
	v9 =	vmax.f32 v15, v9;
	[tilespmem:s7+$0xFFFFFFC0] =	vst v6  }
0x2b2: {  	s7 =	sadd.s32 $0x400, s7;
	v5 =	vmin.f32 v17, v11;
	v12 =	vperm.xlane v3, v0;
	v9 =	vsel vm0, v13, v9;
	[tilespmem:s15+$0xFFFFFFD0] =	vst v10  }
0x2b3: {  	v10 =	vmax.f32 v17, v11;
	v6 =	vmin.f32 v19, v14;
	v13 =	vperm.xlane v1, v0;
	[tilespmem:s7+$0x0] =	vst v9  }
0x2b4: {  	s14 =	sadd.s32 $0x400, s14;
	v11 =	vmax.f32 v19, v14;
	v9 =	vmin.f32 v3, v12;
	v14 =	vperm.xlane v2, v0;
	[tilespmem:s15+$0xFFFFFFE0] =	vst v16  }
0x2b5: {  	_ = 	snop  }
0x2b6: {  	v15 =	vperm.xlane v8, v0  }
0x2b7: {  	[tilespmem:s15+$0xFFFFFFF0] =	vst v7;
	v5 =	vsel vm0, v5, v10  }
0x2b8: {  	v6 =	vsel vm0, v6, v11;
	[tilespmem:s7+$0xFFFFFFA0] =	vst v5;
	v7 =	vmin.f32 v8, v15;
	v8 =	vmax.f32 v8, v15  }
0x2b9: {  	v3 =	vmax.f32 v3, v12;
	v5 =	vmin.f32 v1, v13;
	[tilespmem:s7+$0xFFFFFFB0] =	vst v6;
	v7 =	vsel vm0, v7, v8  }
0x2ba: {  	v1 =	vmax.f32 v1, v13;
	v3 =	vsel vm0, v9, v3;
	[tilespmem:s7+$0xFFFFFF90] =	vst v7;
	v7 =	vperm.xlane v4, v0  }
0x2bb: {  	v6 =	vmin.f32 v2, v14;
	v2 =	vmax.f32 v2, v14;
	v1 =	vsel vm0, v5, v1;
	[tilespmem:s7+$0xFFFFFFC0] =	vst v3  }
0x2bc: {  	v2 =	vsel vm0, v6, v2;
	[tilespmem:s7+$0xFFFFFFD0] =	vst v1;
	v3 =	vmin.f32 v4, v7;
	v4 =	vmax.f32 v4, v7  }
0x2bd: {  	[tilespmem:s7+$0xFFFFFFE0] =	vst v2;
	v1 =	vsel vm0, v3, v4  }
0x2be: {  	[tilespmem:s7+$0xFFFFFFF0] =	vst v1  }
0x2bf: {  	v1 =	vld [tilespmem:s16+$0x0]  }
0x2c0: {  	v2 =	vld [tilespmem:s16+$0xFFFFFFA0]  }
0x2c1: {  	v3 =	vld [tilespmem:s16+$0xFFFFFFB0]  }
0x2c2: {  	v4 =	vld [tilespmem:s16+$0xFFFFFFC0]  }
0x2c3: {  	v10 =	vld [tilespmem:s16+$0xFFFFFF90];
	_ =	sdelay $0x1  }
0x2c4: {  	v6 =	vld [tilespmem:s16+$0xFFFFFFE0]  }
0x2c5: {  	v9 =	vld [tilespmem:s16+$0xFFFFFFF0];
	v7 =	vperm.xlane v1, v0;
	v8 =	vperm.xlane v2, v0  }
0x2c6: {  	v5 =	vld [tilespmem:s16+$0xFFFFFFD0];
	v11 =	vperm.xlane v3, v0;
	v13 =	vperm.xlane v4, v0  }
0x2c7: {  	s14 =	simm.s32 $0x47F0;
	v18 =	vperm.xlane v10, v0;
	v12 =	vmin.f32 v1, v7;
	v1 =	vmax.f32 v1, v7  }
0x2c8: {  	v15 =	vld [tilespmem:s14+$0x0];
	v7 =	vmin.f32 v2, v8;
	v2 =	vmax.f32 v2, v8;
	v8 =	vmin.f32 v3, v11  }
0x2c9: {  	v11 =	vmax.f32 v3, v11;
	v14 =	vmin.f32 v4, v13;
	v3 =	vperm.xlane v6, v0  }
0x2ca: {  	v4 =	vmax.f32 v4, v13;
	v13 =	vperm.xlane v9, v0;
	v21 =	vmin.f32 v10, v18  }
0x2cb: {  	v10 =	vmax.f32 v10, v18;
	v1 =	vsel vm0, v12, v1;
	v12 =	vperm.xlane v5, v0  }
0x2cc: {  	v17 =	vld [tilespmem:s14+$0xFFFFFFA0];
	v2 =	vsel vm0, v7, v2;
	v20 =	vmin.f32 v9, v13;
	v7 =	vmax.f32 v9, v13  }
0x2cd: {  	v19 =	vld [tilespmem:s14+$0xFFFFFFB0];
	v9 =	vsel vm0, v21, v10;
	v10 =	vperm.xlane v15, v0;
	v16 =	vmin.f32 v5, v12  }
0x2ce: {  	[tilespmem:s0+$0x0] =	vst v1;
	v5 =	vmax.f32 v5, v12;
	v12 =	vmin.f32 v6, v3;
	v6 =	vmax.f32 v6, v3;
	v3 =	vld [tilespmem:s14+$0xFFFFFFC0]  }
0x2cf: {  	v8 =	vsel vm0, v8, v11;
	v1 =	vld [tilespmem:s14+$0xFFFFFFD0];
	[tilespmem:s0+$0xFFFFFFA0] =	vst v2  }
0x2d0: {  	v4 =	vsel vm0, v14, v4;
	v2 =	vld [tilespmem:s14+$0xFFFFFFE0];
	[tilespmem:s0+$0xFFFFFFB0] =	vst v8;
	v8 =	vmin.f32 v15, v10;
	v10 =	vmax.f32 v15, v10  }
0x2d1: {  	s7 =	simm.s32 $0x147F0;
	[tilespmem:s0+$0xFFFFFFC0] =	vst v4;
	v4 =	vld [tilespmem:s14+$0xFFFFFFF0];
	v63 =	vsel vm0, v12, v6;
	v6 =	vperm.xlane v17, v0;
	v8 =	vsel vm0, v8, v10  }
0x2d2: {  	v11 =	vperm.xlane v19, v0;
	v7 =	vsel vm0, v20, v7;
	[tilespmem:s7+$0x0] =	vst v8;
	v8 =	vld [tilespmem:s14+$0xFFFFFF90]  }
0x2d3: {  	[tilespmem:s0+$0xFFFFFF90] =	vst v9;
	v9 =	vsel vm0, v16, v5;
	v5 =	vmin.f32 v17, v6;
	v12 =	vperm.xlane v3, v0  }
0x2d4: {  	[tilespmem:s0+$0xFFFFFFD0] =	vst v9;
	v10 =	vmax.f32 v17, v6;
	v6 =	vmin.f32 v19, v11;
	v13 =	vperm.xlane v1, v0  }
0x2d5: {  	s9 =	simm.s32 $0x8;
	[tilespmem:s0+$0xFFFFFFE0] =	vst v63;
	v11 =	vmax.f32 v19, v11;
	s14 =	simm.s32 $0x4BF0;
	v14 =	vperm.xlane v2, v0;
	v9 =	vmin.f32 v3, v12  }
.LBB2_33:
0x2d6: {  	v15 =	vld [tilespmem:s14+$0x0];
	s9 =	sadd.s32 $0x8, s9;
	v12 =	vmax.f32 v3, v12;
	v16 =	vmin.f32 v1, v13;
	v3 =	vperm.xlane v4, v0;
	[tilespmem:s0+$0xFFFFFFF0] =	vst v7;
	s0 =	smov.u32 s7  }
0x2d7: {  	v13 =	vmax.f32 v1, v13;
	v17 =	vld [tilespmem:s14+$0xFFFFFFA0];
	p1 =	slt.u32 s9, $0x78;
	v7 =	vperm.xlane v8, v0;
	v18 =	vmin.f32 v2, v14  }
0x2d8: {  	v14 =	vmax.f32 v2, v14;
	v19 =	vld [tilespmem:s14+$0xFFFFFFB0];
	v20 =	vmin.f32 v4, v3;
	v21 =	vmax.f32 v4, v3  }
0x2d9: {  	v5 =	vsel vm0, v5, v10;
	v3 =	vld [tilespmem:s14+$0xFFFFFFC0];
	v2 =	vmin.f32 v8, v7;
	v4 =	vmax.f32 v8, v7  }
0x2da: {  	v1 =	vld [tilespmem:s14+$0xFFFFFFD0];
	v4 =	vsel vm0, v2, v4;
	[tilespmem:s7+$0xFFFFFFA0] =	vst v5;
	v5 =	vsel vm0, v6, v11;
	v6 =	vsel vm0, v9, v12  }
0x2db: {  	v10 =	vsel vm0, v16, v13;
	v16 =	vsel vm0, v18, v14;
	v2 =	vld [tilespmem:s14+$0xFFFFFFE0];
	v9 =	vperm.xlane v15, v0;
	[tilespmem:s7+$0xFFFFFF90] =	vst v4  }
.Ltmp15:
0x2dc: {  	v7 =	vsel vm0, v20, v21;
	v11 =	vperm.xlane v17, v0;
	v4 =	vld [tilespmem:s14+$0xFFFFFFF0];
	[tilespmem:s7+$0xFFFFFFB0] =	vst v5;
	(pc) =	sbr.rel @p1 .LBB2_33-.Ltmp15, $4  }
0x2dd: {  	v8 =	vld [tilespmem:s14+$0xFFFFFF90];
	v14 =	vperm.xlane v19, v0;
	v13 =	vmin.f32 v15, v9;
	v9 =	vmax.f32 v15, v9;
	[tilespmem:s7+$0xFFFFFFC0] =	vst v6  }
0x2de: {  	s7 =	sadd.s32 $0x400, s7;
	v5 =	vmin.f32 v17, v11;
	v12 =	vperm.xlane v3, v0;
	v9 =	vsel vm0, v13, v9;
	[tilespmem:s0+$0xFFFFFFD0] =	vst v10  }
0x2df: {  	v10 =	vmax.f32 v17, v11;
	v6 =	vmin.f32 v19, v14;
	v13 =	vperm.xlane v1, v0;
	[tilespmem:s7+$0x0] =	vst v9  }
0x2e0: {  	s14 =	sadd.s32 $0x400, s14;
	v11 =	vmax.f32 v19, v14;
	v9 =	vmin.f32 v3, v12;
	v14 =	vperm.xlane v2, v0;
	[tilespmem:s0+$0xFFFFFFE0] =	vst v16  }
0x2e1: {  	_ = 	snop  }
0x2e2: {  	v15 =	vperm.xlane v8, v0  }
0x2e3: {  	[tilespmem:s0+$0xFFFFFFF0] =	vst v7;
	v5 =	vsel vm0, v5, v10  }
0x2e4: {  	v6 =	vsel vm0, v6, v11;
	[tilespmem:s7+$0xFFFFFFA0] =	vst v5;
	v7 =	vmin.f32 v8, v15;
	v8 =	vmax.f32 v8, v15  }
0x2e5: {  	v3 =	vmax.f32 v3, v12;
	v5 =	vmin.f32 v1, v13;
	[tilespmem:s7+$0xFFFFFFB0] =	vst v6;
	v7 =	vsel vm0, v7, v8  }
0x2e6: {  	v1 =	vmax.f32 v1, v13;
	v3 =	vsel vm0, v9, v3;
	[tilespmem:s7+$0xFFFFFF90] =	vst v7;
	v7 =	vperm.xlane v4, v0  }
0x2e7: {  	v6 =	vmin.f32 v2, v14;
	v2 =	vmax.f32 v2, v14;
	v1 =	vsel vm0, v5, v1;
	[tilespmem:s7+$0xFFFFFFC0] =	vst v3  }
0x2e8: {  	v2 =	vsel vm0, v6, v2;
	[tilespmem:s7+$0xFFFFFFD0] =	vst v1;
	v3 =	vmin.f32 v4, v7;
	v4 =	vmax.f32 v4, v7  }
0x2e9: {  	s1 =	sshll.u32 s1, $0x8;
	[tilespmem:s7+$0xFFFFFFE0] =	vst v2;
	v1 =	vsel vm0, v3, v4  }
0x2ea: {  	s0 =	sadd.s32 s3, s1;
	[tilespmem:s7+$0xFFFFFFF0] =	vst v1  }
0x2eb: {  	[hbm4b:s0+s4] =	stream.linear.scatter [tilespmem:s21], [sflag:$0x6], $0x4000, $0x38;
	[tilespmem:$0x18000] =	vst v63  }
0x2ec: {  	s0 =	sadd.s32 @!p0 s11, s30  }
0x2ed: {  	s0 =	sshll.u32 @!p0 s0, $0xB  }
0x2ee: {  	s1 =	simm.s32 @!p0 $0x0;
	s7 =	simm.s32 @!p0 $0x4000;
	s0 =	sadd.s32 @!p0 s2, s0  }
0x2ef: {  	[tilespmem:s7], [sflag:$0x2] =	stream.linear.gather @!p0 [hbm4b:s0+s1], $0x4000, $0x38;
	[tilespmem:$0x18000] =	vst v63  }
0x2f0: {  	_ =	swait.ge [sflag:s22], $0x4000  }
0x2f1: {  	[sflag:s22] =	ssyncset.done $0x0  }
0x2f2: {  	[sflag:s22] =	ssyncadd.s32 $0xFFFFC000  }
0x2f3: {  	_ =	swait.ge [sflag:s23], $0x4000  }
0x2f4: {  	[sflag:s23] =	ssyncset.done $0x0  }
0x2f5: {  	s9 =	simm.s32 $0x8040;
	[sflag:s23] =	ssyncadd.s32 $0xFFFFC000  }
0x2f6: {  	v1 =	vld [tilespmem:s9+$0x30]  }
0x2f7: {  	v2 =	vld [tilespmem:s9+$0xFFFFFFD0]  }
0x2f8: {  	v3 =	vld [tilespmem:s9+$0xFFFFFFE0]  }
0x2f9: {  	v4 =	vld [tilespmem:s9+$0xFFFFFFF0]  }
0x2fa: {  	v10 =	vld [tilespmem:s9+$0xFFFFFFC0];
	_ =	sdelay $0x1  }
0x2fb: {  	v6 =	vld [tilespmem:s9+$0x10]  }
0x2fc: {  	v9 =	vld [tilespmem:s9+$0x20];
	v7 =	vperm.xlane v1, v0;
	v8 =	vperm.xlane v2, v0  }
0x2fd: {  	v5 =	vld [tilespmem:s9+$0x0];
	v11 =	vperm.xlane v3, v0;
	v13 =	vperm.xlane v4, v0  }
0x2fe: {  	s14 =	simm.s32 $0x8440;
	v18 =	vperm.xlane v10, v0;
	v12 =	vmin.f32 v1, v7;
	v1 =	vmax.f32 v1, v7  }
0x2ff: {  	v15 =	vld [tilespmem:s14+$0x30];
	v7 =	vmin.f32 v2, v8;
	v2 =	vmax.f32 v2, v8;
	v8 =	vmin.f32 v3, v11  }
0x300: {  	v11 =	vmax.f32 v3, v11;
	v14 =	vmin.f32 v4, v13;
	v3 =	vperm.xlane v6, v0  }
0x301: {  	v4 =	vmax.f32 v4, v13;
	v13 =	vperm.xlane v9, v0;
	v21 =	vmin.f32 v10, v18  }
0x302: {  	v10 =	vmax.f32 v10, v18;
	v1 =	vsel vm0, v12, v1;
	v12 =	vperm.xlane v5, v0  }
0x303: {  	v17 =	vld [tilespmem:s14+$0xFFFFFFD0];
	v2 =	vsel vm0, v7, v2;
	v20 =	vmin.f32 v9, v13;
	v7 =	vmax.f32 v9, v13  }
0x304: {  	s1 =	simm.s32 $0x10040;
	v19 =	vld [tilespmem:s14+$0xFFFFFFE0];
	v9 =	vsel vm0, v21, v10;
	v10 =	vperm.xlane v15, v0;
	v16 =	vmin.f32 v5, v12  }
0x305: {  	[tilespmem:s1+$0x30] =	vst v1;
	v5 =	vmax.f32 v5, v12;
	v12 =	vmin.f32 v6, v3;
	v6 =	vmax.f32 v6, v3;
	v3 =	vld [tilespmem:s14+$0xFFFFFFF0]  }
0x306: {  	v8 =	vsel vm0, v8, v11;
	v1 =	vld [tilespmem:s14+$0x0];
	[tilespmem:s1+$0xFFFFFFD0] =	vst v2  }
0x307: {  	v4 =	vsel vm0, v14, v4;
	v2 =	vld [tilespmem:s14+$0x10];
	[tilespmem:s1+$0xFFFFFFE0] =	vst v8;
	v8 =	vmin.f32 v15, v10;
	v10 =	vmax.f32 v15, v10  }
0x308: {  	s7 =	simm.s32 $0x10440;
	[tilespmem:s1+$0xFFFFFFF0] =	vst v4;
	v4 =	vld [tilespmem:s14+$0x20];
	v63 =	vsel vm0, v12, v6;
	v6 =	vperm.xlane v17, v0;
	v8 =	vsel vm0, v8, v10  }
0x309: {  	v11 =	vperm.xlane v19, v0;
	v7 =	vsel vm0, v20, v7;
	[tilespmem:s7+$0x30] =	vst v8;
	v8 =	vld [tilespmem:s14+$0xFFFFFFC0]  }
0x30a: {  	[tilespmem:s1+$0xFFFFFFC0] =	vst v9;
	v9 =	vsel vm0, v16, v5;
	v5 =	vmin.f32 v17, v6;
	v12 =	vperm.xlane v3, v0  }
0x30b: {  	[tilespmem:s1+$0x0] =	vst v9;
	v9 =	vmax.f32 v17, v6;
	v6 =	vmin.f32 v19, v11;
	v13 =	vperm.xlane v1, v0  }
0x30c: {  	s15 =	simm.s32 $0x80F0;
	s16 =	simm.s32 $0x8;
	s9 =	simm.s32 $0x8840;
	[tilespmem:s1+$0x10] =	vst v63;
	v11 =	vmax.f32 v19, v11;
	v14 =	vperm.xlane v2, v0;
	v10 =	vmin.f32 v3, v12  }
.LBB2_35:
0x30d: {  	v15 =	vld [tilespmem:s9+$0x30];
	s16 =	sadd.s32 $0x8, s16;
	v12 =	vmax.f32 v3, v12;
	v16 =	vmin.f32 v1, v13;
	v3 =	vperm.xlane v4, v0;
	[tilespmem:s1+$0x20] =	vst v7;
	s1 =	smov.u32 s7  }
0x30e: {  	v13 =	vmax.f32 v1, v13;
	v17 =	vld [tilespmem:s9+$0xFFFFFFD0];
	p1 =	slt.u32 s16, $0x78;
	v7 =	vperm.xlane v8, v0;
	v18 =	vmin.f32 v2, v14  }
0x30f: {  	v14 =	vmax.f32 v2, v14;
	v19 =	vld [tilespmem:s9+$0xFFFFFFE0];
	v20 =	vmin.f32 v4, v3;
	v21 =	vmax.f32 v4, v3  }
0x310: {  	v5 =	vsel vm0, v5, v9;
	v3 =	vld [tilespmem:s9+$0xFFFFFFF0];
	v2 =	vmin.f32 v8, v7;
	v4 =	vmax.f32 v8, v7  }
0x311: {  	v1 =	vld [tilespmem:s9+$0x0];
	v4 =	vsel vm0, v2, v4;
	[tilespmem:s7+$0xFFFFFFD0] =	vst v5;
	v5 =	vsel vm0, v6, v11;
	v6 =	vsel vm0, v10, v12  }
0x312: {  	v10 =	vsel vm0, v16, v13;
	v16 =	vsel vm0, v18, v14;
	v2 =	vld [tilespmem:s9+$0x10];
	v9 =	vperm.xlane v15, v0;
	[tilespmem:s7+$0xFFFFFFC0] =	vst v4  }
.Ltmp16:
0x313: {  	v7 =	vsel vm0, v20, v21;
	v11 =	vperm.xlane v17, v0;
	v4 =	vld [tilespmem:s9+$0x20];
	[tilespmem:s7+$0xFFFFFFE0] =	vst v5;
	(pc) =	sbr.rel @p1 .LBB2_35-.Ltmp16, $4  }
0x314: {  	v8 =	vld [tilespmem:s9+$0xFFFFFFC0];
	v14 =	vperm.xlane v19, v0;
	v13 =	vmin.f32 v15, v9;
	v9 =	vmax.f32 v15, v9;
	[tilespmem:s7+$0xFFFFFFF0] =	vst v6  }
0x315: {  	s7 =	sadd.s32 $0x400, s7;
	v5 =	vmin.f32 v17, v11;
	v12 =	vperm.xlane v3, v0;
	v15 =	vsel vm0, v13, v9;
	[tilespmem:s1+$0x0] =	vst v10  }
0x316: {  	s0 =	simm.s32 $0x100F0;
	v9 =	vmax.f32 v17, v11;
	v6 =	vmin.f32 v19, v14;
	v13 =	vperm.xlane v1, v0;
	[tilespmem:s7+$0x30] =	vst v15  }
0x317: {  	s9 =	sadd.s32 $0x400, s9;
	v11 =	vmax.f32 v19, v14;
	v10 =	vmin.f32 v3, v12;
	v14 =	vperm.xlane v2, v0;
	[tilespmem:s1+$0x10] =	vst v16  }
0x318: {  	_ = 	snop  }
0x319: {  	v15 =	vperm.xlane v8, v0  }
0x31a: {  	[tilespmem:s1+$0x20] =	vst v7;
	v5 =	vsel vm0, v5, v9  }
0x31b: {  	v6 =	vsel vm0, v6, v11;
	[tilespmem:s7+$0xFFFFFFD0] =	vst v5;
	v7 =	vmin.f32 v8, v15;
	v8 =	vmax.f32 v8, v15  }
0x31c: {  	v3 =	vmax.f32 v3, v12;
	v5 =	vmin.f32 v1, v13;
	[tilespmem:s7+$0xFFFFFFE0] =	vst v6;
	v7 =	vsel vm0, v7, v8  }
0x31d: {  	v1 =	vmax.f32 v1, v13;
	v3 =	vsel vm0, v10, v3;
	[tilespmem:s7+$0xFFFFFFC0] =	vst v7;
	v7 =	vperm.xlane v4, v0  }
0x31e: {  	v6 =	vmin.f32 v2, v14;
	v2 =	vmax.f32 v2, v14;
	v1 =	vsel vm0, v5, v1;
	[tilespmem:s7+$0xFFFFFFF0] =	vst v3  }
0x31f: {  	v2 =	vsel vm0, v6, v2;
	[tilespmem:s7+$0x0] =	vst v1;
	v3 =	vmin.f32 v4, v7;
	v4 =	vmax.f32 v4, v7  }
0x320: {  	[tilespmem:s7+$0x10] =	vst v2;
	v1 =	vsel vm0, v3, v4  }
0x321: {  	[tilespmem:s7+$0x20] =	vst v1  }
0x322: {  	v1 =	vld [tilespmem:s15+$0x0]  }
0x323: {  	v2 =	vld [tilespmem:s15+$0xFFFFFFA0]  }
0x324: {  	v3 =	vld [tilespmem:s15+$0xFFFFFFB0]  }
0x325: {  	v4 =	vld [tilespmem:s15+$0xFFFFFFC0]  }
0x326: {  	v10 =	vld [tilespmem:s15+$0xFFFFFF90];
	_ =	sdelay $0x1  }
0x327: {  	v6 =	vld [tilespmem:s15+$0xFFFFFFE0]  }
0x328: {  	v9 =	vld [tilespmem:s15+$0xFFFFFFF0];
	v7 =	vperm.xlane v1, v0;
	v8 =	vperm.xlane v2, v0  }
0x329: {  	v5 =	vld [tilespmem:s15+$0xFFFFFFD0];
	v11 =	vperm.xlane v3, v0;
	v13 =	vperm.xlane v4, v0  }
0x32a: {  	s14 =	simm.s32 $0x84F0;
	v18 =	vperm.xlane v10, v0;
	v12 =	vmin.f32 v1, v7;
	v1 =	vmax.f32 v1, v7  }
0x32b: {  	v15 =	vld [tilespmem:s14+$0x0];
	v7 =	vmin.f32 v2, v8;
	v2 =	vmax.f32 v2, v8;
	v8 =	vmin.f32 v3, v11  }
0x32c: {  	v11 =	vmax.f32 v3, v11;
	v14 =	vmin.f32 v4, v13;
	v3 =	vperm.xlane v6, v0  }
0x32d: {  	v4 =	vmax.f32 v4, v13;
	v13 =	vperm.xlane v9, v0;
	v21 =	vmin.f32 v10, v18  }
0x32e: {  	v10 =	vmax.f32 v10, v18;
	v1 =	vsel vm0, v12, v1;
	v12 =	vperm.xlane v5, v0  }
0x32f: {  	v17 =	vld [tilespmem:s14+$0xFFFFFFA0];
	v2 =	vsel vm0, v7, v2;
	v20 =	vmin.f32 v9, v13;
	v7 =	vmax.f32 v9, v13  }
0x330: {  	v19 =	vld [tilespmem:s14+$0xFFFFFFB0];
	v9 =	vsel vm0, v21, v10;
	v10 =	vperm.xlane v15, v0;
	v16 =	vmin.f32 v5, v12  }
0x331: {  	[tilespmem:s0+$0x0] =	vst v1;
	v5 =	vmax.f32 v5, v12;
	v12 =	vmin.f32 v6, v3;
	v6 =	vmax.f32 v6, v3;
	v3 =	vld [tilespmem:s14+$0xFFFFFFC0]  }
0x332: {  	v8 =	vsel vm0, v8, v11;
	v1 =	vld [tilespmem:s14+$0xFFFFFFD0];
	[tilespmem:s0+$0xFFFFFFA0] =	vst v2  }
0x333: {  	v4 =	vsel vm0, v14, v4;
	v2 =	vld [tilespmem:s14+$0xFFFFFFE0];
	[tilespmem:s0+$0xFFFFFFB0] =	vst v8;
	v8 =	vmin.f32 v15, v10;
	v10 =	vmax.f32 v15, v10  }
0x334: {  	s7 =	simm.s32 $0x104F0;
	[tilespmem:s0+$0xFFFFFFC0] =	vst v4;
	v4 =	vld [tilespmem:s14+$0xFFFFFFF0];
	v63 =	vsel vm0, v12, v6;
	v6 =	vperm.xlane v17, v0;
	v8 =	vsel vm0, v8, v10  }
0x335: {  	v11 =	vperm.xlane v19, v0;
	v7 =	vsel vm0, v20, v7;
	[tilespmem:s7+$0x0] =	vst v8;
	v8 =	vld [tilespmem:s14+$0xFFFFFF90]  }
0x336: {  	[tilespmem:s0+$0xFFFFFF90] =	vst v9;
	v9 =	vsel vm0, v16, v5;
	v5 =	vmin.f32 v17, v6;
	v12 =	vperm.xlane v3, v0  }
0x337: {  	[tilespmem:s0+$0xFFFFFFD0] =	vst v9;
	v9 =	vmax.f32 v17, v6;
	v6 =	vmin.f32 v19, v11;
	v13 =	vperm.xlane v1, v0  }
0x338: {  	s16 =	simm.s32 $0x8;
	s9 =	simm.s32 $0x88F0;
	s15 =	simm.s32 $0x8170;
	[tilespmem:s0+$0xFFFFFFE0] =	vst v63;
	v11 =	vmax.f32 v19, v11;
	v14 =	vperm.xlane v2, v0;
	v10 =	vmin.f32 v3, v12  }
.LBB2_37:
0x339: {  	v15 =	vld [tilespmem:s9+$0x0];
	s16 =	sadd.s32 $0x8, s16;
	v12 =	vmax.f32 v3, v12;
	v16 =	vmin.f32 v1, v13;
	v3 =	vperm.xlane v4, v0;
	[tilespmem:s0+$0xFFFFFFF0] =	vst v7;
	s0 =	smov.u32 s7  }
0x33a: {  	v13 =	vmax.f32 v1, v13;
	v17 =	vld [tilespmem:s9+$0xFFFFFFA0];
	p1 =	slt.u32 s16, $0x78;
	v7 =	vperm.xlane v8, v0;
	v18 =	vmin.f32 v2, v14  }
0x33b: {  	v14 =	vmax.f32 v2, v14;
	v19 =	vld [tilespmem:s9+$0xFFFFFFB0];
	v20 =	vmin.f32 v4, v3;
	v21 =	vmax.f32 v4, v3  }
0x33c: {  	v5 =	vsel vm0, v5, v9;
	v3 =	vld [tilespmem:s9+$0xFFFFFFC0];
	v2 =	vmin.f32 v8, v7;
	v4 =	vmax.f32 v8, v7  }
0x33d: {  	v1 =	vld [tilespmem:s9+$0xFFFFFFD0];
	v4 =	vsel vm0, v2, v4;
	[tilespmem:s7+$0xFFFFFFA0] =	vst v5;
	v5 =	vsel vm0, v6, v11;
	v6 =	vsel vm0, v10, v12  }
0x33e: {  	v10 =	vsel vm0, v16, v13;
	v16 =	vsel vm0, v18, v14;
	v2 =	vld [tilespmem:s9+$0xFFFFFFE0];
	v9 =	vperm.xlane v15, v0;
	[tilespmem:s7+$0xFFFFFF90] =	vst v4  }
.Ltmp17:
0x33f: {  	v7 =	vsel vm0, v20, v21;
	v11 =	vperm.xlane v17, v0;
	v4 =	vld [tilespmem:s9+$0xFFFFFFF0];
	[tilespmem:s7+$0xFFFFFFB0] =	vst v5;
	(pc) =	sbr.rel @p1 .LBB2_37-.Ltmp17, $4  }
0x340: {  	v8 =	vld [tilespmem:s9+$0xFFFFFF90];
	v14 =	vperm.xlane v19, v0;
	v13 =	vmin.f32 v15, v9;
	v9 =	vmax.f32 v15, v9;
	[tilespmem:s7+$0xFFFFFFC0] =	vst v6  }
0x341: {  	s7 =	sadd.s32 $0x400, s7;
	v5 =	vmin.f32 v17, v11;
	v12 =	vperm.xlane v3, v0;
	v15 =	vsel vm0, v13, v9;
	[tilespmem:s0+$0xFFFFFFD0] =	vst v10  }
0x342: {  	s1 =	simm.s32 $0x10170;
	v9 =	vmax.f32 v17, v11;
	v6 =	vmin.f32 v19, v14;
	v13 =	vperm.xlane v1, v0;
	[tilespmem:s7+$0x0] =	vst v15  }
0x343: {  	s9 =	sadd.s32 $0x400, s9;
	v11 =	vmax.f32 v19, v14;
	v10 =	vmin.f32 v3, v12;
	v14 =	vperm.xlane v2, v0;
	[tilespmem:s0+$0xFFFFFFE0] =	vst v16  }
0x344: {  	_ = 	snop  }
0x345: {  	v15 =	vperm.xlane v8, v0  }
0x346: {  	[tilespmem:s0+$0xFFFFFFF0] =	vst v7;
	v5 =	vsel vm0, v5, v9  }
0x347: {  	v6 =	vsel vm0, v6, v11;
	[tilespmem:s7+$0xFFFFFFA0] =	vst v5;
	v7 =	vmin.f32 v8, v15;
	v8 =	vmax.f32 v8, v15  }
0x348: {  	v3 =	vmax.f32 v3, v12;
	v5 =	vmin.f32 v1, v13;
	[tilespmem:s7+$0xFFFFFFB0] =	vst v6;
	v7 =	vsel vm0, v7, v8  }
0x349: {  	v1 =	vmax.f32 v1, v13;
	v3 =	vsel vm0, v10, v3;
	[tilespmem:s7+$0xFFFFFF90] =	vst v7;
	v7 =	vperm.xlane v4, v0  }
0x34a: {  	v6 =	vmin.f32 v2, v14;
	v2 =	vmax.f32 v2, v14;
	v1 =	vsel vm0, v5, v1;
	[tilespmem:s7+$0xFFFFFFC0] =	vst v3  }
0x34b: {  	v2 =	vsel vm0, v6, v2;
	[tilespmem:s7+$0xFFFFFFD0] =	vst v1;
	v3 =	vmin.f32 v4, v7;
	v4 =	vmax.f32 v4, v7  }
0x34c: {  	[tilespmem:s7+$0xFFFFFFE0] =	vst v2;
	v1 =	vsel vm0, v3, v4  }
0x34d: {  	[tilespmem:s7+$0xFFFFFFF0] =	vst v1  }
0x34e: {  	v1 =	vld [tilespmem:s15+$0x0]  }
0x34f: {  	v2 =	vld [tilespmem:s15+$0xFFFFFFA0]  }
0x350: {  	v3 =	vld [tilespmem:s15+$0xFFFFFFB0]  }
0x351: {  	v4 =	vld [tilespmem:s15+$0xFFFFFFC0]  }
0x352: {  	v10 =	vld [tilespmem:s15+$0xFFFFFF90];
	_ =	sdelay $0x1  }
0x353: {  	v6 =	vld [tilespmem:s15+$0xFFFFFFE0]  }
0x354: {  	v9 =	vld [tilespmem:s15+$0xFFFFFFF0];
	v7 =	vperm.xlane v1, v0;
	v8 =	vperm.xlane v2, v0  }
0x355: {  	v5 =	vld [tilespmem:s15+$0xFFFFFFD0];
	v11 =	vperm.xlane v3, v0;
	v13 =	vperm.xlane v4, v0  }
0x356: {  	s14 =	simm.s32 $0x8570;
	v18 =	vperm.xlane v10, v0;
	v12 =	vmin.f32 v1, v7;
	v1 =	vmax.f32 v1, v7  }
0x357: {  	v15 =	vld [tilespmem:s14+$0x0];
	v7 =	vmin.f32 v2, v8;
	v2 =	vmax.f32 v2, v8;
	v8 =	vmin.f32 v3, v11  }
0x358: {  	v11 =	vmax.f32 v3, v11;
	v14 =	vmin.f32 v4, v13;
	v3 =	vperm.xlane v6, v0  }
0x359: {  	v4 =	vmax.f32 v4, v13;
	v13 =	vperm.xlane v9, v0;
	v21 =	vmin.f32 v10, v18  }
0x35a: {  	v10 =	vmax.f32 v10, v18;
	v1 =	vsel vm0, v12, v1;
	v12 =	vperm.xlane v5, v0  }
0x35b: {  	v17 =	vld [tilespmem:s14+$0xFFFFFFA0];
	v2 =	vsel vm0, v7, v2;
	v20 =	vmin.f32 v9, v13;
	v7 =	vmax.f32 v9, v13  }
0x35c: {  	v19 =	vld [tilespmem:s14+$0xFFFFFFB0];
	v9 =	vsel vm0, v21, v10;
	v10 =	vperm.xlane v15, v0;
	v16 =	vmin.f32 v5, v12  }
0x35d: {  	[tilespmem:s1+$0x0] =	vst v1;
	v5 =	vmax.f32 v5, v12;
	v12 =	vmin.f32 v6, v3;
	v6 =	vmax.f32 v6, v3;
	v3 =	vld [tilespmem:s14+$0xFFFFFFC0]  }
0x35e: {  	v8 =	vsel vm0, v8, v11;
	v1 =	vld [tilespmem:s14+$0xFFFFFFD0];
	[tilespmem:s1+$0xFFFFFFA0] =	vst v2  }
0x35f: {  	v4 =	vsel vm0, v14, v4;
	v2 =	vld [tilespmem:s14+$0xFFFFFFE0];
	[tilespmem:s1+$0xFFFFFFB0] =	vst v8;
	v8 =	vmin.f32 v15, v10;
	v10 =	vmax.f32 v15, v10  }
0x360: {  	s7 =	simm.s32 $0x10570;
	[tilespmem:s1+$0xFFFFFFC0] =	vst v4;
	v4 =	vld [tilespmem:s14+$0xFFFFFFF0];
	v63 =	vsel vm0, v12, v6;
	v6 =	vperm.xlane v17, v0;
	v8 =	vsel vm0, v8, v10  }
0x361: {  	v11 =	vperm.xlane v19, v0;
	v7 =	vsel vm0, v20, v7;
	[tilespmem:s7+$0x0] =	vst v8;
	v8 =	vld [tilespmem:s14+$0xFFFFFF90]  }
0x362: {  	[tilespmem:s1+$0xFFFFFF90] =	vst v9;
	v9 =	vsel vm0, v16, v5;
	v5 =	vmin.f32 v17, v6;
	v12 =	vperm.xlane v3, v0  }
0x363: {  	[tilespmem:s1+$0xFFFFFFD0] =	vst v9;
	v9 =	vmax.f32 v17, v6;
	v6 =	vmin.f32 v19, v11;
	v13 =	vperm.xlane v1, v0  }
0x364: {  	s16 =	simm.s32 $0x8;
	s9 =	simm.s32 $0x8970;
	s15 =	simm.s32 $0x81F0;
	[tilespmem:s1+$0xFFFFFFE0] =	vst v63;
	v11 =	vmax.f32 v19, v11;
	v14 =	vperm.xlane v2, v0;
	v10 =	vmin.f32 v3, v12  }
.LBB2_39:
0x365: {  	v15 =	vld [tilespmem:s9+$0x0];
	s16 =	sadd.s32 $0x8, s16;
	v12 =	vmax.f32 v3, v12;
	v16 =	vmin.f32 v1, v13;
	v3 =	vperm.xlane v4, v0;
	[tilespmem:s1+$0xFFFFFFF0] =	vst v7;
	s1 =	smov.u32 s7  }
0x366: {  	v13 =	vmax.f32 v1, v13;
	v17 =	vld [tilespmem:s9+$0xFFFFFFA0];
	p1 =	slt.u32 s16, $0x78;
	v7 =	vperm.xlane v8, v0;
	v18 =	vmin.f32 v2, v14  }
0x367: {  	v14 =	vmax.f32 v2, v14;
	v19 =	vld [tilespmem:s9+$0xFFFFFFB0];
	v20 =	vmin.f32 v4, v3;
	v21 =	vmax.f32 v4, v3  }
0x368: {  	v5 =	vsel vm0, v5, v9;
	v3 =	vld [tilespmem:s9+$0xFFFFFFC0];
	v2 =	vmin.f32 v8, v7;
	v4 =	vmax.f32 v8, v7  }
0x369: {  	v1 =	vld [tilespmem:s9+$0xFFFFFFD0];
	v4 =	vsel vm0, v2, v4;
	[tilespmem:s7+$0xFFFFFFA0] =	vst v5;
	v5 =	vsel vm0, v6, v11;
	v6 =	vsel vm0, v10, v12  }
0x36a: {  	v10 =	vsel vm0, v16, v13;
	v16 =	vsel vm0, v18, v14;
	v2 =	vld [tilespmem:s9+$0xFFFFFFE0];
	v9 =	vperm.xlane v15, v0;
	[tilespmem:s7+$0xFFFFFF90] =	vst v4  }
.Ltmp18:
0x36b: {  	v7 =	vsel vm0, v20, v21;
	v11 =	vperm.xlane v17, v0;
	v4 =	vld [tilespmem:s9+$0xFFFFFFF0];
	[tilespmem:s7+$0xFFFFFFB0] =	vst v5;
	(pc) =	sbr.rel @p1 .LBB2_39-.Ltmp18, $4  }
0x36c: {  	v8 =	vld [tilespmem:s9+$0xFFFFFF90];
	v14 =	vperm.xlane v19, v0;
	v13 =	vmin.f32 v15, v9;
	v9 =	vmax.f32 v15, v9;
	[tilespmem:s7+$0xFFFFFFC0] =	vst v6  }
0x36d: {  	s7 =	sadd.s32 $0x400, s7;
	v5 =	vmin.f32 v17, v11;
	v12 =	vperm.xlane v3, v0;
	v15 =	vsel vm0, v13, v9;
	[tilespmem:s1+$0xFFFFFFD0] =	vst v10  }
0x36e: {  	s0 =	simm.s32 $0x101F0;
	v9 =	vmax.f32 v17, v11;
	v6 =	vmin.f32 v19, v14;
	v13 =	vperm.xlane v1, v0;
	[tilespmem:s7+$0x0] =	vst v15  }
0x36f: {  	s9 =	sadd.s32 $0x400, s9;
	v11 =	vmax.f32 v19, v14;
	v10 =	vmin.f32 v3, v12;
	v14 =	vperm.xlane v2, v0;
	[tilespmem:s1+$0xFFFFFFE0] =	vst v16  }
0x370: {  	_ = 	snop  }
0x371: {  	v15 =	vperm.xlane v8, v0  }
0x372: {  	[tilespmem:s1+$0xFFFFFFF0] =	vst v7;
	v5 =	vsel vm0, v5, v9  }
0x373: {  	v6 =	vsel vm0, v6, v11;
	[tilespmem:s7+$0xFFFFFFA0] =	vst v5;
	v7 =	vmin.f32 v8, v15;
	v8 =	vmax.f32 v8, v15  }
0x374: {  	v3 =	vmax.f32 v3, v12;
	v5 =	vmin.f32 v1, v13;
	[tilespmem:s7+$0xFFFFFFB0] =	vst v6;
	v7 =	vsel vm0, v7, v8  }
0x375: {  	v1 =	vmax.f32 v1, v13;
	v3 =	vsel vm0, v10, v3;
	[tilespmem:s7+$0xFFFFFF90] =	vst v7;
	v7 =	vperm.xlane v4, v0  }
0x376: {  	v6 =	vmin.f32 v2, v14;
	v2 =	vmax.f32 v2, v14;
	v1 =	vsel vm0, v5, v1;
	[tilespmem:s7+$0xFFFFFFC0] =	vst v3  }
0x377: {  	v2 =	vsel vm0, v6, v2;
	[tilespmem:s7+$0xFFFFFFD0] =	vst v1;
	v3 =	vmin.f32 v4, v7;
	v4 =	vmax.f32 v4, v7  }
0x378: {  	[tilespmem:s7+$0xFFFFFFE0] =	vst v2;
	v1 =	vsel vm0, v3, v4  }
0x379: {  	[tilespmem:s7+$0xFFFFFFF0] =	vst v1  }
0x37a: {  	v1 =	vld [tilespmem:s15+$0x0]  }
0x37b: {  	v2 =	vld [tilespmem:s15+$0xFFFFFFA0]  }
0x37c: {  	v3 =	vld [tilespmem:s15+$0xFFFFFFB0]  }
0x37d: {  	v4 =	vld [tilespmem:s15+$0xFFFFFFC0]  }
0x37e: {  	v10 =	vld [tilespmem:s15+$0xFFFFFF90];
	_ =	sdelay $0x1  }
0x37f: {  	v6 =	vld [tilespmem:s15+$0xFFFFFFE0]  }
0x380: {  	v9 =	vld [tilespmem:s15+$0xFFFFFFF0];
	v7 =	vperm.xlane v1, v0;
	v8 =	vperm.xlane v2, v0  }
0x381: {  	v5 =	vld [tilespmem:s15+$0xFFFFFFD0];
	v11 =	vperm.xlane v3, v0;
	v13 =	vperm.xlane v4, v0  }
0x382: {  	s14 =	simm.s32 $0x85F0;
	v18 =	vperm.xlane v10, v0;
	v12 =	vmin.f32 v1, v7;
	v1 =	vmax.f32 v1, v7  }
0x383: {  	v15 =	vld [tilespmem:s14+$0x0];
	v7 =	vmin.f32 v2, v8;
	v2 =	vmax.f32 v2, v8;
	v8 =	vmin.f32 v3, v11  }
0x384: {  	v11 =	vmax.f32 v3, v11;
	v14 =	vmin.f32 v4, v13;
	v3 =	vperm.xlane v6, v0  }
0x385: {  	v4 =	vmax.f32 v4, v13;
	v13 =	vperm.xlane v9, v0;
	v21 =	vmin.f32 v10, v18  }
0x386: {  	v10 =	vmax.f32 v10, v18;
	v1 =	vsel vm0, v12, v1;
	v12 =	vperm.xlane v5, v0  }
0x387: {  	v17 =	vld [tilespmem:s14+$0xFFFFFFA0];
	v2 =	vsel vm0, v7, v2;
	v20 =	vmin.f32 v9, v13;
	v7 =	vmax.f32 v9, v13  }
0x388: {  	v19 =	vld [tilespmem:s14+$0xFFFFFFB0];
	v9 =	vsel vm0, v21, v10;
	v10 =	vperm.xlane v15, v0;
	v16 =	vmin.f32 v5, v12  }
0x389: {  	[tilespmem:s0+$0x0] =	vst v1;
	v5 =	vmax.f32 v5, v12;
	v12 =	vmin.f32 v6, v3;
	v6 =	vmax.f32 v6, v3;
	v3 =	vld [tilespmem:s14+$0xFFFFFFC0]  }
0x38a: {  	v8 =	vsel vm0, v8, v11;
	v1 =	vld [tilespmem:s14+$0xFFFFFFD0];
	[tilespmem:s0+$0xFFFFFFA0] =	vst v2  }
0x38b: {  	v4 =	vsel vm0, v14, v4;
	v2 =	vld [tilespmem:s14+$0xFFFFFFE0];
	[tilespmem:s0+$0xFFFFFFB0] =	vst v8;
	v8 =	vmin.f32 v15, v10;
	v10 =	vmax.f32 v15, v10  }
0x38c: {  	s7 =	simm.s32 $0x105F0;
	[tilespmem:s0+$0xFFFFFFC0] =	vst v4;
	v4 =	vld [tilespmem:s14+$0xFFFFFFF0];
	v63 =	vsel vm0, v12, v6;
	v6 =	vperm.xlane v17, v0;
	v8 =	vsel vm0, v8, v10  }
0x38d: {  	v11 =	vperm.xlane v19, v0;
	v7 =	vsel vm0, v20, v7;
	[tilespmem:s7+$0x0] =	vst v8;
	v8 =	vld [tilespmem:s14+$0xFFFFFF90]  }
0x38e: {  	[tilespmem:s0+$0xFFFFFF90] =	vst v9;
	v9 =	vsel vm0, v16, v5;
	v5 =	vmin.f32 v17, v6;
	v12 =	vperm.xlane v3, v0  }
0x38f: {  	[tilespmem:s0+$0xFFFFFFD0] =	vst v9;
	v9 =	vmax.f32 v17, v6;
	v6 =	vmin.f32 v19, v11;
	v13 =	vperm.xlane v1, v0  }
0x390: {  	s16 =	simm.s32 $0x8;
	s9 =	simm.s32 $0x89F0;
	s15 =	simm.s32 $0x8270;
	[tilespmem:s0+$0xFFFFFFE0] =	vst v63;
	v11 =	vmax.f32 v19, v11;
	v14 =	vperm.xlane v2, v0;
	v10 =	vmin.f32 v3, v12  }
.LBB2_41:
0x391: {  	v15 =	vld [tilespmem:s9+$0x0];
	s16 =	sadd.s32 $0x8, s16;
	v12 =	vmax.f32 v3, v12;
	v16 =	vmin.f32 v1, v13;
	v3 =	vperm.xlane v4, v0;
	[tilespmem:s0+$0xFFFFFFF0] =	vst v7;
	s0 =	smov.u32 s7  }
0x392: {  	v13 =	vmax.f32 v1, v13;
	v17 =	vld [tilespmem:s9+$0xFFFFFFA0];
	p1 =	slt.u32 s16, $0x78;
	v7 =	vperm.xlane v8, v0;
	v18 =	vmin.f32 v2, v14  }
0x393: {  	v14 =	vmax.f32 v2, v14;
	v19 =	vld [tilespmem:s9+$0xFFFFFFB0];
	v20 =	vmin.f32 v4, v3;
	v21 =	vmax.f32 v4, v3  }
0x394: {  	v5 =	vsel vm0, v5, v9;
	v3 =	vld [tilespmem:s9+$0xFFFFFFC0];
	v2 =	vmin.f32 v8, v7;
	v4 =	vmax.f32 v8, v7  }
0x395: {  	v1 =	vld [tilespmem:s9+$0xFFFFFFD0];
	v4 =	vsel vm0, v2, v4;
	[tilespmem:s7+$0xFFFFFFA0] =	vst v5;
	v5 =	vsel vm0, v6, v11;
	v6 =	vsel vm0, v10, v12  }
0x396: {  	v10 =	vsel vm0, v16, v13;
	v16 =	vsel vm0, v18, v14;
	v2 =	vld [tilespmem:s9+$0xFFFFFFE0];
	v9 =	vperm.xlane v15, v0;
	[tilespmem:s7+$0xFFFFFF90] =	vst v4  }
.Ltmp19:
0x397: {  	v7 =	vsel vm0, v20, v21;
	v11 =	vperm.xlane v17, v0;
	v4 =	vld [tilespmem:s9+$0xFFFFFFF0];
	[tilespmem:s7+$0xFFFFFFB0] =	vst v5;
	(pc) =	sbr.rel @p1 .LBB2_41-.Ltmp19, $4  }
0x398: {  	v8 =	vld [tilespmem:s9+$0xFFFFFF90];
	v14 =	vperm.xlane v19, v0;
	v13 =	vmin.f32 v15, v9;
	v9 =	vmax.f32 v15, v9;
	[tilespmem:s7+$0xFFFFFFC0] =	vst v6  }
0x399: {  	s7 =	sadd.s32 $0x400, s7;
	v5 =	vmin.f32 v17, v11;
	v12 =	vperm.xlane v3, v0;
	v15 =	vsel vm0, v13, v9;
	[tilespmem:s0+$0xFFFFFFD0] =	vst v10  }
0x39a: {  	s1 =	simm.s32 $0x10270;
	v9 =	vmax.f32 v17, v11;
	v6 =	vmin.f32 v19, v14;
	v13 =	vperm.xlane v1, v0;
	[tilespmem:s7+$0x0] =	vst v15  }
0x39b: {  	s9 =	sadd.s32 $0x400, s9;
	v11 =	vmax.f32 v19, v14;
	v10 =	vmin.f32 v3, v12;
	v14 =	vperm.xlane v2, v0;
	[tilespmem:s0+$0xFFFFFFE0] =	vst v16  }
0x39c: {  	_ = 	snop  }
0x39d: {  	v15 =	vperm.xlane v8, v0  }
0x39e: {  	[tilespmem:s0+$0xFFFFFFF0] =	vst v7;
	v5 =	vsel vm0, v5, v9  }
0x39f: {  	v6 =	vsel vm0, v6, v11;
	[tilespmem:s7+$0xFFFFFFA0] =	vst v5;
	v7 =	vmin.f32 v8, v15;
	v8 =	vmax.f32 v8, v15  }
0x3a0: {  	v3 =	vmax.f32 v3, v12;
	v5 =	vmin.f32 v1, v13;
	[tilespmem:s7+$0xFFFFFFB0] =	vst v6;
	v7 =	vsel vm0, v7, v8  }
0x3a1: {  	v1 =	vmax.f32 v1, v13;
	v3 =	vsel vm0, v10, v3;
	[tilespmem:s7+$0xFFFFFF90] =	vst v7;
	v7 =	vperm.xlane v4, v0  }
0x3a2: {  	v6 =	vmin.f32 v2, v14;
	v2 =	vmax.f32 v2, v14;
	v1 =	vsel vm0, v5, v1;
	[tilespmem:s7+$0xFFFFFFC0] =	vst v3  }
0x3a3: {  	v2 =	vsel vm0, v6, v2;
	[tilespmem:s7+$0xFFFFFFD0] =	vst v1;
	v3 =	vmin.f32 v4, v7;
	v4 =	vmax.f32 v4, v7  }
0x3a4: {  	[tilespmem:s7+$0xFFFFFFE0] =	vst v2;
	v1 =	vsel vm0, v3, v4  }
0x3a5: {  	[tilespmem:s7+$0xFFFFFFF0] =	vst v1  }
0x3a6: {  	v1 =	vld [tilespmem:s15+$0x0]  }
0x3a7: {  	v2 =	vld [tilespmem:s15+$0xFFFFFFA0]  }
0x3a8: {  	v3 =	vld [tilespmem:s15+$0xFFFFFFB0]  }
0x3a9: {  	v4 =	vld [tilespmem:s15+$0xFFFFFFC0]  }
0x3aa: {  	v10 =	vld [tilespmem:s15+$0xFFFFFF90];
	_ =	sdelay $0x1  }
0x3ab: {  	v6 =	vld [tilespmem:s15+$0xFFFFFFE0]  }
0x3ac: {  	v9 =	vld [tilespmem:s15+$0xFFFFFFF0];
	v7 =	vperm.xlane v1, v0;
	v8 =	vperm.xlane v2, v0  }
0x3ad: {  	v5 =	vld [tilespmem:s15+$0xFFFFFFD0];
	v11 =	vperm.xlane v3, v0;
	v13 =	vperm.xlane v4, v0  }
0x3ae: {  	s14 =	simm.s32 $0x8670;
	v18 =	vperm.xlane v10, v0;
	v12 =	vmin.f32 v1, v7;
	v1 =	vmax.f32 v1, v7  }
0x3af: {  	v15 =	vld [tilespmem:s14+$0x0];
	v7 =	vmin.f32 v2, v8;
	v2 =	vmax.f32 v2, v8;
	v8 =	vmin.f32 v3, v11  }
0x3b0: {  	v11 =	vmax.f32 v3, v11;
	v14 =	vmin.f32 v4, v13;
	v3 =	vperm.xlane v6, v0  }
0x3b1: {  	v4 =	vmax.f32 v4, v13;
	v13 =	vperm.xlane v9, v0;
	v21 =	vmin.f32 v10, v18  }
0x3b2: {  	v10 =	vmax.f32 v10, v18;
	v1 =	vsel vm0, v12, v1;
	v12 =	vperm.xlane v5, v0  }
0x3b3: {  	v17 =	vld [tilespmem:s14+$0xFFFFFFA0];
	v2 =	vsel vm0, v7, v2;
	v20 =	vmin.f32 v9, v13;
	v7 =	vmax.f32 v9, v13  }
0x3b4: {  	v19 =	vld [tilespmem:s14+$0xFFFFFFB0];
	v9 =	vsel vm0, v21, v10;
	v10 =	vperm.xlane v15, v0;
	v16 =	vmin.f32 v5, v12  }
0x3b5: {  	[tilespmem:s1+$0x0] =	vst v1;
	v5 =	vmax.f32 v5, v12;
	v12 =	vmin.f32 v6, v3;
	v6 =	vmax.f32 v6, v3;
	v3 =	vld [tilespmem:s14+$0xFFFFFFC0]  }
0x3b6: {  	v8 =	vsel vm0, v8, v11;
	v1 =	vld [tilespmem:s14+$0xFFFFFFD0];
	[tilespmem:s1+$0xFFFFFFA0] =	vst v2  }
0x3b7: {  	v4 =	vsel vm0, v14, v4;
	v2 =	vld [tilespmem:s14+$0xFFFFFFE0];
	[tilespmem:s1+$0xFFFFFFB0] =	vst v8;
	v8 =	vmin.f32 v15, v10;
	v10 =	vmax.f32 v15, v10  }
0x3b8: {  	s7 =	simm.s32 $0x10670;
	[tilespmem:s1+$0xFFFFFFC0] =	vst v4;
	v4 =	vld [tilespmem:s14+$0xFFFFFFF0];
	v63 =	vsel vm0, v12, v6;
	v6 =	vperm.xlane v17, v0;
	v8 =	vsel vm0, v8, v10  }
0x3b9: {  	v11 =	vperm.xlane v19, v0;
	v7 =	vsel vm0, v20, v7;
	[tilespmem:s7+$0x0] =	vst v8;
	v8 =	vld [tilespmem:s14+$0xFFFFFF90]  }
0x3ba: {  	[tilespmem:s1+$0xFFFFFF90] =	vst v9;
	v9 =	vsel vm0, v16, v5;
	v5 =	vmin.f32 v17, v6;
	v12 =	vperm.xlane v3, v0  }
0x3bb: {  	[tilespmem:s1+$0xFFFFFFD0] =	vst v9;
	v9 =	vmax.f32 v17, v6;
	v6 =	vmin.f32 v19, v11;
	v13 =	vperm.xlane v1, v0  }
0x3bc: {  	s16 =	simm.s32 $0x8;
	s9 =	simm.s32 $0x8A70;
	s15 =	simm.s32 $0x82F0;
	[tilespmem:s1+$0xFFFFFFE0] =	vst v63;
	v11 =	vmax.f32 v19, v11;
	v14 =	vperm.xlane v2, v0;
	v10 =	vmin.f32 v3, v12  }
.LBB2_43:
0x3bd: {  	v15 =	vld [tilespmem:s9+$0x0];
	s16 =	sadd.s32 $0x8, s16;
	v12 =	vmax.f32 v3, v12;
	v16 =	vmin.f32 v1, v13;
	v3 =	vperm.xlane v4, v0;
	[tilespmem:s1+$0xFFFFFFF0] =	vst v7;
	s1 =	smov.u32 s7  }
0x3be: {  	v13 =	vmax.f32 v1, v13;
	v17 =	vld [tilespmem:s9+$0xFFFFFFA0];
	p1 =	slt.u32 s16, $0x78;
	v7 =	vperm.xlane v8, v0;
	v18 =	vmin.f32 v2, v14  }
0x3bf: {  	v14 =	vmax.f32 v2, v14;
	v19 =	vld [tilespmem:s9+$0xFFFFFFB0];
	v20 =	vmin.f32 v4, v3;
	v21 =	vmax.f32 v4, v3  }
0x3c0: {  	v5 =	vsel vm0, v5, v9;
	v3 =	vld [tilespmem:s9+$0xFFFFFFC0];
	v2 =	vmin.f32 v8, v7;
	v4 =	vmax.f32 v8, v7  }
0x3c1: {  	v1 =	vld [tilespmem:s9+$0xFFFFFFD0];
	v4 =	vsel vm0, v2, v4;
	[tilespmem:s7+$0xFFFFFFA0] =	vst v5;
	v5 =	vsel vm0, v6, v11;
	v6 =	vsel vm0, v10, v12  }
0x3c2: {  	v10 =	vsel vm0, v16, v13;
	v16 =	vsel vm0, v18, v14;
	v2 =	vld [tilespmem:s9+$0xFFFFFFE0];
	v9 =	vperm.xlane v15, v0;
	[tilespmem:s7+$0xFFFFFF90] =	vst v4  }
.Ltmp20:
0x3c3: {  	v7 =	vsel vm0, v20, v21;
	v11 =	vperm.xlane v17, v0;
	v4 =	vld [tilespmem:s9+$0xFFFFFFF0];
	[tilespmem:s7+$0xFFFFFFB0] =	vst v5;
	(pc) =	sbr.rel @p1 .LBB2_43-.Ltmp20, $4  }
0x3c4: {  	v8 =	vld [tilespmem:s9+$0xFFFFFF90];
	v14 =	vperm.xlane v19, v0;
	v13 =	vmin.f32 v15, v9;
	v9 =	vmax.f32 v15, v9;
	[tilespmem:s7+$0xFFFFFFC0] =	vst v6  }
0x3c5: {  	s7 =	sadd.s32 $0x400, s7;
	v5 =	vmin.f32 v17, v11;
	v12 =	vperm.xlane v3, v0;
	v15 =	vsel vm0, v13, v9;
	[tilespmem:s1+$0xFFFFFFD0] =	vst v10  }
0x3c6: {  	s0 =	simm.s32 $0x102F0;
	v9 =	vmax.f32 v17, v11;
	v6 =	vmin.f32 v19, v14;
	v13 =	vperm.xlane v1, v0;
	[tilespmem:s7+$0x0] =	vst v15  }
0x3c7: {  	s9 =	sadd.s32 $0x400, s9;
	v11 =	vmax.f32 v19, v14;
	v10 =	vmin.f32 v3, v12;
	v14 =	vperm.xlane v2, v0;
	[tilespmem:s1+$0xFFFFFFE0] =	vst v16  }
0x3c8: {  	_ = 	snop  }
0x3c9: {  	v15 =	vperm.xlane v8, v0  }
0x3ca: {  	[tilespmem:s1+$0xFFFFFFF0] =	vst v7;
	v5 =	vsel vm0, v5, v9  }
0x3cb: {  	v6 =	vsel vm0, v6, v11;
	[tilespmem:s7+$0xFFFFFFA0] =	vst v5;
	v7 =	vmin.f32 v8, v15;
	v8 =	vmax.f32 v8, v15  }
0x3cc: {  	v3 =	vmax.f32 v3, v12;
	v5 =	vmin.f32 v1, v13;
	[tilespmem:s7+$0xFFFFFFB0] =	vst v6;
	v7 =	vsel vm0, v7, v8  }
0x3cd: {  	v1 =	vmax.f32 v1, v13;
	v3 =	vsel vm0, v10, v3;
	[tilespmem:s7+$0xFFFFFF90] =	vst v7;
	v7 =	vperm.xlane v4, v0  }
0x3ce: {  	v6 =	vmin.f32 v2, v14;
	v2 =	vmax.f32 v2, v14;
	v1 =	vsel vm0, v5, v1;
	[tilespmem:s7+$0xFFFFFFC0] =	vst v3  }
0x3cf: {  	v2 =	vsel vm0, v6, v2;
	[tilespmem:s7+$0xFFFFFFD0] =	vst v1;
	v3 =	vmin.f32 v4, v7;
	v4 =	vmax.f32 v4, v7  }
0x3d0: {  	[tilespmem:s7+$0xFFFFFFE0] =	vst v2;
	v1 =	vsel vm0, v3, v4  }
0x3d1: {  	[tilespmem:s7+$0xFFFFFFF0] =	vst v1  }
0x3d2: {  	v1 =	vld [tilespmem:s15+$0x0]  }
0x3d3: {  	v2 =	vld [tilespmem:s15+$0xFFFFFFA0]  }
0x3d4: {  	v3 =	vld [tilespmem:s15+$0xFFFFFFB0]  }
0x3d5: {  	v4 =	vld [tilespmem:s15+$0xFFFFFFC0]  }
0x3d6: {  	v10 =	vld [tilespmem:s15+$0xFFFFFF90];
	_ =	sdelay $0x1  }
0x3d7: {  	v6 =	vld [tilespmem:s15+$0xFFFFFFE0]  }
0x3d8: {  	v9 =	vld [tilespmem:s15+$0xFFFFFFF0];
	v7 =	vperm.xlane v1, v0;
	v8 =	vperm.xlane v2, v0  }
0x3d9: {  	v5 =	vld [tilespmem:s15+$0xFFFFFFD0];
	v11 =	vperm.xlane v3, v0;
	v13 =	vperm.xlane v4, v0  }
0x3da: {  	s14 =	simm.s32 $0x86F0;
	v18 =	vperm.xlane v10, v0;
	v12 =	vmin.f32 v1, v7;
	v1 =	vmax.f32 v1, v7  }
0x3db: {  	v15 =	vld [tilespmem:s14+$0x0];
	v7 =	vmin.f32 v2, v8;
	v2 =	vmax.f32 v2, v8;
	v8 =	vmin.f32 v3, v11  }
0x3dc: {  	v11 =	vmax.f32 v3, v11;
	v14 =	vmin.f32 v4, v13;
	v3 =	vperm.xlane v6, v0  }
0x3dd: {  	v4 =	vmax.f32 v4, v13;
	v13 =	vperm.xlane v9, v0;
	v21 =	vmin.f32 v10, v18  }
0x3de: {  	v10 =	vmax.f32 v10, v18;
	v1 =	vsel vm0, v12, v1;
	v12 =	vperm.xlane v5, v0  }
0x3df: {  	v17 =	vld [tilespmem:s14+$0xFFFFFFA0];
	v2 =	vsel vm0, v7, v2;
	v20 =	vmin.f32 v9, v13;
	v7 =	vmax.f32 v9, v13  }
0x3e0: {  	v19 =	vld [tilespmem:s14+$0xFFFFFFB0];
	v9 =	vsel vm0, v21, v10;
	v10 =	vperm.xlane v15, v0;
	v16 =	vmin.f32 v5, v12  }
0x3e1: {  	[tilespmem:s0+$0x0] =	vst v1;
	v5 =	vmax.f32 v5, v12;
	v12 =	vmin.f32 v6, v3;
	v6 =	vmax.f32 v6, v3;
	v3 =	vld [tilespmem:s14+$0xFFFFFFC0]  }
0x3e2: {  	v8 =	vsel vm0, v8, v11;
	v1 =	vld [tilespmem:s14+$0xFFFFFFD0];
	[tilespmem:s0+$0xFFFFFFA0] =	vst v2  }
0x3e3: {  	v4 =	vsel vm0, v14, v4;
	v2 =	vld [tilespmem:s14+$0xFFFFFFE0];
	[tilespmem:s0+$0xFFFFFFB0] =	vst v8;
	v8 =	vmin.f32 v15, v10;
	v10 =	vmax.f32 v15, v10  }
0x3e4: {  	s7 =	simm.s32 $0x106F0;
	[tilespmem:s0+$0xFFFFFFC0] =	vst v4;
	v4 =	vld [tilespmem:s14+$0xFFFFFFF0];
	v63 =	vsel vm0, v12, v6;
	v6 =	vperm.xlane v17, v0;
	v8 =	vsel vm0, v8, v10  }
0x3e5: {  	v11 =	vperm.xlane v19, v0;
	v7 =	vsel vm0, v20, v7;
	[tilespmem:s7+$0x0] =	vst v8;
	v8 =	vld [tilespmem:s14+$0xFFFFFF90]  }
0x3e6: {  	[tilespmem:s0+$0xFFFFFF90] =	vst v9;
	v9 =	vsel vm0, v16, v5;
	v5 =	vmin.f32 v17, v6;
	v12 =	vperm.xlane v3, v0  }
0x3e7: {  	[tilespmem:s0+$0xFFFFFFD0] =	vst v9;
	v9 =	vmax.f32 v17, v6;
	v6 =	vmin.f32 v19, v11;
	v13 =	vperm.xlane v1, v0  }
0x3e8: {  	s16 =	simm.s32 $0x8;
	s9 =	simm.s32 $0x8AF0;
	s15 =	simm.s32 $0x8370;
	[tilespmem:s0+$0xFFFFFFE0] =	vst v63;
	v11 =	vmax.f32 v19, v11;
	v14 =	vperm.xlane v2, v0;
	v10 =	vmin.f32 v3, v12  }
.LBB2_45:
0x3e9: {  	v15 =	vld [tilespmem:s9+$0x0];
	s16 =	sadd.s32 $0x8, s16;
	v12 =	vmax.f32 v3, v12;
	v16 =	vmin.f32 v1, v13;
	v3 =	vperm.xlane v4, v0;
	[tilespmem:s0+$0xFFFFFFF0] =	vst v7;
	s0 =	smov.u32 s7  }
0x3ea: {  	v13 =	vmax.f32 v1, v13;
	v17 =	vld [tilespmem:s9+$0xFFFFFFA0];
	p1 =	slt.u32 s16, $0x78;
	v7 =	vperm.xlane v8, v0;
	v18 =	vmin.f32 v2, v14  }
0x3eb: {  	v14 =	vmax.f32 v2, v14;
	v19 =	vld [tilespmem:s9+$0xFFFFFFB0];
	v20 =	vmin.f32 v4, v3;
	v21 =	vmax.f32 v4, v3  }
0x3ec: {  	v5 =	vsel vm0, v5, v9;
	v3 =	vld [tilespmem:s9+$0xFFFFFFC0];
	v2 =	vmin.f32 v8, v7;
	v4 =	vmax.f32 v8, v7  }
0x3ed: {  	v1 =	vld [tilespmem:s9+$0xFFFFFFD0];
	v4 =	vsel vm0, v2, v4;
	[tilespmem:s7+$0xFFFFFFA0] =	vst v5;
	v5 =	vsel vm0, v6, v11;
	v6 =	vsel vm0, v10, v12  }
0x3ee: {  	v10 =	vsel vm0, v16, v13;
	v16 =	vsel vm0, v18, v14;
	v2 =	vld [tilespmem:s9+$0xFFFFFFE0];
	v9 =	vperm.xlane v15, v0;
	[tilespmem:s7+$0xFFFFFF90] =	vst v4  }
.Ltmp21:
0x3ef: {  	v7 =	vsel vm0, v20, v21;
	v11 =	vperm.xlane v17, v0;
	v4 =	vld [tilespmem:s9+$0xFFFFFFF0];
	[tilespmem:s7+$0xFFFFFFB0] =	vst v5;
	(pc) =	sbr.rel @p1 .LBB2_45-.Ltmp21, $4  }
0x3f0: {  	v8 =	vld [tilespmem:s9+$0xFFFFFF90];
	v14 =	vperm.xlane v19, v0;
	v13 =	vmin.f32 v15, v9;
	v9 =	vmax.f32 v15, v9;
	[tilespmem:s7+$0xFFFFFFC0] =	vst v6  }
0x3f1: {  	s7 =	sadd.s32 $0x400, s7;
	v5 =	vmin.f32 v17, v11;
	v12 =	vperm.xlane v3, v0;
	v15 =	vsel vm0, v13, v9;
	[tilespmem:s0+$0xFFFFFFD0] =	vst v10  }
0x3f2: {  	s1 =	simm.s32 $0x10370;
	v9 =	vmax.f32 v17, v11;
	v6 =	vmin.f32 v19, v14;
	v13 =	vperm.xlane v1, v0;
	[tilespmem:s7+$0x0] =	vst v15  }
0x3f3: {  	s9 =	sadd.s32 $0x400, s9;
	v11 =	vmax.f32 v19, v14;
	v10 =	vmin.f32 v3, v12;
	v14 =	vperm.xlane v2, v0;
	[tilespmem:s0+$0xFFFFFFE0] =	vst v16  }
0x3f4: {  	_ = 	snop  }
0x3f5: {  	v15 =	vperm.xlane v8, v0  }
0x3f6: {  	[tilespmem:s0+$0xFFFFFFF0] =	vst v7;
	v5 =	vsel vm0, v5, v9  }
0x3f7: {  	v6 =	vsel vm0, v6, v11;
	[tilespmem:s7+$0xFFFFFFA0] =	vst v5;
	v7 =	vmin.f32 v8, v15;
	v8 =	vmax.f32 v8, v15  }
0x3f8: {  	v3 =	vmax.f32 v3, v12;
	v5 =	vmin.f32 v1, v13;
	[tilespmem:s7+$0xFFFFFFB0] =	vst v6;
	v7 =	vsel vm0, v7, v8  }
0x3f9: {  	v1 =	vmax.f32 v1, v13;
	v3 =	vsel vm0, v10, v3;
	[tilespmem:s7+$0xFFFFFF90] =	vst v7;
	v7 =	vperm.xlane v4, v0  }
0x3fa: {  	v6 =	vmin.f32 v2, v14;
	v2 =	vmax.f32 v2, v14;
	v1 =	vsel vm0, v5, v1;
	[tilespmem:s7+$0xFFFFFFC0] =	vst v3  }
0x3fb: {  	v2 =	vsel vm0, v6, v2;
	[tilespmem:s7+$0xFFFFFFD0] =	vst v1;
	v3 =	vmin.f32 v4, v7;
	v4 =	vmax.f32 v4, v7  }
0x3fc: {  	[tilespmem:s7+$0xFFFFFFE0] =	vst v2;
	v1 =	vsel vm0, v3, v4  }
0x3fd: {  	[tilespmem:s7+$0xFFFFFFF0] =	vst v1  }
0x3fe: {  	v1 =	vld [tilespmem:s15+$0x0]  }
0x3ff: {  	v2 =	vld [tilespmem:s15+$0xFFFFFFA0]  }
0x400: {  	v3 =	vld [tilespmem:s15+$0xFFFFFFB0]  }
0x401: {  	v4 =	vld [tilespmem:s15+$0xFFFFFFC0]  }
0x402: {  	v10 =	vld [tilespmem:s15+$0xFFFFFF90];
	_ =	sdelay $0x1  }
0x403: {  	v6 =	vld [tilespmem:s15+$0xFFFFFFE0]  }
0x404: {  	v9 =	vld [tilespmem:s15+$0xFFFFFFF0];
	v7 =	vperm.xlane v1, v0;
	v8 =	vperm.xlane v2, v0  }
0x405: {  	v5 =	vld [tilespmem:s15+$0xFFFFFFD0];
	v11 =	vperm.xlane v3, v0;
	v13 =	vperm.xlane v4, v0  }
0x406: {  	s14 =	simm.s32 $0x8770;
	v18 =	vperm.xlane v10, v0;
	v12 =	vmin.f32 v1, v7;
	v1 =	vmax.f32 v1, v7  }
0x407: {  	v15 =	vld [tilespmem:s14+$0x0];
	v7 =	vmin.f32 v2, v8;
	v2 =	vmax.f32 v2, v8;
	v8 =	vmin.f32 v3, v11  }
0x408: {  	v11 =	vmax.f32 v3, v11;
	v14 =	vmin.f32 v4, v13;
	v3 =	vperm.xlane v6, v0  }
0x409: {  	v4 =	vmax.f32 v4, v13;
	v13 =	vperm.xlane v9, v0;
	v21 =	vmin.f32 v10, v18  }
0x40a: {  	v10 =	vmax.f32 v10, v18;
	v1 =	vsel vm0, v12, v1;
	v12 =	vperm.xlane v5, v0  }
0x40b: {  	v17 =	vld [tilespmem:s14+$0xFFFFFFA0];
	v2 =	vsel vm0, v7, v2;
	v20 =	vmin.f32 v9, v13;
	v7 =	vmax.f32 v9, v13  }
0x40c: {  	v19 =	vld [tilespmem:s14+$0xFFFFFFB0];
	v9 =	vsel vm0, v21, v10;
	v10 =	vperm.xlane v15, v0;
	v16 =	vmin.f32 v5, v12  }
0x40d: {  	[tilespmem:s1+$0x0] =	vst v1;
	v5 =	vmax.f32 v5, v12;
	v12 =	vmin.f32 v6, v3;
	v6 =	vmax.f32 v6, v3;
	v3 =	vld [tilespmem:s14+$0xFFFFFFC0]  }
0x40e: {  	v8 =	vsel vm0, v8, v11;
	v1 =	vld [tilespmem:s14+$0xFFFFFFD0];
	[tilespmem:s1+$0xFFFFFFA0] =	vst v2  }
0x40f: {  	v4 =	vsel vm0, v14, v4;
	v2 =	vld [tilespmem:s14+$0xFFFFFFE0];
	[tilespmem:s1+$0xFFFFFFB0] =	vst v8;
	v8 =	vmin.f32 v15, v10;
	v10 =	vmax.f32 v15, v10  }
0x410: {  	s7 =	simm.s32 $0x10770;
	[tilespmem:s1+$0xFFFFFFC0] =	vst v4;
	v4 =	vld [tilespmem:s14+$0xFFFFFFF0];
	v63 =	vsel vm0, v12, v6;
	v6 =	vperm.xlane v17, v0;
	v8 =	vsel vm0, v8, v10  }
0x411: {  	v11 =	vperm.xlane v19, v0;
	v7 =	vsel vm0, v20, v7;
	[tilespmem:s7+$0x0] =	vst v8;
	v8 =	vld [tilespmem:s14+$0xFFFFFF90]  }
0x412: {  	[tilespmem:s1+$0xFFFFFF90] =	vst v9;
	v9 =	vsel vm0, v16, v5;
	v5 =	vmin.f32 v17, v6;
	v12 =	vperm.xlane v3, v0  }
0x413: {  	[tilespmem:s1+$0xFFFFFFD0] =	vst v9;
	v9 =	vmax.f32 v17, v6;
	v6 =	vmin.f32 v19, v11;
	v13 =	vperm.xlane v1, v0  }
0x414: {  	s16 =	simm.s32 $0x8;
	s9 =	simm.s32 $0x8B70;
	s15 =	simm.s32 $0x83F0;
	[tilespmem:s1+$0xFFFFFFE0] =	vst v63;
	v11 =	vmax.f32 v19, v11;
	v14 =	vperm.xlane v2, v0;
	v10 =	vmin.f32 v3, v12  }
.LBB2_47:
0x415: {  	v15 =	vld [tilespmem:s9+$0x0];
	s16 =	sadd.s32 $0x8, s16;
	v12 =	vmax.f32 v3, v12;
	v16 =	vmin.f32 v1, v13;
	v3 =	vperm.xlane v4, v0;
	[tilespmem:s1+$0xFFFFFFF0] =	vst v7;
	s1 =	smov.u32 s7  }
0x416: {  	v13 =	vmax.f32 v1, v13;
	v17 =	vld [tilespmem:s9+$0xFFFFFFA0];
	p1 =	slt.u32 s16, $0x78;
	v7 =	vperm.xlane v8, v0;
	v18 =	vmin.f32 v2, v14  }
0x417: {  	v14 =	vmax.f32 v2, v14;
	v19 =	vld [tilespmem:s9+$0xFFFFFFB0];
	v20 =	vmin.f32 v4, v3;
	v21 =	vmax.f32 v4, v3  }
0x418: {  	v5 =	vsel vm0, v5, v9;
	v3 =	vld [tilespmem:s9+$0xFFFFFFC0];
	v2 =	vmin.f32 v8, v7;
	v4 =	vmax.f32 v8, v7  }
0x419: {  	v1 =	vld [tilespmem:s9+$0xFFFFFFD0];
	v4 =	vsel vm0, v2, v4;
	[tilespmem:s7+$0xFFFFFFA0] =	vst v5;
	v5 =	vsel vm0, v6, v11;
	v6 =	vsel vm0, v10, v12  }
0x41a: {  	v10 =	vsel vm0, v16, v13;
	v16 =	vsel vm0, v18, v14;
	v2 =	vld [tilespmem:s9+$0xFFFFFFE0];
	v9 =	vperm.xlane v15, v0;
	[tilespmem:s7+$0xFFFFFF90] =	vst v4  }
.Ltmp22:
0x41b: {  	v7 =	vsel vm0, v20, v21;
	v11 =	vperm.xlane v17, v0;
	v4 =	vld [tilespmem:s9+$0xFFFFFFF0];
	[tilespmem:s7+$0xFFFFFFB0] =	vst v5;
	(pc) =	sbr.rel @p1 .LBB2_47-.Ltmp22, $4  }
0x41c: {  	v8 =	vld [tilespmem:s9+$0xFFFFFF90];
	v14 =	vperm.xlane v19, v0;
	v13 =	vmin.f32 v15, v9;
	v9 =	vmax.f32 v15, v9;
	[tilespmem:s7+$0xFFFFFFC0] =	vst v6  }
0x41d: {  	s7 =	sadd.s32 $0x400, s7;
	v5 =	vmin.f32 v17, v11;
	v12 =	vperm.xlane v3, v0;
	v15 =	vsel vm0, v13, v9;
	[tilespmem:s1+$0xFFFFFFD0] =	vst v10  }
0x41e: {  	s0 =	simm.s32 $0x103F0;
	v9 =	vmax.f32 v17, v11;
	v6 =	vmin.f32 v19, v14;
	v13 =	vperm.xlane v1, v0;
	[tilespmem:s7+$0x0] =	vst v15  }
0x41f: {  	s9 =	sadd.s32 $0x400, s9;
	v11 =	vmax.f32 v19, v14;
	v10 =	vmin.f32 v3, v12;
	v14 =	vperm.xlane v2, v0;
	[tilespmem:s1+$0xFFFFFFE0] =	vst v16  }
0x420: {  	_ = 	snop  }
0x421: {  	v15 =	vperm.xlane v8, v0  }
0x422: {  	[tilespmem:s1+$0xFFFFFFF0] =	vst v7;
	v5 =	vsel vm0, v5, v9  }
0x423: {  	v6 =	vsel vm0, v6, v11;
	[tilespmem:s7+$0xFFFFFFA0] =	vst v5;
	v7 =	vmin.f32 v8, v15;
	v8 =	vmax.f32 v8, v15  }
0x424: {  	v3 =	vmax.f32 v3, v12;
	v5 =	vmin.f32 v1, v13;
	[tilespmem:s7+$0xFFFFFFB0] =	vst v6;
	v7 =	vsel vm0, v7, v8  }
0x425: {  	v1 =	vmax.f32 v1, v13;
	v3 =	vsel vm0, v10, v3;
	[tilespmem:s7+$0xFFFFFF90] =	vst v7;
	v7 =	vperm.xlane v4, v0  }
0x426: {  	v6 =	vmin.f32 v2, v14;
	v2 =	vmax.f32 v2, v14;
	v1 =	vsel vm0, v5, v1;
	[tilespmem:s7+$0xFFFFFFC0] =	vst v3  }
0x427: {  	v2 =	vsel vm0, v6, v2;
	[tilespmem:s7+$0xFFFFFFD0] =	vst v1;
	v3 =	vmin.f32 v4, v7;
	v4 =	vmax.f32 v4, v7  }
0x428: {  	[tilespmem:s7+$0xFFFFFFE0] =	vst v2;
	v1 =	vsel vm0, v3, v4  }
0x429: {  	[tilespmem:s7+$0xFFFFFFF0] =	vst v1  }
0x42a: {  	v1 =	vld [tilespmem:s15+$0x0]  }
0x42b: {  	v2 =	vld [tilespmem:s15+$0xFFFFFFA0]  }
0x42c: {  	v3 =	vld [tilespmem:s15+$0xFFFFFFB0]  }
0x42d: {  	v4 =	vld [tilespmem:s15+$0xFFFFFFC0]  }
0x42e: {  	v10 =	vld [tilespmem:s15+$0xFFFFFF90];
	_ =	sdelay $0x1  }
0x42f: {  	v6 =	vld [tilespmem:s15+$0xFFFFFFE0]  }
0x430: {  	v9 =	vld [tilespmem:s15+$0xFFFFFFF0];
	v7 =	vperm.xlane v1, v0;
	v8 =	vperm.xlane v2, v0  }
0x431: {  	v5 =	vld [tilespmem:s15+$0xFFFFFFD0];
	v11 =	vperm.xlane v3, v0;
	v13 =	vperm.xlane v4, v0  }
0x432: {  	s9 =	simm.s32 $0x87F0;
	v18 =	vperm.xlane v10, v0;
	v12 =	vmin.f32 v1, v7;
	v1 =	vmax.f32 v1, v7  }
0x433: {  	v15 =	vld [tilespmem:s9+$0x0];
	v7 =	vmin.f32 v2, v8;
	v2 =	vmax.f32 v2, v8;
	v8 =	vmin.f32 v3, v11  }
0x434: {  	v11 =	vmax.f32 v3, v11;
	v14 =	vmin.f32 v4, v13;
	v3 =	vperm.xlane v6, v0  }
0x435: {  	v4 =	vmax.f32 v4, v13;
	v13 =	vperm.xlane v9, v0;
	v21 =	vmin.f32 v10, v18  }
0x436: {  	v10 =	vmax.f32 v10, v18;
	v1 =	vsel vm0, v12, v1;
	v12 =	vperm.xlane v5, v0  }
0x437: {  	v17 =	vld [tilespmem:s9+$0xFFFFFFA0];
	v2 =	vsel vm0, v7, v2;
	v20 =	vmin.f32 v9, v13;
	v7 =	vmax.f32 v9, v13  }
0x438: {  	v19 =	vld [tilespmem:s9+$0xFFFFFFB0];
	v9 =	vsel vm0, v21, v10;
	v10 =	vperm.xlane v15, v0;
	v16 =	vmin.f32 v5, v12  }
0x439: {  	[tilespmem:s0+$0x0] =	vst v1;
	v5 =	vmax.f32 v5, v12;
	v12 =	vmin.f32 v6, v3;
	v6 =	vmax.f32 v6, v3;
	v3 =	vld [tilespmem:s9+$0xFFFFFFC0]  }
0x43a: {  	v8 =	vsel vm0, v8, v11;
	v1 =	vld [tilespmem:s9+$0xFFFFFFD0];
	[tilespmem:s0+$0xFFFFFFA0] =	vst v2  }
0x43b: {  	v4 =	vsel vm0, v14, v4;
	v2 =	vld [tilespmem:s9+$0xFFFFFFE0];
	[tilespmem:s0+$0xFFFFFFB0] =	vst v8;
	v8 =	vmin.f32 v15, v10;
	v10 =	vmax.f32 v15, v10  }
0x43c: {  	s1 =	simm.s32 $0x107F0;
	[tilespmem:s0+$0xFFFFFFC0] =	vst v4;
	v4 =	vld [tilespmem:s9+$0xFFFFFFF0];
	v63 =	vsel vm0, v12, v6;
	v6 =	vperm.xlane v17, v0;
	v8 =	vsel vm0, v8, v10  }
0x43d: {  	v11 =	vperm.xlane v19, v0;
	v7 =	vsel vm0, v20, v7;
	[tilespmem:s1+$0x0] =	vst v8;
	v8 =	vld [tilespmem:s9+$0xFFFFFF90]  }
0x43e: {  	[tilespmem:s0+$0xFFFFFF90] =	vst v9;
	v9 =	vsel vm0, v16, v5;
	v5 =	vmin.f32 v17, v6;
	v12 =	vperm.xlane v3, v0  }
0x43f: {  	[tilespmem:s0+$0xFFFFFFD0] =	vst v9;
	v10 =	vmax.f32 v17, v6;
	v6 =	vmin.f32 v19, v11;
	v13 =	vperm.xlane v1, v0  }
0x440: {  	s7 =	simm.s32 $0x8;
	[tilespmem:s0+$0xFFFFFFE0] =	vst v63;
	v11 =	vmax.f32 v19, v11;
	s9 =	simm.s32 $0x8BF0;
	v14 =	vperm.xlane v2, v0;
	v9 =	vmin.f32 v3, v12  }
.LBB2_49:
0x441: {  	v15 =	vld [tilespmem:s9+$0x0];
	s7 =	sadd.s32 $0x8, s7;
	v12 =	vmax.f32 v3, v12;
	v16 =	vmin.f32 v1, v13;
	v3 =	vperm.xlane v4, v0;
	[tilespmem:s0+$0xFFFFFFF0] =	vst v7;
	s0 =	smov.u32 s1  }
0x442: {  	v13 =	vmax.f32 v1, v13;
	v17 =	vld [tilespmem:s9+$0xFFFFFFA0];
	p1 =	slt.u32 s7, $0x78;
	v7 =	vperm.xlane v8, v0;
	v18 =	vmin.f32 v2, v14  }
0x443: {  	v14 =	vmax.f32 v2, v14;
	v19 =	vld [tilespmem:s9+$0xFFFFFFB0];
	v20 =	vmin.f32 v4, v3;
	v21 =	vmax.f32 v4, v3  }
0x444: {  	v5 =	vsel vm0, v5, v10;
	v3 =	vld [tilespmem:s9+$0xFFFFFFC0];
	v2 =	vmin.f32 v8, v7;
	v4 =	vmax.f32 v8, v7  }
0x445: {  	v1 =	vld [tilespmem:s9+$0xFFFFFFD0];
	v4 =	vsel vm0, v2, v4;
	[tilespmem:s1+$0xFFFFFFA0] =	vst v5;
	v5 =	vsel vm0, v6, v11;
	v6 =	vsel vm0, v9, v12  }
0x446: {  	v10 =	vsel vm0, v16, v13;
	v16 =	vsel vm0, v18, v14;
	v2 =	vld [tilespmem:s9+$0xFFFFFFE0];
	v9 =	vperm.xlane v15, v0;
	[tilespmem:s1+$0xFFFFFF90] =	vst v4  }
.Ltmp23:
0x447: {  	v7 =	vsel vm0, v20, v21;
	v11 =	vperm.xlane v17, v0;
	v4 =	vld [tilespmem:s9+$0xFFFFFFF0];
	[tilespmem:s1+$0xFFFFFFB0] =	vst v5;
	(pc) =	sbr.rel @p1 .LBB2_49-.Ltmp23, $4  }
0x448: {  	v8 =	vld [tilespmem:s9+$0xFFFFFF90];
	v14 =	vperm.xlane v19, v0;
	v13 =	vmin.f32 v15, v9;
	v9 =	vmax.f32 v15, v9;
	[tilespmem:s1+$0xFFFFFFC0] =	vst v6  }
0x449: {  	s1 =	sadd.s32 $0x400, s1;
	v5 =	vmin.f32 v17, v11;
	v12 =	vperm.xlane v3, v0;
	v9 =	vsel vm0, v13, v9;
	[tilespmem:s0+$0xFFFFFFD0] =	vst v10  }
0x44a: {  	v10 =	vmax.f32 v17, v11;
	v6 =	vmin.f32 v19, v14;
	v13 =	vperm.xlane v1, v0;
	[tilespmem:s1+$0x0] =	vst v9  }
0x44b: {  	s9 =	sadd.s32 $0x400, s9;
	v11 =	vmax.f32 v19, v14;
	v9 =	vmin.f32 v3, v12;
	v14 =	vperm.xlane v2, v0;
	[tilespmem:s0+$0xFFFFFFE0] =	vst v16  }
0x44c: {  	_ = 	snop  }
0x44d: {  	v15 =	vperm.xlane v8, v0  }
0x44e: {  	[tilespmem:s0+$0xFFFFFFF0] =	vst v7;
	v5 =	vsel vm0, v5, v10  }
0x44f: {  	v6 =	vsel vm0, v6, v11;
	[tilespmem:s1+$0xFFFFFFA0] =	vst v5;
	v7 =	vmin.f32 v8, v15;
	v8 =	vmax.f32 v8, v15  }
0x450: {  	v3 =	vmax.f32 v3, v12;
	v5 =	vmin.f32 v1, v13;
	[tilespmem:s1+$0xFFFFFFB0] =	vst v6;
	v7 =	vsel vm0, v7, v8  }
0x451: {  	v1 =	vmax.f32 v1, v13;
	v3 =	vsel vm0, v9, v3;
	[tilespmem:s1+$0xFFFFFF90] =	vst v7;
	v7 =	vperm.xlane v4, v0  }
0x452: {  	v6 =	vmin.f32 v2, v14;
	v2 =	vmax.f32 v2, v14;
	v1 =	vsel vm0, v5, v1;
	[tilespmem:s1+$0xFFFFFFC0] =	vst v3  }
0x453: {  	s16 =	sshll.u32 s31, $0x8;
	v2 =	vsel vm0, v6, v2;
	[tilespmem:s1+$0xFFFFFFD0] =	vst v1;
	v3 =	vmin.f32 v4, v7;
	v4 =	vmax.f32 v4, v7  }
0x454: {  	s0 =	sadd.s32 s3, s16;
	[tilespmem:s1+$0xFFFFFFE0] =	vst v2;
	v1 =	vsel vm0, v3, v4  }
0x455: {  	s0 =	sadd.s32 $0x1000, s0;
	[tilespmem:s1+$0xFFFFFFF0] =	vst v1  }
0x456: {  	[hbm4b:s0+s4] =	stream.linear.scatter [tilespmem:s19], [sflag:$0x5], $0x4000, $0x38;
	[tilespmem:$0x18000] =	vst v63  }
0x457: {  	s0 =	sadd.s32 @!p0 s12, s30  }
0x458: {  	s0 =	sshll.u32 @!p0 s0, $0xB  }
0x459: {  	s0 =	sand.u32 @!p0 $0x1FFFF000, s0  }
0x45a: {  	s7 =	simm.s32 @!p0 $0x8000;
	s1 =	simm.s32 @!p0 $0x0;
	s0 =	sadd.s32 @!p0 s2, s0  }
0x45b: {  	[tilespmem:s7], [sflag:$0x3] =	stream.linear.gather @!p0 [hbm4b:s0+s1], $0x4000, $0x38;
	[tilespmem:$0x18000] =	vst v63  }
0x45c: {  	_ =	swait.ge [sflag:s24], $0x4000  }
0x45d: {  	[sflag:s24] =	ssyncset.done $0x0  }
0x45e: {  	[sflag:s24] =	ssyncadd.s32 $0xFFFFC000  }
0x45f: {  	_ =	swait.ge [sflag:s25], $0x4000  }
0x460: {  	[sflag:s25] =	ssyncset.done $0x0  }
0x461: {  	s30 =	simm.s32 $0xC040;
	[sflag:s25] =	ssyncadd.s32 $0xFFFFC000  }
0x462: {  	v1 =	vld [tilespmem:s30+$0x30]  }
0x463: {  	v2 =	vld [tilespmem:s30+$0xFFFFFFD0]  }
0x464: {  	v3 =	vld [tilespmem:s30+$0xFFFFFFE0]  }
0x465: {  	v4 =	vld [tilespmem:s30+$0xFFFFFFF0]  }
0x466: {  	v10 =	vld [tilespmem:s30+$0xFFFFFFC0];
	_ =	sdelay $0x1  }
0x467: {  	v6 =	vld [tilespmem:s30+$0x10]  }
0x468: {  	v9 =	vld [tilespmem:s30+$0x20];
	v7 =	vperm.xlane v1, v0;
	v8 =	vperm.xlane v2, v0  }
0x469: {  	v5 =	vld [tilespmem:s30+$0x0];
	v11 =	vperm.xlane v3, v0;
	v13 =	vperm.xlane v4, v0  }
0x46a: {  	s31 =	simm.s32 $0xC440;
	v18 =	vperm.xlane v10, v0;
	v12 =	vmin.f32 v1, v7;
	v1 =	vmax.f32 v1, v7  }
0x46b: {  	v15 =	vld [tilespmem:s31+$0x30];
	v7 =	vmin.f32 v2, v8;
	v2 =	vmax.f32 v2, v8;
	v8 =	vmin.f32 v3, v11  }
0x46c: {  	v11 =	vmax.f32 v3, v11;
	v14 =	vmin.f32 v4, v13;
	v3 =	vperm.xlane v6, v0  }
0x46d: {  	v4 =	vmax.f32 v4, v13;
	v13 =	vperm.xlane v9, v0;
	v21 =	vmin.f32 v10, v18  }
0x46e: {  	v10 =	vmax.f32 v10, v18;
	v1 =	vsel vm0, v12, v1;
	v12 =	vperm.xlane v5, v0  }
0x46f: {  	v17 =	vld [tilespmem:s31+$0xFFFFFFD0];
	v2 =	vsel vm0, v7, v2;
	v20 =	vmin.f32 v9, v13;
	v7 =	vmax.f32 v9, v13  }
0x470: {  	s1 =	simm.s32 $0x14040;
	v19 =	vld [tilespmem:s31+$0xFFFFFFE0];
	v9 =	vsel vm0, v21, v10;
	v10 =	vperm.xlane v15, v0;
	v16 =	vmin.f32 v5, v12  }
0x471: {  	[tilespmem:s1+$0x30] =	vst v1;
	v5 =	vmax.f32 v5, v12;
	v12 =	vmin.f32 v6, v3;
	v6 =	vmax.f32 v6, v3;
	v3 =	vld [tilespmem:s31+$0xFFFFFFF0]  }
0x472: {  	v8 =	vsel vm0, v8, v11;
	v1 =	vld [tilespmem:s31+$0x0];
	[tilespmem:s1+$0xFFFFFFD0] =	vst v2  }
0x473: {  	v4 =	vsel vm0, v14, v4;
	v2 =	vld [tilespmem:s31+$0x10];
	[tilespmem:s1+$0xFFFFFFE0] =	vst v8;
	v8 =	vmin.f32 v15, v10;
	v10 =	vmax.f32 v15, v10  }
0x474: {  	s7 =	simm.s32 $0x14440;
	[tilespmem:s1+$0xFFFFFFF0] =	vst v4;
	v4 =	vld [tilespmem:s31+$0x20];
	v63 =	vsel vm0, v12, v6;
	v6 =	vperm.xlane v17, v0;
	v8 =	vsel vm0, v8, v10  }
0x475: {  	v11 =	vperm.xlane v19, v0;
	v7 =	vsel vm0, v20, v7;
	[tilespmem:s7+$0x30] =	vst v8;
	v8 =	vld [tilespmem:s31+$0xFFFFFFC0]  }
0x476: {  	[tilespmem:s1+$0xFFFFFFC0] =	vst v9;
	v9 =	vsel vm0, v16, v5;
	v5 =	vmin.f32 v17, v6;
	v12 =	vperm.xlane v3, v0  }
0x477: {  	[tilespmem:s1+$0x0] =	vst v9;
	v9 =	vmax.f32 v17, v6;
	v6 =	vmin.f32 v19, v11;
	v13 =	vperm.xlane v1, v0  }
0x478: {  	s15 =	simm.s32 $0xC0F0;
	s9 =	simm.s32 $0xC840;
	s16 =	simm.s32 $0x8;
	[tilespmem:s1+$0x10] =	vst v63;
	v11 =	vmax.f32 v19, v11;
	v14 =	vperm.xlane v2, v0;
	v10 =	vmin.f32 v3, v12  }
.LBB2_51:
0x479: {  	v15 =	vld [tilespmem:s9+$0x30];
	s16 =	sadd.s32 $0x8, s16;
	v12 =	vmax.f32 v3, v12;
	v16 =	vmin.f32 v1, v13;
	v3 =	vperm.xlane v4, v0;
	[tilespmem:s1+$0x20] =	vst v7;
	s1 =	smov.u32 s7  }
0x47a: {  	v13 =	vmax.f32 v1, v13;
	v17 =	vld [tilespmem:s9+$0xFFFFFFD0];
	p0 =	slt.u32 s16, $0x78;
	v7 =	vperm.xlane v8, v0;
	v18 =	vmin.f32 v2, v14  }
0x47b: {  	v14 =	vmax.f32 v2, v14;
	v19 =	vld [tilespmem:s9+$0xFFFFFFE0];
	v20 =	vmin.f32 v4, v3;
	v21 =	vmax.f32 v4, v3  }
0x47c: {  	v5 =	vsel vm0, v5, v9;
	v3 =	vld [tilespmem:s9+$0xFFFFFFF0];
	v2 =	vmin.f32 v8, v7;
	v4 =	vmax.f32 v8, v7  }
0x47d: {  	v1 =	vld [tilespmem:s9+$0x0];
	v4 =	vsel vm0, v2, v4;
	[tilespmem:s7+$0xFFFFFFD0] =	vst v5;
	v5 =	vsel vm0, v6, v11;
	v6 =	vsel vm0, v10, v12  }
0x47e: {  	v10 =	vsel vm0, v16, v13;
	v16 =	vsel vm0, v18, v14;
	v2 =	vld [tilespmem:s9+$0x10];
	v9 =	vperm.xlane v15, v0;
	[tilespmem:s7+$0xFFFFFFC0] =	vst v4  }
.Ltmp24:
0x47f: {  	v7 =	vsel vm0, v20, v21;
	v11 =	vperm.xlane v17, v0;
	v4 =	vld [tilespmem:s9+$0x20];
	[tilespmem:s7+$0xFFFFFFE0] =	vst v5;
	(pc) =	sbr.rel @p0 .LBB2_51-.Ltmp24, $4  }
0x480: {  	v8 =	vld [tilespmem:s9+$0xFFFFFFC0];
	v14 =	vperm.xlane v19, v0;
	v13 =	vmin.f32 v15, v9;
	v9 =	vmax.f32 v15, v9;
	[tilespmem:s7+$0xFFFFFFF0] =	vst v6  }
0x481: {  	s7 =	sadd.s32 $0x400, s7;
	v5 =	vmin.f32 v17, v11;
	v12 =	vperm.xlane v3, v0;
	v15 =	vsel vm0, v13, v9;
	[tilespmem:s1+$0x0] =	vst v10  }
0x482: {  	s0 =	simm.s32 $0x140F0;
	v9 =	vmax.f32 v17, v11;
	v6 =	vmin.f32 v19, v14;
	v13 =	vperm.xlane v1, v0;
	[tilespmem:s7+$0x30] =	vst v15  }
0x483: {  	s9 =	sadd.s32 $0x400, s9;
	v11 =	vmax.f32 v19, v14;
	v10 =	vmin.f32 v3, v12;
	v14 =	vperm.xlane v2, v0;
	[tilespmem:s1+$0x10] =	vst v16  }
0x484: {  	_ = 	snop  }
0x485: {  	v15 =	vperm.xlane v8, v0  }
0x486: {  	[tilespmem:s1+$0x20] =	vst v7;
	v5 =	vsel vm0, v5, v9  }
0x487: {  	v6 =	vsel vm0, v6, v11;
	[tilespmem:s7+$0xFFFFFFD0] =	vst v5;
	v7 =	vmin.f32 v8, v15;
	v8 =	vmax.f32 v8, v15  }
0x488: {  	v3 =	vmax.f32 v3, v12;
	v5 =	vmin.f32 v1, v13;
	[tilespmem:s7+$0xFFFFFFE0] =	vst v6;
	v7 =	vsel vm0, v7, v8  }
0x489: {  	v1 =	vmax.f32 v1, v13;
	v3 =	vsel vm0, v10, v3;
	[tilespmem:s7+$0xFFFFFFC0] =	vst v7;
	v7 =	vperm.xlane v4, v0  }
0x48a: {  	v6 =	vmin.f32 v2, v14;
	v2 =	vmax.f32 v2, v14;
	v1 =	vsel vm0, v5, v1;
	[tilespmem:s7+$0xFFFFFFF0] =	vst v3  }
0x48b: {  	v2 =	vsel vm0, v6, v2;
	[tilespmem:s7+$0x0] =	vst v1;
	v3 =	vmin.f32 v4, v7;
	v4 =	vmax.f32 v4, v7  }
0x48c: {  	[tilespmem:s7+$0x10] =	vst v2;
	v1 =	vsel vm0, v3, v4  }
0x48d: {  	[tilespmem:s7+$0x20] =	vst v1  }
0x48e: {  	v1 =	vld [tilespmem:s15+$0x0]  }
0x48f: {  	v2 =	vld [tilespmem:s15+$0xFFFFFFA0]  }
0x490: {  	v3 =	vld [tilespmem:s15+$0xFFFFFFB0]  }
0x491: {  	v4 =	vld [tilespmem:s15+$0xFFFFFFC0]  }
0x492: {  	v10 =	vld [tilespmem:s15+$0xFFFFFF90];
	_ =	sdelay $0x1  }
0x493: {  	v6 =	vld [tilespmem:s15+$0xFFFFFFE0]  }
0x494: {  	v9 =	vld [tilespmem:s15+$0xFFFFFFF0];
	v7 =	vperm.xlane v1, v0;
	v8 =	vperm.xlane v2, v0  }
0x495: {  	v5 =	vld [tilespmem:s15+$0xFFFFFFD0];
	v11 =	vperm.xlane v3, v0;
	v13 =	vperm.xlane v4, v0  }
0x496: {  	s31 =	simm.s32 $0xC4F0;
	v18 =	vperm.xlane v10, v0;
	v12 =	vmin.f32 v1, v7;
	v1 =	vmax.f32 v1, v7  }
0x497: {  	v15 =	vld [tilespmem:s31+$0x0];
	v7 =	vmin.f32 v2, v8;
	v2 =	vmax.f32 v2, v8;
	v8 =	vmin.f32 v3, v11  }
0x498: {  	v11 =	vmax.f32 v3, v11;
	v14 =	vmin.f32 v4, v13;
	v3 =	vperm.xlane v6, v0  }
0x499: {  	v4 =	vmax.f32 v4, v13;
	v13 =	vperm.xlane v9, v0;
	v21 =	vmin.f32 v10, v18  }
0x49a: {  	v10 =	vmax.f32 v10, v18;
	v1 =	vsel vm0, v12, v1;
	v12 =	vperm.xlane v5, v0  }
0x49b: {  	v17 =	vld [tilespmem:s31+$0xFFFFFFA0];
	v2 =	vsel vm0, v7, v2;
	v20 =	vmin.f32 v9, v13;
	v7 =	vmax.f32 v9, v13  }
0x49c: {  	v19 =	vld [tilespmem:s31+$0xFFFFFFB0];
	v9 =	vsel vm0, v21, v10;
	v10 =	vperm.xlane v15, v0;
	v16 =	vmin.f32 v5, v12  }
0x49d: {  	[tilespmem:s0+$0x0] =	vst v1;
	v5 =	vmax.f32 v5, v12;
	v12 =	vmin.f32 v6, v3;
	v6 =	vmax.f32 v6, v3;
	v3 =	vld [tilespmem:s31+$0xFFFFFFC0]  }
0x49e: {  	v8 =	vsel vm0, v8, v11;
	v1 =	vld [tilespmem:s31+$0xFFFFFFD0];
	[tilespmem:s0+$0xFFFFFFA0] =	vst v2  }
0x49f: {  	v4 =	vsel vm0, v14, v4;
	v2 =	vld [tilespmem:s31+$0xFFFFFFE0];
	[tilespmem:s0+$0xFFFFFFB0] =	vst v8;
	v8 =	vmin.f32 v15, v10;
	v10 =	vmax.f32 v15, v10  }
0x4a0: {  	s7 =	simm.s32 $0x144F0;
	[tilespmem:s0+$0xFFFFFFC0] =	vst v4;
	v4 =	vld [tilespmem:s31+$0xFFFFFFF0];
	v63 =	vsel vm0, v12, v6;
	v6 =	vperm.xlane v17, v0;
	v8 =	vsel vm0, v8, v10  }
0x4a1: {  	v11 =	vperm.xlane v19, v0;
	v7 =	vsel vm0, v20, v7;
	[tilespmem:s7+$0x0] =	vst v8;
	v8 =	vld [tilespmem:s31+$0xFFFFFF90]  }
0x4a2: {  	[tilespmem:s0+$0xFFFFFF90] =	vst v9;
	v9 =	vsel vm0, v16, v5;
	v5 =	vmin.f32 v17, v6;
	v12 =	vperm.xlane v3, v0  }
0x4a3: {  	[tilespmem:s0+$0xFFFFFFD0] =	vst v9;
	v9 =	vmax.f32 v17, v6;
	v6 =	vmin.f32 v19, v11;
	v13 =	vperm.xlane v1, v0  }
0x4a4: {  	s16 =	simm.s32 $0x8;
	s9 =	simm.s32 $0xC8F0;
	s15 =	simm.s32 $0xC170;
	[tilespmem:s0+$0xFFFFFFE0] =	vst v63;
	v11 =	vmax.f32 v19, v11;
	v14 =	vperm.xlane v2, v0;
	v10 =	vmin.f32 v3, v12  }
.LBB2_53:
0x4a5: {  	v15 =	vld [tilespmem:s9+$0x0];
	s16 =	sadd.s32 $0x8, s16;
	v12 =	vmax.f32 v3, v12;
	v16 =	vmin.f32 v1, v13;
	v3 =	vperm.xlane v4, v0;
	[tilespmem:s0+$0xFFFFFFF0] =	vst v7;
	s0 =	smov.u32 s7  }
0x4a6: {  	v13 =	vmax.f32 v1, v13;
	v17 =	vld [tilespmem:s9+$0xFFFFFFA0];
	p0 =	slt.u32 s16, $0x78;
	v7 =	vperm.xlane v8, v0;
	v18 =	vmin.f32 v2, v14  }
0x4a7: {  	v14 =	vmax.f32 v2, v14;
	v19 =	vld [tilespmem:s9+$0xFFFFFFB0];
	v20 =	vmin.f32 v4, v3;
	v21 =	vmax.f32 v4, v3  }
0x4a8: {  	v5 =	vsel vm0, v5, v9;
	v3 =	vld [tilespmem:s9+$0xFFFFFFC0];
	v2 =	vmin.f32 v8, v7;
	v4 =	vmax.f32 v8, v7  }
0x4a9: {  	v1 =	vld [tilespmem:s9+$0xFFFFFFD0];
	v4 =	vsel vm0, v2, v4;
	[tilespmem:s7+$0xFFFFFFA0] =	vst v5;
	v5 =	vsel vm0, v6, v11;
	v6 =	vsel vm0, v10, v12  }
0x4aa: {  	v10 =	vsel vm0, v16, v13;
	v16 =	vsel vm0, v18, v14;
	v2 =	vld [tilespmem:s9+$0xFFFFFFE0];
	v9 =	vperm.xlane v15, v0;
	[tilespmem:s7+$0xFFFFFF90] =	vst v4  }
.Ltmp25:
0x4ab: {  	v7 =	vsel vm0, v20, v21;
	v11 =	vperm.xlane v17, v0;
	v4 =	vld [tilespmem:s9+$0xFFFFFFF0];
	[tilespmem:s7+$0xFFFFFFB0] =	vst v5;
	(pc) =	sbr.rel @p0 .LBB2_53-.Ltmp25, $4  }
0x4ac: {  	v8 =	vld [tilespmem:s9+$0xFFFFFF90];
	v14 =	vperm.xlane v19, v0;
	v13 =	vmin.f32 v15, v9;
	v9 =	vmax.f32 v15, v9;
	[tilespmem:s7+$0xFFFFFFC0] =	vst v6  }
0x4ad: {  	s7 =	sadd.s32 $0x400, s7;
	v5 =	vmin.f32 v17, v11;
	v12 =	vperm.xlane v3, v0;
	v15 =	vsel vm0, v13, v9;
	[tilespmem:s0+$0xFFFFFFD0] =	vst v10  }
0x4ae: {  	s1 =	simm.s32 $0x14170;
	v9 =	vmax.f32 v17, v11;
	v6 =	vmin.f32 v19, v14;
	v13 =	vperm.xlane v1, v0;
	[tilespmem:s7+$0x0] =	vst v15  }
0x4af: {  	s9 =	sadd.s32 $0x400, s9;
	v11 =	vmax.f32 v19, v14;
	v10 =	vmin.f32 v3, v12;
	v14 =	vperm.xlane v2, v0;
	[tilespmem:s0+$0xFFFFFFE0] =	vst v16  }
0x4b0: {  	_ = 	snop  }
0x4b1: {  	v15 =	vperm.xlane v8, v0  }
0x4b2: {  	[tilespmem:s0+$0xFFFFFFF0] =	vst v7;
	v5 =	vsel vm0, v5, v9  }
0x4b3: {  	v6 =	vsel vm0, v6, v11;
	[tilespmem:s7+$0xFFFFFFA0] =	vst v5;
	v7 =	vmin.f32 v8, v15;
	v8 =	vmax.f32 v8, v15  }
0x4b4: {  	v3 =	vmax.f32 v3, v12;
	v5 =	vmin.f32 v1, v13;
	[tilespmem:s7+$0xFFFFFFB0] =	vst v6;
	v7 =	vsel vm0, v7, v8  }
0x4b5: {  	v1 =	vmax.f32 v1, v13;
	v3 =	vsel vm0, v10, v3;
	[tilespmem:s7+$0xFFFFFF90] =	vst v7;
	v7 =	vperm.xlane v4, v0  }
0x4b6: {  	v6 =	vmin.f32 v2, v14;
	v2 =	vmax.f32 v2, v14;
	v1 =	vsel vm0, v5, v1;
	[tilespmem:s7+$0xFFFFFFC0] =	vst v3  }
0x4b7: {  	v2 =	vsel vm0, v6, v2;
	[tilespmem:s7+$0xFFFFFFD0] =	vst v1;
	v3 =	vmin.f32 v4, v7;
	v4 =	vmax.f32 v4, v7  }
0x4b8: {  	[tilespmem:s7+$0xFFFFFFE0] =	vst v2;
	v1 =	vsel vm0, v3, v4  }
0x4b9: {  	[tilespmem:s7+$0xFFFFFFF0] =	vst v1  }
0x4ba: {  	v1 =	vld [tilespmem:s15+$0x0]  }
0x4bb: {  	v2 =	vld [tilespmem:s15+$0xFFFFFFA0]  }
0x4bc: {  	v3 =	vld [tilespmem:s15+$0xFFFFFFB0]  }
0x4bd: {  	v4 =	vld [tilespmem:s15+$0xFFFFFFC0]  }
0x4be: {  	v10 =	vld [tilespmem:s15+$0xFFFFFF90];
	_ =	sdelay $0x1  }
0x4bf: {  	v6 =	vld [tilespmem:s15+$0xFFFFFFE0]  }
0x4c0: {  	v9 =	vld [tilespmem:s15+$0xFFFFFFF0];
	v7 =	vperm.xlane v1, v0;
	v8 =	vperm.xlane v2, v0  }
0x4c1: {  	v5 =	vld [tilespmem:s15+$0xFFFFFFD0];
	v11 =	vperm.xlane v3, v0;
	v13 =	vperm.xlane v4, v0  }
0x4c2: {  	s31 =	simm.s32 $0xC570;
	v18 =	vperm.xlane v10, v0;
	v12 =	vmin.f32 v1, v7;
	v1 =	vmax.f32 v1, v7  }
0x4c3: {  	v15 =	vld [tilespmem:s31+$0x0];
	v7 =	vmin.f32 v2, v8;
	v2 =	vmax.f32 v2, v8;
	v8 =	vmin.f32 v3, v11  }
0x4c4: {  	v11 =	vmax.f32 v3, v11;
	v14 =	vmin.f32 v4, v13;
	v3 =	vperm.xlane v6, v0  }
0x4c5: {  	v4 =	vmax.f32 v4, v13;
	v13 =	vperm.xlane v9, v0;
	v21 =	vmin.f32 v10, v18  }
0x4c6: {  	v10 =	vmax.f32 v10, v18;
	v1 =	vsel vm0, v12, v1;
	v12 =	vperm.xlane v5, v0  }
0x4c7: {  	v17 =	vld [tilespmem:s31+$0xFFFFFFA0];
	v2 =	vsel vm0, v7, v2;
	v20 =	vmin.f32 v9, v13;
	v7 =	vmax.f32 v9, v13  }
0x4c8: {  	v19 =	vld [tilespmem:s31+$0xFFFFFFB0];
	v9 =	vsel vm0, v21, v10;
	v10 =	vperm.xlane v15, v0;
	v16 =	vmin.f32 v5, v12  }
0x4c9: {  	[tilespmem:s1+$0x0] =	vst v1;
	v5 =	vmax.f32 v5, v12;
	v12 =	vmin.f32 v6, v3;
	v6 =	vmax.f32 v6, v3;
	v3 =	vld [tilespmem:s31+$0xFFFFFFC0]  }
0x4ca: {  	v8 =	vsel vm0, v8, v11;
	v1 =	vld [tilespmem:s31+$0xFFFFFFD0];
	[tilespmem:s1+$0xFFFFFFA0] =	vst v2  }
0x4cb: {  	v4 =	vsel vm0, v14, v4;
	v2 =	vld [tilespmem:s31+$0xFFFFFFE0];
	[tilespmem:s1+$0xFFFFFFB0] =	vst v8;
	v8 =	vmin.f32 v15, v10;
	v10 =	vmax.f32 v15, v10  }
0x4cc: {  	s7 =	simm.s32 $0x14570;
	[tilespmem:s1+$0xFFFFFFC0] =	vst v4;
	v4 =	vld [tilespmem:s31+$0xFFFFFFF0];
	v63 =	vsel vm0, v12, v6;
	v6 =	vperm.xlane v17, v0;
	v8 =	vsel vm0, v8, v10  }
0x4cd: {  	v11 =	vperm.xlane v19, v0;
	v7 =	vsel vm0, v20, v7;
	[tilespmem:s7+$0x0] =	vst v8;
	v8 =	vld [tilespmem:s31+$0xFFFFFF90]  }
0x4ce: {  	[tilespmem:s1+$0xFFFFFF90] =	vst v9;
	v9 =	vsel vm0, v16, v5;
	v5 =	vmin.f32 v17, v6;
	v12 =	vperm.xlane v3, v0  }
0x4cf: {  	[tilespmem:s1+$0xFFFFFFD0] =	vst v9;
	v9 =	vmax.f32 v17, v6;
	v6 =	vmin.f32 v19, v11;
	v13 =	vperm.xlane v1, v0  }
0x4d0: {  	s16 =	simm.s32 $0x8;
	s9 =	simm.s32 $0xC970;
	s15 =	simm.s32 $0xC1F0;
	[tilespmem:s1+$0xFFFFFFE0] =	vst v63;
	v11 =	vmax.f32 v19, v11;
	v14 =	vperm.xlane v2, v0;
	v10 =	vmin.f32 v3, v12  }
.LBB2_55:
0x4d1: {  	v15 =	vld [tilespmem:s9+$0x0];
	s16 =	sadd.s32 $0x8, s16;
	v12 =	vmax.f32 v3, v12;
	v16 =	vmin.f32 v1, v13;
	v3 =	vperm.xlane v4, v0;
	[tilespmem:s1+$0xFFFFFFF0] =	vst v7;
	s1 =	smov.u32 s7  }
0x4d2: {  	v13 =	vmax.f32 v1, v13;
	v17 =	vld [tilespmem:s9+$0xFFFFFFA0];
	p0 =	slt.u32 s16, $0x78;
	v7 =	vperm.xlane v8, v0;
	v18 =	vmin.f32 v2, v14  }
0x4d3: {  	v14 =	vmax.f32 v2, v14;
	v19 =	vld [tilespmem:s9+$0xFFFFFFB0];
	v20 =	vmin.f32 v4, v3;
	v21 =	vmax.f32 v4, v3  }
0x4d4: {  	v5 =	vsel vm0, v5, v9;
	v3 =	vld [tilespmem:s9+$0xFFFFFFC0];
	v2 =	vmin.f32 v8, v7;
	v4 =	vmax.f32 v8, v7  }
0x4d5: {  	v1 =	vld [tilespmem:s9+$0xFFFFFFD0];
	v4 =	vsel vm0, v2, v4;
	[tilespmem:s7+$0xFFFFFFA0] =	vst v5;
	v5 =	vsel vm0, v6, v11;
	v6 =	vsel vm0, v10, v12  }
0x4d6: {  	v10 =	vsel vm0, v16, v13;
	v16 =	vsel vm0, v18, v14;
	v2 =	vld [tilespmem:s9+$0xFFFFFFE0];
	v9 =	vperm.xlane v15, v0;
	[tilespmem:s7+$0xFFFFFF90] =	vst v4  }
.Ltmp26:
0x4d7: {  	v7 =	vsel vm0, v20, v21;
	v11 =	vperm.xlane v17, v0;
	v4 =	vld [tilespmem:s9+$0xFFFFFFF0];
	[tilespmem:s7+$0xFFFFFFB0] =	vst v5;
	(pc) =	sbr.rel @p0 .LBB2_55-.Ltmp26, $4  }
0x4d8: {  	v8 =	vld [tilespmem:s9+$0xFFFFFF90];
	v14 =	vperm.xlane v19, v0;
	v13 =	vmin.f32 v15, v9;
	v9 =	vmax.f32 v15, v9;
	[tilespmem:s7+$0xFFFFFFC0] =	vst v6  }
0x4d9: {  	s7 =	sadd.s32 $0x400, s7;
	v5 =	vmin.f32 v17, v11;
	v12 =	vperm.xlane v3, v0;
	v15 =	vsel vm0, v13, v9;
	[tilespmem:s1+$0xFFFFFFD0] =	vst v10  }
0x4da: {  	s0 =	simm.s32 $0x141F0;
	v9 =	vmax.f32 v17, v11;
	v6 =	vmin.f32 v19, v14;
	v13 =	vperm.xlane v1, v0;
	[tilespmem:s7+$0x0] =	vst v15  }
0x4db: {  	s9 =	sadd.s32 $0x400, s9;
	v11 =	vmax.f32 v19, v14;
	v10 =	vmin.f32 v3, v12;
	v14 =	vperm.xlane v2, v0;
	[tilespmem:s1+$0xFFFFFFE0] =	vst v16  }
0x4dc: {  	_ = 	snop  }
0x4dd: {  	v15 =	vperm.xlane v8, v0  }
0x4de: {  	[tilespmem:s1+$0xFFFFFFF0] =	vst v7;
	v5 =	vsel vm0, v5, v9  }
0x4df: {  	v6 =	vsel vm0, v6, v11;
	[tilespmem:s7+$0xFFFFFFA0] =	vst v5;
	v7 =	vmin.f32 v8, v15;
	v8 =	vmax.f32 v8, v15  }
0x4e0: {  	v3 =	vmax.f32 v3, v12;
	v5 =	vmin.f32 v1, v13;
	[tilespmem:s7+$0xFFFFFFB0] =	vst v6;
	v7 =	vsel vm0, v7, v8  }
0x4e1: {  	v1 =	vmax.f32 v1, v13;
	v3 =	vsel vm0, v10, v3;
	[tilespmem:s7+$0xFFFFFF90] =	vst v7;
	v7 =	vperm.xlane v4, v0  }
0x4e2: {  	v6 =	vmin.f32 v2, v14;
	v2 =	vmax.f32 v2, v14;
	v1 =	vsel vm0, v5, v1;
	[tilespmem:s7+$0xFFFFFFC0] =	vst v3  }
0x4e3: {  	v2 =	vsel vm0, v6, v2;
	[tilespmem:s7+$0xFFFFFFD0] =	vst v1;
	v3 =	vmin.f32 v4, v7;
	v4 =	vmax.f32 v4, v7  }
0x4e4: {  	[tilespmem:s7+$0xFFFFFFE0] =	vst v2;
	v1 =	vsel vm0, v3, v4  }
0x4e5: {  	[tilespmem:s7+$0xFFFFFFF0] =	vst v1  }
0x4e6: {  	v1 =	vld [tilespmem:s15+$0x0]  }
0x4e7: {  	v2 =	vld [tilespmem:s15+$0xFFFFFFA0]  }
0x4e8: {  	v3 =	vld [tilespmem:s15+$0xFFFFFFB0]  }
0x4e9: {  	v4 =	vld [tilespmem:s15+$0xFFFFFFC0]  }
0x4ea: {  	v10 =	vld [tilespmem:s15+$0xFFFFFF90];
	_ =	sdelay $0x1  }
0x4eb: {  	v6 =	vld [tilespmem:s15+$0xFFFFFFE0]  }
0x4ec: {  	v9 =	vld [tilespmem:s15+$0xFFFFFFF0];
	v7 =	vperm.xlane v1, v0;
	v8 =	vperm.xlane v2, v0  }
0x4ed: {  	v5 =	vld [tilespmem:s15+$0xFFFFFFD0];
	v11 =	vperm.xlane v3, v0;
	v13 =	vperm.xlane v4, v0  }
0x4ee: {  	s31 =	simm.s32 $0xC5F0;
	v18 =	vperm.xlane v10, v0;
	v12 =	vmin.f32 v1, v7;
	v1 =	vmax.f32 v1, v7  }
0x4ef: {  	v15 =	vld [tilespmem:s31+$0x0];
	v7 =	vmin.f32 v2, v8;
	v2 =	vmax.f32 v2, v8;
	v8 =	vmin.f32 v3, v11  }
0x4f0: {  	v11 =	vmax.f32 v3, v11;
	v14 =	vmin.f32 v4, v13;
	v3 =	vperm.xlane v6, v0  }
0x4f1: {  	v4 =	vmax.f32 v4, v13;
	v13 =	vperm.xlane v9, v0;
	v21 =	vmin.f32 v10, v18  }
0x4f2: {  	v10 =	vmax.f32 v10, v18;
	v1 =	vsel vm0, v12, v1;
	v12 =	vperm.xlane v5, v0  }
0x4f3: {  	v17 =	vld [tilespmem:s31+$0xFFFFFFA0];
	v2 =	vsel vm0, v7, v2;
	v20 =	vmin.f32 v9, v13;
	v7 =	vmax.f32 v9, v13  }
0x4f4: {  	v19 =	vld [tilespmem:s31+$0xFFFFFFB0];
	v9 =	vsel vm0, v21, v10;
	v10 =	vperm.xlane v15, v0;
	v16 =	vmin.f32 v5, v12  }
0x4f5: {  	[tilespmem:s0+$0x0] =	vst v1;
	v5 =	vmax.f32 v5, v12;
	v12 =	vmin.f32 v6, v3;
	v6 =	vmax.f32 v6, v3;
	v3 =	vld [tilespmem:s31+$0xFFFFFFC0]  }
0x4f6: {  	v8 =	vsel vm0, v8, v11;
	v1 =	vld [tilespmem:s31+$0xFFFFFFD0];
	[tilespmem:s0+$0xFFFFFFA0] =	vst v2  }
0x4f7: {  	v4 =	vsel vm0, v14, v4;
	v2 =	vld [tilespmem:s31+$0xFFFFFFE0];
	[tilespmem:s0+$0xFFFFFFB0] =	vst v8;
	v8 =	vmin.f32 v15, v10;
	v10 =	vmax.f32 v15, v10  }
0x4f8: {  	s7 =	simm.s32 $0x145F0;
	[tilespmem:s0+$0xFFFFFFC0] =	vst v4;
	v4 =	vld [tilespmem:s31+$0xFFFFFFF0];
	v63 =	vsel vm0, v12, v6;
	v6 =	vperm.xlane v17, v0;
	v8 =	vsel vm0, v8, v10  }
0x4f9: {  	v11 =	vperm.xlane v19, v0;
	v7 =	vsel vm0, v20, v7;
	[tilespmem:s7+$0x0] =	vst v8;
	v8 =	vld [tilespmem:s31+$0xFFFFFF90]  }
0x4fa: {  	[tilespmem:s0+$0xFFFFFF90] =	vst v9;
	v9 =	vsel vm0, v16, v5;
	v5 =	vmin.f32 v17, v6;
	v12 =	vperm.xlane v3, v0  }
0x4fb: {  	[tilespmem:s0+$0xFFFFFFD0] =	vst v9;
	v9 =	vmax.f32 v17, v6;
	v6 =	vmin.f32 v19, v11;
	v13 =	vperm.xlane v1, v0  }
0x4fc: {  	s16 =	simm.s32 $0x8;
	s9 =	simm.s32 $0xC9F0;
	s15 =	simm.s32 $0xC270;
	[tilespmem:s0+$0xFFFFFFE0] =	vst v63;
	v11 =	vmax.f32 v19, v11;
	v14 =	vperm.xlane v2, v0;
	v10 =	vmin.f32 v3, v12  }
.LBB2_57:
0x4fd: {  	v15 =	vld [tilespmem:s9+$0x0];
	s16 =	sadd.s32 $0x8, s16;
	v12 =	vmax.f32 v3, v12;
	v16 =	vmin.f32 v1, v13;
	v3 =	vperm.xlane v4, v0;
	[tilespmem:s0+$0xFFFFFFF0] =	vst v7;
	s0 =	smov.u32 s7  }
0x4fe: {  	v13 =	vmax.f32 v1, v13;
	v17 =	vld [tilespmem:s9+$0xFFFFFFA0];
	p0 =	slt.u32 s16, $0x78;
	v7 =	vperm.xlane v8, v0;
	v18 =	vmin.f32 v2, v14  }
0x4ff: {  	v14 =	vmax.f32 v2, v14;
	v19 =	vld [tilespmem:s9+$0xFFFFFFB0];
	v20 =	vmin.f32 v4, v3;
	v21 =	vmax.f32 v4, v3  }
0x500: {  	v5 =	vsel vm0, v5, v9;
	v3 =	vld [tilespmem:s9+$0xFFFFFFC0];
	v2 =	vmin.f32 v8, v7;
	v4 =	vmax.f32 v8, v7  }
0x501: {  	v1 =	vld [tilespmem:s9+$0xFFFFFFD0];
	v4 =	vsel vm0, v2, v4;
	[tilespmem:s7+$0xFFFFFFA0] =	vst v5;
	v5 =	vsel vm0, v6, v11;
	v6 =	vsel vm0, v10, v12  }
0x502: {  	v10 =	vsel vm0, v16, v13;
	v16 =	vsel vm0, v18, v14;
	v2 =	vld [tilespmem:s9+$0xFFFFFFE0];
	v9 =	vperm.xlane v15, v0;
	[tilespmem:s7+$0xFFFFFF90] =	vst v4  }
.Ltmp27:
0x503: {  	v7 =	vsel vm0, v20, v21;
	v11 =	vperm.xlane v17, v0;
	v4 =	vld [tilespmem:s9+$0xFFFFFFF0];
	[tilespmem:s7+$0xFFFFFFB0] =	vst v5;
	(pc) =	sbr.rel @p0 .LBB2_57-.Ltmp27, $4  }
0x504: {  	v8 =	vld [tilespmem:s9+$0xFFFFFF90];
	v14 =	vperm.xlane v19, v0;
	v13 =	vmin.f32 v15, v9;
	v9 =	vmax.f32 v15, v9;
	[tilespmem:s7+$0xFFFFFFC0] =	vst v6  }
0x505: {  	s7 =	sadd.s32 $0x400, s7;
	v5 =	vmin.f32 v17, v11;
	v12 =	vperm.xlane v3, v0;
	v15 =	vsel vm0, v13, v9;
	[tilespmem:s0+$0xFFFFFFD0] =	vst v10  }
0x506: {  	s1 =	simm.s32 $0x14270;
	v9 =	vmax.f32 v17, v11;
	v6 =	vmin.f32 v19, v14;
	v13 =	vperm.xlane v1, v0;
	[tilespmem:s7+$0x0] =	vst v15  }
0x507: {  	s9 =	sadd.s32 $0x400, s9;
	v11 =	vmax.f32 v19, v14;
	v10 =	vmin.f32 v3, v12;
	v14 =	vperm.xlane v2, v0;
	[tilespmem:s0+$0xFFFFFFE0] =	vst v16  }
0x508: {  	_ = 	snop  }
0x509: {  	v15 =	vperm.xlane v8, v0  }
0x50a: {  	[tilespmem:s0+$0xFFFFFFF0] =	vst v7;
	v5 =	vsel vm0, v5, v9  }
0x50b: {  	v6 =	vsel vm0, v6, v11;
	[tilespmem:s7+$0xFFFFFFA0] =	vst v5;
	v7 =	vmin.f32 v8, v15;
	v8 =	vmax.f32 v8, v15  }
0x50c: {  	v3 =	vmax.f32 v3, v12;
	v5 =	vmin.f32 v1, v13;
	[tilespmem:s7+$0xFFFFFFB0] =	vst v6;
	v7 =	vsel vm0, v7, v8  }
0x50d: {  	v1 =	vmax.f32 v1, v13;
	v3 =	vsel vm0, v10, v3;
	[tilespmem:s7+$0xFFFFFF90] =	vst v7;
	v7 =	vperm.xlane v4, v0  }
0x50e: {  	v6 =	vmin.f32 v2, v14;
	v2 =	vmax.f32 v2, v14;
	v1 =	vsel vm0, v5, v1;
	[tilespmem:s7+$0xFFFFFFC0] =	vst v3  }
0x50f: {  	v2 =	vsel vm0, v6, v2;
	[tilespmem:s7+$0xFFFFFFD0] =	vst v1;
	v3 =	vmin.f32 v4, v7;
	v4 =	vmax.f32 v4, v7  }
0x510: {  	[tilespmem:s7+$0xFFFFFFE0] =	vst v2;
	v1 =	vsel vm0, v3, v4  }
0x511: {  	[tilespmem:s7+$0xFFFFFFF0] =	vst v1  }
0x512: {  	v1 =	vld [tilespmem:s15+$0x0]  }
0x513: {  	v2 =	vld [tilespmem:s15+$0xFFFFFFA0]  }
0x514: {  	v3 =	vld [tilespmem:s15+$0xFFFFFFB0]  }
0x515: {  	v4 =	vld [tilespmem:s15+$0xFFFFFFC0]  }
0x516: {  	v10 =	vld [tilespmem:s15+$0xFFFFFF90];
	_ =	sdelay $0x1  }
0x517: {  	v6 =	vld [tilespmem:s15+$0xFFFFFFE0]  }
0x518: {  	v9 =	vld [tilespmem:s15+$0xFFFFFFF0];
	v7 =	vperm.xlane v1, v0;
	v8 =	vperm.xlane v2, v0  }
0x519: {  	v5 =	vld [tilespmem:s15+$0xFFFFFFD0];
	v11 =	vperm.xlane v3, v0;
	v13 =	vperm.xlane v4, v0  }
0x51a: {  	s31 =	simm.s32 $0xC670;
	v18 =	vperm.xlane v10, v0;
	v12 =	vmin.f32 v1, v7;
	v1 =	vmax.f32 v1, v7  }
0x51b: {  	v15 =	vld [tilespmem:s31+$0x0];
	v7 =	vmin.f32 v2, v8;
	v2 =	vmax.f32 v2, v8;
	v8 =	vmin.f32 v3, v11  }
0x51c: {  	v11 =	vmax.f32 v3, v11;
	v14 =	vmin.f32 v4, v13;
	v3 =	vperm.xlane v6, v0  }
0x51d: {  	v4 =	vmax.f32 v4, v13;
	v13 =	vperm.xlane v9, v0;
	v21 =	vmin.f32 v10, v18  }
0x51e: {  	v10 =	vmax.f32 v10, v18;
	v1 =	vsel vm0, v12, v1;
	v12 =	vperm.xlane v5, v0  }
0x51f: {  	v17 =	vld [tilespmem:s31+$0xFFFFFFA0];
	v2 =	vsel vm0, v7, v2;
	v20 =	vmin.f32 v9, v13;
	v7 =	vmax.f32 v9, v13  }
0x520: {  	v19 =	vld [tilespmem:s31+$0xFFFFFFB0];
	v9 =	vsel vm0, v21, v10;
	v10 =	vperm.xlane v15, v0;
	v16 =	vmin.f32 v5, v12  }
0x521: {  	[tilespmem:s1+$0x0] =	vst v1;
	v5 =	vmax.f32 v5, v12;
	v12 =	vmin.f32 v6, v3;
	v6 =	vmax.f32 v6, v3;
	v3 =	vld [tilespmem:s31+$0xFFFFFFC0]  }
0x522: {  	v8 =	vsel vm0, v8, v11;
	v1 =	vld [tilespmem:s31+$0xFFFFFFD0];
	[tilespmem:s1+$0xFFFFFFA0] =	vst v2  }
0x523: {  	v4 =	vsel vm0, v14, v4;
	v2 =	vld [tilespmem:s31+$0xFFFFFFE0];
	[tilespmem:s1+$0xFFFFFFB0] =	vst v8;
	v8 =	vmin.f32 v15, v10;
	v10 =	vmax.f32 v15, v10  }
0x524: {  	s7 =	simm.s32 $0x14670;
	[tilespmem:s1+$0xFFFFFFC0] =	vst v4;
	v4 =	vld [tilespmem:s31+$0xFFFFFFF0];
	v63 =	vsel vm0, v12, v6;
	v6 =	vperm.xlane v17, v0;
	v8 =	vsel vm0, v8, v10  }
0x525: {  	v11 =	vperm.xlane v19, v0;
	v7 =	vsel vm0, v20, v7;
	[tilespmem:s7+$0x0] =	vst v8;
	v8 =	vld [tilespmem:s31+$0xFFFFFF90]  }
0x526: {  	[tilespmem:s1+$0xFFFFFF90] =	vst v9;
	v9 =	vsel vm0, v16, v5;
	v5 =	vmin.f32 v17, v6;
	v12 =	vperm.xlane v3, v0  }
0x527: {  	[tilespmem:s1+$0xFFFFFFD0] =	vst v9;
	v9 =	vmax.f32 v17, v6;
	v6 =	vmin.f32 v19, v11;
	v13 =	vperm.xlane v1, v0  }
0x528: {  	s16 =	simm.s32 $0x8;
	s9 =	simm.s32 $0xCA70;
	s15 =	simm.s32 $0xC2F0;
	[tilespmem:s1+$0xFFFFFFE0] =	vst v63;
	v11 =	vmax.f32 v19, v11;
	v14 =	vperm.xlane v2, v0;
	v10 =	vmin.f32 v3, v12  }
.LBB2_59:
0x529: {  	v15 =	vld [tilespmem:s9+$0x0];
	s16 =	sadd.s32 $0x8, s16;
	v12 =	vmax.f32 v3, v12;
	v16 =	vmin.f32 v1, v13;
	v3 =	vperm.xlane v4, v0;
	[tilespmem:s1+$0xFFFFFFF0] =	vst v7;
	s1 =	smov.u32 s7  }
0x52a: {  	v13 =	vmax.f32 v1, v13;
	v17 =	vld [tilespmem:s9+$0xFFFFFFA0];
	p0 =	slt.u32 s16, $0x78;
	v7 =	vperm.xlane v8, v0;
	v18 =	vmin.f32 v2, v14  }
0x52b: {  	v14 =	vmax.f32 v2, v14;
	v19 =	vld [tilespmem:s9+$0xFFFFFFB0];
	v20 =	vmin.f32 v4, v3;
	v21 =	vmax.f32 v4, v3  }
0x52c: {  	v5 =	vsel vm0, v5, v9;
	v3 =	vld [tilespmem:s9+$0xFFFFFFC0];
	v2 =	vmin.f32 v8, v7;
	v4 =	vmax.f32 v8, v7  }
0x52d: {  	v1 =	vld [tilespmem:s9+$0xFFFFFFD0];
	v4 =	vsel vm0, v2, v4;
	[tilespmem:s7+$0xFFFFFFA0] =	vst v5;
	v5 =	vsel vm0, v6, v11;
	v6 =	vsel vm0, v10, v12  }
0x52e: {  	v10 =	vsel vm0, v16, v13;
	v16 =	vsel vm0, v18, v14;
	v2 =	vld [tilespmem:s9+$0xFFFFFFE0];
	v9 =	vperm.xlane v15, v0;
	[tilespmem:s7+$0xFFFFFF90] =	vst v4  }
.Ltmp28:
0x52f: {  	v7 =	vsel vm0, v20, v21;
	v11 =	vperm.xlane v17, v0;
	v4 =	vld [tilespmem:s9+$0xFFFFFFF0];
	[tilespmem:s7+$0xFFFFFFB0] =	vst v5;
	(pc) =	sbr.rel @p0 .LBB2_59-.Ltmp28, $4  }
0x530: {  	v8 =	vld [tilespmem:s9+$0xFFFFFF90];
	v14 =	vperm.xlane v19, v0;
	v13 =	vmin.f32 v15, v9;
	v9 =	vmax.f32 v15, v9;
	[tilespmem:s7+$0xFFFFFFC0] =	vst v6  }
0x531: {  	s7 =	sadd.s32 $0x400, s7;
	v5 =	vmin.f32 v17, v11;
	v12 =	vperm.xlane v3, v0;
	v15 =	vsel vm0, v13, v9;
	[tilespmem:s1+$0xFFFFFFD0] =	vst v10  }
0x532: {  	s0 =	simm.s32 $0x142F0;
	v9 =	vmax.f32 v17, v11;
	v6 =	vmin.f32 v19, v14;
	v13 =	vperm.xlane v1, v0;
	[tilespmem:s7+$0x0] =	vst v15  }
0x533: {  	s9 =	sadd.s32 $0x400, s9;
	v11 =	vmax.f32 v19, v14;
	v10 =	vmin.f32 v3, v12;
	v14 =	vperm.xlane v2, v0;
	[tilespmem:s1+$0xFFFFFFE0] =	vst v16  }
0x534: {  	_ = 	snop  }
0x535: {  	v15 =	vperm.xlane v8, v0  }
0x536: {  	[tilespmem:s1+$0xFFFFFFF0] =	vst v7;
	v5 =	vsel vm0, v5, v9  }
0x537: {  	v6 =	vsel vm0, v6, v11;
	[tilespmem:s7+$0xFFFFFFA0] =	vst v5;
	v7 =	vmin.f32 v8, v15;
	v8 =	vmax.f32 v8, v15  }
0x538: {  	v3 =	vmax.f32 v3, v12;
	v5 =	vmin.f32 v1, v13;
	[tilespmem:s7+$0xFFFFFFB0] =	vst v6;
	v7 =	vsel vm0, v7, v8  }
0x539: {  	v1 =	vmax.f32 v1, v13;
	v3 =	vsel vm0, v10, v3;
	[tilespmem:s7+$0xFFFFFF90] =	vst v7;
	v7 =	vperm.xlane v4, v0  }
0x53a: {  	v6 =	vmin.f32 v2, v14;
	v2 =	vmax.f32 v2, v14;
	v1 =	vsel vm0, v5, v1;
	[tilespmem:s7+$0xFFFFFFC0] =	vst v3  }
0x53b: {  	v2 =	vsel vm0, v6, v2;
	[tilespmem:s7+$0xFFFFFFD0] =	vst v1;
	v3 =	vmin.f32 v4, v7;
	v4 =	vmax.f32 v4, v7  }
0x53c: {  	[tilespmem:s7+$0xFFFFFFE0] =	vst v2;
	v1 =	vsel vm0, v3, v4  }
0x53d: {  	[tilespmem:s7+$0xFFFFFFF0] =	vst v1  }
0x53e: {  	v1 =	vld [tilespmem:s15+$0x0]  }
0x53f: {  	v2 =	vld [tilespmem:s15+$0xFFFFFFA0]  }
0x540: {  	v3 =	vld [tilespmem:s15+$0xFFFFFFB0]  }
0x541: {  	v4 =	vld [tilespmem:s15+$0xFFFFFFC0]  }
0x542: {  	v10 =	vld [tilespmem:s15+$0xFFFFFF90];
	_ =	sdelay $0x1  }
0x543: {  	v6 =	vld [tilespmem:s15+$0xFFFFFFE0]  }
0x544: {  	v9 =	vld [tilespmem:s15+$0xFFFFFFF0];
	v7 =	vperm.xlane v1, v0;
	v8 =	vperm.xlane v2, v0  }
0x545: {  	v5 =	vld [tilespmem:s15+$0xFFFFFFD0];
	v11 =	vperm.xlane v3, v0;
	v13 =	vperm.xlane v4, v0  }
0x546: {  	s31 =	simm.s32 $0xC6F0;
	v18 =	vperm.xlane v10, v0;
	v12 =	vmin.f32 v1, v7;
	v1 =	vmax.f32 v1, v7  }
0x547: {  	v15 =	vld [tilespmem:s31+$0x0];
	v7 =	vmin.f32 v2, v8;
	v2 =	vmax.f32 v2, v8;
	v8 =	vmin.f32 v3, v11  }
0x548: {  	v11 =	vmax.f32 v3, v11;
	v14 =	vmin.f32 v4, v13;
	v3 =	vperm.xlane v6, v0  }
0x549: {  	v4 =	vmax.f32 v4, v13;
	v13 =	vperm.xlane v9, v0;
	v21 =	vmin.f32 v10, v18  }
0x54a: {  	v10 =	vmax.f32 v10, v18;
	v1 =	vsel vm0, v12, v1;
	v12 =	vperm.xlane v5, v0  }
0x54b: {  	v17 =	vld [tilespmem:s31+$0xFFFFFFA0];
	v2 =	vsel vm0, v7, v2;
	v20 =	vmin.f32 v9, v13;
	v7 =	vmax.f32 v9, v13  }
0x54c: {  	v19 =	vld [tilespmem:s31+$0xFFFFFFB0];
	v9 =	vsel vm0, v21, v10;
	v10 =	vperm.xlane v15, v0;
	v16 =	vmin.f32 v5, v12  }
0x54d: {  	[tilespmem:s0+$0x0] =	vst v1;
	v5 =	vmax.f32 v5, v12;
	v12 =	vmin.f32 v6, v3;
	v6 =	vmax.f32 v6, v3;
	v3 =	vld [tilespmem:s31+$0xFFFFFFC0]  }
0x54e: {  	v8 =	vsel vm0, v8, v11;
	v1 =	vld [tilespmem:s31+$0xFFFFFFD0];
	[tilespmem:s0+$0xFFFFFFA0] =	vst v2  }
0x54f: {  	v4 =	vsel vm0, v14, v4;
	v2 =	vld [tilespmem:s31+$0xFFFFFFE0];
	[tilespmem:s0+$0xFFFFFFB0] =	vst v8;
	v8 =	vmin.f32 v15, v10;
	v10 =	vmax.f32 v15, v10  }
0x550: {  	s7 =	simm.s32 $0x146F0;
	[tilespmem:s0+$0xFFFFFFC0] =	vst v4;
	v4 =	vld [tilespmem:s31+$0xFFFFFFF0];
	v63 =	vsel vm0, v12, v6;
	v6 =	vperm.xlane v17, v0;
	v8 =	vsel vm0, v8, v10  }
0x551: {  	v11 =	vperm.xlane v19, v0;
	v7 =	vsel vm0, v20, v7;
	[tilespmem:s7+$0x0] =	vst v8;
	v8 =	vld [tilespmem:s31+$0xFFFFFF90]  }
0x552: {  	[tilespmem:s0+$0xFFFFFF90] =	vst v9;
	v9 =	vsel vm0, v16, v5;
	v5 =	vmin.f32 v17, v6;
	v12 =	vperm.xlane v3, v0  }
0x553: {  	[tilespmem:s0+$0xFFFFFFD0] =	vst v9;
	v9 =	vmax.f32 v17, v6;
	v6 =	vmin.f32 v19, v11;
	v13 =	vperm.xlane v1, v0  }
0x554: {  	s16 =	simm.s32 $0x8;
	s9 =	simm.s32 $0xCAF0;
	s15 =	simm.s32 $0xC370;
	[tilespmem:s0+$0xFFFFFFE0] =	vst v63;
	v11 =	vmax.f32 v19, v11;
	v14 =	vperm.xlane v2, v0;
	v10 =	vmin.f32 v3, v12  }
.LBB2_61:
0x555: {  	v15 =	vld [tilespmem:s9+$0x0];
	s16 =	sadd.s32 $0x8, s16;
	v12 =	vmax.f32 v3, v12;
	v16 =	vmin.f32 v1, v13;
	v3 =	vperm.xlane v4, v0;
	[tilespmem:s0+$0xFFFFFFF0] =	vst v7;
	s0 =	smov.u32 s7  }
0x556: {  	v13 =	vmax.f32 v1, v13;
	v17 =	vld [tilespmem:s9+$0xFFFFFFA0];
	p0 =	slt.u32 s16, $0x78;
	v7 =	vperm.xlane v8, v0;
	v18 =	vmin.f32 v2, v14  }
0x557: {  	v14 =	vmax.f32 v2, v14;
	v19 =	vld [tilespmem:s9+$0xFFFFFFB0];
	v20 =	vmin.f32 v4, v3;
	v21 =	vmax.f32 v4, v3  }
0x558: {  	v5 =	vsel vm0, v5, v9;
	v3 =	vld [tilespmem:s9+$0xFFFFFFC0];
	v2 =	vmin.f32 v8, v7;
	v4 =	vmax.f32 v8, v7  }
0x559: {  	v1 =	vld [tilespmem:s9+$0xFFFFFFD0];
	v4 =	vsel vm0, v2, v4;
	[tilespmem:s7+$0xFFFFFFA0] =	vst v5;
	v5 =	vsel vm0, v6, v11;
	v6 =	vsel vm0, v10, v12  }
0x55a: {  	v10 =	vsel vm0, v16, v13;
	v16 =	vsel vm0, v18, v14;
	v2 =	vld [tilespmem:s9+$0xFFFFFFE0];
	v9 =	vperm.xlane v15, v0;
	[tilespmem:s7+$0xFFFFFF90] =	vst v4  }
.Ltmp29:
0x55b: {  	v7 =	vsel vm0, v20, v21;
	v11 =	vperm.xlane v17, v0;
	v4 =	vld [tilespmem:s9+$0xFFFFFFF0];
	[tilespmem:s7+$0xFFFFFFB0] =	vst v5;
	(pc) =	sbr.rel @p0 .LBB2_61-.Ltmp29, $4  }
0x55c: {  	v8 =	vld [tilespmem:s9+$0xFFFFFF90];
	v14 =	vperm.xlane v19, v0;
	v13 =	vmin.f32 v15, v9;
	v9 =	vmax.f32 v15, v9;
	[tilespmem:s7+$0xFFFFFFC0] =	vst v6  }
0x55d: {  	s7 =	sadd.s32 $0x400, s7;
	v5 =	vmin.f32 v17, v11;
	v12 =	vperm.xlane v3, v0;
	v15 =	vsel vm0, v13, v9;
	[tilespmem:s0+$0xFFFFFFD0] =	vst v10  }
0x55e: {  	s1 =	simm.s32 $0x14370;
	v9 =	vmax.f32 v17, v11;
	v6 =	vmin.f32 v19, v14;
	v13 =	vperm.xlane v1, v0;
	[tilespmem:s7+$0x0] =	vst v15  }
0x55f: {  	s9 =	sadd.s32 $0x400, s9;
	v11 =	vmax.f32 v19, v14;
	v10 =	vmin.f32 v3, v12;
	v14 =	vperm.xlane v2, v0;
	[tilespmem:s0+$0xFFFFFFE0] =	vst v16  }
0x560: {  	_ = 	snop  }
0x561: {  	v15 =	vperm.xlane v8, v0  }
0x562: {  	[tilespmem:s0+$0xFFFFFFF0] =	vst v7;
	v5 =	vsel vm0, v5, v9  }
0x563: {  	v6 =	vsel vm0, v6, v11;
	[tilespmem:s7+$0xFFFFFFA0] =	vst v5;
	v7 =	vmin.f32 v8, v15;
	v8 =	vmax.f32 v8, v15  }
0x564: {  	v3 =	vmax.f32 v3, v12;
	v5 =	vmin.f32 v1, v13;
	[tilespmem:s7+$0xFFFFFFB0] =	vst v6;
	v7 =	vsel vm0, v7, v8  }
0x565: {  	v1 =	vmax.f32 v1, v13;
	v3 =	vsel vm0, v10, v3;
	[tilespmem:s7+$0xFFFFFF90] =	vst v7;
	v7 =	vperm.xlane v4, v0  }
0x566: {  	v6 =	vmin.f32 v2, v14;
	v2 =	vmax.f32 v2, v14;
	v1 =	vsel vm0, v5, v1;
	[tilespmem:s7+$0xFFFFFFC0] =	vst v3  }
0x567: {  	v2 =	vsel vm0, v6, v2;
	[tilespmem:s7+$0xFFFFFFD0] =	vst v1;
	v3 =	vmin.f32 v4, v7;
	v4 =	vmax.f32 v4, v7  }
0x568: {  	[tilespmem:s7+$0xFFFFFFE0] =	vst v2;
	v1 =	vsel vm0, v3, v4  }
0x569: {  	[tilespmem:s7+$0xFFFFFFF0] =	vst v1  }
0x56a: {  	v1 =	vld [tilespmem:s15+$0x0]  }
0x56b: {  	v2 =	vld [tilespmem:s15+$0xFFFFFFA0]  }
0x56c: {  	v3 =	vld [tilespmem:s15+$0xFFFFFFB0]  }
0x56d: {  	v4 =	vld [tilespmem:s15+$0xFFFFFFC0]  }
0x56e: {  	v10 =	vld [tilespmem:s15+$0xFFFFFF90];
	_ =	sdelay $0x1  }
0x56f: {  	v6 =	vld [tilespmem:s15+$0xFFFFFFE0]  }
0x570: {  	v9 =	vld [tilespmem:s15+$0xFFFFFFF0];
	v7 =	vperm.xlane v1, v0;
	v8 =	vperm.xlane v2, v0  }
0x571: {  	v5 =	vld [tilespmem:s15+$0xFFFFFFD0];
	v11 =	vperm.xlane v3, v0;
	v13 =	vperm.xlane v4, v0  }
0x572: {  	s31 =	simm.s32 $0xC770;
	v18 =	vperm.xlane v10, v0;
	v12 =	vmin.f32 v1, v7;
	v1 =	vmax.f32 v1, v7  }
0x573: {  	v15 =	vld [tilespmem:s31+$0x0];
	v7 =	vmin.f32 v2, v8;
	v2 =	vmax.f32 v2, v8;
	v8 =	vmin.f32 v3, v11  }
0x574: {  	v11 =	vmax.f32 v3, v11;
	v14 =	vmin.f32 v4, v13;
	v3 =	vperm.xlane v6, v0  }
0x575: {  	v4 =	vmax.f32 v4, v13;
	v13 =	vperm.xlane v9, v0;
	v21 =	vmin.f32 v10, v18  }
0x576: {  	v10 =	vmax.f32 v10, v18;
	v1 =	vsel vm0, v12, v1;
	v12 =	vperm.xlane v5, v0  }
0x577: {  	v17 =	vld [tilespmem:s31+$0xFFFFFFA0];
	v2 =	vsel vm0, v7, v2;
	v20 =	vmin.f32 v9, v13;
	v7 =	vmax.f32 v9, v13  }
0x578: {  	v19 =	vld [tilespmem:s31+$0xFFFFFFB0];
	v9 =	vsel vm0, v21, v10;
	v10 =	vperm.xlane v15, v0;
	v16 =	vmin.f32 v5, v12  }
0x579: {  	[tilespmem:s1+$0x0] =	vst v1;
	v5 =	vmax.f32 v5, v12;
	v12 =	vmin.f32 v6, v3;
	v6 =	vmax.f32 v6, v3;
	v3 =	vld [tilespmem:s31+$0xFFFFFFC0]  }
0x57a: {  	v8 =	vsel vm0, v8, v11;
	v1 =	vld [tilespmem:s31+$0xFFFFFFD0];
	[tilespmem:s1+$0xFFFFFFA0] =	vst v2  }
0x57b: {  	v4 =	vsel vm0, v14, v4;
	v2 =	vld [tilespmem:s31+$0xFFFFFFE0];
	[tilespmem:s1+$0xFFFFFFB0] =	vst v8;
	v8 =	vmin.f32 v15, v10;
	v10 =	vmax.f32 v15, v10  }
0x57c: {  	s7 =	simm.s32 $0x14770;
	[tilespmem:s1+$0xFFFFFFC0] =	vst v4;
	v4 =	vld [tilespmem:s31+$0xFFFFFFF0];
	v63 =	vsel vm0, v12, v6;
	v6 =	vperm.xlane v17, v0;
	v8 =	vsel vm0, v8, v10  }
0x57d: {  	v11 =	vperm.xlane v19, v0;
	v7 =	vsel vm0, v20, v7;
	[tilespmem:s7+$0x0] =	vst v8;
	v8 =	vld [tilespmem:s31+$0xFFFFFF90]  }
0x57e: {  	[tilespmem:s1+$0xFFFFFF90] =	vst v9;
	v9 =	vsel vm0, v16, v5;
	v5 =	vmin.f32 v17, v6;
	v12 =	vperm.xlane v3, v0  }
0x57f: {  	[tilespmem:s1+$0xFFFFFFD0] =	vst v9;
	v9 =	vmax.f32 v17, v6;
	v6 =	vmin.f32 v19, v11;
	v13 =	vperm.xlane v1, v0  }
0x580: {  	s16 =	simm.s32 $0x8;
	s9 =	simm.s32 $0xCB70;
	s15 =	simm.s32 $0xC3F0;
	[tilespmem:s1+$0xFFFFFFE0] =	vst v63;
	v11 =	vmax.f32 v19, v11;
	v14 =	vperm.xlane v2, v0;
	v10 =	vmin.f32 v3, v12  }
.LBB2_63:
0x581: {  	v15 =	vld [tilespmem:s9+$0x0];
	s16 =	sadd.s32 $0x8, s16;
	v12 =	vmax.f32 v3, v12;
	v16 =	vmin.f32 v1, v13;
	v3 =	vperm.xlane v4, v0;
	[tilespmem:s1+$0xFFFFFFF0] =	vst v7;
	s1 =	smov.u32 s7  }
0x582: {  	v13 =	vmax.f32 v1, v13;
	v17 =	vld [tilespmem:s9+$0xFFFFFFA0];
	p0 =	slt.u32 s16, $0x78;
	v7 =	vperm.xlane v8, v0;
	v18 =	vmin.f32 v2, v14  }
0x583: {  	v14 =	vmax.f32 v2, v14;
	v19 =	vld [tilespmem:s9+$0xFFFFFFB0];
	v20 =	vmin.f32 v4, v3;
	v21 =	vmax.f32 v4, v3  }
0x584: {  	v5 =	vsel vm0, v5, v9;
	v3 =	vld [tilespmem:s9+$0xFFFFFFC0];
	v2 =	vmin.f32 v8, v7;
	v4 =	vmax.f32 v8, v7  }
0x585: {  	v1 =	vld [tilespmem:s9+$0xFFFFFFD0];
	v4 =	vsel vm0, v2, v4;
	[tilespmem:s7+$0xFFFFFFA0] =	vst v5;
	v5 =	vsel vm0, v6, v11;
	v6 =	vsel vm0, v10, v12  }
0x586: {  	v10 =	vsel vm0, v16, v13;
	v16 =	vsel vm0, v18, v14;
	v2 =	vld [tilespmem:s9+$0xFFFFFFE0];
	v9 =	vperm.xlane v15, v0;
	[tilespmem:s7+$0xFFFFFF90] =	vst v4  }
.Ltmp30:
0x587: {  	v7 =	vsel vm0, v20, v21;
	v11 =	vperm.xlane v17, v0;
	v4 =	vld [tilespmem:s9+$0xFFFFFFF0];
	[tilespmem:s7+$0xFFFFFFB0] =	vst v5;
	(pc) =	sbr.rel @p0 .LBB2_63-.Ltmp30, $4  }
0x588: {  	v8 =	vld [tilespmem:s9+$0xFFFFFF90];
	v14 =	vperm.xlane v19, v0;
	v13 =	vmin.f32 v15, v9;
	v9 =	vmax.f32 v15, v9;
	[tilespmem:s7+$0xFFFFFFC0] =	vst v6  }
0x589: {  	s7 =	sadd.s32 $0x400, s7;
	v5 =	vmin.f32 v17, v11;
	v12 =	vperm.xlane v3, v0;
	v15 =	vsel vm0, v13, v9;
	[tilespmem:s1+$0xFFFFFFD0] =	vst v10  }
0x58a: {  	s0 =	simm.s32 $0x143F0;
	v9 =	vmax.f32 v17, v11;
	v6 =	vmin.f32 v19, v14;
	v13 =	vperm.xlane v1, v0;
	[tilespmem:s7+$0x0] =	vst v15  }
0x58b: {  	s9 =	sadd.s32 $0x400, s9;
	v11 =	vmax.f32 v19, v14;
	v10 =	vmin.f32 v3, v12;
	v14 =	vperm.xlane v2, v0;
	[tilespmem:s1+$0xFFFFFFE0] =	vst v16  }
0x58c: {  	_ = 	snop  }
0x58d: {  	v15 =	vperm.xlane v8, v0  }
0x58e: {  	[tilespmem:s1+$0xFFFFFFF0] =	vst v7;
	v5 =	vsel vm0, v5, v9  }
0x58f: {  	v6 =	vsel vm0, v6, v11;
	[tilespmem:s7+$0xFFFFFFA0] =	vst v5;
	v7 =	vmin.f32 v8, v15;
	v8 =	vmax.f32 v8, v15  }
0x590: {  	v3 =	vmax.f32 v3, v12;
	v5 =	vmin.f32 v1, v13;
	[tilespmem:s7+$0xFFFFFFB0] =	vst v6;
	v7 =	vsel vm0, v7, v8  }
0x591: {  	v1 =	vmax.f32 v1, v13;
	v3 =	vsel vm0, v10, v3;
	[tilespmem:s7+$0xFFFFFF90] =	vst v7;
	v7 =	vperm.xlane v4, v0  }
0x592: {  	v6 =	vmin.f32 v2, v14;
	v2 =	vmax.f32 v2, v14;
	v1 =	vsel vm0, v5, v1;
	[tilespmem:s7+$0xFFFFFFC0] =	vst v3  }
0x593: {  	v2 =	vsel vm0, v6, v2;
	[tilespmem:s7+$0xFFFFFFD0] =	vst v1;
	v3 =	vmin.f32 v4, v7;
	v4 =	vmax.f32 v4, v7  }
0x594: {  	[tilespmem:s7+$0xFFFFFFE0] =	vst v2;
	v1 =	vsel vm0, v3, v4  }
0x595: {  	[tilespmem:s7+$0xFFFFFFF0] =	vst v1  }
0x596: {  	v1 =	vld [tilespmem:s15+$0x0]  }
0x597: {  	v2 =	vld [tilespmem:s15+$0xFFFFFFA0]  }
0x598: {  	v3 =	vld [tilespmem:s15+$0xFFFFFFB0]  }
0x599: {  	v4 =	vld [tilespmem:s15+$0xFFFFFFC0]  }
0x59a: {  	v10 =	vld [tilespmem:s15+$0xFFFFFF90];
	_ =	sdelay $0x1  }
0x59b: {  	v6 =	vld [tilespmem:s15+$0xFFFFFFE0]  }
0x59c: {  	v9 =	vld [tilespmem:s15+$0xFFFFFFF0];
	v7 =	vperm.xlane v1, v0;
	v8 =	vperm.xlane v2, v0  }
0x59d: {  	v5 =	vld [tilespmem:s15+$0xFFFFFFD0];
	v11 =	vperm.xlane v3, v0;
	v13 =	vperm.xlane v4, v0  }
0x59e: {  	s9 =	simm.s32 $0xC7F0;
	v18 =	vperm.xlane v10, v0;
	v12 =	vmin.f32 v1, v7;
	v1 =	vmax.f32 v1, v7  }
0x59f: {  	v15 =	vld [tilespmem:s9+$0x0];
	v7 =	vmin.f32 v2, v8;
	v2 =	vmax.f32 v2, v8;
	v8 =	vmin.f32 v3, v11  }
0x5a0: {  	v11 =	vmax.f32 v3, v11;
	v14 =	vmin.f32 v4, v13;
	v3 =	vperm.xlane v6, v0  }
0x5a1: {  	v4 =	vmax.f32 v4, v13;
	v13 =	vperm.xlane v9, v0;
	v21 =	vmin.f32 v10, v18  }
0x5a2: {  	v10 =	vmax.f32 v10, v18;
	v1 =	vsel vm0, v12, v1;
	v12 =	vperm.xlane v5, v0  }
0x5a3: {  	v17 =	vld [tilespmem:s9+$0xFFFFFFA0];
	v2 =	vsel vm0, v7, v2;
	v20 =	vmin.f32 v9, v13;
	v7 =	vmax.f32 v9, v13  }
0x5a4: {  	v19 =	vld [tilespmem:s9+$0xFFFFFFB0];
	v9 =	vsel vm0, v21, v10;
	v10 =	vperm.xlane v15, v0;
	v16 =	vmin.f32 v5, v12  }
0x5a5: {  	[tilespmem:s0+$0x0] =	vst v1;
	v5 =	vmax.f32 v5, v12;
	v12 =	vmin.f32 v6, v3;
	v6 =	vmax.f32 v6, v3;
	v3 =	vld [tilespmem:s9+$0xFFFFFFC0]  }
0x5a6: {  	v8 =	vsel vm0, v8, v11;
	v1 =	vld [tilespmem:s9+$0xFFFFFFD0];
	[tilespmem:s0+$0xFFFFFFA0] =	vst v2  }
0x5a7: {  	v4 =	vsel vm0, v14, v4;
	v2 =	vld [tilespmem:s9+$0xFFFFFFE0];
	[tilespmem:s0+$0xFFFFFFB0] =	vst v8;
	v8 =	vmin.f32 v15, v10;
	v10 =	vmax.f32 v15, v10  }
0x5a8: {  	s1 =	simm.s32 $0x147F0;
	[tilespmem:s0+$0xFFFFFFC0] =	vst v4;
	v4 =	vld [tilespmem:s9+$0xFFFFFFF0];
	v63 =	vsel vm0, v12, v6;
	v6 =	vperm.xlane v17, v0;
	v8 =	vsel vm0, v8, v10  }
0x5a9: {  	v11 =	vperm.xlane v19, v0;
	v7 =	vsel vm0, v20, v7;
	[tilespmem:s1+$0x0] =	vst v8;
	v8 =	vld [tilespmem:s9+$0xFFFFFF90]  }
0x5aa: {  	[tilespmem:s0+$0xFFFFFF90] =	vst v9;
	v9 =	vsel vm0, v16, v5;
	v5 =	vmin.f32 v17, v6;
	v12 =	vperm.xlane v3, v0  }
0x5ab: {  	[tilespmem:s0+$0xFFFFFFD0] =	vst v9;
	v10 =	vmax.f32 v17, v6;
	v6 =	vmin.f32 v19, v11;
	v13 =	vperm.xlane v1, v0  }
0x5ac: {  	s7 =	simm.s32 $0x8;
	[tilespmem:s0+$0xFFFFFFE0] =	vst v63;
	v11 =	vmax.f32 v19, v11;
	s9 =	simm.s32 $0xCBF0;
	v14 =	vperm.xlane v2, v0;
	v9 =	vmin.f32 v3, v12  }
.LBB2_65:
0x5ad: {  	v15 =	vld [tilespmem:s9+$0x0];
	s7 =	sadd.s32 $0x8, s7;
	v12 =	vmax.f32 v3, v12;
	v16 =	vmin.f32 v1, v13;
	v3 =	vperm.xlane v4, v0;
	[tilespmem:s0+$0xFFFFFFF0] =	vst v7;
	s0 =	smov.u32 s1  }
0x5ae: {  	v13 =	vmax.f32 v1, v13;
	v17 =	vld [tilespmem:s9+$0xFFFFFFA0];
	p0 =	slt.u32 s7, $0x78;
	v7 =	vperm.xlane v8, v0;
	v18 =	vmin.f32 v2, v14  }
0x5af: {  	v14 =	vmax.f32 v2, v14;
	v19 =	vld [tilespmem:s9+$0xFFFFFFB0];
	v20 =	vmin.f32 v4, v3;
	v21 =	vmax.f32 v4, v3  }
0x5b0: {  	v5 =	vsel vm0, v5, v10;
	v3 =	vld [tilespmem:s9+$0xFFFFFFC0];
	v2 =	vmin.f32 v8, v7;
	v4 =	vmax.f32 v8, v7  }
0x5b1: {  	v1 =	vld [tilespmem:s9+$0xFFFFFFD0];
	v4 =	vsel vm0, v2, v4;
	[tilespmem:s1+$0xFFFFFFA0] =	vst v5;
	v5 =	vsel vm0, v6, v11;
	v6 =	vsel vm0, v9, v12  }
0x5b2: {  	v10 =	vsel vm0, v16, v13;
	v16 =	vsel vm0, v18, v14;
	v2 =	vld [tilespmem:s9+$0xFFFFFFE0];
	v9 =	vperm.xlane v15, v0;
	[tilespmem:s1+$0xFFFFFF90] =	vst v4  }
.Ltmp31:
0x5b3: {  	v7 =	vsel vm0, v20, v21;
	v11 =	vperm.xlane v17, v0;
	v4 =	vld [tilespmem:s9+$0xFFFFFFF0];
	[tilespmem:s1+$0xFFFFFFB0] =	vst v5;
	(pc) =	sbr.rel @p0 .LBB2_65-.Ltmp31, $4  }
0x5b4: {  	v8 =	vld [tilespmem:s9+$0xFFFFFF90];
	v14 =	vperm.xlane v19, v0;
	v13 =	vmin.f32 v15, v9;
	v9 =	vmax.f32 v15, v9;
	[tilespmem:s1+$0xFFFFFFC0] =	vst v6  }
0x5b5: {  	s1 =	sadd.s32 $0x400, s1;
	v5 =	vmin.f32 v17, v11;
	v12 =	vperm.xlane v3, v0;
	v9 =	vsel vm0, v13, v9;
	[tilespmem:s0+$0xFFFFFFD0] =	vst v10  }
0x5b6: {  	v10 =	vmax.f32 v17, v11;
	v6 =	vmin.f32 v19, v14;
	v13 =	vperm.xlane v1, v0;
	[tilespmem:s1+$0x0] =	vst v9  }
0x5b7: {  	s9 =	sadd.s32 $0x400, s9;
	v11 =	vmax.f32 v19, v14;
	v9 =	vmin.f32 v3, v12;
	v14 =	vperm.xlane v2, v0;
	[tilespmem:s0+$0xFFFFFFE0] =	vst v16  }
0x5b8: {  	[tilespmem:s0+$0xFFFFFFF0] =	vst v7;
	v5 =	vsel vm0, v5, v10;
	v3 =	vmax.f32 v3, v12  }
0x5b9: {  	v60 =	vmin.f32 v1, v13;
	v6 =	vsel vm0, v6, v11;
	v61 =	vperm.xlane v4, v0;
	[tilespmem:s1+$0xFFFFFFA0] =	vst v5  }
0x5ba: {  	v1 =	vmax.f32 v1, v13;
	s28 =	sadd.s32 $0x1, s28;
	v15 =	vperm.xlane v8, v0;
	v3 =	vsel vm0, v9, v3;
	[tilespmem:s1+$0xFFFFFFB0] =	vst v6  }
0x5bb: {  	v62 =	vmin.f32 v2, v14;
	v2 =	vmax.f32 v2, v14;
	v1 =	vsel vm0, v60, v1;
	p0 =	sne.s32 s28, $0x20;
	[tilespmem:s1+$0xFFFFFFC0] =	vst v3  }
.Ltmp32:
0x5bc: {  	v3 =	vmin.f32 v4, v61;
	v63 =	vmax.f32 v4, v61;
	v2 =	vsel vm0, v62, v2;
	[tilespmem:s1+$0xFFFFFFD0] =	vst v1;
	(pc) =	sbr.rel @p0 .LBB2_2-.Ltmp32, $4  }
0x5bd: {  	v58 =	vmin.f32 v8, v15;
	v59 =	vmax.f32 v8, v15;
	v1 =	vsel vm0, v3, v63;
	[tilespmem:s1+$0xFFFFFFE0] =	vst v2  }
0x5be: {  	v7 =	vsel vm0, v58, v59;
	[tilespmem:s1+$0xFFFFFFF0] =	vst v1  }
0x5bf: {  	s31 =	sadd.s32 s3, s29;
	[tilespmem:s1+$0xFFFFFF90] =	vst v7  }
0x5c0: {  	[hbm4b:s31+s4] =	stream.linear.scatter [tilespmem:s21], [sflag:$0x6], $0x4000, $0x38;
	[tilespmem:$0x18000] =	vst v63  }
0x5c1: {  	_ =	swait.ge [sflag:s23], $0x4000  }
0x5c2: {  	[sflag:s23] =	ssyncset.done $0x0  }
0x5c3: {  	[sflag:s23] =	ssyncadd.s32 $0xFFFFC000  }
0x5c4: {  	_ =	swait.ge [sflag:s25], $0x4000  }
0x5c5: {  	s26 =	sadd.s32 $0x1, s26;
	s0 =	rddreg [dreg:$0x5]  }
0x5c6: {  	p0 =	sne.s32 s26, s0  }
.Ltmp33:
0x5c7: {  	_ = 	snop;
	(pc) =	sbr.rel @p0 .LBB2_1-.Ltmp33, $3  }
0x5c8: {  	_ =	sdelay $0x1  }
0x5c9: {  	[sflag:s25] =	ssyncset.done $0x0  }
0x5ca: {  	[sflag:s25] =	ssyncadd.s32 $0xFFFFC000  }
0x5cb: {  	_ =	sfence.sel $0x180000  }
0x5cc: {  	[bflag:$0x0] =	sbarrier.arrive $0xFFFF  }
0x5cd: {  	_ =	strace $0x90000047  }
0x5ce: {  	s0 =	stileid.u32;
	[bflag:$0x2] =	sbarrier.arrive $0xFFFF  }
0x5cf: {  	p0 =	sne.s32 s0, $0x0;
	s0 =	rddreg [dreg:$0x2]  }
0x5d0: {  	s0 =	sadd.s32 @!p0 $0x100000, s0  }
0x5d1: {  	[sflag:s0] =	ssyncadd.tile.s32 @!p0 $0x1;
	_ =	shalt  }
.Lfunc_end2:
_tile_overlayer_lowered:
.L_overlay_start_2:
0x5d2: {  	(tag) =	ssettag $0x2  }
0x5d3: {  	s0 =	rddreg [dreg:$0x0];
	s2 =	stileid.u32  }
0x5d4: {  	s1 =	rddreg [dreg:$0x1];
	p0 =	sne.s32 s2, $0x0  }
0x5d5: {  	s3 =	rddreg [dreg:$0x2];
	[bflag:$0x3] =	sbarrier.arrive $0xFFFF;
	s2 =	simm.s32 @!p0 $0x1C07  }
0x5d6: {  	[timem:s3], [sflag:s2] =	dma.local @!p0 [hbm:s0], s1  }
0x5d7: {  	s0 =	simm.s32 @!p0 $0x7  }
0x5d8: {  	_ =	swait.ge @!p0 [sflag:s0], s1  }
0x5d9: {  	s1 =	ssub.s32 @!p0 $0x0, s1;
	[sflag:s0] =	ssyncset.done @!p0 $0x0  }
0x5da: {  	[sflag:s0] =	ssyncadd.s32 @!p0 s1  }
0x5db: {  	[bflag:$0x3] =	sbarrier.arrive $0xFFFF  }
0x5dc: {  	_ =	shalt  }

</sc_bundles>
